<compile_context>
chip_gen: v7x
topology: tpu7x:2x2x1
jax: 0.10.2.dev20260603
libtpu: 0.0.44.dev20260713+nightly
codegen_flags: <defaults>
</compile_context>

<pallas_src>
import jax
import jax.numpy as jnp
from jax import lax
from jax.experimental import pallas as pl
from jax.experimental.pallas import tpu as pltpu
from jax.experimental.pallas import tpu_sc as plsc

_F32 = jnp.float32
_NC = 2
_NS = 16
_NW = _NC * _NS
_K = 128


def _sc_mesh():
    return plsc.VectorSubcoreMesh(core_axis_name="c", subcore_axis_name="s")


def _zero_fill_1d(ref, n):
    def body(i, carry):
        ref[pl.ds(i * 16, 16)] = jnp.zeros((16,), _F32)
        return carry
    lax.fori_loop(0, n // 16, body, 0)


def _deg_kernel(npad, nbt, rpt):
    nb = nbt // _NW
    dep = 8

    def body(er_hbm, deg_out, deg_sh, idx_v, ones_v, lin_v, ssem):
        c = lax.axis_index("c")
        s = lax.axis_index("s")
        wid = s * _NC + c
        _zero_fill_1d(lin_v, rpt)
        def wo(i, carry):
            ones_v[pl.ds(i * 16, 16)] = jnp.ones((16,), _F32)
            return carry
        lax.fori_loop(0, _K // 16, wo, 0)
        pltpu.sync_copy(lin_v, deg_sh.at[pl.ds(s * rpt, rpt)])
        plsc.subcore_barrier()
        pltpu.sync_copy(er_hbm.at[1, pl.ds(wid * nb, nb)], idx_v)
        def group(i, carry):
            descs = [
                pltpu.async_copy(ones_v, deg_sh.at[idx_v.at[i * dep + j]],
                                 ssem, add=True)
                for j in range(dep)
            ]
            for dsc in descs:
                dsc.wait()
            return carry
        lax.fori_loop(0, nb // dep, group, 0)
        plsc.subcore_barrier()
        pltpu.sync_copy(deg_sh.at[pl.ds(s * rpt, rpt)], lin_v)
        pltpu.sync_copy(lin_v, deg_out.at[c, pl.ds(s * rpt, rpt)])

    return pl.kernel(
        body,
        out_type=jax.ShapeDtypeStruct((_NC, npad), _F32),
        mesh=_sc_mesh(),
        scratch_types=[
            pltpu.VMEM_SHARED((npad,), _F32),
            pltpu.VMEM((nb, _K), jnp.int32),
            pltpu.VMEM((_K,), _F32),
            pltpu.VMEM((rpt,), _F32),
            pltpu.SemaphoreType.DMA,
        ],
    )


def _agg_kernel(npad, d, nbt, rpt):
    nb = nbt // _NW
    hb = nb // 2
    nchunk = rpt // 80

    def body(er_hbm, h2_hbm, s0_out, s1_out, s_sh, src_v, dst_v,
             rows0, rows1, gsem, ssem):
        c = lax.axis_index("c")
        s = lax.axis_index("s")
        wid = s * _NC + c
        def zr(i, carry):
            rr = i // (d // 16)
            col = i % (d // 16)
            rows0[rr, pl.ds(col * 16, 16)] = jnp.zeros((16,), _F32)
            return carry
        lax.fori_loop(0, 80 * (d // 16), zr, 0)
        def zcp(j, carry):
            pltpu.sync_copy(rows0.at[pl.ds(0, 80)],
                            s_sh.at[pl.ds(s * rpt + j * 80, 80)])
            return carry
        lax.fori_loop(0, nchunk, zcp, 0)
        plsc.subcore_barrier()

        def gather(b, rows):
            return pltpu.async_copy(h2_hbm.at[src_v.at[b]], rows, gsem)

        def scatter(b, rows):
            return pltpu.async_copy(rows, s_sh.at[dst_v.at[b]], ssem,
                                    add=True)

        for half in range(2):
            base = wid * nb + half * hb
            pltpu.sync_copy(er_hbm.at[0, pl.ds(base, hb)], src_v)
            pltpu.sync_copy(er_hbm.at[1, pl.ds(base, hb)], dst_v)
            d0 = gather(0, rows0)
            d1 = gather(1, rows1)
            d0.wait()
            s0 = scatter(0, rows0)
            d1.wait()
            s1 = scatter(1, rows1)
            for k in range(2, hb, 2):
                s0.wait()
                d0 = gather(k, rows0)
                s1.wait()
                d1 = gather(k + 1, rows1)
                d0.wait()
                s0 = scatter(k, rows0)
                d1.wait()
                s1 = scatter(k + 1, rows1)
            s0.wait()
            s1.wait()
        plsc.subcore_barrier()

        def dump(out_ref):
            def dj(j, carry):
                off = s * rpt + j * 80
                pltpu.sync_copy(s_sh.at[pl.ds(off, 80)],
                                rows0.at[pl.ds(0, 80)])
                pltpu.sync_copy(rows0.at[pl.ds(0, 80)],
                                out_ref.at[pl.ds(off, 80)])
                return carry
            lax.fori_loop(0, nchunk, dj, 0)
        @pl.when(c == 0)
        def _():
            dump(s0_out)
        @pl.when(c == 1)
        def _():
            dump(s1_out)

    return pl.kernel(
        body,
        out_type=[jax.ShapeDtypeStruct((npad, d), _F32),
                  jax.ShapeDtypeStruct((npad, d), _F32)],
        mesh=_sc_mesh(),
        scratch_types=[
            pltpu.VMEM_SHARED((npad, d), _F32),
            pltpu.VMEM((hb, _K), jnp.int32),
            pltpu.VMEM((hb, _K), jnp.int32),
            pltpu.VMEM((_K, d), _F32),
            pltpu.VMEM((_K, d), _F32),
            pltpu.SemaphoreType.DMA,
            pltpu.SemaphoreType.DMA,
        ],
    )


def _deg_col(deg_ref):
    ones = jnp.ones((2, 1), _F32)
    return lax.dot_general(deg_ref[...], ones, (((0,), (0,)), ((), ())),
                           preferred_element_type=_F32) + 1.0


def _tca_body(n, r, dout, rank):
    def body(x_ref, wg_ref, wa_ref, ba_ref, deg_ref, h2_ref, tmp_ref,
             vtz_ref, cucv_ref):
        i = pl.program_id(0)
        xb = x_ref[...]
        dinv = lax.rsqrt(jnp.maximum(_deg_col(deg_ref), 1e-12))
        h2_ref[...] = jnp.dot(xb, wg_ref[...],
                              preferred_element_type=_F32) * dinv
        tmpb = jnp.maximum(
            jnp.dot(xb, wa_ref[...], preferred_element_type=_F32)
            + ba_ref[...], 0.0)
        tmp_ref[...] = jnp.concatenate(
            [tmpb[:, 0:rank], tmpb[:, 3 * rank:]], axis=1)
        rows = lax.broadcasted_iota(jnp.int32, (r, 1), 0) + i * r
        mask = rows < n
        um = jnp.where(mask, tmpb[:, 0:rank], 0.0)
        vm = jnp.where(mask, tmpb[:, rank:2 * rank], 0.0)
        zb = tmpb[:, 2 * rank:3 * rank]
        vtz_b = lax.dot_general(vm, zb, (((0,), (0,)), ((), ())),
                                preferred_element_type=_F32)
        cucv_b = jnp.concatenate(
            [jnp.sum(um, axis=0, keepdims=True),
             jnp.sum(vm, axis=0, keepdims=True)], axis=0)
        @pl.when(i == 0)
        def _init():
            vtz_ref[...] = vtz_b
            cucv_ref[...] = cucv_b
        @pl.when(i > 0)
        def _acc():
            vtz_ref[...] += vtz_b
            cucv_ref[...] += cucv_b
    return body


def _tcc_body(n, dout, rank):
    def body(s0_ref, s1_ref, h2_ref, tmp_ref, deg_ref, vtz_ref, cucv_ref,
             wr_ref, bg_ref, br_ref, out_ref):
        dinv = lax.rsqrt(jnp.maximum(_deg_col(deg_ref), 1e-12))
        agg = dinv * (s0_ref[...] + s1_ref[...] + h2_ref[...]) + bg_ref[...]
        x_local = jnp.maximum(agg, 0.0)
        cu = cucv_ref[0:1, :]
        cv = cucv_ref[1:2, :]
        dn = float(n) / jnp.sum(cu * cv)
        wr1 = wr_ref[0:dout, :]
        wr2 = wr_ref[dout:dout + rank, :]
        wr3 = wr_ref[dout + rank:, :]
        m = jnp.dot(vtz_ref[...], wr2, preferred_element_type=_F32) * dn
        tmpb = tmp_ref[...]
        u = tmpb[:, 0:rank]
        t = tmpb[:, rank:]
        out_ref[...] = (
            jnp.dot(x_local, wr1, preferred_element_type=_F32)
            + jnp.dot(u, m, preferred_element_type=_F32)
            + jnp.dot(t, wr3, preferred_element_type=_F32)
            + br_ref[...])
    return body


def kernel(x, edge_index, W_gcn, b_gcn, W_att, b_att, W_red, b_red):
    n, d_in = x.shape
    e = edge_index.shape[1]
    dout = W_gcn.shape[1]
    fr = W_att.shape[1]
    rank = fr // 4
    npad = ((n + _NS * 128 - 1) // (_NS * 128)) * (_NS * 128)
    rpt = npad // _NS
    r = npad // 4
    g = npad // r

    quant = _K * _NW * 8
    epad = ((e + quant - 1) // quant) * quant
    nbt = epad // _K
    if epad != e:
        pe = epad - e
        ar = jnp.arange(pe, dtype=jnp.int32)
        pad = jnp.stack([ar % n, n + ar % (npad - n)])
        er = jnp.concatenate([edge_index, pad], axis=1)
    else:
        er = edge_index
    er = er.reshape(2, nbt, _K)

    deg_parts = _deg_kernel(npad, nbt, rpt)(er)

    h2, tmp, vtz, cucv = pl.pallas_call(
        _tca_body(n, r, dout, rank),
        grid=(g,),
        in_specs=[
            pl.BlockSpec((r, d_in), lambda i: (i, 0)),
            pl.BlockSpec((d_in, dout), lambda i: (0, 0)),
            pl.BlockSpec((d_in, fr), lambda i: (0, 0)),
            pl.BlockSpec((fr,), lambda i: (0,)),
            pl.BlockSpec((_NC, r), lambda i: (0, i)),
        ],
        out_specs=[
            pl.BlockSpec((r, dout), lambda i: (i, 0)),
            pl.BlockSpec((r, 2 * rank), lambda i: (i, 0)),
            pl.BlockSpec((rank, rank), lambda i: (0, 0)),
            pl.BlockSpec((2, rank), lambda i: (0, 0)),
        ],
        out_shape=[
            jax.ShapeDtypeStruct((npad, dout), _F32),
            jax.ShapeDtypeStruct((npad, 2 * rank), _F32),
            jax.ShapeDtypeStruct((rank, rank), _F32),
            jax.ShapeDtypeStruct((2, rank), _F32),
        ],
    )(x, W_gcn, W_att, b_att, deg_parts)

    s0, s1 = _agg_kernel(npad, dout, nbt, rpt)(er, h2)

    out = pl.pallas_call(
        _tcc_body(n, dout, rank),
        grid=(g,),
        in_specs=[
            pl.BlockSpec((r, dout), lambda i: (i, 0)),
            pl.BlockSpec((r, dout), lambda i: (i, 0)),
            pl.BlockSpec((r, dout), lambda i: (i, 0)),
            pl.BlockSpec((r, 2 * rank), lambda i: (i, 0)),
            pl.BlockSpec((_NC, r), lambda i: (0, i)),
            pl.BlockSpec((rank, rank), lambda i: (0, 0)),
            pl.BlockSpec((2, rank), lambda i: (0, 0)),
            pl.BlockSpec((dout + 2 * rank, dout), lambda i: (0, 0)),
            pl.BlockSpec((dout,), lambda i: (0,)),
            pl.BlockSpec((dout,), lambda i: (0,)),
        ],
        out_specs=pl.BlockSpec((r, dout), lambda i: (i, 0)),
        out_shape=jax.ShapeDtypeStruct((n, dout), _F32),
    )(s0, s1, h2, tmp, deg_parts, vtz, cucv, W_red, b_gcn, b_red)

    return out

# --- scband reference (transcript-rebuilt; emitter-appended) ---
"""Pipeline reference for scband-gcnwith-attention-52415780880537 (READ-ONLY COPY).

The authoritative reference and input builder live on the scoring server;
editing this copy changes nothing except your own understanding.
"""

import jax, jax.numpy as jnp
import numpy as np

N = 10000
E = 320000
D_IN = 128
D_OUT = 128
RANK = 32


def setup_inputs(seed: int = 0) -> dict:
    key = jax.random.key(seed)
    ks = jax.random.split(key, 10)
    x = jax.random.normal(ks[0], (N, D_IN), dtype=jnp.float32)
    edge_index = jax.random.randint(ks[1], (2, E), 0, N, dtype=jnp.int32)
    s = 1.0 / np.sqrt(D_IN)
    W_gcn = jax.random.uniform(ks[2], (D_IN, D_OUT), minval=-s, maxval=s, dtype=jnp.float32)
    b_gcn = jnp.zeros((D_OUT,), dtype=jnp.float32)
    W_att = jax.random.uniform(ks[3], (D_IN, 4 * RANK), minval=-s, maxval=s, dtype=jnp.float32)
    b_att = jnp.zeros((4 * RANK,), dtype=jnp.float32)
    s2 = 1.0 / np.sqrt(D_OUT + 2 * RANK)
    W_red = jax.random.uniform(ks[4], (D_OUT + 2 * RANK, D_OUT), minval=-s2, maxval=s2, dtype=jnp.float32)
    b_red = jnp.zeros((D_OUT,), dtype=jnp.float32)
    return {"x": x, "edge_index": edge_index, "W_gcn": W_gcn, "b_gcn": b_gcn,
            "W_att": W_att, "b_att": b_att, "W_red": W_red, "b_red": b_red}


def reference(x, edge_index, W_gcn, b_gcn, W_att, b_att, W_red, b_red):
    # ---- InMemoryGCN: GCNConv with symmetric normalization + self loops ----
    src = edge_index[0]
    dst = edge_index[1]
    loop = jnp.arange(N, dtype=src.dtype)
    src = jnp.concatenate([src, loop])
    dst = jnp.concatenate([dst, loop])
    deg = jax.ops.segment_sum(jnp.ones_like(dst, dtype=jnp.float32), dst, num_segments=N)
    dinv = jax.lax.rsqrt(jnp.maximum(deg, 1e-12))
    norm = dinv[src] * dinv[dst]
    h = x @ W_gcn
    msg = h[src] * norm[:, None]
    agg = jax.ops.segment_sum(msg, dst, num_segments=N) + b_gcn
    x_local = jax.nn.relu(agg)
    # dropout is identity in eval mode (p applied only during training)
    # ---- LowRankAttention (LRGA) ----
    tmp = jax.nn.relu(x @ W_att + b_att)
    U = tmp[:, :RANK]
    V = tmp[:, RANK:2 * RANK]
    Z = tmp[:, 2 * RANK:3 * RANK]
    T = tmp[:, 3 * RANK:]
    res = U @ (V.T @ Z)
    ones_col = jnp.ones((N, 1), dtype=x.dtype)
    norm_factor = jnp.mean(U @ (V.T @ ones_col))
    Dn = 1.0 / norm_factor
    x_global = jnp.concatenate([res * Dn, T], axis=1)
    # ---- dim reduce ----
    out = jnp.concatenate([x_local, x_global], axis=1) @ W_red + b_red
    return out

if __name__ == "__main__":
    import jax
    _d = setup_inputs()
    print(jax.jit(kernel)(*tuple(_d.values())))

</pallas_src>

<mosaic_0001>
#map = affine_map<(d0, d1) -> (0, 0, 0)>
#map1 = affine_map<(d0, d1) -> (0, 0)>
module attributes {stable_mosaic.version = 14 : i64} {
  func.func @body(%arg0: i32, %arg1: i32, %arg2: memref<2x2560x128xi32, #tpu.memory_space<hbm>>, %arg3: memref<2x10240xf32, #tpu.memory_space<hbm>>, %arg4: memref<10240xf32, #tpu.memory_space<vmem_shared>>, %arg5: memref<80x128xi32, #tpu.memory_space<vmem>>, %arg6: memref<128xf32, #tpu.memory_space<vmem>>, %arg7: memref<640xf32, #tpu.memory_space<vmem>>, %arg8: memref<!tpu.dma_semaphore, #tpu.memory_space<semaphore_mem>>) attributes {dimension_semantics = [#tpu.dimension_semantics<core_parallel>, #tpu.dimension_semantics<subcore_parallel>], iteration_bounds = array<i64: 2, 16>, scalar_prefetch = 0 : i64, scratch_operands = 5 : i64, tpu.core_type = #tpu.core_type<sc_vector_subcore>, window_params = [{transform_indices = #map}, {transform_indices = #map1}]} {
    %mul3A = arith.constant 2 : i32
    %mul3A_0 = arith.muli %arg1, %mul3A : i32
    %add3A = arith.addi %mul3A_0, %arg0 : i32
    %scan3A = arith.constant 0 : i32
    %scan3A_1 = arith.constant 0 : i32
    %scan3A_2 = arith.constant 40 : i32
    %scan3A_3 = arith.addi %scan3A_1, %scan3A_2 : i32
    %scan3A_4 = arith.constant 1 : i32
    scf.for %scan3A_27 = %scan3A_1 to %scan3A_3 step %scan3A_4  : i32 {
      %broadcast_in_dim3A = arith.constant 0.000000e+00 : f32
      %broadcast_in_dim3A_28 = vector.broadcast %broadcast_in_dim3A : f32 to vector<16xf32>
      %mul3A_29 = arith.constant 16 : i32
      %mul3A_30 = arith.muli %scan3A_27, %mul3A_29 : i32
      %swap3A = arith.index_cast %mul3A_30 : i32 to index
      %swap3A_31 = tpu.vector_load %arg7[%swap3A] {strides = array<i32>} : memref<640xf32, #tpu.memory_space<vmem>>, vector<16xf32>,
      %swap3A_32 = vector.shape_cast %swap3A_31 : vector<16xf32> to vector<16xf32>
      %swap3A_33 = vector.shape_cast %broadcast_in_dim3A_28 : vector<16xf32> to vector<16xf32>
      tpu.vector_store %arg7[%swap3A], %swap3A_33 {strides = array<i32>} : memref<640xf32, #tpu.memory_space<vmem>>, vector<16xf32>,
    }
    %scan3A_5 = arith.constant 40 : i32
    %scan3A_6 = arith.constant 0 : i32
    %scan3A_7 = arith.constant 0 : i32
    %scan3A_8 = arith.constant 8 : i32
    %scan3A_9 = arith.addi %scan3A_7, %scan3A_8 : i32
    %scan3A_10 = arith.constant 1 : i32
    scf.for %scan3A_27 = %scan3A_7 to %scan3A_9 step %scan3A_10  : i32 {
      %broadcast_in_dim3A = arith.constant 1.000000e+00 : f32
      %broadcast_in_dim3A_28 = vector.broadcast %broadcast_in_dim3A : f32 to vector<16xf32>
      %mul3A_29 = arith.constant 16 : i32
      %mul3A_30 = arith.muli %scan3A_27, %mul3A_29 : i32
      %swap3A = arith.index_cast %mul3A_30 : i32 to index
      %swap3A_31 = tpu.vector_load %arg6[%swap3A] {strides = array<i32>} : memref<128xf32, #tpu.memory_space<vmem>>, vector<16xf32>,
      %swap3A_32 = vector.shape_cast %swap3A_31 : vector<16xf32> to vector<16xf32>
      %swap3A_33 = vector.shape_cast %broadcast_in_dim3A_28 : vector<16xf32> to vector<16xf32>
      tpu.vector_store %arg6[%swap3A], %swap3A_33 {strides = array<i32>} : memref<128xf32, #tpu.memory_space<vmem>>, vector<16xf32>,
    }
    %scan3A_11 = arith.constant 8 : i32
    %mul3A_12 = arith.constant 640 : i32
    %mul3A_13 = arith.muli %arg1, %mul3A_12 : i32
    "tpu.region"() ({
      %run_scoped3A_27 = tpu.sem_alloc : memref<!tpu.dma_semaphore, #tpu.memory_space<semaphore_mem>>
      %dma_start3A = tpu.memref_slice %arg4[%mul3A_13] : memref<10240xf32, #tpu.memory_space<vmem_shared>> -> memref<640xf32, #tpu.memory_space<vmem_shared>>
      %dma_start3A_28 = tpu.memref_slice %arg4[%mul3A_13] : memref<10240xf32, #tpu.memory_space<vmem_shared>> -> memref<640xf32, #tpu.memory_space<vmem_shared>>
      tpu.enqueue_dma source(%arg7 : memref<640xf32, #tpu.memory_space<vmem>>) target(%dma_start3A_28 : memref<640xf32, #tpu.memory_space<vmem_shared>>) target_semaphore(%run_scoped3A_27 : memref<!tpu.dma_semaphore, #tpu.memory_space<semaphore_mem>>)
      %dma_wait3A = tpu.memref_slice %arg4[%mul3A_13] : memref<10240xf32, #tpu.memory_space<vmem_shared>> -> memref<640xf32, #tpu.memory_space<vmem_shared>>
      %dma_wait3A_29 = tpu.memref_slice %arg4[%mul3A_13] : memref<10240xf32, #tpu.memory_space<vmem_shared>> -> memref<640xf32, #tpu.memory_space<vmem_shared>>
      tpu.wait_dma2 semaphore(%run_scoped3A_27 : memref<!tpu.dma_semaphore, #tpu.memory_space<semaphore_mem>>) src(%arg7 : memref<640xf32, #tpu.memory_space<vmem>>) dst(%dma_wait3A_29 : memref<640xf32, #tpu.memory_space<vmem_shared>>)
      tpu.yield
    }) : () -> ()
    %barrier3A = arith.constant 0 : index
    tpu.barrier barrier_id(%barrier3A)
    %mul3A_14 = arith.constant 80 : i32
    %mul3A_15 = arith.muli %add3A, %mul3A_14 : i32
    %run_scoped3A = arith.constant 1 : i32
    "tpu.region"() ({
      %run_scoped3A_27 = tpu.sem_alloc : memref<!tpu.dma_semaphore, #tpu.memory_space<semaphore_mem>>
      %dma_start3A = arith.constant 0 : i32
      %dma_start3A_28 = tpu.memref_slice %arg2[%run_scoped3A, %mul3A_15, %dma_start3A] : memref<2x2560x128xi32, #tpu.memory_space<hbm>> -> memref<1x80x128xi32, #tpu.memory_space<hbm>>
      %dma_start3A_29 = tpu.memref_squeeze %dma_start3A_28 : memref<1x80x128xi32, #tpu.memory_space<hbm>> -> memref<80x128xi32, #tpu.memory_space<hbm>>
      %dma_start3A_30 = arith.constant 0 : i32
      %dma_start3A_31 = tpu.memref_slice %arg2[%run_scoped3A, %mul3A_15, %dma_start3A_30] : memref<2x2560x128xi32, #tpu.memory_space<hbm>> -> memref<1x80x128xi32, #tpu.memory_space<hbm>>
      %dma_start3A_32 = tpu.memref_squeeze %dma_start3A_31 : memref<1x80x128xi32, #tpu.memory_space<hbm>> -> memref<80x128xi32, #tpu.memory_space<hbm>>
      tpu.enqueue_dma source(%dma_start3A_32 : memref<80x128xi32, #tpu.memory_space<hbm>>) target(%arg5 : memref<80x128xi32, #tpu.memory_space<vmem>>) target_semaphore(%run_scoped3A_27 : memref<!tpu.dma_semaphore, #tpu.memory_space<semaphore_mem>>)
      %dma_wait3A = arith.constant 0 : i32
      %dma_wait3A_33 = tpu.memref_slice %arg2[%run_scoped3A, %mul3A_15, %dma_wait3A] : memref<2x2560x128xi32, #tpu.memory_space<hbm>> -> memref<1x80x128xi32, #tpu.memory_space<hbm>>
      %dma_wait3A_34 = tpu.memref_squeeze %dma_wait3A_33 : memref<1x80x128xi32, #tpu.memory_space<hbm>> -> memref<80x128xi32, #tpu.memory_space<hbm>>
      %dma_wait3A_35 = arith.constant 0 : i32
      %dma_wait3A_36 = tpu.memref_slice %arg2[%run_scoped3A, %mul3A_15, %dma_wait3A_35] : memref<2x2560x128xi32, #tpu.memory_space<hbm>> -> memref<1x80x128xi32, #tpu.memory_space<hbm>>
      %dma_wait3A_37 = tpu.memref_squeeze %dma_wait3A_36 : memref<1x80x128xi32, #tpu.memory_space<hbm>> -> memref<80x128xi32, #tpu.memory_space<hbm>>
      tpu.wait_dma2 semaphore(%run_scoped3A_27 : memref<!tpu.dma_semaphore, #tpu.memory_space<semaphore_mem>>) src(%dma_wait3A_37 : memref<80x128xi32, #tpu.memory_space<hbm>>) dst(%arg5 : memref<80x128xi32, #tpu.memory_space<vmem>>)
      tpu.yield
    }) : () -> ()
    %scan3A_16 = arith.constant 0 : i32
    %scan3A_17 = arith.constant 0 : i32
    %scan3A_18 = arith.constant 10 : i32
    %scan3A_19 = arith.addi %scan3A_17, %scan3A_18 : i32
    %scan3A_20 = arith.constant 1 : i32
    scf.for %scan3A_27 = %scan3A_17 to %scan3A_19 step %scan3A_20  : i32 {
      %mul3A_28 = arith.constant 8 : i32
      %mul3A_29 = arith.muli %scan3A_27, %mul3A_28 : i32
      %add3A_30 = arith.constant 0 : i32
      %add3A_31 = arith.addi %mul3A_29, %add3A_30 : i32
      %dma_start3A = arith.constant 0 : i32
      %dma_start3A_32 = tpu.memref_slice %arg5[%add3A_31, %dma_start3A] : memref<80x128xi32, #tpu.memory_space<vmem>> -> memref<1x128xi32, #tpu.memory_space<vmem>>
      %dma_start3A_33 = tpu.memref_squeeze %dma_start3A_32 : memref<1x128xi32, #tpu.memory_space<vmem>> -> memref<128xi32, #tpu.memory_space<vmem>>
      %dma_start3A_34 = arith.constant 0 : i32
      %dma_start3A_35 = tpu.memref_slice %arg4[%dma_start3A_34] : memref<10240xf32, #tpu.memory_space<vmem_shared>> -> memref<10240xf32, #tpu.memory_space<vmem_shared>>
      tpu.enqueue_indirect_dma source(%arg6 : memref<128xf32, #tpu.memory_space<vmem>>) target(%dma_start3A_35 : memref<10240xf32, #tpu.memory_space<vmem_shared>>) offsets(%dma_start3A_33 : memref<128xi32, #tpu.memory_space<vmem>>) semaphore(%arg8 : memref<!tpu.dma_semaphore, #tpu.memory_space<semaphore_mem>>) {add = true}
      %mul3A_36 = arith.constant 8 : i32
      %mul3A_37 = arith.muli %scan3A_27, %mul3A_36 : i32
      %add3A_38 = arith.constant 1 : i32
      %add3A_39 = arith.addi %mul3A_37, %add3A_38 : i32
      %dma_start3A_40 = arith.constant 0 : i32
      %dma_start3A_41 = tpu.memref_slice %arg5[%add3A_39, %dma_start3A_40] : memref<80x128xi32, #tpu.memory_space<vmem>> -> memref<1x128xi32, #tpu.memory_space<vmem>>
      %dma_start3A_42 = tpu.memref_squeeze %dma_start3A_41 : memref<1x128xi32, #tpu.memory_space<vmem>> -> memref<128xi32, #tpu.memory_space<vmem>>
      %dma_start3A_43 = arith.constant 0 : i32
      %dma_start3A_44 = tpu.memref_slice %arg4[%dma_start3A_43] : memref<10240xf32, #tpu.memory_space<vmem_shared>> -> memref<10240xf32, #tpu.memory_space<vmem_shared>>
      tpu.enqueue_indirect_dma source(%arg6 : memref<128xf32, #tpu.memory_space<vmem>>) target(%dma_start3A_44 : memref<10240xf32, #tpu.memory_space<vmem_shared>>) offsets(%dma_start3A_42 : memref<128xi32, #tpu.memory_space<vmem>>) semaphore(%arg8 : memref<!tpu.dma_semaphore, #tpu.memory_space<semaphore_mem>>) {add = true}
      %mul3A_45 = arith.constant 8 : i32
      %mul3A_46 = arith.muli %scan3A_27, %mul3A_45 : i32
      %add3A_47 = arith.constant 2 : i32
      %add3A_48 = arith.addi %mul3A_46, %add3A_47 : i32
      %dma_start3A_49 = arith.constant 0 : i32
      %dma_start3A_50 = tpu.memref_slice %arg5[%add3A_48, %dma_start3A_49] : memref<80x128xi32, #tpu.memory_space<vmem>> -> memref<1x128xi32, #tpu.memory_space<vmem>>
      %dma_start3A_51 = tpu.memref_squeeze %dma_start3A_50 : memref<1x128xi32, #tpu.memory_space<vmem>> -> memref<128xi32, #tpu.memory_space<vmem>>
      %dma_start3A_52 = arith.constant 0 : i32
      %dma_start3A_53 = tpu.memref_slice %arg4[%dma_start3A_52] : memref<10240xf32, #tpu.memory_space<vmem_shared>> -> memref<10240xf32, #tpu.memory_space<vmem_shared>>
      tpu.enqueue_indirect_dma source(%arg6 : memref<128xf32, #tpu.memory_space<vmem>>) target(%dma_start3A_53 : memref<10240xf32, #tpu.memory_space<vmem_shared>>) offsets(%dma_start3A_51 : memref<128xi32, #tpu.memory_space<vmem>>) semaphore(%arg8 : memref<!tpu.dma_semaphore, #tpu.memory_space<semaphore_mem>>) {add = true}
      %mul3A_54 = arith.constant 8 : i32
      %mul3A_55 = arith.muli %scan3A_27, %mul3A_54 : i32
      %add3A_56 = arith.constant 3 : i32
      %add3A_57 = arith.addi %mul3A_55, %add3A_56 : i32
      %dma_start3A_58 = arith.constant 0 : i32
      %dma_start3A_59 = tpu.memref_slice %arg5[%add3A_57, %dma_start3A_58] : memref<80x128xi32, #tpu.memory_space<vmem>> -> memref<1x128xi32, #tpu.memory_space<vmem>>
      %dma_start3A_60 = tpu.memref_squeeze %dma_start3A_59 : memref<1x128xi32, #tpu.memory_space<vmem>> -> memref<128xi32, #tpu.memory_space<vmem>>
      %dma_start3A_61 = arith.constant 0 : i32
      %dma_start3A_62 = tpu.memref_slice %arg4[%dma_start3A_61] : memref<10240xf32, #tpu.memory_space<vmem_shared>> -> memref<10240xf32, #tpu.memory_space<vmem_shared>>
      tpu.enqueue_indirect_dma source(%arg6 : memref<128xf32, #tpu.memory_space<vmem>>) target(%dma_start3A_62 : memref<10240xf32, #tpu.memory_space<vmem_shared>>) offsets(%dma_start3A_60 : memref<128xi32, #tpu.memory_space<vmem>>) semaphore(%arg8 : memref<!tpu.dma_semaphore, #tpu.memory_space<semaphore_mem>>) {add = true}
      %mul3A_63 = arith.constant 8 : i32
      %mul3A_64 = arith.muli %scan3A_27, %mul3A_63 : i32
      %add3A_65 = arith.constant 4 : i32
      %add3A_66 = arith.addi %mul3A_64, %add3A_65 : i32
      %dma_start3A_67 = arith.constant 0 : i32
      %dma_start3A_68 = tpu.memref_slice %arg5[%add3A_66, %dma_start3A_67] : memref<80x128xi32, #tpu.memory_space<vmem>> -> memref<1x128xi32, #tpu.memory_space<vmem>>
      %dma_start3A_69 = tpu.memref_squeeze %dma_start3A_68 : memref<1x128xi32, #tpu.memory_space<vmem>> -> memref<128xi32, #tpu.memory_space<vmem>>
      %dma_start3A_70 = arith.constant 0 : i32
      %dma_start3A_71 = tpu.memref_slice %arg4[%dma_start3A_70] : memref<10240xf32, #tpu.memory_space<vmem_shared>> -> memref<10240xf32, #tpu.memory_space<vmem_shared>>
      tpu.enqueue_indirect_dma source(%arg6 : memref<128xf32, #tpu.memory_space<vmem>>) target(%dma_start3A_71 : memref<10240xf32, #tpu.memory_space<vmem_shared>>) offsets(%dma_start3A_69 : memref<128xi32, #tpu.memory_space<vmem>>) semaphore(%arg8 : memref<!tpu.dma_semaphore, #tpu.memory_space<semaphore_mem>>) {add = true}
      %mul3A_72 = arith.constant 8 : i32
      %mul3A_73 = arith.muli %scan3A_27, %mul3A_72 : i32
      %add3A_74 = arith.constant 5 : i32
      %add3A_75 = arith.addi %mul3A_73, %add3A_74 : i32
      %dma_start3A_76 = arith.constant 0 : i32
      %dma_start3A_77 = tpu.memref_slice %arg5[%add3A_75, %dma_start3A_76] : memref<80x128xi32, #tpu.memory_space<vmem>> -> memref<1x128xi32, #tpu.memory_space<vmem>>
      %dma_start3A_78 = tpu.memref_squeeze %dma_start3A_77 : memref<1x128xi32, #tpu.memory_space<vmem>> -> memref<128xi32, #tpu.memory_space<vmem>>
      %dma_start3A_79 = arith.constant 0 : i32
      %dma_start3A_80 = tpu.memref_slice %arg4[%dma_start3A_79] : memref<10240xf32, #tpu.memory_space<vmem_shared>> -> memref<10240xf32, #tpu.memory_space<vmem_shared>>
      tpu.enqueue_indirect_dma source(%arg6 : memref<128xf32, #tpu.memory_space<vmem>>) target(%dma_start3A_80 : memref<10240xf32, #tpu.memory_space<vmem_shared>>) offsets(%dma_start3A_78 : memref<128xi32, #tpu.memory_space<vmem>>) semaphore(%arg8 : memref<!tpu.dma_semaphore, #tpu.memory_space<semaphore_mem>>) {add = true}
      %mul3A_81 = arith.constant 8 : i32
      %mul3A_82 = arith.muli %scan3A_27, %mul3A_81 : i32
      %add3A_83 = arith.constant 6 : i32
      %add3A_84 = arith.addi %mul3A_82, %add3A_83 : i32
      %dma_start3A_85 = arith.constant 0 : i32
      %dma_start3A_86 = tpu.memref_slice %arg5[%add3A_84, %dma_start3A_85] : memref<80x128xi32, #tpu.memory_space<vmem>> -> memref<1x128xi32, #tpu.memory_space<vmem>>
      %dma_start3A_87 = tpu.memref_squeeze %dma_start3A_86 : memref<1x128xi32, #tpu.memory_space<vmem>> -> memref<128xi32, #tpu.memory_space<vmem>>
      %dma_start3A_88 = arith.constant 0 : i32
      %dma_start3A_89 = tpu.memref_slice %arg4[%dma_start3A_88] : memref<10240xf32, #tpu.memory_space<vmem_shared>> -> memref<10240xf32, #tpu.memory_space<vmem_shared>>
      tpu.enqueue_indirect_dma source(%arg6 : memref<128xf32, #tpu.memory_space<vmem>>) target(%dma_start3A_89 : memref<10240xf32, #tpu.memory_space<vmem_shared>>) offsets(%dma_start3A_87 : memref<128xi32, #tpu.memory_space<vmem>>) semaphore(%arg8 : memref<!tpu.dma_semaphore, #tpu.memory_space<semaphore_mem>>) {add = true}
      %mul3A_90 = arith.constant 8 : i32
      %mul3A_91 = arith.muli %scan3A_27, %mul3A_90 : i32
      %add3A_92 = arith.constant 7 : i32
      %add3A_93 = arith.addi %mul3A_91, %add3A_92 : i32
      %dma_start3A_94 = arith.constant 0 : i32
      %dma_start3A_95 = tpu.memref_slice %arg5[%add3A_93, %dma_start3A_94] : memref<80x128xi32, #tpu.memory_space<vmem>> -> memref<1x128xi32, #tpu.memory_space<vmem>>
      %dma_start3A_96 = tpu.memref_squeeze %dma_start3A_95 : memref<1x128xi32, #tpu.memory_space<vmem>> -> memref<128xi32, #tpu.memory_space<vmem>>
      %dma_start3A_97 = arith.constant 0 : i32
      %dma_start3A_98 = tpu.memref_slice %arg4[%dma_start3A_97] : memref<10240xf32, #tpu.memory_space<vmem_shared>> -> memref<10240xf32, #tpu.memory_space<vmem_shared>>
      tpu.enqueue_indirect_dma source(%arg6 : memref<128xf32, #tpu.memory_space<vmem>>) target(%dma_start3A_98 : memref<10240xf32, #tpu.memory_space<vmem_shared>>) offsets(%dma_start3A_96 : memref<128xi32, #tpu.memory_space<vmem>>) semaphore(%arg8 : memref<!tpu.dma_semaphore, #tpu.memory_space<semaphore_mem>>) {add = true}
      %dma_wait3A = arith.constant 0 : i32
      %dma_wait3A_99 = tpu.memref_slice %arg5[%add3A_31, %dma_wait3A] : memref<80x128xi32, #tpu.memory_space<vmem>> -> memref<1x128xi32, #tpu.memory_space<vmem>>
      %dma_wait3A_100 = tpu.memref_squeeze %dma_wait3A_99 : memref<1x128xi32, #tpu.memory_space<vmem>> -> memref<128xi32, #tpu.memory_space<vmem>>
      %dma_wait3A_101 = arith.constant 0 : i32
      %dma_wait3A_102 = tpu.memref_slice %arg4[%dma_wait3A_101] : memref<10240xf32, #tpu.memory_space<vmem_shared>> -> memref<10240xf32, #tpu.memory_space<vmem_shared>>
      tpu.wait_indirect_dma semaphore(%arg8 : memref<!tpu.dma_semaphore, #tpu.memory_space<semaphore_mem>>) src(%arg6 : memref<128xf32, #tpu.memory_space<vmem>>) dst(%dma_wait3A_102 : memref<10240xf32, #tpu.memory_space<vmem_shared>>)
      %dma_wait3A_103 = arith.constant 0 : i32
      %dma_wait3A_104 = tpu.memref_slice %arg5[%add3A_39, %dma_wait3A_103] : memref<80x128xi32, #tpu.memory_space<vmem>> -> memref<1x128xi32, #tpu.memory_space<vmem>>
      %dma_wait3A_105 = tpu.memref_squeeze %dma_wait3A_104 : memref<1x128xi32, #tpu.memory_space<vmem>> -> memref<128xi32, #tpu.memory_space<vmem>>
      %dma_wait3A_106 = arith.constant 0 : i32
      %dma_wait3A_107 = tpu.memref_slice %arg4[%dma_wait3A_106] : memref<10240xf32, #tpu.memory_space<vmem_shared>> -> memref<10240xf32, #tpu.memory_space<vmem_shared>>
      tpu.wait_indirect_dma semaphore(%arg8 : memref<!tpu.dma_semaphore, #tpu.memory_space<semaphore_mem>>) src(%arg6 : memref<128xf32, #tpu.memory_space<vmem>>) dst(%dma_wait3A_107 : memref<10240xf32, #tpu.memory_space<vmem_shared>>)
      %dma_wait3A_108 = arith.constant 0 : i32
      %dma_wait3A_109 = tpu.memref_slice %arg5[%add3A_48, %dma_wait3A_108] : memref<80x128xi32, #tpu.memory_space<vmem>> -> memref<1x128xi32, #tpu.memory_space<vmem>>
      %dma_wait3A_110 = tpu.memref_squeeze %dma_wait3A_109 : memref<1x128xi32, #tpu.memory_space<vmem>> -> memref<128xi32, #tpu.memory_space<vmem>>
      %dma_wait3A_111 = arith.constant 0 : i32
      %dma_wait3A_112 = tpu.memref_slice %arg4[%dma_wait3A_111] : memref<10240xf32, #tpu.memory_space<vmem_shared>> -> memref<10240xf32, #tpu.memory_space<vmem_shared>>
      tpu.wait_indirect_dma semaphore(%arg8 : memref<!tpu.dma_semaphore, #tpu.memory_space<semaphore_mem>>) src(%arg6 : memref<128xf32, #tpu.memory_space<vmem>>) dst(%dma_wait3A_112 : memref<10240xf32, #tpu.memory_space<vmem_shared>>)
      %dma_wait3A_113 = arith.constant 0 : i32
      %dma_wait3A_114 = tpu.memref_slice %arg5[%add3A_57, %dma_wait3A_113] : memref<80x128xi32, #tpu.memory_space<vmem>> -> memref<1x128xi32, #tpu.memory_space<vmem>>
      %dma_wait3A_115 = tpu.memref_squeeze %dma_wait3A_114 : memref<1x128xi32, #tpu.memory_space<vmem>> -> memref<128xi32, #tpu.memory_space<vmem>>
      %dma_wait3A_116 = arith.constant 0 : i32
      %dma_wait3A_117 = tpu.memref_slice %arg4[%dma_wait3A_116] : memref<10240xf32, #tpu.memory_space<vmem_shared>> -> memref<10240xf32, #tpu.memory_space<vmem_shared>>
      tpu.wait_indirect_dma semaphore(%arg8 : memref<!tpu.dma_semaphore, #tpu.memory_space<semaphore_mem>>) src(%arg6 : memref<128xf32, #tpu.memory_space<vmem>>) dst(%dma_wait3A_117 : memref<10240xf32, #tpu.memory_space<vmem_shared>>)
      %dma_wait3A_118 = arith.constant 0 : i32
      %dma_wait3A_119 = tpu.memref_slice %arg5[%add3A_66, %dma_wait3A_118] : memref<80x128xi32, #tpu.memory_space<vmem>> -> memref<1x128xi32, #tpu.memory_space<vmem>>
      %dma_wait3A_120 = tpu.memref_squeeze %dma_wait3A_119 : memref<1x128xi32, #tpu.memory_space<vmem>> -> memref<128xi32, #tpu.memory_space<vmem>>
      %dma_wait3A_121 = arith.constant 0 : i32
      %dma_wait3A_122 = tpu.memref_slice %arg4[%dma_wait3A_121] : memref<10240xf32, #tpu.memory_space<vmem_shared>> -> memref<10240xf32, #tpu.memory_space<vmem_shared>>
      tpu.wait_indirect_dma semaphore(%arg8 : memref<!tpu.dma_semaphore, #tpu.memory_space<semaphore_mem>>) src(%arg6 : memref<128xf32, #tpu.memory_space<vmem>>) dst(%dma_wait3A_122 : memref<10240xf32, #tpu.memory_space<vmem_shared>>)
      %dma_wait3A_123 = arith.constant 0 : i32
      %dma_wait3A_124 = tpu.memref_slice %arg5[%add3A_75, %dma_wait3A_123] : memref<80x128xi32, #tpu.memory_space<vmem>> -> memref<1x128xi32, #tpu.memory_space<vmem>>
      %dma_wait3A_125 = tpu.memref_squeeze %dma_wait3A_124 : memref<1x128xi32, #tpu.memory_space<vmem>> -> memref<128xi32, #tpu.memory_space<vmem>>
      %dma_wait3A_126 = arith.constant 0 : i32
      %dma_wait3A_127 = tpu.memref_slice %arg4[%dma_wait3A_126] : memref<10240xf32, #tpu.memory_space<vmem_shared>> -> memref<10240xf32, #tpu.memory_space<vmem_shared>>
      tpu.wait_indirect_dma semaphore(%arg8 : memref<!tpu.dma_semaphore, #tpu.memory_space<semaphore_mem>>) src(%arg6 : memref<128xf32, #tpu.memory_space<vmem>>) dst(%dma_wait3A_127 : memref<10240xf32, #tpu.memory_space<vmem_shared>>)
      %dma_wait3A_128 = arith.constant 0 : i32
      %dma_wait3A_129 = tpu.memref_slice %arg5[%add3A_84, %dma_wait3A_128] : memref<80x128xi32, #tpu.memory_space<vmem>> -> memref<1x128xi32, #tpu.memory_space<vmem>>
      %dma_wait3A_130 = tpu.memref_squeeze %dma_wait3A_129 : memref<1x128xi32, #tpu.memory_space<vmem>> -> memref<128xi32, #tpu.memory_space<vmem>>
      %dma_wait3A_131 = arith.constant 0 : i32
      %dma_wait3A_132 = tpu.memref_slice %arg4[%dma_wait3A_131] : memref<10240xf32, #tpu.memory_space<vmem_shared>> -> memref<10240xf32, #tpu.memory_space<vmem_shared>>
      tpu.wait_indirect_dma semaphore(%arg8 : memref<!tpu.dma_semaphore, #tpu.memory_space<semaphore_mem>>) src(%arg6 : memref<128xf32, #tpu.memory_space<vmem>>) dst(%dma_wait3A_132 : memref<10240xf32, #tpu.memory_space<vmem_shared>>)
      %dma_wait3A_133 = arith.constant 0 : i32
      %dma_wait3A_134 = tpu.memref_slice %arg5[%add3A_93, %dma_wait3A_133] : memref<80x128xi32, #tpu.memory_space<vmem>> -> memref<1x128xi32, #tpu.memory_space<vmem>>
      %dma_wait3A_135 = tpu.memref_squeeze %dma_wait3A_134 : memref<1x128xi32, #tpu.memory_space<vmem>> -> memref<128xi32, #tpu.memory_space<vmem>>
      %dma_wait3A_136 = arith.constant 0 : i32
      %dma_wait3A_137 = tpu.memref_slice %arg4[%dma_wait3A_136] : memref<10240xf32, #tpu.memory_space<vmem_shared>> -> memref<10240xf32, #tpu.memory_space<vmem_shared>>
      tpu.wait_indirect_dma semaphore(%arg8 : memref<!tpu.dma_semaphore, #tpu.memory_space<semaphore_mem>>) src(%arg6 : memref<128xf32, #tpu.memory_space<vmem>>) dst(%dma_wait3A_137 : memref<10240xf32, #tpu.memory_space<vmem_shared>>)
    }
    %scan3A_21 = arith.constant 10 : i32
    %barrier3A_22 = arith.constant 0 : index
    tpu.barrier barrier_id(%barrier3A_22)
    %mul3A_23 = arith.constant 640 : i32
    %mul3A_24 = arith.muli %arg1, %mul3A_23 : i32
    "tpu.region"() ({
      %run_scoped3A_27 = tpu.sem_alloc : memref<!tpu.dma_semaphore, #tpu.memory_space<semaphore_mem>>
      %dma_start3A = tpu.memref_slice %arg4[%mul3A_24] : memref<10240xf32, #tpu.memory_space<vmem_shared>> -> memref<640xf32, #tpu.memory_space<vmem_shared>>
      %dma_start3A_28 = tpu.memref_slice %arg4[%mul3A_24] : memref<10240xf32, #tpu.memory_space<vmem_shared>> -> memref<640xf32, #tpu.memory_space<vmem_shared>>
      tpu.enqueue_dma source(%dma_start3A_28 : memref<640xf32, #tpu.memory_space<vmem_shared>>) target(%arg7 : memref<640xf32, #tpu.memory_space<vmem>>) target_semaphore(%run_scoped3A_27 : memref<!tpu.dma_semaphore, #tpu.memory_space<semaphore_mem>>)
      %dma_wait3A = tpu.memref_slice %arg4[%mul3A_24] : memref<10240xf32, #tpu.memory_space<vmem_shared>> -> memref<640xf32, #tpu.memory_space<vmem_shared>>
      %dma_wait3A_29 = tpu.memref_slice %arg4[%mul3A_24] : memref<10240xf32, #tpu.memory_space<vmem_shared>> -> memref<640xf32, #tpu.memory_space<vmem_shared>>
      tpu.wait_dma2 semaphore(%run_scoped3A_27 : memref<!tpu.dma_semaphore, #tpu.memory_space<semaphore_mem>>) src(%dma_wait3A_29 : memref<640xf32, #tpu.memory_space<vmem_shared>>) dst(%arg7 : memref<640xf32, #tpu.memory_space<vmem>>)
      tpu.yield
    }) : () -> ()
    %mul3A_25 = arith.constant 640 : i32
    %mul3A_26 = arith.muli %arg1, %mul3A_25 : i32
    "tpu.region"() ({
      %run_scoped3A_27 = tpu.sem_alloc : memref<!tpu.dma_semaphore, #tpu.memory_space<semaphore_mem>>
      %dma_start3A = tpu.memref_slice %arg3[%arg0, %mul3A_26] : memref<2x10240xf32, #tpu.memory_space<hbm>> -> memref<1x640xf32, #tpu.memory_space<hbm>>
      %dma_start3A_28 = tpu.memref_squeeze %dma_start3A : memref<1x640xf32, #tpu.memory_space<hbm>> -> memref<640xf32, #tpu.memory_space<hbm>>
      %dma_start3A_29 = tpu.memref_slice %arg3[%arg0, %mul3A_26] : memref<2x10240xf32, #tpu.memory_space<hbm>> -> memref<1x640xf32, #tpu.memory_space<hbm>>
      %dma_start3A_30 = tpu.memref_squeeze %dma_start3A_29 : memref<1x640xf32, #tpu.memory_space<hbm>> -> memref<640xf32, #tpu.memory_space<hbm>>
      tpu.enqueue_dma source(%arg7 : memref<640xf32, #tpu.memory_space<vmem>>) target(%dma_start3A_30 : memref<640xf32, #tpu.memory_space<hbm>>) target_semaphore(%run_scoped3A_27 : memref<!tpu.dma_semaphore, #tpu.memory_space<semaphore_mem>>)
      %dma_wait3A = tpu.memref_slice %arg3[%arg0, %mul3A_26] : memref<2x10240xf32, #tpu.memory_space<hbm>> -> memref<1x640xf32, #tpu.memory_space<hbm>>
      %dma_wait3A_31 = tpu.memref_squeeze %dma_wait3A : memref<1x640xf32, #tpu.memory_space<hbm>> -> memref<640xf32, #tpu.memory_space<hbm>>
      %dma_wait3A_32 = tpu.memref_slice %arg3[%arg0, %mul3A_26] : memref<2x10240xf32, #tpu.memory_space<hbm>> -> memref<1x640xf32, #tpu.memory_space<hbm>>
      %dma_wait3A_33 = tpu.memref_squeeze %dma_wait3A_32 : memref<1x640xf32, #tpu.memory_space<hbm>> -> memref<640xf32, #tpu.memory_space<hbm>>
      tpu.wait_dma2 semaphore(%run_scoped3A_27 : memref<!tpu.dma_semaphore, #tpu.memory_space<semaphore_mem>>) src(%arg7 : memref<640xf32, #tpu.memory_space<vmem>>) dst(%dma_wait3A_33 : memref<640xf32, #tpu.memory_space<hbm>>)
      tpu.yield
    }) : () -> ()
    return
  }
}

#map = affine_map<(d0, d1) -> (0, 0, 0)>
#map1 = affine_map<(d0, d1) -> (0, 0)>
module attributes {stable_mosaic.version = 14 : i64} {
  func.func @body(%arg0: i32, %arg1: i32, %arg2: memref<2x2560x128xi32, #tpu.memory_space<hbm>>, %arg3: memref<10240x128xf32, #tpu.memory_space<hbm>>, %arg4: memref<10240x128xf32, #tpu.memory_space<hbm>>, %arg5: memref<10240x128xf32, #tpu.memory_space<hbm>>, %arg6: memref<10240x128xf32, #tpu.memory_space<vmem_shared>>, %arg7: memref<40x128xi32, #tpu.memory_space<vmem>>, %arg8: memref<40x128xi32, #tpu.memory_space<vmem>>, %arg9: memref<128x128xf32, #tpu.memory_space<vmem>>, %arg10: memref<128x128xf32, #tpu.memory_space<vmem>>, %arg11: memref<!tpu.dma_semaphore, #tpu.memory_space<semaphore_mem>>, %arg12: memref<!tpu.dma_semaphore, #tpu.memory_space<semaphore_mem>>) attributes {dimension_semantics = [#tpu.dimension_semantics<core_parallel>, #tpu.dimension_semantics<subcore_parallel>], iteration_bounds = array<i64: 2, 16>, scalar_prefetch = 0 : i64, scratch_operands = 7 : i64, tpu.core_type = #tpu.core_type<sc_vector_subcore>, window_params = [{transform_indices = #map}, {transform_indices = #map1}, {transform_indices = #map1}, {transform_indices = #map1}]} {
    %mul3A = arith.constant 2 : i32
    %mul3A_0 = arith.muli %arg1, %mul3A : i32
    %add3A = arith.addi %mul3A_0, %arg0 : i32
    %scan3A = arith.constant 0 : i32
    %scan3A_1 = arith.constant 0 : i32
    %scan3A_2 = arith.constant 640 : i32
    %scan3A_3 = arith.addi %scan3A_1, %scan3A_2 : i32
    %scan3A_4 = arith.constant 1 : i32
    scf.for %scan3A_2269 = %scan3A_1 to %scan3A_3 step %scan3A_4  : i32 {
      %jit3A = arith.constant 8 : i32
      %div3A = arith.divsi %scan3A_2269, %jit3A : i32
      %sign3A = arith.constant 0 : i32
      %sign3A_2270 = arith.cmpi sgt, %scan3A_2269, %sign3A : i32
      %sign3A_2271 = arith.extui %sign3A_2270 : i1 to i32
      %sign3A_2272 = arith.constant 0 : i32
      %sign3A_2273 = arith.cmpi slt, %scan3A_2269, %sign3A_2272 : i32
      %sign3A_2274 = arith.extui %sign3A_2273 : i1 to i32
      %sign3A_2275 = arith.subi %sign3A_2271, %sign3A_2274 : i32
      %sign3A_2276 = arith.constant 0 : i32
      %sign3A_2277 = arith.cmpi sgt, %jit3A, %sign3A_2276 : i32
      %sign3A_2278 = arith.extui %sign3A_2277 : i1 to i32
      %sign3A_2279 = arith.constant 0 : i32
      %sign3A_2280 = arith.cmpi slt, %jit3A, %sign3A_2279 : i32
      %sign3A_2281 = arith.extui %sign3A_2280 : i1 to i32
      %sign3A_2282 = arith.subi %sign3A_2278, %sign3A_2281 : i32
      %ne3A = arith.cmpi ne, %sign3A_2275, %sign3A_2282 : i32
      %rem3A = arith.remsi %scan3A_2269, %jit3A : i32
      %ne3A_2283 = arith.constant 0 : i32
      %ne3A_2284 = arith.cmpi ne, %rem3A, %ne3A_2283 : i32
      %and3A = arith.andi %ne3A, %ne3A_2284 : i1
      %sub3A = arith.constant 1 : i32
      %sub3A_2285 = arith.subi %div3A, %sub3A : i32
      %select_n3A = arith.select %and3A, %sub3A_2285, %div3A : i32
      %jit3A_2286 = arith.constant 8 : i32
      %eq3A_2287 = arith.constant 0 : i32
      %eq3A_2288 = arith.cmpi eq, %jit3A_2286, %eq3A_2287 : i32
      %jit3A_2289 = arith.constant 1 : i32
      %select_n3A_2290 = arith.select %eq3A_2288, %jit3A_2289, %jit3A_2286 : i32
      %rem3A_2291 = arith.remsi %scan3A_2269, %select_n3A_2290 : i32
      %ne3A_2292 = arith.constant 0 : i32
      %ne3A_2293 = arith.cmpi ne, %rem3A_2291, %ne3A_2292 : i32
      %lt3A = arith.constant 0 : i32
      %lt3A_2294 = arith.cmpi slt, %rem3A_2291, %lt3A : i32
      %lt3A_2295 = arith.constant 0 : i32
      %lt3A_2296 = arith.cmpi slt, %select_n3A_2290, %lt3A_2295 : i32
      %ne3A_2297 = arith.xori %lt3A_2294, %lt3A_2296 : i1
      %and3A_2298 = arith.andi %ne3A_2297, %ne3A_2293 : i1
      %add3A_2299 = arith.addi %rem3A_2291, %select_n3A_2290 : i32
      %select_n3A_2300 = arith.select %and3A_2298, %add3A_2299, %rem3A_2291 : i32
      %broadcast_in_dim3A = arith.constant 0.000000e+00 : f32
      %broadcast_in_dim3A_2301 = vector.broadcast %broadcast_in_dim3A : f32 to vector<16xf32>
      %mul3A_2302 = arith.constant 16 : i32
      %mul3A_2303 = arith.muli %select_n3A_2300, %mul3A_2302 : i32
      %swap3A = arith.index_cast %select_n3A : i32 to index
      %swap3A_2304 = arith.index_cast %mul3A_2303 : i32 to index
      %swap3A_2305 = tpu.vector_load %arg9[%swap3A, %swap3A_2304] {strides = array<i32>} : memref<128x128xf32, #tpu.memory_space<vmem>>, vector<1x16xf32>,
      %swap3A_2306 = vector.shape_cast %swap3A_2305 : vector<1x16xf32> to vector<16xf32>
      %swap3A_2307 = vector.shape_cast %broadcast_in_dim3A_2301 : vector<16xf32> to vector<1x16xf32>
      tpu.vector_store %arg9[%swap3A, %swap3A_2304], %swap3A_2307 {strides = array<i32>} : memref<128x128xf32, #tpu.memory_space<vmem>>, vector<1x16xf32>,
    }
    %scan3A_5 = arith.constant 640 : i32
    %scan3A_6 = arith.constant 0 : i32
    %scan3A_7 = arith.constant 0 : i32
    %scan3A_8 = arith.constant 8 : i32
    %scan3A_9 = arith.addi %scan3A_7, %scan3A_8 : i32
    %scan3A_10 = arith.constant 1 : i32
    scf.for %scan3A_2269 = %scan3A_7 to %scan3A_9 step %scan3A_10  : i32 {
      %mul3A_2270 = arith.constant 640 : i32
      %mul3A_2271 = arith.muli %arg1, %mul3A_2270 : i32
      %mul3A_2272 = arith.constant 80 : i32
      %mul3A_2273 = arith.muli %scan3A_2269, %mul3A_2272 : i32
      %add3A_2274 = arith.addi %mul3A_2271, %mul3A_2273 : i32
      "tpu.region"() ({
        %run_scoped3A_2275 = tpu.sem_alloc : memref<!tpu.dma_semaphore, #tpu.memory_space<semaphore_mem>>
        %dma_start3A_2276 = arith.constant 0 : i32
        %dma_start3A_2277 = arith.constant 0 : i32
        %dma_start3A_2278 = tpu.memref_slice %arg9[%dma_start3A_2276, %dma_start3A_2277] : memref<128x128xf32, #tpu.memory_space<vmem>> -> memref<80x128xf32, #tpu.memory_space<vmem>>
        %dma_start3A_2279 = arith.constant 0 : i32
        %dma_start3A_2280 = tpu.memref_slice %arg6[%add3A_2274, %dma_start3A_2279] : memref<10240x128xf32, #tpu.memory_space<vmem_shared>> -> memref<80x128xf32, #tpu.memory_space<vmem_shared>>
        %dma_start3A_2281 = arith.constant 0 : i32
        %dma_start3A_2282 = tpu.memref_slice %arg6[%add3A_2274, %dma_start3A_2281] : memref<10240x128xf32, #tpu.memory_space<vmem_shared>> -> memref<80x128xf32, #tpu.memory_space<vmem_shared>>
        %dma_start3A_2283 = arith.constant 0 : i32
        %dma_start3A_2284 = arith.constant 0 : i32
        %dma_start3A_2285 = tpu.memref_slice %arg9[%dma_start3A_2283, %dma_start3A_2284] : memref<128x128xf32, #tpu.memory_space<vmem>> -> memref<80x128xf32, #tpu.memory_space<vmem>>
        tpu.enqueue_dma source(%dma_start3A_2285 : memref<80x128xf32, #tpu.memory_space<vmem>>) target(%dma_start3A_2282 : memref<80x128xf32, #tpu.memory_space<vmem_shared>>) target_semaphore(%run_scoped3A_2275 : memref<!tpu.dma_semaphore, #tpu.memory_space<semaphore_mem>>)
        %dma_wait3A_2286 = arith.constant 0 : i32
        %dma_wait3A_2287 = arith.constant 0 : i32
        %dma_wait3A_2288 = tpu.memref_slice %arg9[%dma_wait3A_2286, %dma_wait3A_2287] : memref<128x128xf32, #tpu.memory_space<vmem>> -> memref<80x128xf32, #tpu.memory_space<vmem>>
        %dma_wait3A_2289 = arith.constant 0 : i32
        %dma_wait3A_2290 = tpu.memref_slice %arg6[%add3A_2274, %dma_wait3A_2289] : memref<10240x128xf32, #tpu.memory_space<vmem_shared>> -> memref<80x128xf32, #tpu.memory_space<vmem_shared>>
        %dma_wait3A_2291 = arith.constant 0 : i32
        %dma_wait3A_2292 = tpu.memref_slice %arg6[%add3A_2274, %dma_wait3A_2291] : memref<10240x128xf32, #tpu.memory_space<vmem_shared>> -> memref<80x128xf32, #tpu.memory_space<vmem_shared>>
        %dma_wait3A_2293 = arith.constant 0 : i32
        %dma_wait3A_2294 = arith.constant 0 : i32
        %dma_wait3A_2295 = tpu.memref_slice %arg9[%dma_wait3A_2293, %dma_wait3A_2294] : memref<128x128xf32, #tpu.memory_space<vmem>> -> memref<80x128xf32, #tpu.memory_space<vmem>>
        tpu.wait_dma2 semaphore(%run_scoped3A_2275 : memref<!tpu.dma_semaphore, #tpu.memory_space<semaphore_mem>>) src(%dma_wait3A_2295 : memref<80x128xf32, #tpu.memory_space<vmem>>) dst(%dma_wait3A_2292 : memref<80x128xf32, #tpu.memory_space<vmem_shared>>)
        tpu.yield
      }) : () -> ()
    }
    %scan3A_11 = arith.constant 8 : i32
    %barrier3A = arith.constant 0 : index
    tpu.barrier barrier_id(%barrier3A)
    %mul3A_12 = arith.constant 80 : i32
    %mul3A_13 = arith.muli %add3A, %mul3A_12 : i32
    %add3A_14 = arith.constant 0 : i32
    %add3A_15 = arith.addi %mul3A_13, %add3A_14 : i32
    %run_scoped3A = arith.constant 0 : i32
    "tpu.region"() ({
      %run_scoped3A_2269 = tpu.sem_alloc : memref<!tpu.dma_semaphore, #tpu.memory_space<semaphore_mem>>
      %dma_start3A_2270 = arith.constant 0 : i32
      %dma_start3A_2271 = tpu.memref_slice %arg2[%run_scoped3A, %add3A_15, %dma_start3A_2270] : memref<2x2560x128xi32, #tpu.memory_space<hbm>> -> memref<1x40x128xi32, #tpu.memory_space<hbm>>
      %dma_start3A_2272 = tpu.memref_squeeze %dma_start3A_2271 : memref<1x40x128xi32, #tpu.memory_space<hbm>> -> memref<40x128xi32, #tpu.memory_space<hbm>>
      %dma_start3A_2273 = arith.constant 0 : i32
      %dma_start3A_2274 = tpu.memref_slice %arg2[%run_scoped3A, %add3A_15, %dma_start3A_2273] : memref<2x2560x128xi32, #tpu.memory_space<hbm>> -> memref<1x40x128xi32, #tpu.memory_space<hbm>>
      %dma_start3A_2275 = tpu.memref_squeeze %dma_start3A_2274 : memref<1x40x128xi32, #tpu.memory_space<hbm>> -> memref<40x128xi32, #tpu.memory_space<hbm>>
      tpu.enqueue_dma source(%dma_start3A_2275 : memref<40x128xi32, #tpu.memory_space<hbm>>) target(%arg7 : memref<40x128xi32, #tpu.memory_space<vmem>>) target_semaphore(%run_scoped3A_2269 : memref<!tpu.dma_semaphore, #tpu.memory_space<semaphore_mem>>)
      %dma_wait3A_2276 = arith.constant 0 : i32
      %dma_wait3A_2277 = tpu.memref_slice %arg2[%run_scoped3A, %add3A_15, %dma_wait3A_2276] : memref<2x2560x128xi32, #tpu.memory_space<hbm>> -> memref<1x40x128xi32, #tpu.memory_space<hbm>>
      %dma_wait3A_2278 = tpu.memref_squeeze %dma_wait3A_2277 : memref<1x40x128xi32, #tpu.memory_space<hbm>> -> memref<40x128xi32, #tpu.memory_space<hbm>>
      %dma_wait3A_2279 = arith.constant 0 : i32
      %dma_wait3A_2280 = tpu.memref_slice %arg2[%run_scoped3A, %add3A_15, %dma_wait3A_2279] : memref<2x2560x128xi32, #tpu.memory_space<hbm>> -> memref<1x40x128xi32, #tpu.memory_space<hbm>>
      %dma_wait3A_2281 = tpu.memref_squeeze %dma_wait3A_2280 : memref<1x40x128xi32, #tpu.memory_space<hbm>> -> memref<40x128xi32, #tpu.memory_space<hbm>>
      tpu.wait_dma2 semaphore(%run_scoped3A_2269 : memref<!tpu.dma_semaphore, #tpu.memory_space<semaphore_mem>>) src(%dma_wait3A_2281 : memref<40x128xi32, #tpu.memory_space<hbm>>) dst(%arg7 : memref<40x128xi32, #tpu.memory_space<vmem>>)
      tpu.yield
    }) : () -> ()
    %run_scoped3A_16 = arith.constant 1 : i32
    "tpu.region"() ({
      %run_scoped3A_2269 = tpu.sem_alloc : memref<!tpu.dma_semaphore, #tpu.memory_space<semaphore_mem>>
      %dma_start3A_2270 = arith.constant 0 : i32
      %dma_start3A_2271 = tpu.memref_slice %arg2[%run_scoped3A_16, %add3A_15, %dma_start3A_2270] : memref<2x2560x128xi32, #tpu.memory_space<hbm>> -> memref<1x40x128xi32, #tpu.memory_space<hbm>>
      %dma_start3A_2272 = tpu.memref_squeeze %dma_start3A_2271 : memref<1x40x128xi32, #tpu.memory_space<hbm>> -> memref<40x128xi32, #tpu.memory_space<hbm>>
      %dma_start3A_2273 = arith.constant 0 : i32
      %dma_start3A_2274 = tpu.memref_slice %arg2[%run_scoped3A_16, %add3A_15, %dma_start3A_2273] : memref<2x2560x128xi32, #tpu.memory_space<hbm>> -> memref<1x40x128xi32, #tpu.memory_space<hbm>>
      %dma_start3A_2275 = tpu.memref_squeeze %dma_start3A_2274 : memref<1x40x128xi32, #tpu.memory_space<hbm>> -> memref<40x128xi32, #tpu.memory_space<hbm>>
      tpu.enqueue_dma source(%dma_start3A_2275 : memref<40x128xi32, #tpu.memory_space<hbm>>) target(%arg8 : memref<40x128xi32, #tpu.memory_space<vmem>>) target_semaphore(%run_scoped3A_2269 : memref<!tpu.dma_semaphore, #tpu.memory_space<semaphore_mem>>)
      %dma_wait3A_2276 = arith.constant 0 : i32
      %dma_wait3A_2277 = tpu.memref_slice %arg2[%run_scoped3A_16, %add3A_15, %dma_wait3A_2276] : memref<2x2560x128xi32, #tpu.memory_space<hbm>> -> memref<1x40x128xi32, #tpu.memory_space<hbm>>
      %dma_wait3A_2278 = tpu.memref_squeeze %dma_wait3A_2277 : memref<1x40x128xi32, #tpu.memory_space<hbm>> -> memref<40x128xi32, #tpu.memory_space<hbm>>
      %dma_wait3A_2279 = arith.constant 0 : i32
      %dma_wait3A_2280 = tpu.memref_slice %arg2[%run_scoped3A_16, %add3A_15, %dma_wait3A_2279] : memref<2x2560x128xi32, #tpu.memory_space<hbm>> -> memref<1x40x128xi32, #tpu.memory_space<hbm>>
      %dma_wait3A_2281 = tpu.memref_squeeze %dma_wait3A_2280 : memref<1x40x128xi32, #tpu.memory_space<hbm>> -> memref<40x128xi32, #tpu.memory_space<hbm>>
      tpu.wait_dma2 semaphore(%run_scoped3A_2269 : memref<!tpu.dma_semaphore, #tpu.memory_space<semaphore_mem>>) src(%dma_wait3A_2281 : memref<40x128xi32, #tpu.memory_space<hbm>>) dst(%arg8 : memref<40x128xi32, #tpu.memory_space<vmem>>)
      tpu.yield
    }) : () -> ()
    %dma_start3A = arith.constant 0 : i32
    %dma_start3A_17 = arith.constant 0 : i32
    %dma_start3A_18 = tpu.memref_slice %arg7[%dma_start3A, %dma_start3A_17] : memref<40x128xi32, #tpu.memory_space<vmem>> -> memref<1x128xi32, #tpu.memory_space<vmem>>
    %dma_start3A_19 = tpu.memref_squeeze %dma_start3A_18 : memref<1x128xi32, #tpu.memory_space<vmem>> -> memref<128xi32, #tpu.memory_space<vmem>>
    %dma_start3A_20 = arith.constant 0 : i32
    %dma_start3A_21 = arith.constant 0 : i32
    %dma_start3A_22 = tpu.memref_slice %arg3[%dma_start3A_20, %dma_start3A_21] : memref<10240x128xf32, #tpu.memory_space<hbm>> -> memref<10240x128xf32, #tpu.memory_space<hbm>>
    tpu.enqueue_indirect_dma source(%dma_start3A_22 : memref<10240x128xf32, #tpu.memory_space<hbm>>) target(%arg9 : memref<128x128xf32, #tpu.memory_space<vmem>>) offsets(%dma_start3A_19 : memref<128xi32, #tpu.memory_space<vmem>>) semaphore(%arg11 : memref<!tpu.dma_semaphore, #tpu.memory_space<semaphore_mem>>)
    %dma_start3A_23 = arith.constant 1 : i32
    %dma_start3A_24 = arith.constant 0 : i32
    %dma_start3A_25 = tpu.memref_slice %arg7[%dma_start3A_23, %dma_start3A_24] : memref<40x128xi32, #tpu.memory_space<vmem>> -> memref<1x128xi32, #tpu.memory_space<vmem>>
    %dma_start3A_26 = tpu.memref_squeeze %dma_start3A_25 : memref<1x128xi32, #tpu.memory_space<vmem>> -> memref<128xi32, #tpu.memory_space<vmem>>
    %dma_start3A_27 = arith.constant 0 : i32
    %dma_start3A_28 = arith.constant 0 : i32
    %dma_start3A_29 = tpu.memref_slice %arg3[%dma_start3A_27, %dma_start3A_28] : memref<10240x128xf32, #tpu.memory_space<hbm>> -> memref<10240x128xf32, #tpu.memory_space<hbm>>
    tpu.enqueue_indirect_dma source(%dma_start3A_29 : memref<10240x128xf32, #tpu.memory_space<hbm>>) target(%arg10 : memref<128x128xf32, #tpu.memory_space<vmem>>) offsets(%dma_start3A_26 : memref<128xi32, #tpu.memory_space<vmem>>) semaphore(%arg11 : memref<!tpu.dma_semaphore, #tpu.memory_space<semaphore_mem>>)
    %dma_wait3A = arith.constant 0 : i32
    %dma_wait3A_30 = arith.constant 0 : i32
    %dma_wait3A_31 = tpu.memref_slice %arg7[%dma_wait3A, %dma_wait3A_30] : memref<40x128xi32, #tpu.memory_space<vmem>> -> memref<1x128xi32, #tpu.memory_space<vmem>>
    %dma_wait3A_32 = tpu.memref_squeeze %dma_wait3A_31 : memref<1x128xi32, #tpu.memory_space<vmem>> -> memref<128xi32, #tpu.memory_space<vmem>>
    %dma_wait3A_33 = arith.constant 0 : i32
    %dma_wait3A_34 = arith.constant 0 : i32
    %dma_wait3A_35 = tpu.memref_slice %arg3[%dma_wait3A_33, %dma_wait3A_34] : memref<10240x128xf32, #tpu.memory_space<hbm>> -> memref<10240x128xf32, #tpu.memory_space<hbm>>
    tpu.wait_indirect_dma semaphore(%arg11 : memref<!tpu.dma_semaphore, #tpu.memory_space<semaphore_mem>>) src(%dma_wait3A_35 : memref<10240x128xf32, #tpu.memory_space<hbm>>) dst(%arg9 : memref<128x128xf32, #tpu.memory_space<vmem>>)
    %dma_start3A_36 = arith.constant 0 : i32
    %dma_start3A_37 = arith.constant 0 : i32
    %dma_start3A_38 = tpu.memref_slice %arg8[%dma_start3A_36, %dma_start3A_37] : memref<40x128xi32, #tpu.memory_space<vmem>> -> memref<1x128xi32, #tpu.memory_space<vmem>>
    %dma_start3A_39 = tpu.memref_squeeze %dma_start3A_38 : memref<1x128xi32, #tpu.memory_space<vmem>> -> memref<128xi32, #tpu.memory_space<vmem>>
    %dma_start3A_40 = arith.constant 0 : i32
    %dma_start3A_41 = arith.constant 0 : i32
    %dma_start3A_42 = tpu.memref_slice %arg6[%dma_start3A_40, %dma_start3A_41] : memref<10240x128xf32, #tpu.memory_space<vmem_shared>> -> memref<10240x128xf32, #tpu.memory_space<vmem_shared>>
    tpu.enqueue_indirect_dma source(%arg9 : memref<128x128xf32, #tpu.memory_space<vmem>>) target(%dma_start3A_42 : memref<10240x128xf32, #tpu.memory_space<vmem_shared>>) offsets(%dma_start3A_39 : memref<128xi32, #tpu.memory_space<vmem>>) semaphore(%arg12 : memref<!tpu.dma_semaphore, #tpu.memory_space<semaphore_mem>>) {add = true}
    %dma_wait3A_43 = arith.constant 1 : i32
    %dma_wait3A_44 = arith.constant 0 : i32
    %dma_wait3A_45 = tpu.memref_slice %arg7[%dma_wait3A_43, %dma_wait3A_44] : memref<40x128xi32, #tpu.memory_space<vmem>> -> memref<1x128xi32, #tpu.memory_space<vmem>>
    %dma_wait3A_46 = tpu.memref_squeeze %dma_wait3A_45 : memref<1x128xi32, #tpu.memory_space<vmem>> -> memref<128xi32, #tpu.memory_space<vmem>>
    %dma_wait3A_47 = arith.constant 0 : i32
    %dma_wait3A_48 = arith.constant 0 : i32
    %dma_wait3A_49 = tpu.memref_slice %arg3[%dma_wait3A_47, %dma_wait3A_48] : memref<10240x128xf32, #tpu.memory_space<hbm>> -> memref<10240x128xf32, #tpu.memory_space<hbm>>
    tpu.wait_indirect_dma semaphore(%arg11 : memref<!tpu.dma_semaphore, #tpu.memory_space<semaphore_mem>>) src(%dma_wait3A_49 : memref<10240x128xf32, #tpu.memory_space<hbm>>) dst(%arg10 : memref<128x128xf32, #tpu.memory_space<vmem>>)
    %dma_start3A_50 = arith.constant 1 : i32
    %dma_start3A_51 = arith.constant 0 : i32
    %dma_start3A_52 = tpu.memref_slice %arg8[%dma_start3A_50, %dma_start3A_51] : memref<40x128xi32, #tpu.memory_space<vmem>> -> memref<1x128xi32, #tpu.memory_space<vmem>>
    %dma_start3A_53 = tpu.memref_squeeze %dma_start3A_52 : memref<1x128xi32, #tpu.memory_space<vmem>> -> memref<128xi32, #tpu.memory_space<vmem>>
    %dma_start3A_54 = arith.constant 0 : i32
    %dma_start3A_55 = arith.constant 0 : i32
    %dma_start3A_56 = tpu.memref_slice %arg6[%dma_start3A_54, %dma_start3A_55] : memref<10240x128xf32, #tpu.memory_space<vmem_shared>> -> memref<10240x128xf32, #tpu.memory_space<vmem_shared>>
    tpu.enqueue_indirect_dma source(%arg10 : memref<128x128xf32, #tpu.memory_space<vmem>>) target(%dma_start3A_56 : memref<10240x128xf32, #tpu.memory_space<vmem_shared>>) offsets(%dma_start3A_53 : memref<128xi32, #tpu.memory_space<vmem>>) semaphore(%arg12 : memref<!tpu.dma_semaphore, #tpu.memory_space<semaphore_mem>>) {add = true}
    %dma_wait3A_57 = arith.constant 0 : i32
    %dma_wait3A_58 = arith.constant 0 : i32
    %dma_wait3A_59 = tpu.memref_slice %arg8[%dma_wait3A_57, %dma_wait3A_58] : memref<40x128xi32, #tpu.memory_space<vmem>> -> memref<1x128xi32, #tpu.memory_space<vmem>>
    %dma_wait3A_60 = tpu.memref_squeeze %dma_wait3A_59 : memref<1x128xi32, #tpu.memory_space<vmem>> -> memref<128xi32, #tpu.memory_space<vmem>>
    %dma_wait3A_61 = arith.constant 0 : i32
    %dma_wait3A_62 = arith.constant 0 : i32
    %dma_wait3A_63 = tpu.memref_slice %arg6[%dma_wait3A_61, %dma_wait3A_62] : memref<10240x128xf32, #tpu.memory_space<vmem_shared>> -> memref<10240x128xf32, #tpu.memory_space<vmem_shared>>
    tpu.wait_indirect_dma semaphore(%arg12 : memref<!tpu.dma_semaphore, #tpu.memory_space<semaphore_mem>>) src(%arg9 : memref<128x128xf32, #tpu.memory_space<vmem>>) dst(%dma_wait3A_63 : memref<10240x128xf32, #tpu.memory_space<vmem_shared>>)
    %dma_start3A_64 = arith.constant 2 : i32
    %dma_start3A_65 = arith.constant 0 : i32
    %dma_start3A_66 = tpu.memref_slice %arg7[%dma_start3A_64, %dma_start3A_65] : memref<40x128xi32, #tpu.memory_space<vmem>> -> memref<1x128xi32, #tpu.memory_space<vmem>>
    %dma_start3A_67 = tpu.memref_squeeze %dma_start3A_66 : memref<1x128xi32, #tpu.memory_space<vmem>> -> memref<128xi32, #tpu.memory_space<vmem>>
    %dma_start3A_68 = arith.constant 0 : i32
    %dma_start3A_69 = arith.constant 0 : i32
    %dma_start3A_70 = tpu.memref_slice %arg3[%dma_start3A_68, %dma_start3A_69] : memref<10240x128xf32, #tpu.memory_space<hbm>> -> memref<10240x128xf32, #tpu.memory_space<hbm>>
    tpu.enqueue_indirect_dma source(%dma_start3A_70 : memref<10240x128xf32, #tpu.memory_space<hbm>>) target(%arg9 : memref<128x128xf32, #tpu.memory_space<vmem>>) offsets(%dma_start3A_67 : memref<128xi32, #tpu.memory_space<vmem>>) semaphore(%arg11 : memref<!tpu.dma_semaphore, #tpu.memory_space<semaphore_mem>>)
    %dma_wait3A_71 = arith.constant 1 : i32
    %dma_wait3A_72 = arith.constant 0 : i32
    %dma_wait3A_73 = tpu.memref_slice %arg8[%dma_wait3A_71, %dma_wait3A_72] : memref<40x128xi32, #tpu.memory_space<vmem>> -> memref<1x128xi32, #tpu.memory_space<vmem>>
    %dma_wait3A_74 = tpu.memref_squeeze %dma_wait3A_73 : memref<1x128xi32, #tpu.memory_space<vmem>> -> memref<128xi32, #tpu.memory_space<vmem>>
    %dma_wait3A_75 = arith.constant 0 : i32
    %dma_wait3A_76 = arith.constant 0 : i32
    %dma_wait3A_77 = tpu.memref_slice %arg6[%dma_wait3A_75, %dma_wait3A_76] : memref<10240x128xf32, #tpu.memory_space<vmem_shared>> -> memref<10240x128xf32, #tpu.memory_space<vmem_shared>>
    tpu.wait_indirect_dma semaphore(%arg12 : memref<!tpu.dma_semaphore, #tpu.memory_space<semaphore_mem>>) src(%arg10 : memref<128x128xf32, #tpu.memory_space<vmem>>) dst(%dma_wait3A_77 : memref<10240x128xf32, #tpu.memory_space<vmem_shared>>)
    %dma_start3A_78 = arith.constant 3 : i32
    %dma_start3A_79 = arith.constant 0 : i32
    %dma_start3A_80 = tpu.memref_slice %arg7[%dma_start3A_78, %dma_start3A_79] : memref<40x128xi32, #tpu.memory_space<vmem>> -> memref<1x128xi32, #tpu.memory_space<vmem>>
    %dma_start3A_81 = tpu.memref_squeeze %dma_start3A_80 : memref<1x128xi32, #tpu.memory_space<vmem>> -> memref<128xi32, #tpu.memory_space<vmem>>
    %dma_start3A_82 = arith.constant 0 : i32
    %dma_start3A_83 = arith.constant 0 : i32
    %dma_start3A_84 = tpu.memref_slice %arg3[%dma_start3A_82, %dma_start3A_83] : memref<10240x128xf32, #tpu.memory_space<hbm>> -> memref<10240x128xf32, #tpu.memory_space<hbm>>
    tpu.enqueue_indirect_dma source(%dma_start3A_84 : memref<10240x128xf32, #tpu.memory_space<hbm>>) target(%arg10 : memref<128x128xf32, #tpu.memory_space<vmem>>) offsets(%dma_start3A_81 : memref<128xi32, #tpu.memory_space<vmem>>) semaphore(%arg11 : memref<!tpu.dma_semaphore, #tpu.memory_space<semaphore_mem>>)
    %dma_wait3A_85 = arith.constant 2 : i32
    %dma_wait3A_86 = arith.constant 0 : i32
    %dma_wait3A_87 = tpu.memref_slice %arg7[%dma_wait3A_85, %dma_wait3A_86] : memref<40x128xi32, #tpu.memory_space<vmem>> -> memref<1x128xi32, #tpu.memory_space<vmem>>
    %dma_wait3A_88 = tpu.memref_squeeze %dma_wait3A_87 : memref<1x128xi32, #tpu.memory_space<vmem>> -> memref<128xi32, #tpu.memory_space<vmem>>
    %dma_wait3A_89 = arith.constant 0 : i32
    %dma_wait3A_90 = arith.constant 0 : i32
    %dma_wait3A_91 = tpu.memref_slice %arg3[%dma_wait3A_89, %dma_wait3A_90] : memref<10240x128xf32, #tpu.memory_space<hbm>> -> memref<10240x128xf32, #tpu.memory_space<hbm>>
    tpu.wait_indirect_dma semaphore(%arg11 : memref<!tpu.dma_semaphore, #tpu.memory_space<semaphore_mem>>) src(%dma_wait3A_91 : memref<10240x128xf32, #tpu.memory_space<hbm>>) dst(%arg9 : memref<128x128xf32, #tpu.memory_space<vmem>>)
    %dma_start3A_92 = arith.constant 2 : i32
    %dma_start3A_93 = arith.constant 0 : i32
    %dma_start3A_94 = tpu.memref_slice %arg8[%dma_start3A_92, %dma_start3A_93] : memref<40x128xi32, #tpu.memory_space<vmem>> -> memref<1x128xi32, #tpu.memory_space<vmem>>
    %dma_start3A_95 = tpu.memref_squeeze %dma_start3A_94 : memref<1x128xi32, #tpu.memory_space<vmem>> -> memref<128xi32, #tpu.memory_space<vmem>>
    %dma_start3A_96 = arith.constant 0 : i32
    %dma_start3A_97 = arith.constant 0 : i32
    %dma_start3A_98 = tpu.memref_slice %arg6[%dma_start3A_96, %dma_start3A_97] : memref<10240x128xf32, #tpu.memory_space<vmem_shared>> -> memref<10240x128xf32, #tpu.memory_space<vmem_shared>>
    tpu.enqueue_indirect_dma source(%arg9 : memref<128x128xf32, #tpu.memory_space<vmem>>) target(%dma_start3A_98 : memref<10240x128xf32, #tpu.memory_space<vmem_shared>>) offsets(%dma_start3A_95 : memref<128xi32, #tpu.memory_space<vmem>>) semaphore(%arg12 : memref<!tpu.dma_semaphore, #tpu.memory_space<semaphore_mem>>) {add = true}
    %dma_wait3A_99 = arith.constant 3 : i32
    %dma_wait3A_100 = arith.constant 0 : i32
    %dma_wait3A_101 = tpu.memref_slice %arg7[%dma_wait3A_99, %dma_wait3A_100] : memref<40x128xi32, #tpu.memory_space<vmem>> -> memref<1x128xi32, #tpu.memory_space<vmem>>
    %dma_wait3A_102 = tpu.memref_squeeze %dma_wait3A_101 : memref<1x128xi32, #tpu.memory_space<vmem>> -> memref<128xi32, #tpu.memory_space<vmem>>
    %dma_wait3A_103 = arith.constant 0 : i32
    %dma_wait3A_104 = arith.constant 0 : i32
    %dma_wait3A_105 = tpu.memref_slice %arg3[%dma_wait3A_103, %dma_wait3A_104] : memref<10240x128xf32, #tpu.memory_space<hbm>> -> memref<10240x128xf32, #tpu.memory_space<hbm>>
    tpu.wait_indirect_dma semaphore(%arg11 : memref<!tpu.dma_semaphore, #tpu.memory_space<semaphore_mem>>) src(%dma_wait3A_105 : memref<10240x128xf32, #tpu.memory_space<hbm>>) dst(%arg10 : memref<128x128xf32, #tpu.memory_space<vmem>>)
    %dma_start3A_106 = arith.constant 3 : i32
    %dma_start3A_107 = arith.constant 0 : i32
    %dma_start3A_108 = tpu.memref_slice %arg8[%dma_start3A_106, %dma_start3A_107] : memref<40x128xi32, #tpu.memory_space<vmem>> -> memref<1x128xi32, #tpu.memory_space<vmem>>
    %dma_start3A_109 = tpu.memref_squeeze %dma_start3A_108 : memref<1x128xi32, #tpu.memory_space<vmem>> -> memref<128xi32, #tpu.memory_space<vmem>>
    %dma_start3A_110 = arith.constant 0 : i32
    %dma_start3A_111 = arith.constant 0 : i32
    %dma_start3A_112 = tpu.memref_slice %arg6[%dma_start3A_110, %dma_start3A_111] : memref<10240x128xf32, #tpu.memory_space<vmem_shared>> -> memref<10240x128xf32, #tpu.memory_space<vmem_shared>>
    tpu.enqueue_indirect_dma source(%arg10 : memref<128x128xf32, #tpu.memory_space<vmem>>) target(%dma_start3A_112 : memref<10240x128xf32, #tpu.memory_space<vmem_shared>>) offsets(%dma_start3A_109 : memref<128xi32, #tpu.memory_space<vmem>>) semaphore(%arg12 : memref<!tpu.dma_semaphore, #tpu.memory_space<semaphore_mem>>) {add = true}
    %dma_wait3A_113 = arith.constant 2 : i32
    %dma_wait3A_114 = arith.constant 0 : i32
    %dma_wait3A_115 = tpu.memref_slice %arg8[%dma_wait3A_113, %dma_wait3A_114] : memref<40x128xi32, #tpu.memory_space<vmem>> -> memref<1x128xi32, #tpu.memory_space<vmem>>
    %dma_wait3A_116 = tpu.memref_squeeze %dma_wait3A_115 : memref<1x128xi32, #tpu.memory_space<vmem>> -> memref<128xi32, #tpu.memory_space<vmem>>
    %dma_wait3A_117 = arith.constant 0 : i32
    %dma_wait3A_118 = arith.constant 0 : i32
    %dma_wait3A_119 = tpu.memref_slice %arg6[%dma_wait3A_117, %dma_wait3A_118] : memref<10240x128xf32, #tpu.memory_space<vmem_shared>> -> memref<10240x128xf32, #tpu.memory_space<vmem_shared>>
    tpu.wait_indirect_dma semaphore(%arg12 : memref<!tpu.dma_semaphore, #tpu.memory_space<semaphore_mem>>) src(%arg9 : memref<128x128xf32, #tpu.memory_space<vmem>>) dst(%dma_wait3A_119 : memref<10240x128xf32, #tpu.memory_space<vmem_shared>>)
    %dma_start3A_120 = arith.constant 4 : i32
    %dma_start3A_121 = arith.constant 0 : i32
    %dma_start3A_122 = tpu.memref_slice %arg7[%dma_start3A_120, %dma_start3A_121] : memref<40x128xi32, #tpu.memory_space<vmem>> -> memref<1x128xi32, #tpu.memory_space<vmem>>
    %dma_start3A_123 = tpu.memref_squeeze %dma_start3A_122 : memref<1x128xi32, #tpu.memory_space<vmem>> -> memref<128xi32, #tpu.memory_space<vmem>>
    %dma_start3A_124 = arith.constant 0 : i32
    %dma_start3A_125 = arith.constant 0 : i32
    %dma_start3A_126 = tpu.memref_slice %arg3[%dma_start3A_124, %dma_start3A_125] : memref<10240x128xf32, #tpu.memory_space<hbm>> -> memref<10240x128xf32, #tpu.memory_space<hbm>>
    tpu.enqueue_indirect_dma source(%dma_start3A_126 : memref<10240x128xf32, #tpu.memory_space<hbm>>) target(%arg9 : memref<128x128xf32, #tpu.memory_space<vmem>>) offsets(%dma_start3A_123 : memref<128xi32, #tpu.memory_space<vmem>>) semaphore(%arg11 : memref<!tpu.dma_semaphore, #tpu.memory_space<semaphore_mem>>)
    %dma_wait3A_127 = arith.constant 3 : i32
    %dma_wait3A_128 = arith.constant 0 : i32
    %dma_wait3A_129 = tpu.memref_slice %arg8[%dma_wait3A_127, %dma_wait3A_128] : memref<40x128xi32, #tpu.memory_space<vmem>> -> memref<1x128xi32, #tpu.memory_space<vmem>>
    %dma_wait3A_130 = tpu.memref_squeeze %dma_wait3A_129 : memref<1x128xi32, #tpu.memory_space<vmem>> -> memref<128xi32, #tpu.memory_space<vmem>>
    %dma_wait3A_131 = arith.constant 0 : i32
    %dma_wait3A_132 = arith.constant 0 : i32
    %dma_wait3A_133 = tpu.memref_slice %arg6[%dma_wait3A_131, %dma_wait3A_132] : memref<10240x128xf32, #tpu.memory_space<vmem_shared>> -> memref<10240x128xf32, #tpu.memory_space<vmem_shared>>
    tpu.wait_indirect_dma semaphore(%arg12 : memref<!tpu.dma_semaphore, #tpu.memory_space<semaphore_mem>>) src(%arg10 : memref<128x128xf32, #tpu.memory_space<vmem>>) dst(%dma_wait3A_133 : memref<10240x128xf32, #tpu.memory_space<vmem_shared>>)
    %dma_start3A_134 = arith.constant 5 : i32
    %dma_start3A_135 = arith.constant 0 : i32
    %dma_start3A_136 = tpu.memref_slice %arg7[%dma_start3A_134, %dma_start3A_135] : memref<40x128xi32, #tpu.memory_space<vmem>> -> memref<1x128xi32, #tpu.memory_space<vmem>>
    %dma_start3A_137 = tpu.memref_squeeze %dma_start3A_136 : memref<1x128xi32, #tpu.memory_space<vmem>> -> memref<128xi32, #tpu.memory_space<vmem>>
    %dma_start3A_138 = arith.constant 0 : i32
    %dma_start3A_139 = arith.constant 0 : i32
    %dma_start3A_140 = tpu.memref_slice %arg3[%dma_start3A_138, %dma_start3A_139] : memref<10240x128xf32, #tpu.memory_space<hbm>> -> memref<10240x128xf32, #tpu.memory_space<hbm>>
    tpu.enqueue_indirect_dma source(%dma_start3A_140 : memref<10240x128xf32, #tpu.memory_space<hbm>>) target(%arg10 : memref<128x128xf32, #tpu.memory_space<vmem>>) offsets(%dma_start3A_137 : memref<128xi32, #tpu.memory_space<vmem>>) semaphore(%arg11 : memref<!tpu.dma_semaphore, #tpu.memory_space<semaphore_mem>>)
    %dma_wait3A_141 = arith.constant 4 : i32
    %dma_wait3A_142 = arith.constant 0 : i32
    %dma_wait3A_143 = tpu.memref_slice %arg7[%dma_wait3A_141, %dma_wait3A_142] : memref<40x128xi32, #tpu.memory_space<vmem>> -> memref<1x128xi32, #tpu.memory_space<vmem>>
    %dma_wait3A_144 = tpu.memref_squeeze %dma_wait3A_143 : memref<1x128xi32, #tpu.memory_space<vmem>> -> memref<128xi32, #tpu.memory_space<vmem>>
    %dma_wait3A_145 = arith.constant 0 : i32
    %dma_wait3A_146 = arith.constant 0 : i32
    %dma_wait3A_147 = tpu.memref_slice %arg3[%dma_wait3A_145, %dma_wait3A_146] : memref<10240x128xf32, #tpu.memory_space<hbm>> -> memref<10240x128xf32, #tpu.memory_space<hbm>>
    tpu.wait_indirect_dma semaphore(%arg11 : memref<!tpu.dma_semaphore, #tpu.memory_space<semaphore_mem>>) src(%dma_wait3A_147 : memref<10240x128xf32, #tpu.memory_space<hbm>>) dst(%arg9 : memref<128x128xf32, #tpu.memory_space<vmem>>)
    %dma_start3A_148 = arith.constant 4 : i32
    %dma_start3A_149 = arith.constant 0 : i32
    %dma_start3A_150 = tpu.memref_slice %arg8[%dma_start3A_148, %dma_start3A_149] : memref<40x128xi32, #tpu.memory_space<vmem>> -> memref<1x128xi32, #tpu.memory_space<vmem>>
    %dma_start3A_151 = tpu.memref_squeeze %dma_start3A_150 : memref<1x128xi32, #tpu.memory_space<vmem>> -> memref<128xi32, #tpu.memory_space<vmem>>
    %dma_start3A_152 = arith.constant 0 : i32
    %dma_start3A_153 = arith.constant 0 : i32
    %dma_start3A_154 = tpu.memref_slice %arg6[%dma_start3A_152, %dma_start3A_153] : memref<10240x128xf32, #tpu.memory_space<vmem_shared>> -> memref<10240x128xf32, #tpu.memory_space<vmem_shared>>
    tpu.enqueue_indirect_dma source(%arg9 : memref<128x128xf32, #tpu.memory_space<vmem>>) target(%dma_start3A_154 : memref<10240x128xf32, #tpu.memory_space<vmem_shared>>) offsets(%dma_start3A_151 : memref<128xi32, #tpu.memory_space<vmem>>) semaphore(%arg12 : memref<!tpu.dma_semaphore, #tpu.memory_space<semaphore_mem>>) {add = true}
    %dma_wait3A_155 = arith.constant 5 : i32
    %dma_wait3A_156 = arith.constant 0 : i32
    %dma_wait3A_157 = tpu.memref_slice %arg7[%dma_wait3A_155, %dma_wait3A_156] : memref<40x128xi32, #tpu.memory_space<vmem>> -> memref<1x128xi32, #tpu.memory_space<vmem>>
    %dma_wait3A_158 = tpu.memref_squeeze %dma_wait3A_157 : memref<1x128xi32, #tpu.memory_space<vmem>> -> memref<128xi32, #tpu.memory_space<vmem>>
    %dma_wait3A_159 = arith.constant 0 : i32
    %dma_wait3A_160 = arith.constant 0 : i32
    %dma_wait3A_161 = tpu.memref_slice %arg3[%dma_wait3A_159, %dma_wait3A_160] : memref<10240x128xf32, #tpu.memory_space<hbm>> -> memref<10240x128xf32, #tpu.memory_space<hbm>>
    tpu.wait_indirect_dma semaphore(%arg11 : memref<!tpu.dma_semaphore, #tpu.memory_space<semaphore_mem>>) src(%dma_wait3A_161 : memref<10240x128xf32, #tpu.memory_space<hbm>>) dst(%arg10 : memref<128x128xf32, #tpu.memory_space<vmem>>)
    %dma_start3A_162 = arith.constant 5 : i32
    %dma_start3A_163 = arith.constant 0 : i32
    %dma_start3A_164 = tpu.memref_slice %arg8[%dma_start3A_162, %dma_start3A_163] : memref<40x128xi32, #tpu.memory_space<vmem>> -> memref<1x128xi32, #tpu.memory_space<vmem>>
    %dma_start3A_165 = tpu.memref_squeeze %dma_start3A_164 : memref<1x128xi32, #tpu.memory_space<vmem>> -> memref<128xi32, #tpu.memory_space<vmem>>
    %dma_start3A_166 = arith.constant 0 : i32
    %dma_start3A_167 = arith.constant 0 : i32
    %dma_start3A_168 = tpu.memref_slice %arg6[%dma_start3A_166, %dma_start3A_167] : memref<10240x128xf32, #tpu.memory_space<vmem_shared>> -> memref<10240x128xf32, #tpu.memory_space<vmem_shared>>
    tpu.enqueue_indirect_dma source(%arg10 : memref<128x128xf32, #tpu.memory_space<vmem>>) target(%dma_start3A_168 : memref<10240x128xf32, #tpu.memory_space<vmem_shared>>) offsets(%dma_start3A_165 : memref<128xi32, #tpu.memory_space<vmem>>) semaphore(%arg12 : memref<!tpu.dma_semaphore, #tpu.memory_space<semaphore_mem>>) {add = true}
    %dma_wait3A_169 = arith.constant 4 : i32
    %dma_wait3A_170 = arith.constant 0 : i32
    %dma_wait3A_171 = tpu.memref_slice %arg8[%dma_wait3A_169, %dma_wait3A_170] : memref<40x128xi32, #tpu.memory_space<vmem>> -> memref<1x128xi32, #tpu.memory_space<vmem>>
    %dma_wait3A_172 = tpu.memref_squeeze %dma_wait3A_171 : memref<1x128xi32, #tpu.memory_space<vmem>> -> memref<128xi32, #tpu.memory_space<vmem>>
    %dma_wait3A_173 = arith.constant 0 : i32
    %dma_wait3A_174 = arith.constant 0 : i32
    %dma_wait3A_175 = tpu.memref_slice %arg6[%dma_wait3A_173, %dma_wait3A_174] : memref<10240x128xf32, #tpu.memory_space<vmem_shared>> -> memref<10240x128xf32, #tpu.memory_space<vmem_shared>>
    tpu.wait_indirect_dma semaphore(%arg12 : memref<!tpu.dma_semaphore, #tpu.memory_space<semaphore_mem>>) src(%arg9 : memref<128x128xf32, #tpu.memory_space<vmem>>) dst(%dma_wait3A_175 : memref<10240x128xf32, #tpu.memory_space<vmem_shared>>)
    %dma_start3A_176 = arith.constant 6 : i32
    %dma_start3A_177 = arith.constant 0 : i32
    %dma_start3A_178 = tpu.memref_slice %arg7[%dma_start3A_176, %dma_start3A_177] : memref<40x128xi32, #tpu.memory_space<vmem>> -> memref<1x128xi32, #tpu.memory_space<vmem>>
    %dma_start3A_179 = tpu.memref_squeeze %dma_start3A_178 : memref<1x128xi32, #tpu.memory_space<vmem>> -> memref<128xi32, #tpu.memory_space<vmem>>
    %dma_start3A_180 = arith.constant 0 : i32
    %dma_start3A_181 = arith.constant 0 : i32
    %dma_start3A_182 = tpu.memref_slice %arg3[%dma_start3A_180, %dma_start3A_181] : memref<10240x128xf32, #tpu.memory_space<hbm>> -> memref<10240x128xf32, #tpu.memory_space<hbm>>
    tpu.enqueue_indirect_dma source(%dma_start3A_182 : memref<10240x128xf32, #tpu.memory_space<hbm>>) target(%arg9 : memref<128x128xf32, #tpu.memory_space<vmem>>) offsets(%dma_start3A_179 : memref<128xi32, #tpu.memory_space<vmem>>) semaphore(%arg11 : memref<!tpu.dma_semaphore, #tpu.memory_space<semaphore_mem>>)
    %dma_wait3A_183 = arith.constant 5 : i32
    %dma_wait3A_184 = arith.constant 0 : i32
    %dma_wait3A_185 = tpu.memref_slice %arg8[%dma_wait3A_183, %dma_wait3A_184] : memref<40x128xi32, #tpu.memory_space<vmem>> -> memref<1x128xi32, #tpu.memory_space<vmem>>
    %dma_wait3A_186 = tpu.memref_squeeze %dma_wait3A_185 : memref<1x128xi32, #tpu.memory_space<vmem>> -> memref<128xi32, #tpu.memory_space<vmem>>
    %dma_wait3A_187 = arith.constant 0 : i32
    %dma_wait3A_188 = arith.constant 0 : i32
    %dma_wait3A_189 = tpu.memref_slice %arg6[%dma_wait3A_187, %dma_wait3A_188] : memref<10240x128xf32, #tpu.memory_space<vmem_shared>> -> memref<10240x128xf32, #tpu.memory_space<vmem_shared>>
    tpu.wait_indirect_dma semaphore(%arg12 : memref<!tpu.dma_semaphore, #tpu.memory_space<semaphore_mem>>) src(%arg10 : memref<128x128xf32, #tpu.memory_space<vmem>>) dst(%dma_wait3A_189 : memref<10240x128xf32, #tpu.memory_space<vmem_shared>>)
    %dma_start3A_190 = arith.constant 7 : i32
    %dma_start3A_191 = arith.constant 0 : i32
    %dma_start3A_192 = tpu.memref_slice %arg7[%dma_start3A_190, %dma_start3A_191] : memref<40x128xi32, #tpu.memory_space<vmem>> -> memref<1x128xi32, #tpu.memory_space<vmem>>
    %dma_start3A_193 = tpu.memref_squeeze %dma_start3A_192 : memref<1x128xi32, #tpu.memory_space<vmem>> -> memref<128xi32, #tpu.memory_space<vmem>>
    %dma_start3A_194 = arith.constant 0 : i32
    %dma_start3A_195 = arith.constant 0 : i32
    %dma_start3A_196 = tpu.memref_slice %arg3[%dma_start3A_194, %dma_start3A_195] : memref<10240x128xf32, #tpu.memory_space<hbm>> -> memref<10240x128xf32, #tpu.memory_space<hbm>>
    tpu.enqueue_indirect_dma source(%dma_start3A_196 : memref<10240x128xf32, #tpu.memory_space<hbm>>) target(%arg10 : memref<128x128xf32, #tpu.memory_space<vmem>>) offsets(%dma_start3A_193 : memref<128xi32, #tpu.memory_space<vmem>>) semaphore(%arg11 : memref<!tpu.dma_semaphore, #tpu.memory_space<semaphore_mem>>)
    %dma_wait3A_197 = arith.constant 6 : i32
    %dma_wait3A_198 = arith.constant 0 : i32
    %dma_wait3A_199 = tpu.memref_slice %arg7[%dma_wait3A_197, %dma_wait3A_198] : memref<40x128xi32, #tpu.memory_space<vmem>> -> memref<1x128xi32, #tpu.memory_space<vmem>>
    %dma_wait3A_200 = tpu.memref_squeeze %dma_wait3A_199 : memref<1x128xi32, #tpu.memory_space<vmem>> -> memref<128xi32, #tpu.memory_space<vmem>>
    %dma_wait3A_201 = arith.constant 0 : i32
    %dma_wait3A_202 = arith.constant 0 : i32
    %dma_wait3A_203 = tpu.memref_slice %arg3[%dma_wait3A_201, %dma_wait3A_202] : memref<10240x128xf32, #tpu.memory_space<hbm>> -> memref<10240x128xf32, #tpu.memory_space<hbm>>
    tpu.wait_indirect_dma semaphore(%arg11 : memref<!tpu.dma_semaphore, #tpu.memory_space<semaphore_mem>>) src(%dma_wait3A_203 : memref<10240x128xf32, #tpu.memory_space<hbm>>) dst(%arg9 : memref<128x128xf32, #tpu.memory_space<vmem>>)
    %dma_start3A_204 = arith.constant 6 : i32
    %dma_start3A_205 = arith.constant 0 : i32
    %dma_start3A_206 = tpu.memref_slice %arg8[%dma_start3A_204, %dma_start3A_205] : memref<40x128xi32, #tpu.memory_space<vmem>> -> memref<1x128xi32, #tpu.memory_space<vmem>>
    %dma_start3A_207 = tpu.memref_squeeze %dma_start3A_206 : memref<1x128xi32, #tpu.memory_space<vmem>> -> memref<128xi32, #tpu.memory_space<vmem>>
    %dma_start3A_208 = arith.constant 0 : i32
    %dma_start3A_209 = arith.constant 0 : i32
    %dma_start3A_210 = tpu.memref_slice %arg6[%dma_start3A_208, %dma_start3A_209] : memref<10240x128xf32, #tpu.memory_space<vmem_shared>> -> memref<10240x128xf32, #tpu.memory_space<vmem_shared>>
    tpu.enqueue_indirect_dma source(%arg9 : memref<128x128xf32, #tpu.memory_space<vmem>>) target(%dma_start3A_210 : memref<10240x128xf32, #tpu.memory_space<vmem_shared>>) offsets(%dma_start3A_207 : memref<128xi32, #tpu.memory_space<vmem>>) semaphore(%arg12 : memref<!tpu.dma_semaphore, #tpu.memory_space<semaphore_mem>>) {add = true}
    %dma_wait3A_211 = arith.constant 7 : i32
    %dma_wait3A_212 = arith.constant 0 : i32
    %dma_wait3A_213 = tpu.memref_slice %arg7[%dma_wait3A_211, %dma_wait3A_212] : memref<40x128xi32, #tpu.memory_space<vmem>> -> memref<1x128xi32, #tpu.memory_space<vmem>>
    %dma_wait3A_214 = tpu.memref_squeeze %dma_wait3A_213 : memref<1x128xi32, #tpu.memory_space<vmem>> -> memref<128xi32, #tpu.memory_space<vmem>>
    %dma_wait3A_215 = arith.constant 0 : i32
    %dma_wait3A_216 = arith.constant 0 : i32
    %dma_wait3A_217 = tpu.memref_slice %arg3[%dma_wait3A_215, %dma_wait3A_216] : memref<10240x128xf32, #tpu.memory_space<hbm>> -> memref<10240x128xf32, #tpu.memory_space<hbm>>
    tpu.wait_indirect_dma semaphore(%arg11 : memref<!tpu.dma_semaphore, #tpu.memory_space<semaphore_mem>>) src(%dma_wait3A_217 : memref<10240x128xf32, #tpu.memory_space<hbm>>) dst(%arg10 : memref<128x128xf32, #tpu.memory_space<vmem>>)
    %dma_start3A_218 = arith.constant 7 : i32
    %dma_start3A_219 = arith.constant 0 : i32
    %dma_start3A_220 = tpu.memref_slice %arg8[%dma_start3A_218, %dma_start3A_219] : memref<40x128xi32, #tpu.memory_space<vmem>> -> memref<1x128xi32, #tpu.memory_space<vmem>>
    %dma_start3A_221 = tpu.memref_squeeze %dma_start3A_220 : memref<1x128xi32, #tpu.memory_space<vmem>> -> memref<128xi32, #tpu.memory_space<vmem>>
    %dma_start3A_222 = arith.constant 0 : i32
    %dma_start3A_223 = arith.constant 0 : i32
    %dma_start3A_224 = tpu.memref_slice %arg6[%dma_start3A_222, %dma_start3A_223] : memref<10240x128xf32, #tpu.memory_space<vmem_shared>> -> memref<10240x128xf32, #tpu.memory_space<vmem_shared>>
    tpu.enqueue_indirect_dma source(%arg10 : memref<128x128xf32, #tpu.memory_space<vmem>>) target(%dma_start3A_224 : memref<10240x128xf32, #tpu.memory_space<vmem_shared>>) offsets(%dma_start3A_221 : memref<128xi32, #tpu.memory_space<vmem>>) semaphore(%arg12 : memref<!tpu.dma_semaphore, #tpu.memory_space<semaphore_mem>>) {add = true}
    %dma_wait3A_225 = arith.constant 6 : i32
    %dma_wait3A_226 = arith.constant 0 : i32
    %dma_wait3A_227 = tpu.memref_slice %arg8[%dma_wait3A_225, %dma_wait3A_226] : memref<40x128xi32, #tpu.memory_space<vmem>> -> memref<1x128xi32, #tpu.memory_space<vmem>>
    %dma_wait3A_228 = tpu.memref_squeeze %dma_wait3A_227 : memref<1x128xi32, #tpu.memory_space<vmem>> -> memref<128xi32, #tpu.memory_space<vmem>>
    %dma_wait3A_229 = arith.constant 0 : i32
    %dma_wait3A_230 = arith.constant 0 : i32
    %dma_wait3A_231 = tpu.memref_slice %arg6[%dma_wait3A_229, %dma_wait3A_230] : memref<10240x128xf32, #tpu.memory_space<vmem_shared>> -> memref<10240x128xf32, #tpu.memory_space<vmem_shared>>
    tpu.wait_indirect_dma semaphore(%arg12 : memref<!tpu.dma_semaphore, #tpu.memory_space<semaphore_mem>>) src(%arg9 : memref<128x128xf32, #tpu.memory_space<vmem>>) dst(%dma_wait3A_231 : memref<10240x128xf32, #tpu.memory_space<vmem_shared>>)
    %dma_start3A_232 = arith.constant 8 : i32
    %dma_start3A_233 = arith.constant 0 : i32
    %dma_start3A_234 = tpu.memref_slice %arg7[%dma_start3A_232, %dma_start3A_233] : memref<40x128xi32, #tpu.memory_space<vmem>> -> memref<1x128xi32, #tpu.memory_space<vmem>>
    %dma_start3A_235 = tpu.memref_squeeze %dma_start3A_234 : memref<1x128xi32, #tpu.memory_space<vmem>> -> memref<128xi32, #tpu.memory_space<vmem>>
    %dma_start3A_236 = arith.constant 0 : i32
    %dma_start3A_237 = arith.constant 0 : i32
    %dma_start3A_238 = tpu.memref_slice %arg3[%dma_start3A_236, %dma_start3A_237] : memref<10240x128xf32, #tpu.memory_space<hbm>> -> memref<10240x128xf32, #tpu.memory_space<hbm>>
    tpu.enqueue_indirect_dma source(%dma_start3A_238 : memref<10240x128xf32, #tpu.memory_space<hbm>>) target(%arg9 : memref<128x128xf32, #tpu.memory_space<vmem>>) offsets(%dma_start3A_235 : memref<128xi32, #tpu.memory_space<vmem>>) semaphore(%arg11 : memref<!tpu.dma_semaphore, #tpu.memory_space<semaphore_mem>>)
    %dma_wait3A_239 = arith.constant 7 : i32
    %dma_wait3A_240 = arith.constant 0 : i32
    %dma_wait3A_241 = tpu.memref_slice %arg8[%dma_wait3A_239, %dma_wait3A_240] : memref<40x128xi32, #tpu.memory_space<vmem>> -> memref<1x128xi32, #tpu.memory_space<vmem>>
    %dma_wait3A_242 = tpu.memref_squeeze %dma_wait3A_241 : memref<1x128xi32, #tpu.memory_space<vmem>> -> memref<128xi32, #tpu.memory_space<vmem>>
    %dma_wait3A_243 = arith.constant 0 : i32
    %dma_wait3A_244 = arith.constant 0 : i32
    %dma_wait3A_245 = tpu.memref_slice %arg6[%dma_wait3A_243, %dma_wait3A_244] : memref<10240x128xf32, #tpu.memory_space<vmem_shared>> -> memref<10240x128xf32, #tpu.memory_space<vmem_shared>>
    tpu.wait_indirect_dma semaphore(%arg12 : memref<!tpu.dma_semaphore, #tpu.memory_space<semaphore_mem>>) src(%arg10 : memref<128x128xf32, #tpu.memory_space<vmem>>) dst(%dma_wait3A_245 : memref<10240x128xf32, #tpu.memory_space<vmem_shared>>)
    %dma_start3A_246 = arith.constant 9 : i32
    %dma_start3A_247 = arith.constant 0 : i32
    %dma_start3A_248 = tpu.memref_slice %arg7[%dma_start3A_246, %dma_start3A_247] : memref<40x128xi32, #tpu.memory_space<vmem>> -> memref<1x128xi32, #tpu.memory_space<vmem>>
    %dma_start3A_249 = tpu.memref_squeeze %dma_start3A_248 : memref<1x128xi32, #tpu.memory_space<vmem>> -> memref<128xi32, #tpu.memory_space<vmem>>
    %dma_start3A_250 = arith.constant 0 : i32
    %dma_start3A_251 = arith.constant 0 : i32
    %dma_start3A_252 = tpu.memref_slice %arg3[%dma_start3A_250, %dma_start3A_251] : memref<10240x128xf32, #tpu.memory_space<hbm>> -> memref<10240x128xf32, #tpu.memory_space<hbm>>
    tpu.enqueue_indirect_dma source(%dma_start3A_252 : memref<10240x128xf32, #tpu.memory_space<hbm>>) target(%arg10 : memref<128x128xf32, #tpu.memory_space<vmem>>) offsets(%dma_start3A_249 : memref<128xi32, #tpu.memory_space<vmem>>) semaphore(%arg11 : memref<!tpu.dma_semaphore, #tpu.memory_space<semaphore_mem>>)
    %dma_wait3A_253 = arith.constant 8 : i32
    %dma_wait3A_254 = arith.constant 0 : i32
    %dma_wait3A_255 = tpu.memref_slice %arg7[%dma_wait3A_253, %dma_wait3A_254] : memref<40x128xi32, #tpu.memory_space<vmem>> -> memref<1x128xi32, #tpu.memory_space<vmem>>
    %dma_wait3A_256 = tpu.memref_squeeze %dma_wait3A_255 : memref<1x128xi32, #tpu.memory_space<vmem>> -> memref<128xi32, #tpu.memory_space<vmem>>
    %dma_wait3A_257 = arith.constant 0 : i32
    %dma_wait3A_258 = arith.constant 0 : i32
    %dma_wait3A_259 = tpu.memref_slice %arg3[%dma_wait3A_257, %dma_wait3A_258] : memref<10240x128xf32, #tpu.memory_space<hbm>> -> memref<10240x128xf32, #tpu.memory_space<hbm>>
    tpu.wait_indirect_dma semaphore(%arg11 : memref<!tpu.dma_semaphore, #tpu.memory_space<semaphore_mem>>) src(%dma_wait3A_259 : memref<10240x128xf32, #tpu.memory_space<hbm>>) dst(%arg9 : memref<128x128xf32, #tpu.memory_space<vmem>>)
    %dma_start3A_260 = arith.constant 8 : i32
    %dma_start3A_261 = arith.constant 0 : i32
    %dma_start3A_262 = tpu.memref_slice %arg8[%dma_start3A_260, %dma_start3A_261] : memref<40x128xi32, #tpu.memory_space<vmem>> -> memref<1x128xi32, #tpu.memory_space<vmem>>
    %dma_start3A_263 = tpu.memref_squeeze %dma_start3A_262 : memref<1x128xi32, #tpu.memory_space<vmem>> -> memref<128xi32, #tpu.memory_space<vmem>>
    %dma_start3A_264 = arith.constant 0 : i32
    %dma_start3A_265 = arith.constant 0 : i32
    %dma_start3A_266 = tpu.memref_slice %arg6[%dma_start3A_264, %dma_start3A_265] : memref<10240x128xf32, #tpu.memory_space<vmem_shared>> -> memref<10240x128xf32, #tpu.memory_space<vmem_shared>>
    tpu.enqueue_indirect_dma source(%arg9 : memref<128x128xf32, #tpu.memory_space<vmem>>) target(%dma_start3A_266 : memref<10240x128xf32, #tpu.memory_space<vmem_shared>>) offsets(%dma_start3A_263 : memref<128xi32, #tpu.memory_space<vmem>>) semaphore(%arg12 : memref<!tpu.dma_semaphore, #tpu.memory_space<semaphore_mem>>) {add = true}
    %dma_wait3A_267 = arith.constant 9 : i32
    %dma_wait3A_268 = arith.constant 0 : i32
    %dma_wait3A_269 = tpu.memref_slice %arg7[%dma_wait3A_267, %dma_wait3A_268] : memref<40x128xi32, #tpu.memory_space<vmem>> -> memref<1x128xi32, #tpu.memory_space<vmem>>
    %dma_wait3A_270 = tpu.memref_squeeze %dma_wait3A_269 : memref<1x128xi32, #tpu.memory_space<vmem>> -> memref<128xi32, #tpu.memory_space<vmem>>
    %dma_wait3A_271 = arith.constant 0 : i32
    %dma_wait3A_272 = arith.constant 0 : i32
    %dma_wait3A_273 = tpu.memref_slice %arg3[%dma_wait3A_271, %dma_wait3A_272] : memref<10240x128xf32, #tpu.memory_space<hbm>> -> memref<10240x128xf32, #tpu.memory_space<hbm>>
    tpu.wait_indirect_dma semaphore(%arg11 : memref<!tpu.dma_semaphore, #tpu.memory_space<semaphore_mem>>) src(%dma_wait3A_273 : memref<10240x128xf32, #tpu.memory_space<hbm>>) dst(%arg10 : memref<128x128xf32, #tpu.memory_space<vmem>>)
    %dma_start3A_274 = arith.constant 9 : i32
    %dma_start3A_275 = arith.constant 0 : i32
    %dma_start3A_276 = tpu.memref_slice %arg8[%dma_start3A_274, %dma_start3A_275] : memref<40x128xi32, #tpu.memory_space<vmem>> -> memref<1x128xi32, #tpu.memory_space<vmem>>
    %dma_start3A_277 = tpu.memref_squeeze %dma_start3A_276 : memref<1x128xi32, #tpu.memory_space<vmem>> -> memref<128xi32, #tpu.memory_space<vmem>>
    %dma_start3A_278 = arith.constant 0 : i32
    %dma_start3A_279 = arith.constant 0 : i32
    %dma_start3A_280 = tpu.memref_slice %arg6[%dma_start3A_278, %dma_start3A_279] : memref<10240x128xf32, #tpu.memory_space<vmem_shared>> -> memref<10240x128xf32, #tpu.memory_space<vmem_shared>>
    tpu.enqueue_indirect_dma source(%arg10 : memref<128x128xf32, #tpu.memory_space<vmem>>) target(%dma_start3A_280 : memref<10240x128xf32, #tpu.memory_space<vmem_shared>>) offsets(%dma_start3A_277 : memref<128xi32, #tpu.memory_space<vmem>>) semaphore(%arg12 : memref<!tpu.dma_semaphore, #tpu.memory_space<semaphore_mem>>) {add = true}
    %dma_wait3A_281 = arith.constant 8 : i32
    %dma_wait3A_282 = arith.constant 0 : i32
    %dma_wait3A_283 = tpu.memref_slice %arg8[%dma_wait3A_281, %dma_wait3A_282] : memref<40x128xi32, #tpu.memory_space<vmem>> -> memref<1x128xi32, #tpu.memory_space<vmem>>
    %dma_wait3A_284 = tpu.memref_squeeze %dma_wait3A_283 : memref<1x128xi32, #tpu.memory_space<vmem>> -> memref<128xi32, #tpu.memory_space<vmem>>
    %dma_wait3A_285 = arith.constant 0 : i32
    %dma_wait3A_286 = arith.constant 0 : i32
    %dma_wait3A_287 = tpu.memref_slice %arg6[%dma_wait3A_285, %dma_wait3A_286] : memref<10240x128xf32, #tpu.memory_space<vmem_shared>> -> memref<10240x128xf32, #tpu.memory_space<vmem_shared>>
    tpu.wait_indirect_dma semaphore(%arg12 : memref<!tpu.dma_semaphore, #tpu.memory_space<semaphore_mem>>) src(%arg9 : memref<128x128xf32, #tpu.memory_space<vmem>>) dst(%dma_wait3A_287 : memref<10240x128xf32, #tpu.memory_space<vmem_shared>>)
    %dma_start3A_288 = arith.constant 10 : i32
    %dma_start3A_289 = arith.constant 0 : i32
    %dma_start3A_290 = tpu.memref_slice %arg7[%dma_start3A_288, %dma_start3A_289] : memref<40x128xi32, #tpu.memory_space<vmem>> -> memref<1x128xi32, #tpu.memory_space<vmem>>
    %dma_start3A_291 = tpu.memref_squeeze %dma_start3A_290 : memref<1x128xi32, #tpu.memory_space<vmem>> -> memref<128xi32, #tpu.memory_space<vmem>>
    %dma_start3A_292 = arith.constant 0 : i32
    %dma_start3A_293 = arith.constant 0 : i32
    %dma_start3A_294 = tpu.memref_slice %arg3[%dma_start3A_292, %dma_start3A_293] : memref<10240x128xf32, #tpu.memory_space<hbm>> -> memref<10240x128xf32, #tpu.memory_space<hbm>>
    tpu.enqueue_indirect_dma source(%dma_start3A_294 : memref<10240x128xf32, #tpu.memory_space<hbm>>) target(%arg9 : memref<128x128xf32, #tpu.memory_space<vmem>>) offsets(%dma_start3A_291 : memref<128xi32, #tpu.memory_space<vmem>>) semaphore(%arg11 : memref<!tpu.dma_semaphore, #tpu.memory_space<semaphore_mem>>)
    %dma_wait3A_295 = arith.constant 9 : i32
    %dma_wait3A_296 = arith.constant 0 : i32
    %dma_wait3A_297 = tpu.memref_slice %arg8[%dma_wait3A_295, %dma_wait3A_296] : memref<40x128xi32, #tpu.memory_space<vmem>> -> memref<1x128xi32, #tpu.memory_space<vmem>>
    %dma_wait3A_298 = tpu.memref_squeeze %dma_wait3A_297 : memref<1x128xi32, #tpu.memory_space<vmem>> -> memref<128xi32, #tpu.memory_space<vmem>>
    %dma_wait3A_299 = arith.constant 0 : i32
    %dma_wait3A_300 = arith.constant 0 : i32
    %dma_wait3A_301 = tpu.memref_slice %arg6[%dma_wait3A_299, %dma_wait3A_300] : memref<10240x128xf32, #tpu.memory_space<vmem_shared>> -> memref<10240x128xf32, #tpu.memory_space<vmem_shared>>
    tpu.wait_indirect_dma semaphore(%arg12 : memref<!tpu.dma_semaphore, #tpu.memory_space<semaphore_mem>>) src(%arg10 : memref<128x128xf32, #tpu.memory_space<vmem>>) dst(%dma_wait3A_301 : memref<10240x128xf32, #tpu.memory_space<vmem_shared>>)
    %dma_start3A_302 = arith.constant 11 : i32
    %dma_start3A_303 = arith.constant 0 : i32
    %dma_start3A_304 = tpu.memref_slice %arg7[%dma_start3A_302, %dma_start3A_303] : memref<40x128xi32, #tpu.memory_space<vmem>> -> memref<1x128xi32, #tpu.memory_space<vmem>>
    %dma_start3A_305 = tpu.memref_squeeze %dma_start3A_304 : memref<1x128xi32, #tpu.memory_space<vmem>> -> memref<128xi32, #tpu.memory_space<vmem>>
    %dma_start3A_306 = arith.constant 0 : i32
    %dma_start3A_307 = arith.constant 0 : i32
    %dma_start3A_308 = tpu.memref_slice %arg3[%dma_start3A_306, %dma_start3A_307] : memref<10240x128xf32, #tpu.memory_space<hbm>> -> memref<10240x128xf32, #tpu.memory_space<hbm>>
    tpu.enqueue_indirect_dma source(%dma_start3A_308 : memref<10240x128xf32, #tpu.memory_space<hbm>>) target(%arg10 : memref<128x128xf32, #tpu.memory_space<vmem>>) offsets(%dma_start3A_305 : memref<128xi32, #tpu.memory_space<vmem>>) semaphore(%arg11 : memref<!tpu.dma_semaphore, #tpu.memory_space<semaphore_mem>>)
    %dma_wait3A_309 = arith.constant 10 : i32
    %dma_wait3A_310 = arith.constant 0 : i32
    %dma_wait3A_311 = tpu.memref_slice %arg7[%dma_wait3A_309, %dma_wait3A_310] : memref<40x128xi32, #tpu.memory_space<vmem>> -> memref<1x128xi32, #tpu.memory_space<vmem>>
    %dma_wait3A_312 = tpu.memref_squeeze %dma_wait3A_311 : memref<1x128xi32, #tpu.memory_space<vmem>> -> memref<128xi32, #tpu.memory_space<vmem>>
    %dma_wait3A_313 = arith.constant 0 : i32
    %dma_wait3A_314 = arith.constant 0 : i32
    %dma_wait3A_315 = tpu.memref_slice %arg3[%dma_wait3A_313, %dma_wait3A_314] : memref<10240x128xf32, #tpu.memory_space<hbm>> -> memref<10240x128xf32, #tpu.memory_space<hbm>>
    tpu.wait_indirect_dma semaphore(%arg11 : memref<!tpu.dma_semaphore, #tpu.memory_space<semaphore_mem>>) src(%dma_wait3A_315 : memref<10240x128xf32, #tpu.memory_space<hbm>>) dst(%arg9 : memref<128x128xf32, #tpu.memory_space<vmem>>)
    %dma_start3A_316 = arith.constant 10 : i32
    %dma_start3A_317 = arith.constant 0 : i32
    %dma_start3A_318 = tpu.memref_slice %arg8[%dma_start3A_316, %dma_start3A_317] : memref<40x128xi32, #tpu.memory_space<vmem>> -> memref<1x128xi32, #tpu.memory_space<vmem>>
    %dma_start3A_319 = tpu.memref_squeeze %dma_start3A_318 : memref<1x128xi32, #tpu.memory_space<vmem>> -> memref<128xi32, #tpu.memory_space<vmem>>
    %dma_start3A_320 = arith.constant 0 : i32
    %dma_start3A_321 = arith.constant 0 : i32
    %dma_start3A_322 = tpu.memref_slice %arg6[%dma_start3A_320, %dma_start3A_321] : memref<10240x128xf32, #tpu.memory_space<vmem_shared>> -> memref<10240x128xf32, #tpu.memory_space<vmem_shared>>
    tpu.enqueue_indirect_dma source(%arg9 : memref<128x128xf32, #tpu.memory_space<vmem>>) target(%dma_start3A_322 : memref<10240x128xf32, #tpu.memory_space<vmem_shared>>) offsets(%dma_start3A_319 : memref<128xi32, #tpu.memory_space<vmem>>) semaphore(%arg12 : memref<!tpu.dma_semaphore, #tpu.memory_space<semaphore_mem>>) {add = true}
    %dma_wait3A_323 = arith.constant 11 : i32
    %dma_wait3A_324 = arith.constant 0 : i32
    %dma_wait3A_325 = tpu.memref_slice %arg7[%dma_wait3A_323, %dma_wait3A_324] : memref<40x128xi32, #tpu.memory_space<vmem>> -> memref<1x128xi32, #tpu.memory_space<vmem>>
    %dma_wait3A_326 = tpu.memref_squeeze %dma_wait3A_325 : memref<1x128xi32, #tpu.memory_space<vmem>> -> memref<128xi32, #tpu.memory_space<vmem>>
    %dma_wait3A_327 = arith.constant 0 : i32
    %dma_wait3A_328 = arith.constant 0 : i32
    %dma_wait3A_329 = tpu.memref_slice %arg3[%dma_wait3A_327, %dma_wait3A_328] : memref<10240x128xf32, #tpu.memory_space<hbm>> -> memref<10240x128xf32, #tpu.memory_space<hbm>>
    tpu.wait_indirect_dma semaphore(%arg11 : memref<!tpu.dma_semaphore, #tpu.memory_space<semaphore_mem>>) src(%dma_wait3A_329 : memref<10240x128xf32, #tpu.memory_space<hbm>>) dst(%arg10 : memref<128x128xf32, #tpu.memory_space<vmem>>)
    %dma_start3A_330 = arith.constant 11 : i32
    %dma_start3A_331 = arith.constant 0 : i32
    %dma_start3A_332 = tpu.memref_slice %arg8[%dma_start3A_330, %dma_start3A_331] : memref<40x128xi32, #tpu.memory_space<vmem>> -> memref<1x128xi32, #tpu.memory_space<vmem>>
    %dma_start3A_333 = tpu.memref_squeeze %dma_start3A_332 : memref<1x128xi32, #tpu.memory_space<vmem>> -> memref<128xi32, #tpu.memory_space<vmem>>
    %dma_start3A_334 = arith.constant 0 : i32
    %dma_start3A_335 = arith.constant 0 : i32
    %dma_start3A_336 = tpu.memref_slice %arg6[%dma_start3A_334, %dma_start3A_335] : memref<10240x128xf32, #tpu.memory_space<vmem_shared>> -> memref<10240x128xf32, #tpu.memory_space<vmem_shared>>
    tpu.enqueue_indirect_dma source(%arg10 : memref<128x128xf32, #tpu.memory_space<vmem>>) target(%dma_start3A_336 : memref<10240x128xf32, #tpu.memory_space<vmem_shared>>) offsets(%dma_start3A_333 : memref<128xi32, #tpu.memory_space<vmem>>) semaphore(%arg12 : memref<!tpu.dma_semaphore, #tpu.memory_space<semaphore_mem>>) {add = true}
    %dma_wait3A_337 = arith.constant 10 : i32
    %dma_wait3A_338 = arith.constant 0 : i32
    %dma_wait3A_339 = tpu.memref_slice %arg8[%dma_wait3A_337, %dma_wait3A_338] : memref<40x128xi32, #tpu.memory_space<vmem>> -> memref<1x128xi32, #tpu.memory_space<vmem>>
    %dma_wait3A_340 = tpu.memref_squeeze %dma_wait3A_339 : memref<1x128xi32, #tpu.memory_space<vmem>> -> memref<128xi32, #tpu.memory_space<vmem>>
    %dma_wait3A_341 = arith.constant 0 : i32
    %dma_wait3A_342 = arith.constant 0 : i32
    %dma_wait3A_343 = tpu.memref_slice %arg6[%dma_wait3A_341, %dma_wait3A_342] : memref<10240x128xf32, #tpu.memory_space<vmem_shared>> -> memref<10240x128xf32, #tpu.memory_space<vmem_shared>>
    tpu.wait_indirect_dma semaphore(%arg12 : memref<!tpu.dma_semaphore, #tpu.memory_space<semaphore_mem>>) src(%arg9 : memref<128x128xf32, #tpu.memory_space<vmem>>) dst(%dma_wait3A_343 : memref<10240x128xf32, #tpu.memory_space<vmem_shared>>)
    %dma_start3A_344 = arith.constant 12 : i32
    %dma_start3A_345 = arith.constant 0 : i32
    %dma_start3A_346 = tpu.memref_slice %arg7[%dma_start3A_344, %dma_start3A_345] : memref<40x128xi32, #tpu.memory_space<vmem>> -> memref<1x128xi32, #tpu.memory_space<vmem>>
    %dma_start3A_347 = tpu.memref_squeeze %dma_start3A_346 : memref<1x128xi32, #tpu.memory_space<vmem>> -> memref<128xi32, #tpu.memory_space<vmem>>
    %dma_start3A_348 = arith.constant 0 : i32
    %dma_start3A_349 = arith.constant 0 : i32
    %dma_start3A_350 = tpu.memref_slice %arg3[%dma_start3A_348, %dma_start3A_349] : memref<10240x128xf32, #tpu.memory_space<hbm>> -> memref<10240x128xf32, #tpu.memory_space<hbm>>
    tpu.enqueue_indirect_dma source(%dma_start3A_350 : memref<10240x128xf32, #tpu.memory_space<hbm>>) target(%arg9 : memref<128x128xf32, #tpu.memory_space<vmem>>) offsets(%dma_start3A_347 : memref<128xi32, #tpu.memory_space<vmem>>) semaphore(%arg11 : memref<!tpu.dma_semaphore, #tpu.memory_space<semaphore_mem>>)
    %dma_wait3A_351 = arith.constant 11 : i32
    %dma_wait3A_352 = arith.constant 0 : i32
    %dma_wait3A_353 = tpu.memref_slice %arg8[%dma_wait3A_351, %dma_wait3A_352] : memref<40x128xi32, #tpu.memory_space<vmem>> -> memref<1x128xi32, #tpu.memory_space<vmem>>
    %dma_wait3A_354 = tpu.memref_squeeze %dma_wait3A_353 : memref<1x128xi32, #tpu.memory_space<vmem>> -> memref<128xi32, #tpu.memory_space<vmem>>
    %dma_wait3A_355 = arith.constant 0 : i32
    %dma_wait3A_356 = arith.constant 0 : i32
    %dma_wait3A_357 = tpu.memref_slice %arg6[%dma_wait3A_355, %dma_wait3A_356] : memref<10240x128xf32, #tpu.memory_space<vmem_shared>> -> memref<10240x128xf32, #tpu.memory_space<vmem_shared>>
    tpu.wait_indirect_dma semaphore(%arg12 : memref<!tpu.dma_semaphore, #tpu.memory_space<semaphore_mem>>) src(%arg10 : memref<128x128xf32, #tpu.memory_space<vmem>>) dst(%dma_wait3A_357 : memref<10240x128xf32, #tpu.memory_space<vmem_shared>>)
    %dma_start3A_358 = arith.constant 13 : i32
    %dma_start3A_359 = arith.constant 0 : i32
    %dma_start3A_360 = tpu.memref_slice %arg7[%dma_start3A_358, %dma_start3A_359] : memref<40x128xi32, #tpu.memory_space<vmem>> -> memref<1x128xi32, #tpu.memory_space<vmem>>
    %dma_start3A_361 = tpu.memref_squeeze %dma_start3A_360 : memref<1x128xi32, #tpu.memory_space<vmem>> -> memref<128xi32, #tpu.memory_space<vmem>>
    %dma_start3A_362 = arith.constant 0 : i32
    %dma_start3A_363 = arith.constant 0 : i32
    %dma_start3A_364 = tpu.memref_slice %arg3[%dma_start3A_362, %dma_start3A_363] : memref<10240x128xf32, #tpu.memory_space<hbm>> -> memref<10240x128xf32, #tpu.memory_space<hbm>>
    tpu.enqueue_indirect_dma source(%dma_start3A_364 : memref<10240x128xf32, #tpu.memory_space<hbm>>) target(%arg10 : memref<128x128xf32, #tpu.memory_space<vmem>>) offsets(%dma_start3A_361 : memref<128xi32, #tpu.memory_space<vmem>>) semaphore(%arg11 : memref<!tpu.dma_semaphore, #tpu.memory_space<semaphore_mem>>)
    %dma_wait3A_365 = arith.constant 12 : i32
    %dma_wait3A_366 = arith.constant 0 : i32
    %dma_wait3A_367 = tpu.memref_slice %arg7[%dma_wait3A_365, %dma_wait3A_366] : memref<40x128xi32, #tpu.memory_space<vmem>> -> memref<1x128xi32, #tpu.memory_space<vmem>>
    %dma_wait3A_368 = tpu.memref_squeeze %dma_wait3A_367 : memref<1x128xi32, #tpu.memory_space<vmem>> -> memref<128xi32, #tpu.memory_space<vmem>>
    %dma_wait3A_369 = arith.constant 0 : i32
    %dma_wait3A_370 = arith.constant 0 : i32
    %dma_wait3A_371 = tpu.memref_slice %arg3[%dma_wait3A_369, %dma_wait3A_370] : memref<10240x128xf32, #tpu.memory_space<hbm>> -> memref<10240x128xf32, #tpu.memory_space<hbm>>
    tpu.wait_indirect_dma semaphore(%arg11 : memref<!tpu.dma_semaphore, #tpu.memory_space<semaphore_mem>>) src(%dma_wait3A_371 : memref<10240x128xf32, #tpu.memory_space<hbm>>) dst(%arg9 : memref<128x128xf32, #tpu.memory_space<vmem>>)
    %dma_start3A_372 = arith.constant 12 : i32
    %dma_start3A_373 = arith.constant 0 : i32
    %dma_start3A_374 = tpu.memref_slice %arg8[%dma_start3A_372, %dma_start3A_373] : memref<40x128xi32, #tpu.memory_space<vmem>> -> memref<1x128xi32, #tpu.memory_space<vmem>>
    %dma_start3A_375 = tpu.memref_squeeze %dma_start3A_374 : memref<1x128xi32, #tpu.memory_space<vmem>> -> memref<128xi32, #tpu.memory_space<vmem>>
    %dma_start3A_376 = arith.constant 0 : i32
    %dma_start3A_377 = arith.constant 0 : i32
    %dma_start3A_378 = tpu.memref_slice %arg6[%dma_start3A_376, %dma_start3A_377] : memref<10240x128xf32, #tpu.memory_space<vmem_shared>> -> memref<10240x128xf32, #tpu.memory_space<vmem_shared>>
    tpu.enqueue_indirect_dma source(%arg9 : memref<128x128xf32, #tpu.memory_space<vmem>>) target(%dma_start3A_378 : memref<10240x128xf32, #tpu.memory_space<vmem_shared>>) offsets(%dma_start3A_375 : memref<128xi32, #tpu.memory_space<vmem>>) semaphore(%arg12 : memref<!tpu.dma_semaphore, #tpu.memory_space<semaphore_mem>>) {add = true}
    %dma_wait3A_379 = arith.constant 13 : i32
    %dma_wait3A_380 = arith.constant 0 : i32
    %dma_wait3A_381 = tpu.memref_slice %arg7[%dma_wait3A_379, %dma_wait3A_380] : memref<40x128xi32, #tpu.memory_space<vmem>> -> memref<1x128xi32, #tpu.memory_space<vmem>>
    %dma_wait3A_382 = tpu.memref_squeeze %dma_wait3A_381 : memref<1x128xi32, #tpu.memory_space<vmem>> -> memref<128xi32, #tpu.memory_space<vmem>>
    %dma_wait3A_383 = arith.constant 0 : i32
    %dma_wait3A_384 = arith.constant 0 : i32
    %dma_wait3A_385 = tpu.memref_slice %arg3[%dma_wait3A_383, %dma_wait3A_384] : memref<10240x128xf32, #tpu.memory_space<hbm>> -> memref<10240x128xf32, #tpu.memory_space<hbm>>
    tpu.wait_indirect_dma semaphore(%arg11 : memref<!tpu.dma_semaphore, #tpu.memory_space<semaphore_mem>>) src(%dma_wait3A_385 : memref<10240x128xf32, #tpu.memory_space<hbm>>) dst(%arg10 : memref<128x128xf32, #tpu.memory_space<vmem>>)
    %dma_start3A_386 = arith.constant 13 : i32
    %dma_start3A_387 = arith.constant 0 : i32
    %dma_start3A_388 = tpu.memref_slice %arg8[%dma_start3A_386, %dma_start3A_387] : memref<40x128xi32, #tpu.memory_space<vmem>> -> memref<1x128xi32, #tpu.memory_space<vmem>>
    %dma_start3A_389 = tpu.memref_squeeze %dma_start3A_388 : memref<1x128xi32, #tpu.memory_space<vmem>> -> memref<128xi32, #tpu.memory_space<vmem>>
    %dma_start3A_390 = arith.constant 0 : i32
    %dma_start3A_391 = arith.constant 0 : i32
    %dma_start3A_392 = tpu.memref_slice %arg6[%dma_start3A_390, %dma_start3A_391] : memref<10240x128xf32, #tpu.memory_space<vmem_shared>> -> memref<10240x128xf32, #tpu.memory_space<vmem_shared>>
    tpu.enqueue_indirect_dma source(%arg10 : memref<128x128xf32, #tpu.memory_space<vmem>>) target(%dma_start3A_392 : memref<10240x128xf32, #tpu.memory_space<vmem_shared>>) offsets(%dma_start3A_389 : memref<128xi32, #tpu.memory_space<vmem>>) semaphore(%arg12 : memref<!tpu.dma_semaphore, #tpu.memory_space<semaphore_mem>>) {add = true}
    %dma_wait3A_393 = arith.constant 12 : i32
    %dma_wait3A_394 = arith.constant 0 : i32
    %dma_wait3A_395 = tpu.memref_slice %arg8[%dma_wait3A_393, %dma_wait3A_394] : memref<40x128xi32, #tpu.memory_space<vmem>> -> memref<1x128xi32, #tpu.memory_space<vmem>>
    %dma_wait3A_396 = tpu.memref_squeeze %dma_wait3A_395 : memref<1x128xi32, #tpu.memory_space<vmem>> -> memref<128xi32, #tpu.memory_space<vmem>>
    %dma_wait3A_397 = arith.constant 0 : i32
    %dma_wait3A_398 = arith.constant 0 : i32
    %dma_wait3A_399 = tpu.memref_slice %arg6[%dma_wait3A_397, %dma_wait3A_398] : memref<10240x128xf32, #tpu.memory_space<vmem_shared>> -> memref<10240x128xf32, #tpu.memory_space<vmem_shared>>
    tpu.wait_indirect_dma semaphore(%arg12 : memref<!tpu.dma_semaphore, #tpu.memory_space<semaphore_mem>>) src(%arg9 : memref<128x128xf32, #tpu.memory_space<vmem>>) dst(%dma_wait3A_399 : memref<10240x128xf32, #tpu.memory_space<vmem_shared>>)
    %dma_start3A_400 = arith.constant 14 : i32
    %dma_start3A_401 = arith.constant 0 : i32
    %dma_start3A_402 = tpu.memref_slice %arg7[%dma_start3A_400, %dma_start3A_401] : memref<40x128xi32, #tpu.memory_space<vmem>> -> memref<1x128xi32, #tpu.memory_space<vmem>>
    %dma_start3A_403 = tpu.memref_squeeze %dma_start3A_402 : memref<1x128xi32, #tpu.memory_space<vmem>> -> memref<128xi32, #tpu.memory_space<vmem>>
    %dma_start3A_404 = arith.constant 0 : i32
    %dma_start3A_405 = arith.constant 0 : i32
    %dma_start3A_406 = tpu.memref_slice %arg3[%dma_start3A_404, %dma_start3A_405] : memref<10240x128xf32, #tpu.memory_space<hbm>> -> memref<10240x128xf32, #tpu.memory_space<hbm>>
    tpu.enqueue_indirect_dma source(%dma_start3A_406 : memref<10240x128xf32, #tpu.memory_space<hbm>>) target(%arg9 : memref<128x128xf32, #tpu.memory_space<vmem>>) offsets(%dma_start3A_403 : memref<128xi32, #tpu.memory_space<vmem>>) semaphore(%arg11 : memref<!tpu.dma_semaphore, #tpu.memory_space<semaphore_mem>>)
    %dma_wait3A_407 = arith.constant 13 : i32
    %dma_wait3A_408 = arith.constant 0 : i32
    %dma_wait3A_409 = tpu.memref_slice %arg8[%dma_wait3A_407, %dma_wait3A_408] : memref<40x128xi32, #tpu.memory_space<vmem>> -> memref<1x128xi32, #tpu.memory_space<vmem>>
    %dma_wait3A_410 = tpu.memref_squeeze %dma_wait3A_409 : memref<1x128xi32, #tpu.memory_space<vmem>> -> memref<128xi32, #tpu.memory_space<vmem>>
    %dma_wait3A_411 = arith.constant 0 : i32
    %dma_wait3A_412 = arith.constant 0 : i32
    %dma_wait3A_413 = tpu.memref_slice %arg6[%dma_wait3A_411, %dma_wait3A_412] : memref<10240x128xf32, #tpu.memory_space<vmem_shared>> -> memref<10240x128xf32, #tpu.memory_space<vmem_shared>>
    tpu.wait_indirect_dma semaphore(%arg12 : memref<!tpu.dma_semaphore, #tpu.memory_space<semaphore_mem>>) src(%arg10 : memref<128x128xf32, #tpu.memory_space<vmem>>) dst(%dma_wait3A_413 : memref<10240x128xf32, #tpu.memory_space<vmem_shared>>)
    %dma_start3A_414 = arith.constant 15 : i32
    %dma_start3A_415 = arith.constant 0 : i32
    %dma_start3A_416 = tpu.memref_slice %arg7[%dma_start3A_414, %dma_start3A_415] : memref<40x128xi32, #tpu.memory_space<vmem>> -> memref<1x128xi32, #tpu.memory_space<vmem>>
    %dma_start3A_417 = tpu.memref_squeeze %dma_start3A_416 : memref<1x128xi32, #tpu.memory_space<vmem>> -> memref<128xi32, #tpu.memory_space<vmem>>
    %dma_start3A_418 = arith.constant 0 : i32
    %dma_start3A_419 = arith.constant 0 : i32
    %dma_start3A_420 = tpu.memref_slice %arg3[%dma_start3A_418, %dma_start3A_419] : memref<10240x128xf32, #tpu.memory_space<hbm>> -> memref<10240x128xf32, #tpu.memory_space<hbm>>
    tpu.enqueue_indirect_dma source(%dma_start3A_420 : memref<10240x128xf32, #tpu.memory_space<hbm>>) target(%arg10 : memref<128x128xf32, #tpu.memory_space<vmem>>) offsets(%dma_start3A_417 : memref<128xi32, #tpu.memory_space<vmem>>) semaphore(%arg11 : memref<!tpu.dma_semaphore, #tpu.memory_space<semaphore_mem>>)
    %dma_wait3A_421 = arith.constant 14 : i32
    %dma_wait3A_422 = arith.constant 0 : i32
    %dma_wait3A_423 = tpu.memref_slice %arg7[%dma_wait3A_421, %dma_wait3A_422] : memref<40x128xi32, #tpu.memory_space<vmem>> -> memref<1x128xi32, #tpu.memory_space<vmem>>
    %dma_wait3A_424 = tpu.memref_squeeze %dma_wait3A_423 : memref<1x128xi32, #tpu.memory_space<vmem>> -> memref<128xi32, #tpu.memory_space<vmem>>
    %dma_wait3A_425 = arith.constant 0 : i32
    %dma_wait3A_426 = arith.constant 0 : i32
    %dma_wait3A_427 = tpu.memref_slice %arg3[%dma_wait3A_425, %dma_wait3A_426] : memref<10240x128xf32, #tpu.memory_space<hbm>> -> memref<10240x128xf32, #tpu.memory_space<hbm>>
    tpu.wait_indirect_dma semaphore(%arg11 : memref<!tpu.dma_semaphore, #tpu.memory_space<semaphore_mem>>) src(%dma_wait3A_427 : memref<10240x128xf32, #tpu.memory_space<hbm>>) dst(%arg9 : memref<128x128xf32, #tpu.memory_space<vmem>>)
    %dma_start3A_428 = arith.constant 14 : i32
    %dma_start3A_429 = arith.constant 0 : i32
    %dma_start3A_430 = tpu.memref_slice %arg8[%dma_start3A_428, %dma_start3A_429] : memref<40x128xi32, #tpu.memory_space<vmem>> -> memref<1x128xi32, #tpu.memory_space<vmem>>
    %dma_start3A_431 = tpu.memref_squeeze %dma_start3A_430 : memref<1x128xi32, #tpu.memory_space<vmem>> -> memref<128xi32, #tpu.memory_space<vmem>>
    %dma_start3A_432 = arith.constant 0 : i32
    %dma_start3A_433 = arith.constant 0 : i32
    %dma_start3A_434 = tpu.memref_slice %arg6[%dma_start3A_432, %dma_start3A_433] : memref<10240x128xf32, #tpu.memory_space<vmem_shared>> -> memref<10240x128xf32, #tpu.memory_space<vmem_shared>>
    tpu.enqueue_indirect_dma source(%arg9 : memref<128x128xf32, #tpu.memory_space<vmem>>) target(%dma_start3A_434 : memref<10240x128xf32, #tpu.memory_space<vmem_shared>>) offsets(%dma_start3A_431 : memref<128xi32, #tpu.memory_space<vmem>>) semaphore(%arg12 : memref<!tpu.dma_semaphore, #tpu.memory_space<semaphore_mem>>) {add = true}
    %dma_wait3A_435 = arith.constant 15 : i32
    %dma_wait3A_436 = arith.constant 0 : i32
    %dma_wait3A_437 = tpu.memref_slice %arg7[%dma_wait3A_435, %dma_wait3A_436] : memref<40x128xi32, #tpu.memory_space<vmem>> -> memref<1x128xi32, #tpu.memory_space<vmem>>
    %dma_wait3A_438 = tpu.memref_squeeze %dma_wait3A_437 : memref<1x128xi32, #tpu.memory_space<vmem>> -> memref<128xi32, #tpu.memory_space<vmem>>
    %dma_wait3A_439 = arith.constant 0 : i32
    %dma_wait3A_440 = arith.constant 0 : i32
    %dma_wait3A_441 = tpu.memref_slice %arg3[%dma_wait3A_439, %dma_wait3A_440] : memref<10240x128xf32, #tpu.memory_space<hbm>> -> memref<10240x128xf32, #tpu.memory_space<hbm>>
    tpu.wait_indirect_dma semaphore(%arg11 : memref<!tpu.dma_semaphore, #tpu.memory_space<semaphore_mem>>) src(%dma_wait3A_441 : memref<10240x128xf32, #tpu.memory_space<hbm>>) dst(%arg10 : memref<128x128xf32, #tpu.memory_space<vmem>>)
    %dma_start3A_442 = arith.constant 15 : i32
    %dma_start3A_443 = arith.constant 0 : i32
    %dma_start3A_444 = tpu.memref_slice %arg8[%dma_start3A_442, %dma_start3A_443] : memref<40x128xi32, #tpu.memory_space<vmem>> -> memref<1x128xi32, #tpu.memory_space<vmem>>
    %dma_start3A_445 = tpu.memref_squeeze %dma_start3A_444 : memref<1x128xi32, #tpu.memory_space<vmem>> -> memref<128xi32, #tpu.memory_space<vmem>>
    %dma_start3A_446 = arith.constant 0 : i32
    %dma_start3A_447 = arith.constant 0 : i32
    %dma_start3A_448 = tpu.memref_slice %arg6[%dma_start3A_446, %dma_start3A_447] : memref<10240x128xf32, #tpu.memory_space<vmem_shared>> -> memref<10240x128xf32, #tpu.memory_space<vmem_shared>>
    tpu.enqueue_indirect_dma source(%arg10 : memref<128x128xf32, #tpu.memory_space<vmem>>) target(%dma_start3A_448 : memref<10240x128xf32, #tpu.memory_space<vmem_shared>>) offsets(%dma_start3A_445 : memref<128xi32, #tpu.memory_space<vmem>>) semaphore(%arg12 : memref<!tpu.dma_semaphore, #tpu.memory_space<semaphore_mem>>) {add = true}
    %dma_wait3A_449 = arith.constant 14 : i32
    %dma_wait3A_450 = arith.constant 0 : i32
    %dma_wait3A_451 = tpu.memref_slice %arg8[%dma_wait3A_449, %dma_wait3A_450] : memref<40x128xi32, #tpu.memory_space<vmem>> -> memref<1x128xi32, #tpu.memory_space<vmem>>
    %dma_wait3A_452 = tpu.memref_squeeze %dma_wait3A_451 : memref<1x128xi32, #tpu.memory_space<vmem>> -> memref<128xi32, #tpu.memory_space<vmem>>
    %dma_wait3A_453 = arith.constant 0 : i32
    %dma_wait3A_454 = arith.constant 0 : i32
    %dma_wait3A_455 = tpu.memref_slice %arg6[%dma_wait3A_453, %dma_wait3A_454] : memref<10240x128xf32, #tpu.memory_space<vmem_shared>> -> memref<10240x128xf32, #tpu.memory_space<vmem_shared>>
    tpu.wait_indirect_dma semaphore(%arg12 : memref<!tpu.dma_semaphore, #tpu.memory_space<semaphore_mem>>) src(%arg9 : memref<128x128xf32, #tpu.memory_space<vmem>>) dst(%dma_wait3A_455 : memref<10240x128xf32, #tpu.memory_space<vmem_shared>>)
    %dma_start3A_456 = arith.constant 16 : i32
    %dma_start3A_457 = arith.constant 0 : i32
    %dma_start3A_458 = tpu.memref_slice %arg7[%dma_start3A_456, %dma_start3A_457] : memref<40x128xi32, #tpu.memory_space<vmem>> -> memref<1x128xi32, #tpu.memory_space<vmem>>
    %dma_start3A_459 = tpu.memref_squeeze %dma_start3A_458 : memref<1x128xi32, #tpu.memory_space<vmem>> -> memref<128xi32, #tpu.memory_space<vmem>>
    %dma_start3A_460 = arith.constant 0 : i32
    %dma_start3A_461 = arith.constant 0 : i32
    %dma_start3A_462 = tpu.memref_slice %arg3[%dma_start3A_460, %dma_start3A_461] : memref<10240x128xf32, #tpu.memory_space<hbm>> -> memref<10240x128xf32, #tpu.memory_space<hbm>>
    tpu.enqueue_indirect_dma source(%dma_start3A_462 : memref<10240x128xf32, #tpu.memory_space<hbm>>) target(%arg9 : memref<128x128xf32, #tpu.memory_space<vmem>>) offsets(%dma_start3A_459 : memref<128xi32, #tpu.memory_space<vmem>>) semaphore(%arg11 : memref<!tpu.dma_semaphore, #tpu.memory_space<semaphore_mem>>)
    %dma_wait3A_463 = arith.constant 15 : i32
    %dma_wait3A_464 = arith.constant 0 : i32
    %dma_wait3A_465 = tpu.memref_slice %arg8[%dma_wait3A_463, %dma_wait3A_464] : memref<40x128xi32, #tpu.memory_space<vmem>> -> memref<1x128xi32, #tpu.memory_space<vmem>>
    %dma_wait3A_466 = tpu.memref_squeeze %dma_wait3A_465 : memref<1x128xi32, #tpu.memory_space<vmem>> -> memref<128xi32, #tpu.memory_space<vmem>>
    %dma_wait3A_467 = arith.constant 0 : i32
    %dma_wait3A_468 = arith.constant 0 : i32
    %dma_wait3A_469 = tpu.memref_slice %arg6[%dma_wait3A_467, %dma_wait3A_468] : memref<10240x128xf32, #tpu.memory_space<vmem_shared>> -> memref<10240x128xf32, #tpu.memory_space<vmem_shared>>
    tpu.wait_indirect_dma semaphore(%arg12 : memref<!tpu.dma_semaphore, #tpu.memory_space<semaphore_mem>>) src(%arg10 : memref<128x128xf32, #tpu.memory_space<vmem>>) dst(%dma_wait3A_469 : memref<10240x128xf32, #tpu.memory_space<vmem_shared>>)
    %dma_start3A_470 = arith.constant 17 : i32
    %dma_start3A_471 = arith.constant 0 : i32
    %dma_start3A_472 = tpu.memref_slice %arg7[%dma_start3A_470, %dma_start3A_471] : memref<40x128xi32, #tpu.memory_space<vmem>> -> memref<1x128xi32, #tpu.memory_space<vmem>>
    %dma_start3A_473 = tpu.memref_squeeze %dma_start3A_472 : memref<1x128xi32, #tpu.memory_space<vmem>> -> memref<128xi32, #tpu.memory_space<vmem>>
    %dma_start3A_474 = arith.constant 0 : i32
    %dma_start3A_475 = arith.constant 0 : i32
    %dma_start3A_476 = tpu.memref_slice %arg3[%dma_start3A_474, %dma_start3A_475] : memref<10240x128xf32, #tpu.memory_space<hbm>> -> memref<10240x128xf32, #tpu.memory_space<hbm>>
    tpu.enqueue_indirect_dma source(%dma_start3A_476 : memref<10240x128xf32, #tpu.memory_space<hbm>>) target(%arg10 : memref<128x128xf32, #tpu.memory_space<vmem>>) offsets(%dma_start3A_473 : memref<128xi32, #tpu.memory_space<vmem>>) semaphore(%arg11 : memref<!tpu.dma_semaphore, #tpu.memory_space<semaphore_mem>>)
    %dma_wait3A_477 = arith.constant 16 : i32
    %dma_wait3A_478 = arith.constant 0 : i32
    %dma_wait3A_479 = tpu.memref_slice %arg7[%dma_wait3A_477, %dma_wait3A_478] : memref<40x128xi32, #tpu.memory_space<vmem>> -> memref<1x128xi32, #tpu.memory_space<vmem>>
    %dma_wait3A_480 = tpu.memref_squeeze %dma_wait3A_479 : memref<1x128xi32, #tpu.memory_space<vmem>> -> memref<128xi32, #tpu.memory_space<vmem>>
    %dma_wait3A_481 = arith.constant 0 : i32
    %dma_wait3A_482 = arith.constant 0 : i32
    %dma_wait3A_483 = tpu.memref_slice %arg3[%dma_wait3A_481, %dma_wait3A_482] : memref<10240x128xf32, #tpu.memory_space<hbm>> -> memref<10240x128xf32, #tpu.memory_space<hbm>>
    tpu.wait_indirect_dma semaphore(%arg11 : memref<!tpu.dma_semaphore, #tpu.memory_space<semaphore_mem>>) src(%dma_wait3A_483 : memref<10240x128xf32, #tpu.memory_space<hbm>>) dst(%arg9 : memref<128x128xf32, #tpu.memory_space<vmem>>)
    %dma_start3A_484 = arith.constant 16 : i32
    %dma_start3A_485 = arith.constant 0 : i32
    %dma_start3A_486 = tpu.memref_slice %arg8[%dma_start3A_484, %dma_start3A_485] : memref<40x128xi32, #tpu.memory_space<vmem>> -> memref<1x128xi32, #tpu.memory_space<vmem>>
    %dma_start3A_487 = tpu.memref_squeeze %dma_start3A_486 : memref<1x128xi32, #tpu.memory_space<vmem>> -> memref<128xi32, #tpu.memory_space<vmem>>
    %dma_start3A_488 = arith.constant 0 : i32
    %dma_start3A_489 = arith.constant 0 : i32
    %dma_start3A_490 = tpu.memref_slice %arg6[%dma_start3A_488, %dma_start3A_489] : memref<10240x128xf32, #tpu.memory_space<vmem_shared>> -> memref<10240x128xf32, #tpu.memory_space<vmem_shared>>
    tpu.enqueue_indirect_dma source(%arg9 : memref<128x128xf32, #tpu.memory_space<vmem>>) target(%dma_start3A_490 : memref<10240x128xf32, #tpu.memory_space<vmem_shared>>) offsets(%dma_start3A_487 : memref<128xi32, #tpu.memory_space<vmem>>) semaphore(%arg12 : memref<!tpu.dma_semaphore, #tpu.memory_space<semaphore_mem>>) {add = true}
    %dma_wait3A_491 = arith.constant 17 : i32
    %dma_wait3A_492 = arith.constant 0 : i32
    %dma_wait3A_493 = tpu.memref_slice %arg7[%dma_wait3A_491, %dma_wait3A_492] : memref<40x128xi32, #tpu.memory_space<vmem>> -> memref<1x128xi32, #tpu.memory_space<vmem>>
    %dma_wait3A_494 = tpu.memref_squeeze %dma_wait3A_493 : memref<1x128xi32, #tpu.memory_space<vmem>> -> memref<128xi32, #tpu.memory_space<vmem>>
    %dma_wait3A_495 = arith.constant 0 : i32
    %dma_wait3A_496 = arith.constant 0 : i32
    %dma_wait3A_497 = tpu.memref_slice %arg3[%dma_wait3A_495, %dma_wait3A_496] : memref<10240x128xf32, #tpu.memory_space<hbm>> -> memref<10240x128xf32, #tpu.memory_space<hbm>>
    tpu.wait_indirect_dma semaphore(%arg11 : memref<!tpu.dma_semaphore, #tpu.memory_space<semaphore_mem>>) src(%dma_wait3A_497 : memref<10240x128xf32, #tpu.memory_space<hbm>>) dst(%arg10 : memref<128x128xf32, #tpu.memory_space<vmem>>)
    %dma_start3A_498 = arith.constant 17 : i32
    %dma_start3A_499 = arith.constant 0 : i32
    %dma_start3A_500 = tpu.memref_slice %arg8[%dma_start3A_498, %dma_start3A_499] : memref<40x128xi32, #tpu.memory_space<vmem>> -> memref<1x128xi32, #tpu.memory_space<vmem>>
    %dma_start3A_501 = tpu.memref_squeeze %dma_start3A_500 : memref<1x128xi32, #tpu.memory_space<vmem>> -> memref<128xi32, #tpu.memory_space<vmem>>
    %dma_start3A_502 = arith.constant 0 : i32
    %dma_start3A_503 = arith.constant 0 : i32
    %dma_start3A_504 = tpu.memref_slice %arg6[%dma_start3A_502, %dma_start3A_503] : memref<10240x128xf32, #tpu.memory_space<vmem_shared>> -> memref<10240x128xf32, #tpu.memory_space<vmem_shared>>
    tpu.enqueue_indirect_dma source(%arg10 : memref<128x128xf32, #tpu.memory_space<vmem>>) target(%dma_start3A_504 : memref<10240x128xf32, #tpu.memory_space<vmem_shared>>) offsets(%dma_start3A_501 : memref<128xi32, #tpu.memory_space<vmem>>) semaphore(%arg12 : memref<!tpu.dma_semaphore, #tpu.memory_space<semaphore_mem>>) {add = true}
    %dma_wait3A_505 = arith.constant 16 : i32
    %dma_wait3A_506 = arith.constant 0 : i32
    %dma_wait3A_507 = tpu.memref_slice %arg8[%dma_wait3A_505, %dma_wait3A_506] : memref<40x128xi32, #tpu.memory_space<vmem>> -> memref<1x128xi32, #tpu.memory_space<vmem>>
    %dma_wait3A_508 = tpu.memref_squeeze %dma_wait3A_507 : memref<1x128xi32, #tpu.memory_space<vmem>> -> memref<128xi32, #tpu.memory_space<vmem>>
    %dma_wait3A_509 = arith.constant 0 : i32
    %dma_wait3A_510 = arith.constant 0 : i32
    %dma_wait3A_511 = tpu.memref_slice %arg6[%dma_wait3A_509, %dma_wait3A_510] : memref<10240x128xf32, #tpu.memory_space<vmem_shared>> -> memref<10240x128xf32, #tpu.memory_space<vmem_shared>>
    tpu.wait_indirect_dma semaphore(%arg12 : memref<!tpu.dma_semaphore, #tpu.memory_space<semaphore_mem>>) src(%arg9 : memref<128x128xf32, #tpu.memory_space<vmem>>) dst(%dma_wait3A_511 : memref<10240x128xf32, #tpu.memory_space<vmem_shared>>)
    %dma_start3A_512 = arith.constant 18 : i32
    %dma_start3A_513 = arith.constant 0 : i32
    %dma_start3A_514 = tpu.memref_slice %arg7[%dma_start3A_512, %dma_start3A_513] : memref<40x128xi32, #tpu.memory_space<vmem>> -> memref<1x128xi32, #tpu.memory_space<vmem>>
    %dma_start3A_515 = tpu.memref_squeeze %dma_start3A_514 : memref<1x128xi32, #tpu.memory_space<vmem>> -> memref<128xi32, #tpu.memory_space<vmem>>
    %dma_start3A_516 = arith.constant 0 : i32
    %dma_start3A_517 = arith.constant 0 : i32
    %dma_start3A_518 = tpu.memref_slice %arg3[%dma_start3A_516, %dma_start3A_517] : memref<10240x128xf32, #tpu.memory_space<hbm>> -> memref<10240x128xf32, #tpu.memory_space<hbm>>
    tpu.enqueue_indirect_dma source(%dma_start3A_518 : memref<10240x128xf32, #tpu.memory_space<hbm>>) target(%arg9 : memref<128x128xf32, #tpu.memory_space<vmem>>) offsets(%dma_start3A_515 : memref<128xi32, #tpu.memory_space<vmem>>) semaphore(%arg11 : memref<!tpu.dma_semaphore, #tpu.memory_space<semaphore_mem>>)
    %dma_wait3A_519 = arith.constant 17 : i32
    %dma_wait3A_520 = arith.constant 0 : i32
    %dma_wait3A_521 = tpu.memref_slice %arg8[%dma_wait3A_519, %dma_wait3A_520] : memref<40x128xi32, #tpu.memory_space<vmem>> -> memref<1x128xi32, #tpu.memory_space<vmem>>
    %dma_wait3A_522 = tpu.memref_squeeze %dma_wait3A_521 : memref<1x128xi32, #tpu.memory_space<vmem>> -> memref<128xi32, #tpu.memory_space<vmem>>
    %dma_wait3A_523 = arith.constant 0 : i32
    %dma_wait3A_524 = arith.constant 0 : i32
    %dma_wait3A_525 = tpu.memref_slice %arg6[%dma_wait3A_523, %dma_wait3A_524] : memref<10240x128xf32, #tpu.memory_space<vmem_shared>> -> memref<10240x128xf32, #tpu.memory_space<vmem_shared>>
    tpu.wait_indirect_dma semaphore(%arg12 : memref<!tpu.dma_semaphore, #tpu.memory_space<semaphore_mem>>) src(%arg10 : memref<128x128xf32, #tpu.memory_space<vmem>>) dst(%dma_wait3A_525 : memref<10240x128xf32, #tpu.memory_space<vmem_shared>>)
    %dma_start3A_526 = arith.constant 19 : i32
    %dma_start3A_527 = arith.constant 0 : i32
    %dma_start3A_528 = tpu.memref_slice %arg7[%dma_start3A_526, %dma_start3A_527] : memref<40x128xi32, #tpu.memory_space<vmem>> -> memref<1x128xi32, #tpu.memory_space<vmem>>
    %dma_start3A_529 = tpu.memref_squeeze %dma_start3A_528 : memref<1x128xi32, #tpu.memory_space<vmem>> -> memref<128xi32, #tpu.memory_space<vmem>>
    %dma_start3A_530 = arith.constant 0 : i32
    %dma_start3A_531 = arith.constant 0 : i32
    %dma_start3A_532 = tpu.memref_slice %arg3[%dma_start3A_530, %dma_start3A_531] : memref<10240x128xf32, #tpu.memory_space<hbm>> -> memref<10240x128xf32, #tpu.memory_space<hbm>>
    tpu.enqueue_indirect_dma source(%dma_start3A_532 : memref<10240x128xf32, #tpu.memory_space<hbm>>) target(%arg10 : memref<128x128xf32, #tpu.memory_space<vmem>>) offsets(%dma_start3A_529 : memref<128xi32, #tpu.memory_space<vmem>>) semaphore(%arg11 : memref<!tpu.dma_semaphore, #tpu.memory_space<semaphore_mem>>)
    %dma_wait3A_533 = arith.constant 18 : i32
    %dma_wait3A_534 = arith.constant 0 : i32
    %dma_wait3A_535 = tpu.memref_slice %arg7[%dma_wait3A_533, %dma_wait3A_534] : memref<40x128xi32, #tpu.memory_space<vmem>> -> memref<1x128xi32, #tpu.memory_space<vmem>>
    %dma_wait3A_536 = tpu.memref_squeeze %dma_wait3A_535 : memref<1x128xi32, #tpu.memory_space<vmem>> -> memref<128xi32, #tpu.memory_space<vmem>>
    %dma_wait3A_537 = arith.constant 0 : i32
    %dma_wait3A_538 = arith.constant 0 : i32
    %dma_wait3A_539 = tpu.memref_slice %arg3[%dma_wait3A_537, %dma_wait3A_538] : memref<10240x128xf32, #tpu.memory_space<hbm>> -> memref<10240x128xf32, #tpu.memory_space<hbm>>
    tpu.wait_indirect_dma semaphore(%arg11 : memref<!tpu.dma_semaphore, #tpu.memory_space<semaphore_mem>>) src(%dma_wait3A_539 : memref<10240x128xf32, #tpu.memory_space<hbm>>) dst(%arg9 : memref<128x128xf32, #tpu.memory_space<vmem>>)
    %dma_start3A_540 = arith.constant 18 : i32
    %dma_start3A_541 = arith.constant 0 : i32
    %dma_start3A_542 = tpu.memref_slice %arg8[%dma_start3A_540, %dma_start3A_541] : memref<40x128xi32, #tpu.memory_space<vmem>> -> memref<1x128xi32, #tpu.memory_space<vmem>>
    %dma_start3A_543 = tpu.memref_squeeze %dma_start3A_542 : memref<1x128xi32, #tpu.memory_space<vmem>> -> memref<128xi32, #tpu.memory_space<vmem>>
    %dma_start3A_544 = arith.constant 0 : i32
    %dma_start3A_545 = arith.constant 0 : i32
    %dma_start3A_546 = tpu.memref_slice %arg6[%dma_start3A_544, %dma_start3A_545] : memref<10240x128xf32, #tpu.memory_space<vmem_shared>> -> memref<10240x128xf32, #tpu.memory_space<vmem_shared>>
    tpu.enqueue_indirect_dma source(%arg9 : memref<128x128xf32, #tpu.memory_space<vmem>>) target(%dma_start3A_546 : memref<10240x128xf32, #tpu.memory_space<vmem_shared>>) offsets(%dma_start3A_543 : memref<128xi32, #tpu.memory_space<vmem>>) semaphore(%arg12 : memref<!tpu.dma_semaphore, #tpu.memory_space<semaphore_mem>>) {add = true}
    %dma_wait3A_547 = arith.constant 19 : i32
    %dma_wait3A_548 = arith.constant 0 : i32
    %dma_wait3A_549 = tpu.memref_slice %arg7[%dma_wait3A_547, %dma_wait3A_548] : memref<40x128xi32, #tpu.memory_space<vmem>> -> memref<1x128xi32, #tpu.memory_space<vmem>>
    %dma_wait3A_550 = tpu.memref_squeeze %dma_wait3A_549 : memref<1x128xi32, #tpu.memory_space<vmem>> -> memref<128xi32, #tpu.memory_space<vmem>>
    %dma_wait3A_551 = arith.constant 0 : i32
    %dma_wait3A_552 = arith.constant 0 : i32
    %dma_wait3A_553 = tpu.memref_slice %arg3[%dma_wait3A_551, %dma_wait3A_552] : memref<10240x128xf32, #tpu.memory_space<hbm>> -> memref<10240x128xf32, #tpu.memory_space<hbm>>
    tpu.wait_indirect_dma semaphore(%arg11 : memref<!tpu.dma_semaphore, #tpu.memory_space<semaphore_mem>>) src(%dma_wait3A_553 : memref<10240x128xf32, #tpu.memory_space<hbm>>) dst(%arg10 : memref<128x128xf32, #tpu.memory_space<vmem>>)
    %dma_start3A_554 = arith.constant 19 : i32
    %dma_start3A_555 = arith.constant 0 : i32
    %dma_start3A_556 = tpu.memref_slice %arg8[%dma_start3A_554, %dma_start3A_555] : memref<40x128xi32, #tpu.memory_space<vmem>> -> memref<1x128xi32, #tpu.memory_space<vmem>>
    %dma_start3A_557 = tpu.memref_squeeze %dma_start3A_556 : memref<1x128xi32, #tpu.memory_space<vmem>> -> memref<128xi32, #tpu.memory_space<vmem>>
    %dma_start3A_558 = arith.constant 0 : i32
    %dma_start3A_559 = arith.constant 0 : i32
    %dma_start3A_560 = tpu.memref_slice %arg6[%dma_start3A_558, %dma_start3A_559] : memref<10240x128xf32, #tpu.memory_space<vmem_shared>> -> memref<10240x128xf32, #tpu.memory_space<vmem_shared>>
    tpu.enqueue_indirect_dma source(%arg10 : memref<128x128xf32, #tpu.memory_space<vmem>>) target(%dma_start3A_560 : memref<10240x128xf32, #tpu.memory_space<vmem_shared>>) offsets(%dma_start3A_557 : memref<128xi32, #tpu.memory_space<vmem>>) semaphore(%arg12 : memref<!tpu.dma_semaphore, #tpu.memory_space<semaphore_mem>>) {add = true}
    %dma_wait3A_561 = arith.constant 18 : i32
    %dma_wait3A_562 = arith.constant 0 : i32
    %dma_wait3A_563 = tpu.memref_slice %arg8[%dma_wait3A_561, %dma_wait3A_562] : memref<40x128xi32, #tpu.memory_space<vmem>> -> memref<1x128xi32, #tpu.memory_space<vmem>>
    %dma_wait3A_564 = tpu.memref_squeeze %dma_wait3A_563 : memref<1x128xi32, #tpu.memory_space<vmem>> -> memref<128xi32, #tpu.memory_space<vmem>>
    %dma_wait3A_565 = arith.constant 0 : i32
    %dma_wait3A_566 = arith.constant 0 : i32
    %dma_wait3A_567 = tpu.memref_slice %arg6[%dma_wait3A_565, %dma_wait3A_566] : memref<10240x128xf32, #tpu.memory_space<vmem_shared>> -> memref<10240x128xf32, #tpu.memory_space<vmem_shared>>
    tpu.wait_indirect_dma semaphore(%arg12 : memref<!tpu.dma_semaphore, #tpu.memory_space<semaphore_mem>>) src(%arg9 : memref<128x128xf32, #tpu.memory_space<vmem>>) dst(%dma_wait3A_567 : memref<10240x128xf32, #tpu.memory_space<vmem_shared>>)
    %dma_start3A_568 = arith.constant 20 : i32
    %dma_start3A_569 = arith.constant 0 : i32
    %dma_start3A_570 = tpu.memref_slice %arg7[%dma_start3A_568, %dma_start3A_569] : memref<40x128xi32, #tpu.memory_space<vmem>> -> memref<1x128xi32, #tpu.memory_space<vmem>>
    %dma_start3A_571 = tpu.memref_squeeze %dma_start3A_570 : memref<1x128xi32, #tpu.memory_space<vmem>> -> memref<128xi32, #tpu.memory_space<vmem>>
    %dma_start3A_572 = arith.constant 0 : i32
    %dma_start3A_573 = arith.constant 0 : i32
    %dma_start3A_574 = tpu.memref_slice %arg3[%dma_start3A_572, %dma_start3A_573] : memref<10240x128xf32, #tpu.memory_space<hbm>> -> memref<10240x128xf32, #tpu.memory_space<hbm>>
    tpu.enqueue_indirect_dma source(%dma_start3A_574 : memref<10240x128xf32, #tpu.memory_space<hbm>>) target(%arg9 : memref<128x128xf32, #tpu.memory_space<vmem>>) offsets(%dma_start3A_571 : memref<128xi32, #tpu.memory_space<vmem>>) semaphore(%arg11 : memref<!tpu.dma_semaphore, #tpu.memory_space<semaphore_mem>>)
    %dma_wait3A_575 = arith.constant 19 : i32
    %dma_wait3A_576 = arith.constant 0 : i32
    %dma_wait3A_577 = tpu.memref_slice %arg8[%dma_wait3A_575, %dma_wait3A_576] : memref<40x128xi32, #tpu.memory_space<vmem>> -> memref<1x128xi32, #tpu.memory_space<vmem>>
    %dma_wait3A_578 = tpu.memref_squeeze %dma_wait3A_577 : memref<1x128xi32, #tpu.memory_space<vmem>> -> memref<128xi32, #tpu.memory_space<vmem>>
    %dma_wait3A_579 = arith.constant 0 : i32
    %dma_wait3A_580 = arith.constant 0 : i32
    %dma_wait3A_581 = tpu.memref_slice %arg6[%dma_wait3A_579, %dma_wait3A_580] : memref<10240x128xf32, #tpu.memory_space<vmem_shared>> -> memref<10240x128xf32, #tpu.memory_space<vmem_shared>>
    tpu.wait_indirect_dma semaphore(%arg12 : memref<!tpu.dma_semaphore, #tpu.memory_space<semaphore_mem>>) src(%arg10 : memref<128x128xf32, #tpu.memory_space<vmem>>) dst(%dma_wait3A_581 : memref<10240x128xf32, #tpu.memory_space<vmem_shared>>)
    %dma_start3A_582 = arith.constant 21 : i32
    %dma_start3A_583 = arith.constant 0 : i32
    %dma_start3A_584 = tpu.memref_slice %arg7[%dma_start3A_582, %dma_start3A_583] : memref<40x128xi32, #tpu.memory_space<vmem>> -> memref<1x128xi32, #tpu.memory_space<vmem>>
    %dma_start3A_585 = tpu.memref_squeeze %dma_start3A_584 : memref<1x128xi32, #tpu.memory_space<vmem>> -> memref<128xi32, #tpu.memory_space<vmem>>
    %dma_start3A_586 = arith.constant 0 : i32
    %dma_start3A_587 = arith.constant 0 : i32
    %dma_start3A_588 = tpu.memref_slice %arg3[%dma_start3A_586, %dma_start3A_587] : memref<10240x128xf32, #tpu.memory_space<hbm>> -> memref<10240x128xf32, #tpu.memory_space<hbm>>
    tpu.enqueue_indirect_dma source(%dma_start3A_588 : memref<10240x128xf32, #tpu.memory_space<hbm>>) target(%arg10 : memref<128x128xf32, #tpu.memory_space<vmem>>) offsets(%dma_start3A_585 : memref<128xi32, #tpu.memory_space<vmem>>) semaphore(%arg11 : memref<!tpu.dma_semaphore, #tpu.memory_space<semaphore_mem>>)
    %dma_wait3A_589 = arith.constant 20 : i32
    %dma_wait3A_590 = arith.constant 0 : i32
    %dma_wait3A_591 = tpu.memref_slice %arg7[%dma_wait3A_589, %dma_wait3A_590] : memref<40x128xi32, #tpu.memory_space<vmem>> -> memref<1x128xi32, #tpu.memory_space<vmem>>
    %dma_wait3A_592 = tpu.memref_squeeze %dma_wait3A_591 : memref<1x128xi32, #tpu.memory_space<vmem>> -> memref<128xi32, #tpu.memory_space<vmem>>
    %dma_wait3A_593 = arith.constant 0 : i32
    %dma_wait3A_594 = arith.constant 0 : i32
    %dma_wait3A_595 = tpu.memref_slice %arg3[%dma_wait3A_593, %dma_wait3A_594] : memref<10240x128xf32, #tpu.memory_space<hbm>> -> memref<10240x128xf32, #tpu.memory_space<hbm>>
    tpu.wait_indirect_dma semaphore(%arg11 : memref<!tpu.dma_semaphore, #tpu.memory_space<semaphore_mem>>) src(%dma_wait3A_595 : memref<10240x128xf32, #tpu.memory_space<hbm>>) dst(%arg9 : memref<128x128xf32, #tpu.memory_space<vmem>>)
    %dma_start3A_596 = arith.constant 20 : i32
    %dma_start3A_597 = arith.constant 0 : i32
    %dma_start3A_598 = tpu.memref_slice %arg8[%dma_start3A_596, %dma_start3A_597] : memref<40x128xi32, #tpu.memory_space<vmem>> -> memref<1x128xi32, #tpu.memory_space<vmem>>
    %dma_start3A_599 = tpu.memref_squeeze %dma_start3A_598 : memref<1x128xi32, #tpu.memory_space<vmem>> -> memref<128xi32, #tpu.memory_space<vmem>>
    %dma_start3A_600 = arith.constant 0 : i32
    %dma_start3A_601 = arith.constant 0 : i32
    %dma_start3A_602 = tpu.memref_slice %arg6[%dma_start3A_600, %dma_start3A_601] : memref<10240x128xf32, #tpu.memory_space<vmem_shared>> -> memref<10240x128xf32, #tpu.memory_space<vmem_shared>>
    tpu.enqueue_indirect_dma source(%arg9 : memref<128x128xf32, #tpu.memory_space<vmem>>) target(%dma_start3A_602 : memref<10240x128xf32, #tpu.memory_space<vmem_shared>>) offsets(%dma_start3A_599 : memref<128xi32, #tpu.memory_space<vmem>>) semaphore(%arg12 : memref<!tpu.dma_semaphore, #tpu.memory_space<semaphore_mem>>) {add = true}
    %dma_wait3A_603 = arith.constant 21 : i32
    %dma_wait3A_604 = arith.constant 0 : i32
    %dma_wait3A_605 = tpu.memref_slice %arg7[%dma_wait3A_603, %dma_wait3A_604] : memref<40x128xi32, #tpu.memory_space<vmem>> -> memref<1x128xi32, #tpu.memory_space<vmem>>
    %dma_wait3A_606 = tpu.memref_squeeze %dma_wait3A_605 : memref<1x128xi32, #tpu.memory_space<vmem>> -> memref<128xi32, #tpu.memory_space<vmem>>
    %dma_wait3A_607 = arith.constant 0 : i32
    %dma_wait3A_608 = arith.constant 0 : i32
    %dma_wait3A_609 = tpu.memref_slice %arg3[%dma_wait3A_607, %dma_wait3A_608] : memref<10240x128xf32, #tpu.memory_space<hbm>> -> memref<10240x128xf32, #tpu.memory_space<hbm>>
    tpu.wait_indirect_dma semaphore(%arg11 : memref<!tpu.dma_semaphore, #tpu.memory_space<semaphore_mem>>) src(%dma_wait3A_609 : memref<10240x128xf32, #tpu.memory_space<hbm>>) dst(%arg10 : memref<128x128xf32, #tpu.memory_space<vmem>>)
    %dma_start3A_610 = arith.constant 21 : i32
    %dma_start3A_611 = arith.constant 0 : i32
    %dma_start3A_612 = tpu.memref_slice %arg8[%dma_start3A_610, %dma_start3A_611] : memref<40x128xi32, #tpu.memory_space<vmem>> -> memref<1x128xi32, #tpu.memory_space<vmem>>
    %dma_start3A_613 = tpu.memref_squeeze %dma_start3A_612 : memref<1x128xi32, #tpu.memory_space<vmem>> -> memref<128xi32, #tpu.memory_space<vmem>>
    %dma_start3A_614 = arith.constant 0 : i32
    %dma_start3A_615 = arith.constant 0 : i32
    %dma_start3A_616 = tpu.memref_slice %arg6[%dma_start3A_614, %dma_start3A_615] : memref<10240x128xf32, #tpu.memory_space<vmem_shared>> -> memref<10240x128xf32, #tpu.memory_space<vmem_shared>>
    tpu.enqueue_indirect_dma source(%arg10 : memref<128x128xf32, #tpu.memory_space<vmem>>) target(%dma_start3A_616 : memref<10240x128xf32, #tpu.memory_space<vmem_shared>>) offsets(%dma_start3A_613 : memref<128xi32, #tpu.memory_space<vmem>>) semaphore(%arg12 : memref<!tpu.dma_semaphore, #tpu.memory_space<semaphore_mem>>) {add = true}
    %dma_wait3A_617 = arith.constant 20 : i32
    %dma_wait3A_618 = arith.constant 0 : i32
    %dma_wait3A_619 = tpu.memref_slice %arg8[%dma_wait3A_617, %dma_wait3A_618] : memref<40x128xi32, #tpu.memory_space<vmem>> -> memref<1x128xi32, #tpu.memory_space<vmem>>
    %dma_wait3A_620 = tpu.memref_squeeze %dma_wait3A_619 : memref<1x128xi32, #tpu.memory_space<vmem>> -> memref<128xi32, #tpu.memory_space<vmem>>
    %dma_wait3A_621 = arith.constant 0 : i32
    %dma_wait3A_622 = arith.constant 0 : i32
    %dma_wait3A_623 = tpu.memref_slice %arg6[%dma_wait3A_621, %dma_wait3A_622] : memref<10240x128xf32, #tpu.memory_space<vmem_shared>> -> memref<10240x128xf32, #tpu.memory_space<vmem_shared>>
    tpu.wait_indirect_dma semaphore(%arg12 : memref<!tpu.dma_semaphore, #tpu.memory_space<semaphore_mem>>) src(%arg9 : memref<128x128xf32, #tpu.memory_space<vmem>>) dst(%dma_wait3A_623 : memref<10240x128xf32, #tpu.memory_space<vmem_shared>>)
    %dma_start3A_624 = arith.constant 22 : i32
    %dma_start3A_625 = arith.constant 0 : i32
    %dma_start3A_626 = tpu.memref_slice %arg7[%dma_start3A_624, %dma_start3A_625] : memref<40x128xi32, #tpu.memory_space<vmem>> -> memref<1x128xi32, #tpu.memory_space<vmem>>
    %dma_start3A_627 = tpu.memref_squeeze %dma_start3A_626 : memref<1x128xi32, #tpu.memory_space<vmem>> -> memref<128xi32, #tpu.memory_space<vmem>>
    %dma_start3A_628 = arith.constant 0 : i32
    %dma_start3A_629 = arith.constant 0 : i32
    %dma_start3A_630 = tpu.memref_slice %arg3[%dma_start3A_628, %dma_start3A_629] : memref<10240x128xf32, #tpu.memory_space<hbm>> -> memref<10240x128xf32, #tpu.memory_space<hbm>>
    tpu.enqueue_indirect_dma source(%dma_start3A_630 : memref<10240x128xf32, #tpu.memory_space<hbm>>) target(%arg9 : memref<128x128xf32, #tpu.memory_space<vmem>>) offsets(%dma_start3A_627 : memref<128xi32, #tpu.memory_space<vmem>>) semaphore(%arg11 : memref<!tpu.dma_semaphore, #tpu.memory_space<semaphore_mem>>)
    %dma_wait3A_631 = arith.constant 21 : i32
    %dma_wait3A_632 = arith.constant 0 : i32
    %dma_wait3A_633 = tpu.memref_slice %arg8[%dma_wait3A_631, %dma_wait3A_632] : memref<40x128xi32, #tpu.memory_space<vmem>> -> memref<1x128xi32, #tpu.memory_space<vmem>>
    %dma_wait3A_634 = tpu.memref_squeeze %dma_wait3A_633 : memref<1x128xi32, #tpu.memory_space<vmem>> -> memref<128xi32, #tpu.memory_space<vmem>>
    %dma_wait3A_635 = arith.constant 0 : i32
    %dma_wait3A_636 = arith.constant 0 : i32
    %dma_wait3A_637 = tpu.memref_slice %arg6[%dma_wait3A_635, %dma_wait3A_636] : memref<10240x128xf32, #tpu.memory_space<vmem_shared>> -> memref<10240x128xf32, #tpu.memory_space<vmem_shared>>
    tpu.wait_indirect_dma semaphore(%arg12 : memref<!tpu.dma_semaphore, #tpu.memory_space<semaphore_mem>>) src(%arg10 : memref<128x128xf32, #tpu.memory_space<vmem>>) dst(%dma_wait3A_637 : memref<10240x128xf32, #tpu.memory_space<vmem_shared>>)
    %dma_start3A_638 = arith.constant 23 : i32
    %dma_start3A_639 = arith.constant 0 : i32
    %dma_start3A_640 = tpu.memref_slice %arg7[%dma_start3A_638, %dma_start3A_639] : memref<40x128xi32, #tpu.memory_space<vmem>> -> memref<1x128xi32, #tpu.memory_space<vmem>>
    %dma_start3A_641 = tpu.memref_squeeze %dma_start3A_640 : memref<1x128xi32, #tpu.memory_space<vmem>> -> memref<128xi32, #tpu.memory_space<vmem>>
    %dma_start3A_642 = arith.constant 0 : i32
    %dma_start3A_643 = arith.constant 0 : i32
    %dma_start3A_644 = tpu.memref_slice %arg3[%dma_start3A_642, %dma_start3A_643] : memref<10240x128xf32, #tpu.memory_space<hbm>> -> memref<10240x128xf32, #tpu.memory_space<hbm>>
    tpu.enqueue_indirect_dma source(%dma_start3A_644 : memref<10240x128xf32, #tpu.memory_space<hbm>>) target(%arg10 : memref<128x128xf32, #tpu.memory_space<vmem>>) offsets(%dma_start3A_641 : memref<128xi32, #tpu.memory_space<vmem>>) semaphore(%arg11 : memref<!tpu.dma_semaphore, #tpu.memory_space<semaphore_mem>>)
    %dma_wait3A_645 = arith.constant 22 : i32
    %dma_wait3A_646 = arith.constant 0 : i32
    %dma_wait3A_647 = tpu.memref_slice %arg7[%dma_wait3A_645, %dma_wait3A_646] : memref<40x128xi32, #tpu.memory_space<vmem>> -> memref<1x128xi32, #tpu.memory_space<vmem>>
    %dma_wait3A_648 = tpu.memref_squeeze %dma_wait3A_647 : memref<1x128xi32, #tpu.memory_space<vmem>> -> memref<128xi32, #tpu.memory_space<vmem>>
    %dma_wait3A_649 = arith.constant 0 : i32
    %dma_wait3A_650 = arith.constant 0 : i32
    %dma_wait3A_651 = tpu.memref_slice %arg3[%dma_wait3A_649, %dma_wait3A_650] : memref<10240x128xf32, #tpu.memory_space<hbm>> -> memref<10240x128xf32, #tpu.memory_space<hbm>>
    tpu.wait_indirect_dma semaphore(%arg11 : memref<!tpu.dma_semaphore, #tpu.memory_space<semaphore_mem>>) src(%dma_wait3A_651 : memref<10240x128xf32, #tpu.memory_space<hbm>>) dst(%arg9 : memref<128x128xf32, #tpu.memory_space<vmem>>)
    %dma_start3A_652 = arith.constant 22 : i32
    %dma_start3A_653 = arith.constant 0 : i32
    %dma_start3A_654 = tpu.memref_slice %arg8[%dma_start3A_652, %dma_start3A_653] : memref<40x128xi32, #tpu.memory_space<vmem>> -> memref<1x128xi32, #tpu.memory_space<vmem>>
    %dma_start3A_655 = tpu.memref_squeeze %dma_start3A_654 : memref<1x128xi32, #tpu.memory_space<vmem>> -> memref<128xi32, #tpu.memory_space<vmem>>
    %dma_start3A_656 = arith.constant 0 : i32
    %dma_start3A_657 = arith.constant 0 : i32
    %dma_start3A_658 = tpu.memref_slice %arg6[%dma_start3A_656, %dma_start3A_657] : memref<10240x128xf32, #tpu.memory_space<vmem_shared>> -> memref<10240x128xf32, #tpu.memory_space<vmem_shared>>
    tpu.enqueue_indirect_dma source(%arg9 : memref<128x128xf32, #tpu.memory_space<vmem>>) target(%dma_start3A_658 : memref<10240x128xf32, #tpu.memory_space<vmem_shared>>) offsets(%dma_start3A_655 : memref<128xi32, #tpu.memory_space<vmem>>) semaphore(%arg12 : memref<!tpu.dma_semaphore, #tpu.memory_space<semaphore_mem>>) {add = true}
    %dma_wait3A_659 = arith.constant 23 : i32
    %dma_wait3A_660 = arith.constant 0 : i32
    %dma_wait3A_661 = tpu.memref_slice %arg7[%dma_wait3A_659, %dma_wait3A_660] : memref<40x128xi32, #tpu.memory_space<vmem>> -> memref<1x128xi32, #tpu.memory_space<vmem>>
    %dma_wait3A_662 = tpu.memref_squeeze %dma_wait3A_661 : memref<1x128xi32, #tpu.memory_space<vmem>> -> memref<128xi32, #tpu.memory_space<vmem>>
    %dma_wait3A_663 = arith.constant 0 : i32
    %dma_wait3A_664 = arith.constant 0 : i32
    %dma_wait3A_665 = tpu.memref_slice %arg3[%dma_wait3A_663, %dma_wait3A_664] : memref<10240x128xf32, #tpu.memory_space<hbm>> -> memref<10240x128xf32, #tpu.memory_space<hbm>>
    tpu.wait_indirect_dma semaphore(%arg11 : memref<!tpu.dma_semaphore, #tpu.memory_space<semaphore_mem>>) src(%dma_wait3A_665 : memref<10240x128xf32, #tpu.memory_space<hbm>>) dst(%arg10 : memref<128x128xf32, #tpu.memory_space<vmem>>)
    %dma_start3A_666 = arith.constant 23 : i32
    %dma_start3A_667 = arith.constant 0 : i32
    %dma_start3A_668 = tpu.memref_slice %arg8[%dma_start3A_666, %dma_start3A_667] : memref<40x128xi32, #tpu.memory_space<vmem>> -> memref<1x128xi32, #tpu.memory_space<vmem>>
    %dma_start3A_669 = tpu.memref_squeeze %dma_start3A_668 : memref<1x128xi32, #tpu.memory_space<vmem>> -> memref<128xi32, #tpu.memory_space<vmem>>
    %dma_start3A_670 = arith.constant 0 : i32
    %dma_start3A_671 = arith.constant 0 : i32
    %dma_start3A_672 = tpu.memref_slice %arg6[%dma_start3A_670, %dma_start3A_671] : memref<10240x128xf32, #tpu.memory_space<vmem_shared>> -> memref<10240x128xf32, #tpu.memory_space<vmem_shared>>
    tpu.enqueue_indirect_dma source(%arg10 : memref<128x128xf32, #tpu.memory_space<vmem>>) target(%dma_start3A_672 : memref<10240x128xf32, #tpu.memory_space<vmem_shared>>) offsets(%dma_start3A_669 : memref<128xi32, #tpu.memory_space<vmem>>) semaphore(%arg12 : memref<!tpu.dma_semaphore, #tpu.memory_space<semaphore_mem>>) {add = true}
    %dma_wait3A_673 = arith.constant 22 : i32
    %dma_wait3A_674 = arith.constant 0 : i32
    %dma_wait3A_675 = tpu.memref_slice %arg8[%dma_wait3A_673, %dma_wait3A_674] : memref<40x128xi32, #tpu.memory_space<vmem>> -> memref<1x128xi32, #tpu.memory_space<vmem>>
    %dma_wait3A_676 = tpu.memref_squeeze %dma_wait3A_675 : memref<1x128xi32, #tpu.memory_space<vmem>> -> memref<128xi32, #tpu.memory_space<vmem>>
    %dma_wait3A_677 = arith.constant 0 : i32
    %dma_wait3A_678 = arith.constant 0 : i32
    %dma_wait3A_679 = tpu.memref_slice %arg6[%dma_wait3A_677, %dma_wait3A_678] : memref<10240x128xf32, #tpu.memory_space<vmem_shared>> -> memref<10240x128xf32, #tpu.memory_space<vmem_shared>>
    tpu.wait_indirect_dma semaphore(%arg12 : memref<!tpu.dma_semaphore, #tpu.memory_space<semaphore_mem>>) src(%arg9 : memref<128x128xf32, #tpu.memory_space<vmem>>) dst(%dma_wait3A_679 : memref<10240x128xf32, #tpu.memory_space<vmem_shared>>)
    %dma_start3A_680 = arith.constant 24 : i32
    %dma_start3A_681 = arith.constant 0 : i32
    %dma_start3A_682 = tpu.memref_slice %arg7[%dma_start3A_680, %dma_start3A_681] : memref<40x128xi32, #tpu.memory_space<vmem>> -> memref<1x128xi32, #tpu.memory_space<vmem>>
    %dma_start3A_683 = tpu.memref_squeeze %dma_start3A_682 : memref<1x128xi32, #tpu.memory_space<vmem>> -> memref<128xi32, #tpu.memory_space<vmem>>
    %dma_start3A_684 = arith.constant 0 : i32
    %dma_start3A_685 = arith.constant 0 : i32
    %dma_start3A_686 = tpu.memref_slice %arg3[%dma_start3A_684, %dma_start3A_685] : memref<10240x128xf32, #tpu.memory_space<hbm>> -> memref<10240x128xf32, #tpu.memory_space<hbm>>
    tpu.enqueue_indirect_dma source(%dma_start3A_686 : memref<10240x128xf32, #tpu.memory_space<hbm>>) target(%arg9 : memref<128x128xf32, #tpu.memory_space<vmem>>) offsets(%dma_start3A_683 : memref<128xi32, #tpu.memory_space<vmem>>) semaphore(%arg11 : memref<!tpu.dma_semaphore, #tpu.memory_space<semaphore_mem>>)
    %dma_wait3A_687 = arith.constant 23 : i32
    %dma_wait3A_688 = arith.constant 0 : i32
    %dma_wait3A_689 = tpu.memref_slice %arg8[%dma_wait3A_687, %dma_wait3A_688] : memref<40x128xi32, #tpu.memory_space<vmem>> -> memref<1x128xi32, #tpu.memory_space<vmem>>
    %dma_wait3A_690 = tpu.memref_squeeze %dma_wait3A_689 : memref<1x128xi32, #tpu.memory_space<vmem>> -> memref<128xi32, #tpu.memory_space<vmem>>
    %dma_wait3A_691 = arith.constant 0 : i32
    %dma_wait3A_692 = arith.constant 0 : i32
    %dma_wait3A_693 = tpu.memref_slice %arg6[%dma_wait3A_691, %dma_wait3A_692] : memref<10240x128xf32, #tpu.memory_space<vmem_shared>> -> memref<10240x128xf32, #tpu.memory_space<vmem_shared>>
    tpu.wait_indirect_dma semaphore(%arg12 : memref<!tpu.dma_semaphore, #tpu.memory_space<semaphore_mem>>) src(%arg10 : memref<128x128xf32, #tpu.memory_space<vmem>>) dst(%dma_wait3A_693 : memref<10240x128xf32, #tpu.memory_space<vmem_shared>>)
    %dma_start3A_694 = arith.constant 25 : i32
    %dma_start3A_695 = arith.constant 0 : i32
    %dma_start3A_696 = tpu.memref_slice %arg7[%dma_start3A_694, %dma_start3A_695] : memref<40x128xi32, #tpu.memory_space<vmem>> -> memref<1x128xi32, #tpu.memory_space<vmem>>
    %dma_start3A_697 = tpu.memref_squeeze %dma_start3A_696 : memref<1x128xi32, #tpu.memory_space<vmem>> -> memref<128xi32, #tpu.memory_space<vmem>>
    %dma_start3A_698 = arith.constant 0 : i32
    %dma_start3A_699 = arith.constant 0 : i32
    %dma_start3A_700 = tpu.memref_slice %arg3[%dma_start3A_698, %dma_start3A_699] : memref<10240x128xf32, #tpu.memory_space<hbm>> -> memref<10240x128xf32, #tpu.memory_space<hbm>>
    tpu.enqueue_indirect_dma source(%dma_start3A_700 : memref<10240x128xf32, #tpu.memory_space<hbm>>) target(%arg10 : memref<128x128xf32, #tpu.memory_space<vmem>>) offsets(%dma_start3A_697 : memref<128xi32, #tpu.memory_space<vmem>>) semaphore(%arg11 : memref<!tpu.dma_semaphore, #tpu.memory_space<semaphore_mem>>)
    %dma_wait3A_701 = arith.constant 24 : i32
    %dma_wait3A_702 = arith.constant 0 : i32
    %dma_wait3A_703 = tpu.memref_slice %arg7[%dma_wait3A_701, %dma_wait3A_702] : memref<40x128xi32, #tpu.memory_space<vmem>> -> memref<1x128xi32, #tpu.memory_space<vmem>>
    %dma_wait3A_704 = tpu.memref_squeeze %dma_wait3A_703 : memref<1x128xi32, #tpu.memory_space<vmem>> -> memref<128xi32, #tpu.memory_space<vmem>>
    %dma_wait3A_705 = arith.constant 0 : i32
    %dma_wait3A_706 = arith.constant 0 : i32
    %dma_wait3A_707 = tpu.memref_slice %arg3[%dma_wait3A_705, %dma_wait3A_706] : memref<10240x128xf32, #tpu.memory_space<hbm>> -> memref<10240x128xf32, #tpu.memory_space<hbm>>
    tpu.wait_indirect_dma semaphore(%arg11 : memref<!tpu.dma_semaphore, #tpu.memory_space<semaphore_mem>>) src(%dma_wait3A_707 : memref<10240x128xf32, #tpu.memory_space<hbm>>) dst(%arg9 : memref<128x128xf32, #tpu.memory_space<vmem>>)
    %dma_start3A_708 = arith.constant 24 : i32
    %dma_start3A_709 = arith.constant 0 : i32
    %dma_start3A_710 = tpu.memref_slice %arg8[%dma_start3A_708, %dma_start3A_709] : memref<40x128xi32, #tpu.memory_space<vmem>> -> memref<1x128xi32, #tpu.memory_space<vmem>>
    %dma_start3A_711 = tpu.memref_squeeze %dma_start3A_710 : memref<1x128xi32, #tpu.memory_space<vmem>> -> memref<128xi32, #tpu.memory_space<vmem>>
    %dma_start3A_712 = arith.constant 0 : i32
    %dma_start3A_713 = arith.constant 0 : i32
    %dma_start3A_714 = tpu.memref_slice %arg6[%dma_start3A_712, %dma_start3A_713] : memref<10240x128xf32, #tpu.memory_space<vmem_shared>> -> memref<10240x128xf32, #tpu.memory_space<vmem_shared>>
    tpu.enqueue_indirect_dma source(%arg9 : memref<128x128xf32, #tpu.memory_space<vmem>>) target(%dma_start3A_714 : memref<10240x128xf32, #tpu.memory_space<vmem_shared>>) offsets(%dma_start3A_711 : memref<128xi32, #tpu.memory_space<vmem>>) semaphore(%arg12 : memref<!tpu.dma_semaphore, #tpu.memory_space<semaphore_mem>>) {add = true}
    %dma_wait3A_715 = arith.constant 25 : i32
    %dma_wait3A_716 = arith.constant 0 : i32
    %dma_wait3A_717 = tpu.memref_slice %arg7[%dma_wait3A_715, %dma_wait3A_716] : memref<40x128xi32, #tpu.memory_space<vmem>> -> memref<1x128xi32, #tpu.memory_space<vmem>>
    %dma_wait3A_718 = tpu.memref_squeeze %dma_wait3A_717 : memref<1x128xi32, #tpu.memory_space<vmem>> -> memref<128xi32, #tpu.memory_space<vmem>>
    %dma_wait3A_719 = arith.constant 0 : i32
    %dma_wait3A_720 = arith.constant 0 : i32
    %dma_wait3A_721 = tpu.memref_slice %arg3[%dma_wait3A_719, %dma_wait3A_720] : memref<10240x128xf32, #tpu.memory_space<hbm>> -> memref<10240x128xf32, #tpu.memory_space<hbm>>
    tpu.wait_indirect_dma semaphore(%arg11 : memref<!tpu.dma_semaphore, #tpu.memory_space<semaphore_mem>>) src(%dma_wait3A_721 : memref<10240x128xf32, #tpu.memory_space<hbm>>) dst(%arg10 : memref<128x128xf32, #tpu.memory_space<vmem>>)
    %dma_start3A_722 = arith.constant 25 : i32
    %dma_start3A_723 = arith.constant 0 : i32
    %dma_start3A_724 = tpu.memref_slice %arg8[%dma_start3A_722, %dma_start3A_723] : memref<40x128xi32, #tpu.memory_space<vmem>> -> memref<1x128xi32, #tpu.memory_space<vmem>>
    %dma_start3A_725 = tpu.memref_squeeze %dma_start3A_724 : memref<1x128xi32, #tpu.memory_space<vmem>> -> memref<128xi32, #tpu.memory_space<vmem>>
    %dma_start3A_726 = arith.constant 0 : i32
    %dma_start3A_727 = arith.constant 0 : i32
    %dma_start3A_728 = tpu.memref_slice %arg6[%dma_start3A_726, %dma_start3A_727] : memref<10240x128xf32, #tpu.memory_space<vmem_shared>> -> memref<10240x128xf32, #tpu.memory_space<vmem_shared>>
    tpu.enqueue_indirect_dma source(%arg10 : memref<128x128xf32, #tpu.memory_space<vmem>>) target(%dma_start3A_728 : memref<10240x128xf32, #tpu.memory_space<vmem_shared>>) offsets(%dma_start3A_725 : memref<128xi32, #tpu.memory_space<vmem>>) semaphore(%arg12 : memref<!tpu.dma_semaphore, #tpu.memory_space<semaphore_mem>>) {add = true}
    %dma_wait3A_729 = arith.constant 24 : i32
    %dma_wait3A_730 = arith.constant 0 : i32
    %dma_wait3A_731 = tpu.memref_slice %arg8[%dma_wait3A_729, %dma_wait3A_730] : memref<40x128xi32, #tpu.memory_space<vmem>> -> memref<1x128xi32, #tpu.memory_space<vmem>>
    %dma_wait3A_732 = tpu.memref_squeeze %dma_wait3A_731 : memref<1x128xi32, #tpu.memory_space<vmem>> -> memref<128xi32, #tpu.memory_space<vmem>>
    %dma_wait3A_733 = arith.constant 0 : i32
    %dma_wait3A_734 = arith.constant 0 : i32
    %dma_wait3A_735 = tpu.memref_slice %arg6[%dma_wait3A_733, %dma_wait3A_734] : memref<10240x128xf32, #tpu.memory_space<vmem_shared>> -> memref<10240x128xf32, #tpu.memory_space<vmem_shared>>
    tpu.wait_indirect_dma semaphore(%arg12 : memref<!tpu.dma_semaphore, #tpu.memory_space<semaphore_mem>>) src(%arg9 : memref<128x128xf32, #tpu.memory_space<vmem>>) dst(%dma_wait3A_735 : memref<10240x128xf32, #tpu.memory_space<vmem_shared>>)
    %dma_start3A_736 = arith.constant 26 : i32
    %dma_start3A_737 = arith.constant 0 : i32
    %dma_start3A_738 = tpu.memref_slice %arg7[%dma_start3A_736, %dma_start3A_737] : memref<40x128xi32, #tpu.memory_space<vmem>> -> memref<1x128xi32, #tpu.memory_space<vmem>>
    %dma_start3A_739 = tpu.memref_squeeze %dma_start3A_738 : memref<1x128xi32, #tpu.memory_space<vmem>> -> memref<128xi32, #tpu.memory_space<vmem>>
    %dma_start3A_740 = arith.constant 0 : i32
    %dma_start3A_741 = arith.constant 0 : i32
    %dma_start3A_742 = tpu.memref_slice %arg3[%dma_start3A_740, %dma_start3A_741] : memref<10240x128xf32, #tpu.memory_space<hbm>> -> memref<10240x128xf32, #tpu.memory_space<hbm>>
    tpu.enqueue_indirect_dma source(%dma_start3A_742 : memref<10240x128xf32, #tpu.memory_space<hbm>>) target(%arg9 : memref<128x128xf32, #tpu.memory_space<vmem>>) offsets(%dma_start3A_739 : memref<128xi32, #tpu.memory_space<vmem>>) semaphore(%arg11 : memref<!tpu.dma_semaphore, #tpu.memory_space<semaphore_mem>>)
    %dma_wait3A_743 = arith.constant 25 : i32
    %dma_wait3A_744 = arith.constant 0 : i32
    %dma_wait3A_745 = tpu.memref_slice %arg8[%dma_wait3A_743, %dma_wait3A_744] : memref<40x128xi32, #tpu.memory_space<vmem>> -> memref<1x128xi32, #tpu.memory_space<vmem>>
    %dma_wait3A_746 = tpu.memref_squeeze %dma_wait3A_745 : memref<1x128xi32, #tpu.memory_space<vmem>> -> memref<128xi32, #tpu.memory_space<vmem>>
    %dma_wait3A_747 = arith.constant 0 : i32
    %dma_wait3A_748 = arith.constant 0 : i32
    %dma_wait3A_749 = tpu.memref_slice %arg6[%dma_wait3A_747, %dma_wait3A_748] : memref<10240x128xf32, #tpu.memory_space<vmem_shared>> -> memref<10240x128xf32, #tpu.memory_space<vmem_shared>>
    tpu.wait_indirect_dma semaphore(%arg12 : memref<!tpu.dma_semaphore, #tpu.memory_space<semaphore_mem>>) src(%arg10 : memref<128x128xf32, #tpu.memory_space<vmem>>) dst(%dma_wait3A_749 : memref<10240x128xf32, #tpu.memory_space<vmem_shared>>)
    %dma_start3A_750 = arith.constant 27 : i32
    %dma_start3A_751 = arith.constant 0 : i32
    %dma_start3A_752 = tpu.memref_slice %arg7[%dma_start3A_750, %dma_start3A_751] : memref<40x128xi32, #tpu.memory_space<vmem>> -> memref<1x128xi32, #tpu.memory_space<vmem>>
    %dma_start3A_753 = tpu.memref_squeeze %dma_start3A_752 : memref<1x128xi32, #tpu.memory_space<vmem>> -> memref<128xi32, #tpu.memory_space<vmem>>
    %dma_start3A_754 = arith.constant 0 : i32
    %dma_start3A_755 = arith.constant 0 : i32
    %dma_start3A_756 = tpu.memref_slice %arg3[%dma_start3A_754, %dma_start3A_755] : memref<10240x128xf32, #tpu.memory_space<hbm>> -> memref<10240x128xf32, #tpu.memory_space<hbm>>
    tpu.enqueue_indirect_dma source(%dma_start3A_756 : memref<10240x128xf32, #tpu.memory_space<hbm>>) target(%arg10 : memref<128x128xf32, #tpu.memory_space<vmem>>) offsets(%dma_start3A_753 : memref<128xi32, #tpu.memory_space<vmem>>) semaphore(%arg11 : memref<!tpu.dma_semaphore, #tpu.memory_space<semaphore_mem>>)
    %dma_wait3A_757 = arith.constant 26 : i32
    %dma_wait3A_758 = arith.constant 0 : i32
    %dma_wait3A_759 = tpu.memref_slice %arg7[%dma_wait3A_757, %dma_wait3A_758] : memref<40x128xi32, #tpu.memory_space<vmem>> -> memref<1x128xi32, #tpu.memory_space<vmem>>
    %dma_wait3A_760 = tpu.memref_squeeze %dma_wait3A_759 : memref<1x128xi32, #tpu.memory_space<vmem>> -> memref<128xi32, #tpu.memory_space<vmem>>
    %dma_wait3A_761 = arith.constant 0 : i32
    %dma_wait3A_762 = arith.constant 0 : i32
    %dma_wait3A_763 = tpu.memref_slice %arg3[%dma_wait3A_761, %dma_wait3A_762] : memref<10240x128xf32, #tpu.memory_space<hbm>> -> memref<10240x128xf32, #tpu.memory_space<hbm>>
    tpu.wait_indirect_dma semaphore(%arg11 : memref<!tpu.dma_semaphore, #tpu.memory_space<semaphore_mem>>) src(%dma_wait3A_763 : memref<10240x128xf32, #tpu.memory_space<hbm>>) dst(%arg9 : memref<128x128xf32, #tpu.memory_space<vmem>>)
    %dma_start3A_764 = arith.constant 26 : i32
    %dma_start3A_765 = arith.constant 0 : i32
    %dma_start3A_766 = tpu.memref_slice %arg8[%dma_start3A_764, %dma_start3A_765] : memref<40x128xi32, #tpu.memory_space<vmem>> -> memref<1x128xi32, #tpu.memory_space<vmem>>
    %dma_start3A_767 = tpu.memref_squeeze %dma_start3A_766 : memref<1x128xi32, #tpu.memory_space<vmem>> -> memref<128xi32, #tpu.memory_space<vmem>>
    %dma_start3A_768 = arith.constant 0 : i32
    %dma_start3A_769 = arith.constant 0 : i32
    %dma_start3A_770 = tpu.memref_slice %arg6[%dma_start3A_768, %dma_start3A_769] : memref<10240x128xf32, #tpu.memory_space<vmem_shared>> -> memref<10240x128xf32, #tpu.memory_space<vmem_shared>>
    tpu.enqueue_indirect_dma source(%arg9 : memref<128x128xf32, #tpu.memory_space<vmem>>) target(%dma_start3A_770 : memref<10240x128xf32, #tpu.memory_space<vmem_shared>>) offsets(%dma_start3A_767 : memref<128xi32, #tpu.memory_space<vmem>>) semaphore(%arg12 : memref<!tpu.dma_semaphore, #tpu.memory_space<semaphore_mem>>) {add = true}
    %dma_wait3A_771 = arith.constant 27 : i32
    %dma_wait3A_772 = arith.constant 0 : i32
    %dma_wait3A_773 = tpu.memref_slice %arg7[%dma_wait3A_771, %dma_wait3A_772] : memref<40x128xi32, #tpu.memory_space<vmem>> -> memref<1x128xi32, #tpu.memory_space<vmem>>
    %dma_wait3A_774 = tpu.memref_squeeze %dma_wait3A_773 : memref<1x128xi32, #tpu.memory_space<vmem>> -> memref<128xi32, #tpu.memory_space<vmem>>
    %dma_wait3A_775 = arith.constant 0 : i32
    %dma_wait3A_776 = arith.constant 0 : i32
    %dma_wait3A_777 = tpu.memref_slice %arg3[%dma_wait3A_775, %dma_wait3A_776] : memref<10240x128xf32, #tpu.memory_space<hbm>> -> memref<10240x128xf32, #tpu.memory_space<hbm>>
    tpu.wait_indirect_dma semaphore(%arg11 : memref<!tpu.dma_semaphore, #tpu.memory_space<semaphore_mem>>) src(%dma_wait3A_777 : memref<10240x128xf32, #tpu.memory_space<hbm>>) dst(%arg10 : memref<128x128xf32, #tpu.memory_space<vmem>>)
    %dma_start3A_778 = arith.constant 27 : i32
    %dma_start3A_779 = arith.constant 0 : i32
    %dma_start3A_780 = tpu.memref_slice %arg8[%dma_start3A_778, %dma_start3A_779] : memref<40x128xi32, #tpu.memory_space<vmem>> -> memref<1x128xi32, #tpu.memory_space<vmem>>
    %dma_start3A_781 = tpu.memref_squeeze %dma_start3A_780 : memref<1x128xi32, #tpu.memory_space<vmem>> -> memref<128xi32, #tpu.memory_space<vmem>>
    %dma_start3A_782 = arith.constant 0 : i32
    %dma_start3A_783 = arith.constant 0 : i32
    %dma_start3A_784 = tpu.memref_slice %arg6[%dma_start3A_782, %dma_start3A_783] : memref<10240x128xf32, #tpu.memory_space<vmem_shared>> -> memref<10240x128xf32, #tpu.memory_space<vmem_shared>>
    tpu.enqueue_indirect_dma source(%arg10 : memref<128x128xf32, #tpu.memory_space<vmem>>) target(%dma_start3A_784 : memref<10240x128xf32, #tpu.memory_space<vmem_shared>>) offsets(%dma_start3A_781 : memref<128xi32, #tpu.memory_space<vmem>>) semaphore(%arg12 : memref<!tpu.dma_semaphore, #tpu.memory_space<semaphore_mem>>) {add = true}
    %dma_wait3A_785 = arith.constant 26 : i32
    %dma_wait3A_786 = arith.constant 0 : i32
    %dma_wait3A_787 = tpu.memref_slice %arg8[%dma_wait3A_785, %dma_wait3A_786] : memref<40x128xi32, #tpu.memory_space<vmem>> -> memref<1x128xi32, #tpu.memory_space<vmem>>
    %dma_wait3A_788 = tpu.memref_squeeze %dma_wait3A_787 : memref<1x128xi32, #tpu.memory_space<vmem>> -> memref<128xi32, #tpu.memory_space<vmem>>
    %dma_wait3A_789 = arith.constant 0 : i32
    %dma_wait3A_790 = arith.constant 0 : i32
    %dma_wait3A_791 = tpu.memref_slice %arg6[%dma_wait3A_789, %dma_wait3A_790] : memref<10240x128xf32, #tpu.memory_space<vmem_shared>> -> memref<10240x128xf32, #tpu.memory_space<vmem_shared>>
    tpu.wait_indirect_dma semaphore(%arg12 : memref<!tpu.dma_semaphore, #tpu.memory_space<semaphore_mem>>) src(%arg9 : memref<128x128xf32, #tpu.memory_space<vmem>>) dst(%dma_wait3A_791 : memref<10240x128xf32, #tpu.memory_space<vmem_shared>>)
    %dma_start3A_792 = arith.constant 28 : i32
    %dma_start3A_793 = arith.constant 0 : i32
    %dma_start3A_794 = tpu.memref_slice %arg7[%dma_start3A_792, %dma_start3A_793] : memref<40x128xi32, #tpu.memory_space<vmem>> -> memref<1x128xi32, #tpu.memory_space<vmem>>
    %dma_start3A_795 = tpu.memref_squeeze %dma_start3A_794 : memref<1x128xi32, #tpu.memory_space<vmem>> -> memref<128xi32, #tpu.memory_space<vmem>>
    %dma_start3A_796 = arith.constant 0 : i32
    %dma_start3A_797 = arith.constant 0 : i32
    %dma_start3A_798 = tpu.memref_slice %arg3[%dma_start3A_796, %dma_start3A_797] : memref<10240x128xf32, #tpu.memory_space<hbm>> -> memref<10240x128xf32, #tpu.memory_space<hbm>>
    tpu.enqueue_indirect_dma source(%dma_start3A_798 : memref<10240x128xf32, #tpu.memory_space<hbm>>) target(%arg9 : memref<128x128xf32, #tpu.memory_space<vmem>>) offsets(%dma_start3A_795 : memref<128xi32, #tpu.memory_space<vmem>>) semaphore(%arg11 : memref<!tpu.dma_semaphore, #tpu.memory_space<semaphore_mem>>)
    %dma_wait3A_799 = arith.constant 27 : i32
    %dma_wait3A_800 = arith.constant 0 : i32
    %dma_wait3A_801 = tpu.memref_slice %arg8[%dma_wait3A_799, %dma_wait3A_800] : memref<40x128xi32, #tpu.memory_space<vmem>> -> memref<1x128xi32, #tpu.memory_space<vmem>>
    %dma_wait3A_802 = tpu.memref_squeeze %dma_wait3A_801 : memref<1x128xi32, #tpu.memory_space<vmem>> -> memref<128xi32, #tpu.memory_space<vmem>>
    %dma_wait3A_803 = arith.constant 0 : i32
    %dma_wait3A_804 = arith.constant 0 : i32
    %dma_wait3A_805 = tpu.memref_slice %arg6[%dma_wait3A_803, %dma_wait3A_804] : memref<10240x128xf32, #tpu.memory_space<vmem_shared>> -> memref<10240x128xf32, #tpu.memory_space<vmem_shared>>
    tpu.wait_indirect_dma semaphore(%arg12 : memref<!tpu.dma_semaphore, #tpu.memory_space<semaphore_mem>>) src(%arg10 : memref<128x128xf32, #tpu.memory_space<vmem>>) dst(%dma_wait3A_805 : memref<10240x128xf32, #tpu.memory_space<vmem_shared>>)
    %dma_start3A_806 = arith.constant 29 : i32
    %dma_start3A_807 = arith.constant 0 : i32
    %dma_start3A_808 = tpu.memref_slice %arg7[%dma_start3A_806, %dma_start3A_807] : memref<40x128xi32, #tpu.memory_space<vmem>> -> memref<1x128xi32, #tpu.memory_space<vmem>>
    %dma_start3A_809 = tpu.memref_squeeze %dma_start3A_808 : memref<1x128xi32, #tpu.memory_space<vmem>> -> memref<128xi32, #tpu.memory_space<vmem>>
    %dma_start3A_810 = arith.constant 0 : i32
    %dma_start3A_811 = arith.constant 0 : i32
    %dma_start3A_812 = tpu.memref_slice %arg3[%dma_start3A_810, %dma_start3A_811] : memref<10240x128xf32, #tpu.memory_space<hbm>> -> memref<10240x128xf32, #tpu.memory_space<hbm>>
    tpu.enqueue_indirect_dma source(%dma_start3A_812 : memref<10240x128xf32, #tpu.memory_space<hbm>>) target(%arg10 : memref<128x128xf32, #tpu.memory_space<vmem>>) offsets(%dma_start3A_809 : memref<128xi32, #tpu.memory_space<vmem>>) semaphore(%arg11 : memref<!tpu.dma_semaphore, #tpu.memory_space<semaphore_mem>>)
    %dma_wait3A_813 = arith.constant 28 : i32
    %dma_wait3A_814 = arith.constant 0 : i32
    %dma_wait3A_815 = tpu.memref_slice %arg7[%dma_wait3A_813, %dma_wait3A_814] : memref<40x128xi32, #tpu.memory_space<vmem>> -> memref<1x128xi32, #tpu.memory_space<vmem>>
    %dma_wait3A_816 = tpu.memref_squeeze %dma_wait3A_815 : memref<1x128xi32, #tpu.memory_space<vmem>> -> memref<128xi32, #tpu.memory_space<vmem>>
    %dma_wait3A_817 = arith.constant 0 : i32
    %dma_wait3A_818 = arith.constant 0 : i32
    %dma_wait3A_819 = tpu.memref_slice %arg3[%dma_wait3A_817, %dma_wait3A_818] : memref<10240x128xf32, #tpu.memory_space<hbm>> -> memref<10240x128xf32, #tpu.memory_space<hbm>>
    tpu.wait_indirect_dma semaphore(%arg11 : memref<!tpu.dma_semaphore, #tpu.memory_space<semaphore_mem>>) src(%dma_wait3A_819 : memref<10240x128xf32, #tpu.memory_space<hbm>>) dst(%arg9 : memref<128x128xf32, #tpu.memory_space<vmem>>)
    %dma_start3A_820 = arith.constant 28 : i32
    %dma_start3A_821 = arith.constant 0 : i32
    %dma_start3A_822 = tpu.memref_slice %arg8[%dma_start3A_820, %dma_start3A_821] : memref<40x128xi32, #tpu.memory_space<vmem>> -> memref<1x128xi32, #tpu.memory_space<vmem>>
    %dma_start3A_823 = tpu.memref_squeeze %dma_start3A_822 : memref<1x128xi32, #tpu.memory_space<vmem>> -> memref<128xi32, #tpu.memory_space<vmem>>
    %dma_start3A_824 = arith.constant 0 : i32
    %dma_start3A_825 = arith.constant 0 : i32
    %dma_start3A_826 = tpu.memref_slice %arg6[%dma_start3A_824, %dma_start3A_825] : memref<10240x128xf32, #tpu.memory_space<vmem_shared>> -> memref<10240x128xf32, #tpu.memory_space<vmem_shared>>
    tpu.enqueue_indirect_dma source(%arg9 : memref<128x128xf32, #tpu.memory_space<vmem>>) target(%dma_start3A_826 : memref<10240x128xf32, #tpu.memory_space<vmem_shared>>) offsets(%dma_start3A_823 : memref<128xi32, #tpu.memory_space<vmem>>) semaphore(%arg12 : memref<!tpu.dma_semaphore, #tpu.memory_space<semaphore_mem>>) {add = true}
    %dma_wait3A_827 = arith.constant 29 : i32
    %dma_wait3A_828 = arith.constant 0 : i32
    %dma_wait3A_829 = tpu.memref_slice %arg7[%dma_wait3A_827, %dma_wait3A_828] : memref<40x128xi32, #tpu.memory_space<vmem>> -> memref<1x128xi32, #tpu.memory_space<vmem>>
    %dma_wait3A_830 = tpu.memref_squeeze %dma_wait3A_829 : memref<1x128xi32, #tpu.memory_space<vmem>> -> memref<128xi32, #tpu.memory_space<vmem>>
    %dma_wait3A_831 = arith.constant 0 : i32
    %dma_wait3A_832 = arith.constant 0 : i32
    %dma_wait3A_833 = tpu.memref_slice %arg3[%dma_wait3A_831, %dma_wait3A_832] : memref<10240x128xf32, #tpu.memory_space<hbm>> -> memref<10240x128xf32, #tpu.memory_space<hbm>>
    tpu.wait_indirect_dma semaphore(%arg11 : memref<!tpu.dma_semaphore, #tpu.memory_space<semaphore_mem>>) src(%dma_wait3A_833 : memref<10240x128xf32, #tpu.memory_space<hbm>>) dst(%arg10 : memref<128x128xf32, #tpu.memory_space<vmem>>)
    %dma_start3A_834 = arith.constant 29 : i32
    %dma_start3A_835 = arith.constant 0 : i32
    %dma_start3A_836 = tpu.memref_slice %arg8[%dma_start3A_834, %dma_start3A_835] : memref<40x128xi32, #tpu.memory_space<vmem>> -> memref<1x128xi32, #tpu.memory_space<vmem>>
    %dma_start3A_837 = tpu.memref_squeeze %dma_start3A_836 : memref<1x128xi32, #tpu.memory_space<vmem>> -> memref<128xi32, #tpu.memory_space<vmem>>
    %dma_start3A_838 = arith.constant 0 : i32
    %dma_start3A_839 = arith.constant 0 : i32
    %dma_start3A_840 = tpu.memref_slice %arg6[%dma_start3A_838, %dma_start3A_839] : memref<10240x128xf32, #tpu.memory_space<vmem_shared>> -> memref<10240x128xf32, #tpu.memory_space<vmem_shared>>
    tpu.enqueue_indirect_dma source(%arg10 : memref<128x128xf32, #tpu.memory_space<vmem>>) target(%dma_start3A_840 : memref<10240x128xf32, #tpu.memory_space<vmem_shared>>) offsets(%dma_start3A_837 : memref<128xi32, #tpu.memory_space<vmem>>) semaphore(%arg12 : memref<!tpu.dma_semaphore, #tpu.memory_space<semaphore_mem>>) {add = true}
    %dma_wait3A_841 = arith.constant 28 : i32
    %dma_wait3A_842 = arith.constant 0 : i32
    %dma_wait3A_843 = tpu.memref_slice %arg8[%dma_wait3A_841, %dma_wait3A_842] : memref<40x128xi32, #tpu.memory_space<vmem>> -> memref<1x128xi32, #tpu.memory_space<vmem>>
    %dma_wait3A_844 = tpu.memref_squeeze %dma_wait3A_843 : memref<1x128xi32, #tpu.memory_space<vmem>> -> memref<128xi32, #tpu.memory_space<vmem>>
    %dma_wait3A_845 = arith.constant 0 : i32
    %dma_wait3A_846 = arith.constant 0 : i32
    %dma_wait3A_847 = tpu.memref_slice %arg6[%dma_wait3A_845, %dma_wait3A_846] : memref<10240x128xf32, #tpu.memory_space<vmem_shared>> -> memref<10240x128xf32, #tpu.memory_space<vmem_shared>>
    tpu.wait_indirect_dma semaphore(%arg12 : memref<!tpu.dma_semaphore, #tpu.memory_space<semaphore_mem>>) src(%arg9 : memref<128x128xf32, #tpu.memory_space<vmem>>) dst(%dma_wait3A_847 : memref<10240x128xf32, #tpu.memory_space<vmem_shared>>)
    %dma_start3A_848 = arith.constant 30 : i32
    %dma_start3A_849 = arith.constant 0 : i32
    %dma_start3A_850 = tpu.memref_slice %arg7[%dma_start3A_848, %dma_start3A_849] : memref<40x128xi32, #tpu.memory_space<vmem>> -> memref<1x128xi32, #tpu.memory_space<vmem>>
    %dma_start3A_851 = tpu.memref_squeeze %dma_start3A_850 : memref<1x128xi32, #tpu.memory_space<vmem>> -> memref<128xi32, #tpu.memory_space<vmem>>
    %dma_start3A_852 = arith.constant 0 : i32
    %dma_start3A_853 = arith.constant 0 : i32
    %dma_start3A_854 = tpu.memref_slice %arg3[%dma_start3A_852, %dma_start3A_853] : memref<10240x128xf32, #tpu.memory_space<hbm>> -> memref<10240x128xf32, #tpu.memory_space<hbm>>
    tpu.enqueue_indirect_dma source(%dma_start3A_854 : memref<10240x128xf32, #tpu.memory_space<hbm>>) target(%arg9 : memref<128x128xf32, #tpu.memory_space<vmem>>) offsets(%dma_start3A_851 : memref<128xi32, #tpu.memory_space<vmem>>) semaphore(%arg11 : memref<!tpu.dma_semaphore, #tpu.memory_space<semaphore_mem>>)
    %dma_wait3A_855 = arith.constant 29 : i32
    %dma_wait3A_856 = arith.constant 0 : i32
    %dma_wait3A_857 = tpu.memref_slice %arg8[%dma_wait3A_855, %dma_wait3A_856] : memref<40x128xi32, #tpu.memory_space<vmem>> -> memref<1x128xi32, #tpu.memory_space<vmem>>
    %dma_wait3A_858 = tpu.memref_squeeze %dma_wait3A_857 : memref<1x128xi32, #tpu.memory_space<vmem>> -> memref<128xi32, #tpu.memory_space<vmem>>
    %dma_wait3A_859 = arith.constant 0 : i32
    %dma_wait3A_860 = arith.constant 0 : i32
    %dma_wait3A_861 = tpu.memref_slice %arg6[%dma_wait3A_859, %dma_wait3A_860] : memref<10240x128xf32, #tpu.memory_space<vmem_shared>> -> memref<10240x128xf32, #tpu.memory_space<vmem_shared>>
    tpu.wait_indirect_dma semaphore(%arg12 : memref<!tpu.dma_semaphore, #tpu.memory_space<semaphore_mem>>) src(%arg10 : memref<128x128xf32, #tpu.memory_space<vmem>>) dst(%dma_wait3A_861 : memref<10240x128xf32, #tpu.memory_space<vmem_shared>>)
    %dma_start3A_862 = arith.constant 31 : i32
    %dma_start3A_863 = arith.constant 0 : i32
    %dma_start3A_864 = tpu.memref_slice %arg7[%dma_start3A_862, %dma_start3A_863] : memref<40x128xi32, #tpu.memory_space<vmem>> -> memref<1x128xi32, #tpu.memory_space<vmem>>
    %dma_start3A_865 = tpu.memref_squeeze %dma_start3A_864 : memref<1x128xi32, #tpu.memory_space<vmem>> -> memref<128xi32, #tpu.memory_space<vmem>>
    %dma_start3A_866 = arith.constant 0 : i32
    %dma_start3A_867 = arith.constant 0 : i32
    %dma_start3A_868 = tpu.memref_slice %arg3[%dma_start3A_866, %dma_start3A_867] : memref<10240x128xf32, #tpu.memory_space<hbm>> -> memref<10240x128xf32, #tpu.memory_space<hbm>>
    tpu.enqueue_indirect_dma source(%dma_start3A_868 : memref<10240x128xf32, #tpu.memory_space<hbm>>) target(%arg10 : memref<128x128xf32, #tpu.memory_space<vmem>>) offsets(%dma_start3A_865 : memref<128xi32, #tpu.memory_space<vmem>>) semaphore(%arg11 : memref<!tpu.dma_semaphore, #tpu.memory_space<semaphore_mem>>)
    %dma_wait3A_869 = arith.constant 30 : i32
    %dma_wait3A_870 = arith.constant 0 : i32
    %dma_wait3A_871 = tpu.memref_slice %arg7[%dma_wait3A_869, %dma_wait3A_870] : memref<40x128xi32, #tpu.memory_space<vmem>> -> memref<1x128xi32, #tpu.memory_space<vmem>>
    %dma_wait3A_872 = tpu.memref_squeeze %dma_wait3A_871 : memref<1x128xi32, #tpu.memory_space<vmem>> -> memref<128xi32, #tpu.memory_space<vmem>>
    %dma_wait3A_873 = arith.constant 0 : i32
    %dma_wait3A_874 = arith.constant 0 : i32
    %dma_wait3A_875 = tpu.memref_slice %arg3[%dma_wait3A_873, %dma_wait3A_874] : memref<10240x128xf32, #tpu.memory_space<hbm>> -> memref<10240x128xf32, #tpu.memory_space<hbm>>
    tpu.wait_indirect_dma semaphore(%arg11 : memref<!tpu.dma_semaphore, #tpu.memory_space<semaphore_mem>>) src(%dma_wait3A_875 : memref<10240x128xf32, #tpu.memory_space<hbm>>) dst(%arg9 : memref<128x128xf32, #tpu.memory_space<vmem>>)
    %dma_start3A_876 = arith.constant 30 : i32
    %dma_start3A_877 = arith.constant 0 : i32
    %dma_start3A_878 = tpu.memref_slice %arg8[%dma_start3A_876, %dma_start3A_877] : memref<40x128xi32, #tpu.memory_space<vmem>> -> memref<1x128xi32, #tpu.memory_space<vmem>>
    %dma_start3A_879 = tpu.memref_squeeze %dma_start3A_878 : memref<1x128xi32, #tpu.memory_space<vmem>> -> memref<128xi32, #tpu.memory_space<vmem>>
    %dma_start3A_880 = arith.constant 0 : i32
    %dma_start3A_881 = arith.constant 0 : i32
    %dma_start3A_882 = tpu.memref_slice %arg6[%dma_start3A_880, %dma_start3A_881] : memref<10240x128xf32, #tpu.memory_space<vmem_shared>> -> memref<10240x128xf32, #tpu.memory_space<vmem_shared>>
    tpu.enqueue_indirect_dma source(%arg9 : memref<128x128xf32, #tpu.memory_space<vmem>>) target(%dma_start3A_882 : memref<10240x128xf32, #tpu.memory_space<vmem_shared>>) offsets(%dma_start3A_879 : memref<128xi32, #tpu.memory_space<vmem>>) semaphore(%arg12 : memref<!tpu.dma_semaphore, #tpu.memory_space<semaphore_mem>>) {add = true}
    %dma_wait3A_883 = arith.constant 31 : i32
    %dma_wait3A_884 = arith.constant 0 : i32
    %dma_wait3A_885 = tpu.memref_slice %arg7[%dma_wait3A_883, %dma_wait3A_884] : memref<40x128xi32, #tpu.memory_space<vmem>> -> memref<1x128xi32, #tpu.memory_space<vmem>>
    %dma_wait3A_886 = tpu.memref_squeeze %dma_wait3A_885 : memref<1x128xi32, #tpu.memory_space<vmem>> -> memref<128xi32, #tpu.memory_space<vmem>>
    %dma_wait3A_887 = arith.constant 0 : i32
    %dma_wait3A_888 = arith.constant 0 : i32
    %dma_wait3A_889 = tpu.memref_slice %arg3[%dma_wait3A_887, %dma_wait3A_888] : memref<10240x128xf32, #tpu.memory_space<hbm>> -> memref<10240x128xf32, #tpu.memory_space<hbm>>
    tpu.wait_indirect_dma semaphore(%arg11 : memref<!tpu.dma_semaphore, #tpu.memory_space<semaphore_mem>>) src(%dma_wait3A_889 : memref<10240x128xf32, #tpu.memory_space<hbm>>) dst(%arg10 : memref<128x128xf32, #tpu.memory_space<vmem>>)
    %dma_start3A_890 = arith.constant 31 : i32
    %dma_start3A_891 = arith.constant 0 : i32
    %dma_start3A_892 = tpu.memref_slice %arg8[%dma_start3A_890, %dma_start3A_891] : memref<40x128xi32, #tpu.memory_space<vmem>> -> memref<1x128xi32, #tpu.memory_space<vmem>>
    %dma_start3A_893 = tpu.memref_squeeze %dma_start3A_892 : memref<1x128xi32, #tpu.memory_space<vmem>> -> memref<128xi32, #tpu.memory_space<vmem>>
    %dma_start3A_894 = arith.constant 0 : i32
    %dma_start3A_895 = arith.constant 0 : i32
    %dma_start3A_896 = tpu.memref_slice %arg6[%dma_start3A_894, %dma_start3A_895] : memref<10240x128xf32, #tpu.memory_space<vmem_shared>> -> memref<10240x128xf32, #tpu.memory_space<vmem_shared>>
    tpu.enqueue_indirect_dma source(%arg10 : memref<128x128xf32, #tpu.memory_space<vmem>>) target(%dma_start3A_896 : memref<10240x128xf32, #tpu.memory_space<vmem_shared>>) offsets(%dma_start3A_893 : memref<128xi32, #tpu.memory_space<vmem>>) semaphore(%arg12 : memref<!tpu.dma_semaphore, #tpu.memory_space<semaphore_mem>>) {add = true}
    %dma_wait3A_897 = arith.constant 30 : i32
    %dma_wait3A_898 = arith.constant 0 : i32
    %dma_wait3A_899 = tpu.memref_slice %arg8[%dma_wait3A_897, %dma_wait3A_898] : memref<40x128xi32, #tpu.memory_space<vmem>> -> memref<1x128xi32, #tpu.memory_space<vmem>>
    %dma_wait3A_900 = tpu.memref_squeeze %dma_wait3A_899 : memref<1x128xi32, #tpu.memory_space<vmem>> -> memref<128xi32, #tpu.memory_space<vmem>>
    %dma_wait3A_901 = arith.constant 0 : i32
    %dma_wait3A_902 = arith.constant 0 : i32
    %dma_wait3A_903 = tpu.memref_slice %arg6[%dma_wait3A_901, %dma_wait3A_902] : memref<10240x128xf32, #tpu.memory_space<vmem_shared>> -> memref<10240x128xf32, #tpu.memory_space<vmem_shared>>
    tpu.wait_indirect_dma semaphore(%arg12 : memref<!tpu.dma_semaphore, #tpu.memory_space<semaphore_mem>>) src(%arg9 : memref<128x128xf32, #tpu.memory_space<vmem>>) dst(%dma_wait3A_903 : memref<10240x128xf32, #tpu.memory_space<vmem_shared>>)
    %dma_start3A_904 = arith.constant 32 : i32
    %dma_start3A_905 = arith.constant 0 : i32
    %dma_start3A_906 = tpu.memref_slice %arg7[%dma_start3A_904, %dma_start3A_905] : memref<40x128xi32, #tpu.memory_space<vmem>> -> memref<1x128xi32, #tpu.memory_space<vmem>>
    %dma_start3A_907 = tpu.memref_squeeze %dma_start3A_906 : memref<1x128xi32, #tpu.memory_space<vmem>> -> memref<128xi32, #tpu.memory_space<vmem>>
    %dma_start3A_908 = arith.constant 0 : i32
    %dma_start3A_909 = arith.constant 0 : i32
    %dma_start3A_910 = tpu.memref_slice %arg3[%dma_start3A_908, %dma_start3A_909] : memref<10240x128xf32, #tpu.memory_space<hbm>> -> memref<10240x128xf32, #tpu.memory_space<hbm>>
    tpu.enqueue_indirect_dma source(%dma_start3A_910 : memref<10240x128xf32, #tpu.memory_space<hbm>>) target(%arg9 : memref<128x128xf32, #tpu.memory_space<vmem>>) offsets(%dma_start3A_907 : memref<128xi32, #tpu.memory_space<vmem>>) semaphore(%arg11 : memref<!tpu.dma_semaphore, #tpu.memory_space<semaphore_mem>>)
    %dma_wait3A_911 = arith.constant 31 : i32
    %dma_wait3A_912 = arith.constant 0 : i32
    %dma_wait3A_913 = tpu.memref_slice %arg8[%dma_wait3A_911, %dma_wait3A_912] : memref<40x128xi32, #tpu.memory_space<vmem>> -> memref<1x128xi32, #tpu.memory_space<vmem>>
    %dma_wait3A_914 = tpu.memref_squeeze %dma_wait3A_913 : memref<1x128xi32, #tpu.memory_space<vmem>> -> memref<128xi32, #tpu.memory_space<vmem>>
    %dma_wait3A_915 = arith.constant 0 : i32
    %dma_wait3A_916 = arith.constant 0 : i32
    %dma_wait3A_917 = tpu.memref_slice %arg6[%dma_wait3A_915, %dma_wait3A_916] : memref<10240x128xf32, #tpu.memory_space<vmem_shared>> -> memref<10240x128xf32, #tpu.memory_space<vmem_shared>>
    tpu.wait_indirect_dma semaphore(%arg12 : memref<!tpu.dma_semaphore, #tpu.memory_space<semaphore_mem>>) src(%arg10 : memref<128x128xf32, #tpu.memory_space<vmem>>) dst(%dma_wait3A_917 : memref<10240x128xf32, #tpu.memory_space<vmem_shared>>)
    %dma_start3A_918 = arith.constant 33 : i32
    %dma_start3A_919 = arith.constant 0 : i32
    %dma_start3A_920 = tpu.memref_slice %arg7[%dma_start3A_918, %dma_start3A_919] : memref<40x128xi32, #tpu.memory_space<vmem>> -> memref<1x128xi32, #tpu.memory_space<vmem>>
    %dma_start3A_921 = tpu.memref_squeeze %dma_start3A_920 : memref<1x128xi32, #tpu.memory_space<vmem>> -> memref<128xi32, #tpu.memory_space<vmem>>
    %dma_start3A_922 = arith.constant 0 : i32
    %dma_start3A_923 = arith.constant 0 : i32
    %dma_start3A_924 = tpu.memref_slice %arg3[%dma_start3A_922, %dma_start3A_923] : memref<10240x128xf32, #tpu.memory_space<hbm>> -> memref<10240x128xf32, #tpu.memory_space<hbm>>
    tpu.enqueue_indirect_dma source(%dma_start3A_924 : memref<10240x128xf32, #tpu.memory_space<hbm>>) target(%arg10 : memref<128x128xf32, #tpu.memory_space<vmem>>) offsets(%dma_start3A_921 : memref<128xi32, #tpu.memory_space<vmem>>) semaphore(%arg11 : memref<!tpu.dma_semaphore, #tpu.memory_space<semaphore_mem>>)
    %dma_wait3A_925 = arith.constant 32 : i32
    %dma_wait3A_926 = arith.constant 0 : i32
    %dma_wait3A_927 = tpu.memref_slice %arg7[%dma_wait3A_925, %dma_wait3A_926] : memref<40x128xi32, #tpu.memory_space<vmem>> -> memref<1x128xi32, #tpu.memory_space<vmem>>
    %dma_wait3A_928 = tpu.memref_squeeze %dma_wait3A_927 : memref<1x128xi32, #tpu.memory_space<vmem>> -> memref<128xi32, #tpu.memory_space<vmem>>
    %dma_wait3A_929 = arith.constant 0 : i32
    %dma_wait3A_930 = arith.constant 0 : i32
    %dma_wait3A_931 = tpu.memref_slice %arg3[%dma_wait3A_929, %dma_wait3A_930] : memref<10240x128xf32, #tpu.memory_space<hbm>> -> memref<10240x128xf32, #tpu.memory_space<hbm>>
    tpu.wait_indirect_dma semaphore(%arg11 : memref<!tpu.dma_semaphore, #tpu.memory_space<semaphore_mem>>) src(%dma_wait3A_931 : memref<10240x128xf32, #tpu.memory_space<hbm>>) dst(%arg9 : memref<128x128xf32, #tpu.memory_space<vmem>>)
    %dma_start3A_932 = arith.constant 32 : i32
    %dma_start3A_933 = arith.constant 0 : i32
    %dma_start3A_934 = tpu.memref_slice %arg8[%dma_start3A_932, %dma_start3A_933] : memref<40x128xi32, #tpu.memory_space<vmem>> -> memref<1x128xi32, #tpu.memory_space<vmem>>
    %dma_start3A_935 = tpu.memref_squeeze %dma_start3A_934 : memref<1x128xi32, #tpu.memory_space<vmem>> -> memref<128xi32, #tpu.memory_space<vmem>>
    %dma_start3A_936 = arith.constant 0 : i32
    %dma_start3A_937 = arith.constant 0 : i32
    %dma_start3A_938 = tpu.memref_slice %arg6[%dma_start3A_936, %dma_start3A_937] : memref<10240x128xf32, #tpu.memory_space<vmem_shared>> -> memref<10240x128xf32, #tpu.memory_space<vmem_shared>>
    tpu.enqueue_indirect_dma source(%arg9 : memref<128x128xf32, #tpu.memory_space<vmem>>) target(%dma_start3A_938 : memref<10240x128xf32, #tpu.memory_space<vmem_shared>>) offsets(%dma_start3A_935 : memref<128xi32, #tpu.memory_space<vmem>>) semaphore(%arg12 : memref<!tpu.dma_semaphore, #tpu.memory_space<semaphore_mem>>) {add = true}
    %dma_wait3A_939 = arith.constant 33 : i32
    %dma_wait3A_940 = arith.constant 0 : i32
    %dma_wait3A_941 = tpu.memref_slice %arg7[%dma_wait3A_939, %dma_wait3A_940] : memref<40x128xi32, #tpu.memory_space<vmem>> -> memref<1x128xi32, #tpu.memory_space<vmem>>
    %dma_wait3A_942 = tpu.memref_squeeze %dma_wait3A_941 : memref<1x128xi32, #tpu.memory_space<vmem>> -> memref<128xi32, #tpu.memory_space<vmem>>
    %dma_wait3A_943 = arith.constant 0 : i32
    %dma_wait3A_944 = arith.constant 0 : i32
    %dma_wait3A_945 = tpu.memref_slice %arg3[%dma_wait3A_943, %dma_wait3A_944] : memref<10240x128xf32, #tpu.memory_space<hbm>> -> memref<10240x128xf32, #tpu.memory_space<hbm>>
    tpu.wait_indirect_dma semaphore(%arg11 : memref<!tpu.dma_semaphore, #tpu.memory_space<semaphore_mem>>) src(%dma_wait3A_945 : memref<10240x128xf32, #tpu.memory_space<hbm>>) dst(%arg10 : memref<128x128xf32, #tpu.memory_space<vmem>>)
    %dma_start3A_946 = arith.constant 33 : i32
    %dma_start3A_947 = arith.constant 0 : i32
    %dma_start3A_948 = tpu.memref_slice %arg8[%dma_start3A_946, %dma_start3A_947] : memref<40x128xi32, #tpu.memory_space<vmem>> -> memref<1x128xi32, #tpu.memory_space<vmem>>
    %dma_start3A_949 = tpu.memref_squeeze %dma_start3A_948 : memref<1x128xi32, #tpu.memory_space<vmem>> -> memref<128xi32, #tpu.memory_space<vmem>>
    %dma_start3A_950 = arith.constant 0 : i32
    %dma_start3A_951 = arith.constant 0 : i32
    %dma_start3A_952 = tpu.memref_slice %arg6[%dma_start3A_950, %dma_start3A_951] : memref<10240x128xf32, #tpu.memory_space<vmem_shared>> -> memref<10240x128xf32, #tpu.memory_space<vmem_shared>>
    tpu.enqueue_indirect_dma source(%arg10 : memref<128x128xf32, #tpu.memory_space<vmem>>) target(%dma_start3A_952 : memref<10240x128xf32, #tpu.memory_space<vmem_shared>>) offsets(%dma_start3A_949 : memref<128xi32, #tpu.memory_space<vmem>>) semaphore(%arg12 : memref<!tpu.dma_semaphore, #tpu.memory_space<semaphore_mem>>) {add = true}
    %dma_wait3A_953 = arith.constant 32 : i32
    %dma_wait3A_954 = arith.constant 0 : i32
    %dma_wait3A_955 = tpu.memref_slice %arg8[%dma_wait3A_953, %dma_wait3A_954] : memref<40x128xi32, #tpu.memory_space<vmem>> -> memref<1x128xi32, #tpu.memory_space<vmem>>
    %dma_wait3A_956 = tpu.memref_squeeze %dma_wait3A_955 : memref<1x128xi32, #tpu.memory_space<vmem>> -> memref<128xi32, #tpu.memory_space<vmem>>
    %dma_wait3A_957 = arith.constant 0 : i32
    %dma_wait3A_958 = arith.constant 0 : i32
    %dma_wait3A_959 = tpu.memref_slice %arg6[%dma_wait3A_957, %dma_wait3A_958] : memref<10240x128xf32, #tpu.memory_space<vmem_shared>> -> memref<10240x128xf32, #tpu.memory_space<vmem_shared>>
    tpu.wait_indirect_dma semaphore(%arg12 : memref<!tpu.dma_semaphore, #tpu.memory_space<semaphore_mem>>) src(%arg9 : memref<128x128xf32, #tpu.memory_space<vmem>>) dst(%dma_wait3A_959 : memref<10240x128xf32, #tpu.memory_space<vmem_shared>>)
    %dma_start3A_960 = arith.constant 34 : i32
    %dma_start3A_961 = arith.constant 0 : i32
    %dma_start3A_962 = tpu.memref_slice %arg7[%dma_start3A_960, %dma_start3A_961] : memref<40x128xi32, #tpu.memory_space<vmem>> -> memref<1x128xi32, #tpu.memory_space<vmem>>
    %dma_start3A_963 = tpu.memref_squeeze %dma_start3A_962 : memref<1x128xi32, #tpu.memory_space<vmem>> -> memref<128xi32, #tpu.memory_space<vmem>>
    %dma_start3A_964 = arith.constant 0 : i32
    %dma_start3A_965 = arith.constant 0 : i32
    %dma_start3A_966 = tpu.memref_slice %arg3[%dma_start3A_964, %dma_start3A_965] : memref<10240x128xf32, #tpu.memory_space<hbm>> -> memref<10240x128xf32, #tpu.memory_space<hbm>>
    tpu.enqueue_indirect_dma source(%dma_start3A_966 : memref<10240x128xf32, #tpu.memory_space<hbm>>) target(%arg9 : memref<128x128xf32, #tpu.memory_space<vmem>>) offsets(%dma_start3A_963 : memref<128xi32, #tpu.memory_space<vmem>>) semaphore(%arg11 : memref<!tpu.dma_semaphore, #tpu.memory_space<semaphore_mem>>)
    %dma_wait3A_967 = arith.constant 33 : i32
    %dma_wait3A_968 = arith.constant 0 : i32
    %dma_wait3A_969 = tpu.memref_slice %arg8[%dma_wait3A_967, %dma_wait3A_968] : memref<40x128xi32, #tpu.memory_space<vmem>> -> memref<1x128xi32, #tpu.memory_space<vmem>>
    %dma_wait3A_970 = tpu.memref_squeeze %dma_wait3A_969 : memref<1x128xi32, #tpu.memory_space<vmem>> -> memref<128xi32, #tpu.memory_space<vmem>>
    %dma_wait3A_971 = arith.constant 0 : i32
    %dma_wait3A_972 = arith.constant 0 : i32
    %dma_wait3A_973 = tpu.memref_slice %arg6[%dma_wait3A_971, %dma_wait3A_972] : memref<10240x128xf32, #tpu.memory_space<vmem_shared>> -> memref<10240x128xf32, #tpu.memory_space<vmem_shared>>
    tpu.wait_indirect_dma semaphore(%arg12 : memref<!tpu.dma_semaphore, #tpu.memory_space<semaphore_mem>>) src(%arg10 : memref<128x128xf32, #tpu.memory_space<vmem>>) dst(%dma_wait3A_973 : memref<10240x128xf32, #tpu.memory_space<vmem_shared>>)
    %dma_start3A_974 = arith.constant 35 : i32
    %dma_start3A_975 = arith.constant 0 : i32
    %dma_start3A_976 = tpu.memref_slice %arg7[%dma_start3A_974, %dma_start3A_975] : memref<40x128xi32, #tpu.memory_space<vmem>> -> memref<1x128xi32, #tpu.memory_space<vmem>>
    %dma_start3A_977 = tpu.memref_squeeze %dma_start3A_976 : memref<1x128xi32, #tpu.memory_space<vmem>> -> memref<128xi32, #tpu.memory_space<vmem>>
    %dma_start3A_978 = arith.constant 0 : i32
    %dma_start3A_979 = arith.constant 0 : i32
    %dma_start3A_980 = tpu.memref_slice %arg3[%dma_start3A_978, %dma_start3A_979] : memref<10240x128xf32, #tpu.memory_space<hbm>> -> memref<10240x128xf32, #tpu.memory_space<hbm>>
    tpu.enqueue_indirect_dma source(%dma_start3A_980 : memref<10240x128xf32, #tpu.memory_space<hbm>>) target(%arg10 : memref<128x128xf32, #tpu.memory_space<vmem>>) offsets(%dma_start3A_977 : memref<128xi32, #tpu.memory_space<vmem>>) semaphore(%arg11 : memref<!tpu.dma_semaphore, #tpu.memory_space<semaphore_mem>>)
    %dma_wait3A_981 = arith.constant 34 : i32
    %dma_wait3A_982 = arith.constant 0 : i32
    %dma_wait3A_983 = tpu.memref_slice %arg7[%dma_wait3A_981, %dma_wait3A_982] : memref<40x128xi32, #tpu.memory_space<vmem>> -> memref<1x128xi32, #tpu.memory_space<vmem>>
    %dma_wait3A_984 = tpu.memref_squeeze %dma_wait3A_983 : memref<1x128xi32, #tpu.memory_space<vmem>> -> memref<128xi32, #tpu.memory_space<vmem>>
    %dma_wait3A_985 = arith.constant 0 : i32
    %dma_wait3A_986 = arith.constant 0 : i32
    %dma_wait3A_987 = tpu.memref_slice %arg3[%dma_wait3A_985, %dma_wait3A_986] : memref<10240x128xf32, #tpu.memory_space<hbm>> -> memref<10240x128xf32, #tpu.memory_space<hbm>>
    tpu.wait_indirect_dma semaphore(%arg11 : memref<!tpu.dma_semaphore, #tpu.memory_space<semaphore_mem>>) src(%dma_wait3A_987 : memref<10240x128xf32, #tpu.memory_space<hbm>>) dst(%arg9 : memref<128x128xf32, #tpu.memory_space<vmem>>)
    %dma_start3A_988 = arith.constant 34 : i32
    %dma_start3A_989 = arith.constant 0 : i32
    %dma_start3A_990 = tpu.memref_slice %arg8[%dma_start3A_988, %dma_start3A_989] : memref<40x128xi32, #tpu.memory_space<vmem>> -> memref<1x128xi32, #tpu.memory_space<vmem>>
    %dma_start3A_991 = tpu.memref_squeeze %dma_start3A_990 : memref<1x128xi32, #tpu.memory_space<vmem>> -> memref<128xi32, #tpu.memory_space<vmem>>
    %dma_start3A_992 = arith.constant 0 : i32
    %dma_start3A_993 = arith.constant 0 : i32
    %dma_start3A_994 = tpu.memref_slice %arg6[%dma_start3A_992, %dma_start3A_993] : memref<10240x128xf32, #tpu.memory_space<vmem_shared>> -> memref<10240x128xf32, #tpu.memory_space<vmem_shared>>
    tpu.enqueue_indirect_dma source(%arg9 : memref<128x128xf32, #tpu.memory_space<vmem>>) target(%dma_start3A_994 : memref<10240x128xf32, #tpu.memory_space<vmem_shared>>) offsets(%dma_start3A_991 : memref<128xi32, #tpu.memory_space<vmem>>) semaphore(%arg12 : memref<!tpu.dma_semaphore, #tpu.memory_space<semaphore_mem>>) {add = true}
    %dma_wait3A_995 = arith.constant 35 : i32
    %dma_wait3A_996 = arith.constant 0 : i32
    %dma_wait3A_997 = tpu.memref_slice %arg7[%dma_wait3A_995, %dma_wait3A_996] : memref<40x128xi32, #tpu.memory_space<vmem>> -> memref<1x128xi32, #tpu.memory_space<vmem>>
    %dma_wait3A_998 = tpu.memref_squeeze %dma_wait3A_997 : memref<1x128xi32, #tpu.memory_space<vmem>> -> memref<128xi32, #tpu.memory_space<vmem>>
    %dma_wait3A_999 = arith.constant 0 : i32
    %dma_wait3A_1000 = arith.constant 0 : i32
    %dma_wait3A_1001 = tpu.memref_slice %arg3[%dma_wait3A_999, %dma_wait3A_1000] : memref<10240x128xf32, #tpu.memory_space<hbm>> -> memref<10240x128xf32, #tpu.memory_space<hbm>>
    tpu.wait_indirect_dma semaphore(%arg11 : memref<!tpu.dma_semaphore, #tpu.memory_space<semaphore_mem>>) src(%dma_wait3A_1001 : memref<10240x128xf32, #tpu.memory_space<hbm>>) dst(%arg10 : memref<128x128xf32, #tpu.memory_space<vmem>>)
    %dma_start3A_1002 = arith.constant 35 : i32
    %dma_start3A_1003 = arith.constant 0 : i32
    %dma_start3A_1004 = tpu.memref_slice %arg8[%dma_start3A_1002, %dma_start3A_1003] : memref<40x128xi32, #tpu.memory_space<vmem>> -> memref<1x128xi32, #tpu.memory_space<vmem>>
    %dma_start3A_1005 = tpu.memref_squeeze %dma_start3A_1004 : memref<1x128xi32, #tpu.memory_space<vmem>> -> memref<128xi32, #tpu.memory_space<vmem>>
    %dma_start3A_1006 = arith.constant 0 : i32
    %dma_start3A_1007 = arith.constant 0 : i32
    %dma_start3A_1008 = tpu.memref_slice %arg6[%dma_start3A_1006, %dma_start3A_1007] : memref<10240x128xf32, #tpu.memory_space<vmem_shared>> -> memref<10240x128xf32, #tpu.memory_space<vmem_shared>>
    tpu.enqueue_indirect_dma source(%arg10 : memref<128x128xf32, #tpu.memory_space<vmem>>) target(%dma_start3A_1008 : memref<10240x128xf32, #tpu.memory_space<vmem_shared>>) offsets(%dma_start3A_1005 : memref<128xi32, #tpu.memory_space<vmem>>) semaphore(%arg12 : memref<!tpu.dma_semaphore, #tpu.memory_space<semaphore_mem>>) {add = true}
    %dma_wait3A_1009 = arith.constant 34 : i32
    %dma_wait3A_1010 = arith.constant 0 : i32
    %dma_wait3A_1011 = tpu.memref_slice %arg8[%dma_wait3A_1009, %dma_wait3A_1010] : memref<40x128xi32, #tpu.memory_space<vmem>> -> memref<1x128xi32, #tpu.memory_space<vmem>>
    %dma_wait3A_1012 = tpu.memref_squeeze %dma_wait3A_1011 : memref<1x128xi32, #tpu.memory_space<vmem>> -> memref<128xi32, #tpu.memory_space<vmem>>
    %dma_wait3A_1013 = arith.constant 0 : i32
    %dma_wait3A_1014 = arith.constant 0 : i32
    %dma_wait3A_1015 = tpu.memref_slice %arg6[%dma_wait3A_1013, %dma_wait3A_1014] : memref<10240x128xf32, #tpu.memory_space<vmem_shared>> -> memref<10240x128xf32, #tpu.memory_space<vmem_shared>>
    tpu.wait_indirect_dma semaphore(%arg12 : memref<!tpu.dma_semaphore, #tpu.memory_space<semaphore_mem>>) src(%arg9 : memref<128x128xf32, #tpu.memory_space<vmem>>) dst(%dma_wait3A_1015 : memref<10240x128xf32, #tpu.memory_space<vmem_shared>>)
    %dma_start3A_1016 = arith.constant 36 : i32
    %dma_start3A_1017 = arith.constant 0 : i32
    %dma_start3A_1018 = tpu.memref_slice %arg7[%dma_start3A_1016, %dma_start3A_1017] : memref<40x128xi32, #tpu.memory_space<vmem>> -> memref<1x128xi32, #tpu.memory_space<vmem>>
    %dma_start3A_1019 = tpu.memref_squeeze %dma_start3A_1018 : memref<1x128xi32, #tpu.memory_space<vmem>> -> memref<128xi32, #tpu.memory_space<vmem>>
    %dma_start3A_1020 = arith.constant 0 : i32
    %dma_start3A_1021 = arith.constant 0 : i32
    %dma_start3A_1022 = tpu.memref_slice %arg3[%dma_start3A_1020, %dma_start3A_1021] : memref<10240x128xf32, #tpu.memory_space<hbm>> -> memref<10240x128xf32, #tpu.memory_space<hbm>>
    tpu.enqueue_indirect_dma source(%dma_start3A_1022 : memref<10240x128xf32, #tpu.memory_space<hbm>>) target(%arg9 : memref<128x128xf32, #tpu.memory_space<vmem>>) offsets(%dma_start3A_1019 : memref<128xi32, #tpu.memory_space<vmem>>) semaphore(%arg11 : memref<!tpu.dma_semaphore, #tpu.memory_space<semaphore_mem>>)
    %dma_wait3A_1023 = arith.constant 35 : i32
    %dma_wait3A_1024 = arith.constant 0 : i32
    %dma_wait3A_1025 = tpu.memref_slice %arg8[%dma_wait3A_1023, %dma_wait3A_1024] : memref<40x128xi32, #tpu.memory_space<vmem>> -> memref<1x128xi32, #tpu.memory_space<vmem>>
    %dma_wait3A_1026 = tpu.memref_squeeze %dma_wait3A_1025 : memref<1x128xi32, #tpu.memory_space<vmem>> -> memref<128xi32, #tpu.memory_space<vmem>>
    %dma_wait3A_1027 = arith.constant 0 : i32
    %dma_wait3A_1028 = arith.constant 0 : i32
    %dma_wait3A_1029 = tpu.memref_slice %arg6[%dma_wait3A_1027, %dma_wait3A_1028] : memref<10240x128xf32, #tpu.memory_space<vmem_shared>> -> memref<10240x128xf32, #tpu.memory_space<vmem_shared>>
    tpu.wait_indirect_dma semaphore(%arg12 : memref<!tpu.dma_semaphore, #tpu.memory_space<semaphore_mem>>) src(%arg10 : memref<128x128xf32, #tpu.memory_space<vmem>>) dst(%dma_wait3A_1029 : memref<10240x128xf32, #tpu.memory_space<vmem_shared>>)
    %dma_start3A_1030 = arith.constant 37 : i32
    %dma_start3A_1031 = arith.constant 0 : i32
    %dma_start3A_1032 = tpu.memref_slice %arg7[%dma_start3A_1030, %dma_start3A_1031] : memref<40x128xi32, #tpu.memory_space<vmem>> -> memref<1x128xi32, #tpu.memory_space<vmem>>
    %dma_start3A_1033 = tpu.memref_squeeze %dma_start3A_1032 : memref<1x128xi32, #tpu.memory_space<vmem>> -> memref<128xi32, #tpu.memory_space<vmem>>
    %dma_start3A_1034 = arith.constant 0 : i32
    %dma_start3A_1035 = arith.constant 0 : i32
    %dma_start3A_1036 = tpu.memref_slice %arg3[%dma_start3A_1034, %dma_start3A_1035] : memref<10240x128xf32, #tpu.memory_space<hbm>> -> memref<10240x128xf32, #tpu.memory_space<hbm>>
    tpu.enqueue_indirect_dma source(%dma_start3A_1036 : memref<10240x128xf32, #tpu.memory_space<hbm>>) target(%arg10 : memref<128x128xf32, #tpu.memory_space<vmem>>) offsets(%dma_start3A_1033 : memref<128xi32, #tpu.memory_space<vmem>>) semaphore(%arg11 : memref<!tpu.dma_semaphore, #tpu.memory_space<semaphore_mem>>)
    %dma_wait3A_1037 = arith.constant 36 : i32
    %dma_wait3A_1038 = arith.constant 0 : i32
    %dma_wait3A_1039 = tpu.memref_slice %arg7[%dma_wait3A_1037, %dma_wait3A_1038] : memref<40x128xi32, #tpu.memory_space<vmem>> -> memref<1x128xi32, #tpu.memory_space<vmem>>
    %dma_wait3A_1040 = tpu.memref_squeeze %dma_wait3A_1039 : memref<1x128xi32, #tpu.memory_space<vmem>> -> memref<128xi32, #tpu.memory_space<vmem>>
    %dma_wait3A_1041 = arith.constant 0 : i32
    %dma_wait3A_1042 = arith.constant 0 : i32
    %dma_wait3A_1043 = tpu.memref_slice %arg3[%dma_wait3A_1041, %dma_wait3A_1042] : memref<10240x128xf32, #tpu.memory_space<hbm>> -> memref<10240x128xf32, #tpu.memory_space<hbm>>
    tpu.wait_indirect_dma semaphore(%arg11 : memref<!tpu.dma_semaphore, #tpu.memory_space<semaphore_mem>>) src(%dma_wait3A_1043 : memref<10240x128xf32, #tpu.memory_space<hbm>>) dst(%arg9 : memref<128x128xf32, #tpu.memory_space<vmem>>)
    %dma_start3A_1044 = arith.constant 36 : i32
    %dma_start3A_1045 = arith.constant 0 : i32
    %dma_start3A_1046 = tpu.memref_slice %arg8[%dma_start3A_1044, %dma_start3A_1045] : memref<40x128xi32, #tpu.memory_space<vmem>> -> memref<1x128xi32, #tpu.memory_space<vmem>>
    %dma_start3A_1047 = tpu.memref_squeeze %dma_start3A_1046 : memref<1x128xi32, #tpu.memory_space<vmem>> -> memref<128xi32, #tpu.memory_space<vmem>>
    %dma_start3A_1048 = arith.constant 0 : i32
    %dma_start3A_1049 = arith.constant 0 : i32
    %dma_start3A_1050 = tpu.memref_slice %arg6[%dma_start3A_1048, %dma_start3A_1049] : memref<10240x128xf32, #tpu.memory_space<vmem_shared>> -> memref<10240x128xf32, #tpu.memory_space<vmem_shared>>
    tpu.enqueue_indirect_dma source(%arg9 : memref<128x128xf32, #tpu.memory_space<vmem>>) target(%dma_start3A_1050 : memref<10240x128xf32, #tpu.memory_space<vmem_shared>>) offsets(%dma_start3A_1047 : memref<128xi32, #tpu.memory_space<vmem>>) semaphore(%arg12 : memref<!tpu.dma_semaphore, #tpu.memory_space<semaphore_mem>>) {add = true}
    %dma_wait3A_1051 = arith.constant 37 : i32
    %dma_wait3A_1052 = arith.constant 0 : i32
    %dma_wait3A_1053 = tpu.memref_slice %arg7[%dma_wait3A_1051, %dma_wait3A_1052] : memref<40x128xi32, #tpu.memory_space<vmem>> -> memref<1x128xi32, #tpu.memory_space<vmem>>
    %dma_wait3A_1054 = tpu.memref_squeeze %dma_wait3A_1053 : memref<1x128xi32, #tpu.memory_space<vmem>> -> memref<128xi32, #tpu.memory_space<vmem>>
    %dma_wait3A_1055 = arith.constant 0 : i32
    %dma_wait3A_1056 = arith.constant 0 : i32
    %dma_wait3A_1057 = tpu.memref_slice %arg3[%dma_wait3A_1055, %dma_wait3A_1056] : memref<10240x128xf32, #tpu.memory_space<hbm>> -> memref<10240x128xf32, #tpu.memory_space<hbm>>
    tpu.wait_indirect_dma semaphore(%arg11 : memref<!tpu.dma_semaphore, #tpu.memory_space<semaphore_mem>>) src(%dma_wait3A_1057 : memref<10240x128xf32, #tpu.memory_space<hbm>>) dst(%arg10 : memref<128x128xf32, #tpu.memory_space<vmem>>)
    %dma_start3A_1058 = arith.constant 37 : i32
    %dma_start3A_1059 = arith.constant 0 : i32
    %dma_start3A_1060 = tpu.memref_slice %arg8[%dma_start3A_1058, %dma_start3A_1059] : memref<40x128xi32, #tpu.memory_space<vmem>> -> memref<1x128xi32, #tpu.memory_space<vmem>>
    %dma_start3A_1061 = tpu.memref_squeeze %dma_start3A_1060 : memref<1x128xi32, #tpu.memory_space<vmem>> -> memref<128xi32, #tpu.memory_space<vmem>>
    %dma_start3A_1062 = arith.constant 0 : i32
    %dma_start3A_1063 = arith.constant 0 : i32
    %dma_start3A_1064 = tpu.memref_slice %arg6[%dma_start3A_1062, %dma_start3A_1063] : memref<10240x128xf32, #tpu.memory_space<vmem_shared>> -> memref<10240x128xf32, #tpu.memory_space<vmem_shared>>
    tpu.enqueue_indirect_dma source(%arg10 : memref<128x128xf32, #tpu.memory_space<vmem>>) target(%dma_start3A_1064 : memref<10240x128xf32, #tpu.memory_space<vmem_shared>>) offsets(%dma_start3A_1061 : memref<128xi32, #tpu.memory_space<vmem>>) semaphore(%arg12 : memref<!tpu.dma_semaphore, #tpu.memory_space<semaphore_mem>>) {add = true}
    %dma_wait3A_1065 = arith.constant 36 : i32
    %dma_wait3A_1066 = arith.constant 0 : i32
    %dma_wait3A_1067 = tpu.memref_slice %arg8[%dma_wait3A_1065, %dma_wait3A_1066] : memref<40x128xi32, #tpu.memory_space<vmem>> -> memref<1x128xi32, #tpu.memory_space<vmem>>
    %dma_wait3A_1068 = tpu.memref_squeeze %dma_wait3A_1067 : memref<1x128xi32, #tpu.memory_space<vmem>> -> memref<128xi32, #tpu.memory_space<vmem>>
    %dma_wait3A_1069 = arith.constant 0 : i32
    %dma_wait3A_1070 = arith.constant 0 : i32
    %dma_wait3A_1071 = tpu.memref_slice %arg6[%dma_wait3A_1069, %dma_wait3A_1070] : memref<10240x128xf32, #tpu.memory_space<vmem_shared>> -> memref<10240x128xf32, #tpu.memory_space<vmem_shared>>
    tpu.wait_indirect_dma semaphore(%arg12 : memref<!tpu.dma_semaphore, #tpu.memory_space<semaphore_mem>>) src(%arg9 : memref<128x128xf32, #tpu.memory_space<vmem>>) dst(%dma_wait3A_1071 : memref<10240x128xf32, #tpu.memory_space<vmem_shared>>)
    %dma_start3A_1072 = arith.constant 38 : i32
    %dma_start3A_1073 = arith.constant 0 : i32
    %dma_start3A_1074 = tpu.memref_slice %arg7[%dma_start3A_1072, %dma_start3A_1073] : memref<40x128xi32, #tpu.memory_space<vmem>> -> memref<1x128xi32, #tpu.memory_space<vmem>>
    %dma_start3A_1075 = tpu.memref_squeeze %dma_start3A_1074 : memref<1x128xi32, #tpu.memory_space<vmem>> -> memref<128xi32, #tpu.memory_space<vmem>>
    %dma_start3A_1076 = arith.constant 0 : i32
    %dma_start3A_1077 = arith.constant 0 : i32
    %dma_start3A_1078 = tpu.memref_slice %arg3[%dma_start3A_1076, %dma_start3A_1077] : memref<10240x128xf32, #tpu.memory_space<hbm>> -> memref<10240x128xf32, #tpu.memory_space<hbm>>
    tpu.enqueue_indirect_dma source(%dma_start3A_1078 : memref<10240x128xf32, #tpu.memory_space<hbm>>) target(%arg9 : memref<128x128xf32, #tpu.memory_space<vmem>>) offsets(%dma_start3A_1075 : memref<128xi32, #tpu.memory_space<vmem>>) semaphore(%arg11 : memref<!tpu.dma_semaphore, #tpu.memory_space<semaphore_mem>>)
    %dma_wait3A_1079 = arith.constant 37 : i32
    %dma_wait3A_1080 = arith.constant 0 : i32
    %dma_wait3A_1081 = tpu.memref_slice %arg8[%dma_wait3A_1079, %dma_wait3A_1080] : memref<40x128xi32, #tpu.memory_space<vmem>> -> memref<1x128xi32, #tpu.memory_space<vmem>>
    %dma_wait3A_1082 = tpu.memref_squeeze %dma_wait3A_1081 : memref<1x128xi32, #tpu.memory_space<vmem>> -> memref<128xi32, #tpu.memory_space<vmem>>
    %dma_wait3A_1083 = arith.constant 0 : i32
    %dma_wait3A_1084 = arith.constant 0 : i32
    %dma_wait3A_1085 = tpu.memref_slice %arg6[%dma_wait3A_1083, %dma_wait3A_1084] : memref<10240x128xf32, #tpu.memory_space<vmem_shared>> -> memref<10240x128xf32, #tpu.memory_space<vmem_shared>>
    tpu.wait_indirect_dma semaphore(%arg12 : memref<!tpu.dma_semaphore, #tpu.memory_space<semaphore_mem>>) src(%arg10 : memref<128x128xf32, #tpu.memory_space<vmem>>) dst(%dma_wait3A_1085 : memref<10240x128xf32, #tpu.memory_space<vmem_shared>>)
    %dma_start3A_1086 = arith.constant 39 : i32
    %dma_start3A_1087 = arith.constant 0 : i32
    %dma_start3A_1088 = tpu.memref_slice %arg7[%dma_start3A_1086, %dma_start3A_1087] : memref<40x128xi32, #tpu.memory_space<vmem>> -> memref<1x128xi32, #tpu.memory_space<vmem>>
    %dma_start3A_1089 = tpu.memref_squeeze %dma_start3A_1088 : memref<1x128xi32, #tpu.memory_space<vmem>> -> memref<128xi32, #tpu.memory_space<vmem>>
    %dma_start3A_1090 = arith.constant 0 : i32
    %dma_start3A_1091 = arith.constant 0 : i32
    %dma_start3A_1092 = tpu.memref_slice %arg3[%dma_start3A_1090, %dma_start3A_1091] : memref<10240x128xf32, #tpu.memory_space<hbm>> -> memref<10240x128xf32, #tpu.memory_space<hbm>>
    tpu.enqueue_indirect_dma source(%dma_start3A_1092 : memref<10240x128xf32, #tpu.memory_space<hbm>>) target(%arg10 : memref<128x128xf32, #tpu.memory_space<vmem>>) offsets(%dma_start3A_1089 : memref<128xi32, #tpu.memory_space<vmem>>) semaphore(%arg11 : memref<!tpu.dma_semaphore, #tpu.memory_space<semaphore_mem>>)
    %dma_wait3A_1093 = arith.constant 38 : i32
    %dma_wait3A_1094 = arith.constant 0 : i32
    %dma_wait3A_1095 = tpu.memref_slice %arg7[%dma_wait3A_1093, %dma_wait3A_1094] : memref<40x128xi32, #tpu.memory_space<vmem>> -> memref<1x128xi32, #tpu.memory_space<vmem>>
    %dma_wait3A_1096 = tpu.memref_squeeze %dma_wait3A_1095 : memref<1x128xi32, #tpu.memory_space<vmem>> -> memref<128xi32, #tpu.memory_space<vmem>>
    %dma_wait3A_1097 = arith.constant 0 : i32
    %dma_wait3A_1098 = arith.constant 0 : i32
    %dma_wait3A_1099 = tpu.memref_slice %arg3[%dma_wait3A_1097, %dma_wait3A_1098] : memref<10240x128xf32, #tpu.memory_space<hbm>> -> memref<10240x128xf32, #tpu.memory_space<hbm>>
    tpu.wait_indirect_dma semaphore(%arg11 : memref<!tpu.dma_semaphore, #tpu.memory_space<semaphore_mem>>) src(%dma_wait3A_1099 : memref<10240x128xf32, #tpu.memory_space<hbm>>) dst(%arg9 : memref<128x128xf32, #tpu.memory_space<vmem>>)
    %dma_start3A_1100 = arith.constant 38 : i32
    %dma_start3A_1101 = arith.constant 0 : i32
    %dma_start3A_1102 = tpu.memref_slice %arg8[%dma_start3A_1100, %dma_start3A_1101] : memref<40x128xi32, #tpu.memory_space<vmem>> -> memref<1x128xi32, #tpu.memory_space<vmem>>
    %dma_start3A_1103 = tpu.memref_squeeze %dma_start3A_1102 : memref<1x128xi32, #tpu.memory_space<vmem>> -> memref<128xi32, #tpu.memory_space<vmem>>
    %dma_start3A_1104 = arith.constant 0 : i32
    %dma_start3A_1105 = arith.constant 0 : i32
    %dma_start3A_1106 = tpu.memref_slice %arg6[%dma_start3A_1104, %dma_start3A_1105] : memref<10240x128xf32, #tpu.memory_space<vmem_shared>> -> memref<10240x128xf32, #tpu.memory_space<vmem_shared>>
    tpu.enqueue_indirect_dma source(%arg9 : memref<128x128xf32, #tpu.memory_space<vmem>>) target(%dma_start3A_1106 : memref<10240x128xf32, #tpu.memory_space<vmem_shared>>) offsets(%dma_start3A_1103 : memref<128xi32, #tpu.memory_space<vmem>>) semaphore(%arg12 : memref<!tpu.dma_semaphore, #tpu.memory_space<semaphore_mem>>) {add = true}
    %dma_wait3A_1107 = arith.constant 39 : i32
    %dma_wait3A_1108 = arith.constant 0 : i32
    %dma_wait3A_1109 = tpu.memref_slice %arg7[%dma_wait3A_1107, %dma_wait3A_1108] : memref<40x128xi32, #tpu.memory_space<vmem>> -> memref<1x128xi32, #tpu.memory_space<vmem>>
    %dma_wait3A_1110 = tpu.memref_squeeze %dma_wait3A_1109 : memref<1x128xi32, #tpu.memory_space<vmem>> -> memref<128xi32, #tpu.memory_space<vmem>>
    %dma_wait3A_1111 = arith.constant 0 : i32
    %dma_wait3A_1112 = arith.constant 0 : i32
    %dma_wait3A_1113 = tpu.memref_slice %arg3[%dma_wait3A_1111, %dma_wait3A_1112] : memref<10240x128xf32, #tpu.memory_space<hbm>> -> memref<10240x128xf32, #tpu.memory_space<hbm>>
    tpu.wait_indirect_dma semaphore(%arg11 : memref<!tpu.dma_semaphore, #tpu.memory_space<semaphore_mem>>) src(%dma_wait3A_1113 : memref<10240x128xf32, #tpu.memory_space<hbm>>) dst(%arg10 : memref<128x128xf32, #tpu.memory_space<vmem>>)
    %dma_start3A_1114 = arith.constant 39 : i32
    %dma_start3A_1115 = arith.constant 0 : i32
    %dma_start3A_1116 = tpu.memref_slice %arg8[%dma_start3A_1114, %dma_start3A_1115] : memref<40x128xi32, #tpu.memory_space<vmem>> -> memref<1x128xi32, #tpu.memory_space<vmem>>
    %dma_start3A_1117 = tpu.memref_squeeze %dma_start3A_1116 : memref<1x128xi32, #tpu.memory_space<vmem>> -> memref<128xi32, #tpu.memory_space<vmem>>
    %dma_start3A_1118 = arith.constant 0 : i32
    %dma_start3A_1119 = arith.constant 0 : i32
    %dma_start3A_1120 = tpu.memref_slice %arg6[%dma_start3A_1118, %dma_start3A_1119] : memref<10240x128xf32, #tpu.memory_space<vmem_shared>> -> memref<10240x128xf32, #tpu.memory_space<vmem_shared>>
    tpu.enqueue_indirect_dma source(%arg10 : memref<128x128xf32, #tpu.memory_space<vmem>>) target(%dma_start3A_1120 : memref<10240x128xf32, #tpu.memory_space<vmem_shared>>) offsets(%dma_start3A_1117 : memref<128xi32, #tpu.memory_space<vmem>>) semaphore(%arg12 : memref<!tpu.dma_semaphore, #tpu.memory_space<semaphore_mem>>) {add = true}
    %dma_wait3A_1121 = arith.constant 38 : i32
    %dma_wait3A_1122 = arith.constant 0 : i32
    %dma_wait3A_1123 = tpu.memref_slice %arg8[%dma_wait3A_1121, %dma_wait3A_1122] : memref<40x128xi32, #tpu.memory_space<vmem>> -> memref<1x128xi32, #tpu.memory_space<vmem>>
    %dma_wait3A_1124 = tpu.memref_squeeze %dma_wait3A_1123 : memref<1x128xi32, #tpu.memory_space<vmem>> -> memref<128xi32, #tpu.memory_space<vmem>>
    %dma_wait3A_1125 = arith.constant 0 : i32
    %dma_wait3A_1126 = arith.constant 0 : i32
    %dma_wait3A_1127 = tpu.memref_slice %arg6[%dma_wait3A_1125, %dma_wait3A_1126] : memref<10240x128xf32, #tpu.memory_space<vmem_shared>> -> memref<10240x128xf32, #tpu.memory_space<vmem_shared>>
    tpu.wait_indirect_dma semaphore(%arg12 : memref<!tpu.dma_semaphore, #tpu.memory_space<semaphore_mem>>) src(%arg9 : memref<128x128xf32, #tpu.memory_space<vmem>>) dst(%dma_wait3A_1127 : memref<10240x128xf32, #tpu.memory_space<vmem_shared>>)
    %dma_wait3A_1128 = arith.constant 39 : i32
    %dma_wait3A_1129 = arith.constant 0 : i32
    %dma_wait3A_1130 = tpu.memref_slice %arg8[%dma_wait3A_1128, %dma_wait3A_1129] : memref<40x128xi32, #tpu.memory_space<vmem>> -> memref<1x128xi32, #tpu.memory_space<vmem>>
    %dma_wait3A_1131 = tpu.memref_squeeze %dma_wait3A_1130 : memref<1x128xi32, #tpu.memory_space<vmem>> -> memref<128xi32, #tpu.memory_space<vmem>>
    %dma_wait3A_1132 = arith.constant 0 : i32
    %dma_wait3A_1133 = arith.constant 0 : i32
    %dma_wait3A_1134 = tpu.memref_slice %arg6[%dma_wait3A_1132, %dma_wait3A_1133] : memref<10240x128xf32, #tpu.memory_space<vmem_shared>> -> memref<10240x128xf32, #tpu.memory_space<vmem_shared>>
    tpu.wait_indirect_dma semaphore(%arg12 : memref<!tpu.dma_semaphore, #tpu.memory_space<semaphore_mem>>) src(%arg10 : memref<128x128xf32, #tpu.memory_space<vmem>>) dst(%dma_wait3A_1134 : memref<10240x128xf32, #tpu.memory_space<vmem_shared>>)
    %mul3A_1135 = arith.constant 80 : i32
    %mul3A_1136 = arith.muli %add3A, %mul3A_1135 : i32
    %add3A_1137 = arith.constant 40 : i32
    %add3A_1138 = arith.addi %mul3A_1136, %add3A_1137 : i32
    %run_scoped3A_1139 = arith.constant 0 : i32
    "tpu.region"() ({
      %run_scoped3A_2269 = tpu.sem_alloc : memref<!tpu.dma_semaphore, #tpu.memory_space<semaphore_mem>>
      %dma_start3A_2270 = arith.constant 0 : i32
      %dma_start3A_2271 = tpu.memref_slice %arg2[%run_scoped3A_1139, %add3A_1138, %dma_start3A_2270] : memref<2x2560x128xi32, #tpu.memory_space<hbm>> -> memref<1x40x128xi32, #tpu.memory_space<hbm>>
      %dma_start3A_2272 = tpu.memref_squeeze %dma_start3A_2271 : memref<1x40x128xi32, #tpu.memory_space<hbm>> -> memref<40x128xi32, #tpu.memory_space<hbm>>
      %dma_start3A_2273 = arith.constant 0 : i32
      %dma_start3A_2274 = tpu.memref_slice %arg2[%run_scoped3A_1139, %add3A_1138, %dma_start3A_2273] : memref<2x2560x128xi32, #tpu.memory_space<hbm>> -> memref<1x40x128xi32, #tpu.memory_space<hbm>>
      %dma_start3A_2275 = tpu.memref_squeeze %dma_start3A_2274 : memref<1x40x128xi32, #tpu.memory_space<hbm>> -> memref<40x128xi32, #tpu.memory_space<hbm>>
      tpu.enqueue_dma source(%dma_start3A_2275 : memref<40x128xi32, #tpu.memory_space<hbm>>) target(%arg7 : memref<40x128xi32, #tpu.memory_space<vmem>>) target_semaphore(%run_scoped3A_2269 : memref<!tpu.dma_semaphore, #tpu.memory_space<semaphore_mem>>)
      %dma_wait3A_2276 = arith.constant 0 : i32
      %dma_wait3A_2277 = tpu.memref_slice %arg2[%run_scoped3A_1139, %add3A_1138, %dma_wait3A_2276] : memref<2x2560x128xi32, #tpu.memory_space<hbm>> -> memref<1x40x128xi32, #tpu.memory_space<hbm>>
      %dma_wait3A_2278 = tpu.memref_squeeze %dma_wait3A_2277 : memref<1x40x128xi32, #tpu.memory_space<hbm>> -> memref<40x128xi32, #tpu.memory_space<hbm>>
      %dma_wait3A_2279 = arith.constant 0 : i32
      %dma_wait3A_2280 = tpu.memref_slice %arg2[%run_scoped3A_1139, %add3A_1138, %dma_wait3A_2279] : memref<2x2560x128xi32, #tpu.memory_space<hbm>> -> memref<1x40x128xi32, #tpu.memory_space<hbm>>
      %dma_wait3A_2281 = tpu.memref_squeeze %dma_wait3A_2280 : memref<1x40x128xi32, #tpu.memory_space<hbm>> -> memref<40x128xi32, #tpu.memory_space<hbm>>
      tpu.wait_dma2 semaphore(%run_scoped3A_2269 : memref<!tpu.dma_semaphore, #tpu.memory_space<semaphore_mem>>) src(%dma_wait3A_2281 : memref<40x128xi32, #tpu.memory_space<hbm>>) dst(%arg7 : memref<40x128xi32, #tpu.memory_space<vmem>>)
      tpu.yield
    }) : () -> ()
    %run_scoped3A_1140 = arith.constant 1 : i32
    "tpu.region"() ({
      %run_scoped3A_2269 = tpu.sem_alloc : memref<!tpu.dma_semaphore, #tpu.memory_space<semaphore_mem>>
      %dma_start3A_2270 = arith.constant 0 : i32
      %dma_start3A_2271 = tpu.memref_slice %arg2[%run_scoped3A_1140, %add3A_1138, %dma_start3A_2270] : memref<2x2560x128xi32, #tpu.memory_space<hbm>> -> memref<1x40x128xi32, #tpu.memory_space<hbm>>
      %dma_start3A_2272 = tpu.memref_squeeze %dma_start3A_2271 : memref<1x40x128xi32, #tpu.memory_space<hbm>> -> memref<40x128xi32, #tpu.memory_space<hbm>>
      %dma_start3A_2273 = arith.constant 0 : i32
      %dma_start3A_2274 = tpu.memref_slice %arg2[%run_scoped3A_1140, %add3A_1138, %dma_start3A_2273] : memref<2x2560x128xi32, #tpu.memory_space<hbm>> -> memref<1x40x128xi32, #tpu.memory_space<hbm>>
      %dma_start3A_2275 = tpu.memref_squeeze %dma_start3A_2274 : memref<1x40x128xi32, #tpu.memory_space<hbm>> -> memref<40x128xi32, #tpu.memory_space<hbm>>
      tpu.enqueue_dma source(%dma_start3A_2275 : memref<40x128xi32, #tpu.memory_space<hbm>>) target(%arg8 : memref<40x128xi32, #tpu.memory_space<vmem>>) target_semaphore(%run_scoped3A_2269 : memref<!tpu.dma_semaphore, #tpu.memory_space<semaphore_mem>>)
      %dma_wait3A_2276 = arith.constant 0 : i32
      %dma_wait3A_2277 = tpu.memref_slice %arg2[%run_scoped3A_1140, %add3A_1138, %dma_wait3A_2276] : memref<2x2560x128xi32, #tpu.memory_space<hbm>> -> memref<1x40x128xi32, #tpu.memory_space<hbm>>
      %dma_wait3A_2278 = tpu.memref_squeeze %dma_wait3A_2277 : memref<1x40x128xi32, #tpu.memory_space<hbm>> -> memref<40x128xi32, #tpu.memory_space<hbm>>
      %dma_wait3A_2279 = arith.constant 0 : i32
      %dma_wait3A_2280 = tpu.memref_slice %arg2[%run_scoped3A_1140, %add3A_1138, %dma_wait3A_2279] : memref<2x2560x128xi32, #tpu.memory_space<hbm>> -> memref<1x40x128xi32, #tpu.memory_space<hbm>>
      %dma_wait3A_2281 = tpu.memref_squeeze %dma_wait3A_2280 : memref<1x40x128xi32, #tpu.memory_space<hbm>> -> memref<40x128xi32, #tpu.memory_space<hbm>>
      tpu.wait_dma2 semaphore(%run_scoped3A_2269 : memref<!tpu.dma_semaphore, #tpu.memory_space<semaphore_mem>>) src(%dma_wait3A_2281 : memref<40x128xi32, #tpu.memory_space<hbm>>) dst(%arg8 : memref<40x128xi32, #tpu.memory_space<vmem>>)
      tpu.yield
    }) : () -> ()
    %dma_start3A_1141 = arith.constant 0 : i32
    %dma_start3A_1142 = arith.constant 0 : i32
    %dma_start3A_1143 = tpu.memref_slice %arg7[%dma_start3A_1141, %dma_start3A_1142] : memref<40x128xi32, #tpu.memory_space<vmem>> -> memref<1x128xi32, #tpu.memory_space<vmem>>
    %dma_start3A_1144 = tpu.memref_squeeze %dma_start3A_1143 : memref<1x128xi32, #tpu.memory_space<vmem>> -> memref<128xi32, #tpu.memory_space<vmem>>
    %dma_start3A_1145 = arith.constant 0 : i32
    %dma_start3A_1146 = arith.constant 0 : i32
    %dma_start3A_1147 = tpu.memref_slice %arg3[%dma_start3A_1145, %dma_start3A_1146] : memref<10240x128xf32, #tpu.memory_space<hbm>> -> memref<10240x128xf32, #tpu.memory_space<hbm>>
    tpu.enqueue_indirect_dma source(%dma_start3A_1147 : memref<10240x128xf32, #tpu.memory_space<hbm>>) target(%arg9 : memref<128x128xf32, #tpu.memory_space<vmem>>) offsets(%dma_start3A_1144 : memref<128xi32, #tpu.memory_space<vmem>>) semaphore(%arg11 : memref<!tpu.dma_semaphore, #tpu.memory_space<semaphore_mem>>)
    %dma_start3A_1148 = arith.constant 1 : i32
    %dma_start3A_1149 = arith.constant 0 : i32
    %dma_start3A_1150 = tpu.memref_slice %arg7[%dma_start3A_1148, %dma_start3A_1149] : memref<40x128xi32, #tpu.memory_space<vmem>> -> memref<1x128xi32, #tpu.memory_space<vmem>>
    %dma_start3A_1151 = tpu.memref_squeeze %dma_start3A_1150 : memref<1x128xi32, #tpu.memory_space<vmem>> -> memref<128xi32, #tpu.memory_space<vmem>>
    %dma_start3A_1152 = arith.constant 0 : i32
    %dma_start3A_1153 = arith.constant 0 : i32
    %dma_start3A_1154 = tpu.memref_slice %arg3[%dma_start3A_1152, %dma_start3A_1153] : memref<10240x128xf32, #tpu.memory_space<hbm>> -> memref<10240x128xf32, #tpu.memory_space<hbm>>
    tpu.enqueue_indirect_dma source(%dma_start3A_1154 : memref<10240x128xf32, #tpu.memory_space<hbm>>) target(%arg10 : memref<128x128xf32, #tpu.memory_space<vmem>>) offsets(%dma_start3A_1151 : memref<128xi32, #tpu.memory_space<vmem>>) semaphore(%arg11 : memref<!tpu.dma_semaphore, #tpu.memory_space<semaphore_mem>>)
    %dma_wait3A_1155 = arith.constant 0 : i32
    %dma_wait3A_1156 = arith.constant 0 : i32
    %dma_wait3A_1157 = tpu.memref_slice %arg7[%dma_wait3A_1155, %dma_wait3A_1156] : memref<40x128xi32, #tpu.memory_space<vmem>> -> memref<1x128xi32, #tpu.memory_space<vmem>>
    %dma_wait3A_1158 = tpu.memref_squeeze %dma_wait3A_1157 : memref<1x128xi32, #tpu.memory_space<vmem>> -> memref<128xi32, #tpu.memory_space<vmem>>
    %dma_wait3A_1159 = arith.constant 0 : i32
    %dma_wait3A_1160 = arith.constant 0 : i32
    %dma_wait3A_1161 = tpu.memref_slice %arg3[%dma_wait3A_1159, %dma_wait3A_1160] : memref<10240x128xf32, #tpu.memory_space<hbm>> -> memref<10240x128xf32, #tpu.memory_space<hbm>>
    tpu.wait_indirect_dma semaphore(%arg11 : memref<!tpu.dma_semaphore, #tpu.memory_space<semaphore_mem>>) src(%dma_wait3A_1161 : memref<10240x128xf32, #tpu.memory_space<hbm>>) dst(%arg9 : memref<128x128xf32, #tpu.memory_space<vmem>>)
    %dma_start3A_1162 = arith.constant 0 : i32
    %dma_start3A_1163 = arith.constant 0 : i32
    %dma_start3A_1164 = tpu.memref_slice %arg8[%dma_start3A_1162, %dma_start3A_1163] : memref<40x128xi32, #tpu.memory_space<vmem>> -> memref<1x128xi32, #tpu.memory_space<vmem>>
    %dma_start3A_1165 = tpu.memref_squeeze %dma_start3A_1164 : memref<1x128xi32, #tpu.memory_space<vmem>> -> memref<128xi32, #tpu.memory_space<vmem>>
    %dma_start3A_1166 = arith.constant 0 : i32
    %dma_start3A_1167 = arith.constant 0 : i32
    %dma_start3A_1168 = tpu.memref_slice %arg6[%dma_start3A_1166, %dma_start3A_1167] : memref<10240x128xf32, #tpu.memory_space<vmem_shared>> -> memref<10240x128xf32, #tpu.memory_space<vmem_shared>>
    tpu.enqueue_indirect_dma source(%arg9 : memref<128x128xf32, #tpu.memory_space<vmem>>) target(%dma_start3A_1168 : memref<10240x128xf32, #tpu.memory_space<vmem_shared>>) offsets(%dma_start3A_1165 : memref<128xi32, #tpu.memory_space<vmem>>) semaphore(%arg12 : memref<!tpu.dma_semaphore, #tpu.memory_space<semaphore_mem>>) {add = true}
    %dma_wait3A_1169 = arith.constant 1 : i32
    %dma_wait3A_1170 = arith.constant 0 : i32
    %dma_wait3A_1171 = tpu.memref_slice %arg7[%dma_wait3A_1169, %dma_wait3A_1170] : memref<40x128xi32, #tpu.memory_space<vmem>> -> memref<1x128xi32, #tpu.memory_space<vmem>>
    %dma_wait3A_1172 = tpu.memref_squeeze %dma_wait3A_1171 : memref<1x128xi32, #tpu.memory_space<vmem>> -> memref<128xi32, #tpu.memory_space<vmem>>
    %dma_wait3A_1173 = arith.constant 0 : i32
    %dma_wait3A_1174 = arith.constant 0 : i32
    %dma_wait3A_1175 = tpu.memref_slice %arg3[%dma_wait3A_1173, %dma_wait3A_1174] : memref<10240x128xf32, #tpu.memory_space<hbm>> -> memref<10240x128xf32, #tpu.memory_space<hbm>>
    tpu.wait_indirect_dma semaphore(%arg11 : memref<!tpu.dma_semaphore, #tpu.memory_space<semaphore_mem>>) src(%dma_wait3A_1175 : memref<10240x128xf32, #tpu.memory_space<hbm>>) dst(%arg10 : memref<128x128xf32, #tpu.memory_space<vmem>>)
    %dma_start3A_1176 = arith.constant 1 : i32
    %dma_start3A_1177 = arith.constant 0 : i32
    %dma_start3A_1178 = tpu.memref_slice %arg8[%dma_start3A_1176, %dma_start3A_1177] : memref<40x128xi32, #tpu.memory_space<vmem>> -> memref<1x128xi32, #tpu.memory_space<vmem>>
    %dma_start3A_1179 = tpu.memref_squeeze %dma_start3A_1178 : memref<1x128xi32, #tpu.memory_space<vmem>> -> memref<128xi32, #tpu.memory_space<vmem>>
    %dma_start3A_1180 = arith.constant 0 : i32
    %dma_start3A_1181 = arith.constant 0 : i32
    %dma_start3A_1182 = tpu.memref_slice %arg6[%dma_start3A_1180, %dma_start3A_1181] : memref<10240x128xf32, #tpu.memory_space<vmem_shared>> -> memref<10240x128xf32, #tpu.memory_space<vmem_shared>>
    tpu.enqueue_indirect_dma source(%arg10 : memref<128x128xf32, #tpu.memory_space<vmem>>) target(%dma_start3A_1182 : memref<10240x128xf32, #tpu.memory_space<vmem_shared>>) offsets(%dma_start3A_1179 : memref<128xi32, #tpu.memory_space<vmem>>) semaphore(%arg12 : memref<!tpu.dma_semaphore, #tpu.memory_space<semaphore_mem>>) {add = true}
    %dma_wait3A_1183 = arith.constant 0 : i32
    %dma_wait3A_1184 = arith.constant 0 : i32
    %dma_wait3A_1185 = tpu.memref_slice %arg8[%dma_wait3A_1183, %dma_wait3A_1184] : memref<40x128xi32, #tpu.memory_space<vmem>> -> memref<1x128xi32, #tpu.memory_space<vmem>>
    %dma_wait3A_1186 = tpu.memref_squeeze %dma_wait3A_1185 : memref<1x128xi32, #tpu.memory_space<vmem>> -> memref<128xi32, #tpu.memory_space<vmem>>
    %dma_wait3A_1187 = arith.constant 0 : i32
    %dma_wait3A_1188 = arith.constant 0 : i32
    %dma_wait3A_1189 = tpu.memref_slice %arg6[%dma_wait3A_1187, %dma_wait3A_1188] : memref<10240x128xf32, #tpu.memory_space<vmem_shared>> -> memref<10240x128xf32, #tpu.memory_space<vmem_shared>>
    tpu.wait_indirect_dma semaphore(%arg12 : memref<!tpu.dma_semaphore, #tpu.memory_space<semaphore_mem>>) src(%arg9 : memref<128x128xf32, #tpu.memory_space<vmem>>) dst(%dma_wait3A_1189 : memref<10240x128xf32, #tpu.memory_space<vmem_shared>>)
    %dma_start3A_1190 = arith.constant 2 : i32
    %dma_start3A_1191 = arith.constant 0 : i32
    %dma_start3A_1192 = tpu.memref_slice %arg7[%dma_start3A_1190, %dma_start3A_1191] : memref<40x128xi32, #tpu.memory_space<vmem>> -> memref<1x128xi32, #tpu.memory_space<vmem>>
    %dma_start3A_1193 = tpu.memref_squeeze %dma_start3A_1192 : memref<1x128xi32, #tpu.memory_space<vmem>> -> memref<128xi32, #tpu.memory_space<vmem>>
    %dma_start3A_1194 = arith.constant 0 : i32
    %dma_start3A_1195 = arith.constant 0 : i32
    %dma_start3A_1196 = tpu.memref_slice %arg3[%dma_start3A_1194, %dma_start3A_1195] : memref<10240x128xf32, #tpu.memory_space<hbm>> -> memref<10240x128xf32, #tpu.memory_space<hbm>>
    tpu.enqueue_indirect_dma source(%dma_start3A_1196 : memref<10240x128xf32, #tpu.memory_space<hbm>>) target(%arg9 : memref<128x128xf32, #tpu.memory_space<vmem>>) offsets(%dma_start3A_1193 : memref<128xi32, #tpu.memory_space<vmem>>) semaphore(%arg11 : memref<!tpu.dma_semaphore, #tpu.memory_space<semaphore_mem>>)
    %dma_wait3A_1197 = arith.constant 1 : i32
    %dma_wait3A_1198 = arith.constant 0 : i32
    %dma_wait3A_1199 = tpu.memref_slice %arg8[%dma_wait3A_1197, %dma_wait3A_1198] : memref<40x128xi32, #tpu.memory_space<vmem>> -> memref<1x128xi32, #tpu.memory_space<vmem>>
    %dma_wait3A_1200 = tpu.memref_squeeze %dma_wait3A_1199 : memref<1x128xi32, #tpu.memory_space<vmem>> -> memref<128xi32, #tpu.memory_space<vmem>>
    %dma_wait3A_1201 = arith.constant 0 : i32
    %dma_wait3A_1202 = arith.constant 0 : i32
    %dma_wait3A_1203 = tpu.memref_slice %arg6[%dma_wait3A_1201, %dma_wait3A_1202] : memref<10240x128xf32, #tpu.memory_space<vmem_shared>> -> memref<10240x128xf32, #tpu.memory_space<vmem_shared>>
    tpu.wait_indirect_dma semaphore(%arg12 : memref<!tpu.dma_semaphore, #tpu.memory_space<semaphore_mem>>) src(%arg10 : memref<128x128xf32, #tpu.memory_space<vmem>>) dst(%dma_wait3A_1203 : memref<10240x128xf32, #tpu.memory_space<vmem_shared>>)
    %dma_start3A_1204 = arith.constant 3 : i32
    %dma_start3A_1205 = arith.constant 0 : i32
    %dma_start3A_1206 = tpu.memref_slice %arg7[%dma_start3A_1204, %dma_start3A_1205] : memref<40x128xi32, #tpu.memory_space<vmem>> -> memref<1x128xi32, #tpu.memory_space<vmem>>
    %dma_start3A_1207 = tpu.memref_squeeze %dma_start3A_1206 : memref<1x128xi32, #tpu.memory_space<vmem>> -> memref<128xi32, #tpu.memory_space<vmem>>
    %dma_start3A_1208 = arith.constant 0 : i32
    %dma_start3A_1209 = arith.constant 0 : i32
    %dma_start3A_1210 = tpu.memref_slice %arg3[%dma_start3A_1208, %dma_start3A_1209] : memref<10240x128xf32, #tpu.memory_space<hbm>> -> memref<10240x128xf32, #tpu.memory_space<hbm>>
    tpu.enqueue_indirect_dma source(%dma_start3A_1210 : memref<10240x128xf32, #tpu.memory_space<hbm>>) target(%arg10 : memref<128x128xf32, #tpu.memory_space<vmem>>) offsets(%dma_start3A_1207 : memref<128xi32, #tpu.memory_space<vmem>>) semaphore(%arg11 : memref<!tpu.dma_semaphore, #tpu.memory_space<semaphore_mem>>)
    %dma_wait3A_1211 = arith.constant 2 : i32
    %dma_wait3A_1212 = arith.constant 0 : i32
    %dma_wait3A_1213 = tpu.memref_slice %arg7[%dma_wait3A_1211, %dma_wait3A_1212] : memref<40x128xi32, #tpu.memory_space<vmem>> -> memref<1x128xi32, #tpu.memory_space<vmem>>
    %dma_wait3A_1214 = tpu.memref_squeeze %dma_wait3A_1213 : memref<1x128xi32, #tpu.memory_space<vmem>> -> memref<128xi32, #tpu.memory_space<vmem>>
    %dma_wait3A_1215 = arith.constant 0 : i32
    %dma_wait3A_1216 = arith.constant 0 : i32
    %dma_wait3A_1217 = tpu.memref_slice %arg3[%dma_wait3A_1215, %dma_wait3A_1216] : memref<10240x128xf32, #tpu.memory_space<hbm>> -> memref<10240x128xf32, #tpu.memory_space<hbm>>
    tpu.wait_indirect_dma semaphore(%arg11 : memref<!tpu.dma_semaphore, #tpu.memory_space<semaphore_mem>>) src(%dma_wait3A_1217 : memref<10240x128xf32, #tpu.memory_space<hbm>>) dst(%arg9 : memref<128x128xf32, #tpu.memory_space<vmem>>)
    %dma_start3A_1218 = arith.constant 2 : i32
    %dma_start3A_1219 = arith.constant 0 : i32
    %dma_start3A_1220 = tpu.memref_slice %arg8[%dma_start3A_1218, %dma_start3A_1219] : memref<40x128xi32, #tpu.memory_space<vmem>> -> memref<1x128xi32, #tpu.memory_space<vmem>>
    %dma_start3A_1221 = tpu.memref_squeeze %dma_start3A_1220 : memref<1x128xi32, #tpu.memory_space<vmem>> -> memref<128xi32, #tpu.memory_space<vmem>>
    %dma_start3A_1222 = arith.constant 0 : i32
    %dma_start3A_1223 = arith.constant 0 : i32
    %dma_start3A_1224 = tpu.memref_slice %arg6[%dma_start3A_1222, %dma_start3A_1223] : memref<10240x128xf32, #tpu.memory_space<vmem_shared>> -> memref<10240x128xf32, #tpu.memory_space<vmem_shared>>
    tpu.enqueue_indirect_dma source(%arg9 : memref<128x128xf32, #tpu.memory_space<vmem>>) target(%dma_start3A_1224 : memref<10240x128xf32, #tpu.memory_space<vmem_shared>>) offsets(%dma_start3A_1221 : memref<128xi32, #tpu.memory_space<vmem>>) semaphore(%arg12 : memref<!tpu.dma_semaphore, #tpu.memory_space<semaphore_mem>>) {add = true}
    %dma_wait3A_1225 = arith.constant 3 : i32
    %dma_wait3A_1226 = arith.constant 0 : i32
    %dma_wait3A_1227 = tpu.memref_slice %arg7[%dma_wait3A_1225, %dma_wait3A_1226] : memref<40x128xi32, #tpu.memory_space<vmem>> -> memref<1x128xi32, #tpu.memory_space<vmem>>
    %dma_wait3A_1228 = tpu.memref_squeeze %dma_wait3A_1227 : memref<1x128xi32, #tpu.memory_space<vmem>> -> memref<128xi32, #tpu.memory_space<vmem>>
    %dma_wait3A_1229 = arith.constant 0 : i32
    %dma_wait3A_1230 = arith.constant 0 : i32
    %dma_wait3A_1231 = tpu.memref_slice %arg3[%dma_wait3A_1229, %dma_wait3A_1230] : memref<10240x128xf32, #tpu.memory_space<hbm>> -> memref<10240x128xf32, #tpu.memory_space<hbm>>
    tpu.wait_indirect_dma semaphore(%arg11 : memref<!tpu.dma_semaphore, #tpu.memory_space<semaphore_mem>>) src(%dma_wait3A_1231 : memref<10240x128xf32, #tpu.memory_space<hbm>>) dst(%arg10 : memref<128x128xf32, #tpu.memory_space<vmem>>)
    %dma_start3A_1232 = arith.constant 3 : i32
    %dma_start3A_1233 = arith.constant 0 : i32
    %dma_start3A_1234 = tpu.memref_slice %arg8[%dma_start3A_1232, %dma_start3A_1233] : memref<40x128xi32, #tpu.memory_space<vmem>> -> memref<1x128xi32, #tpu.memory_space<vmem>>
    %dma_start3A_1235 = tpu.memref_squeeze %dma_start3A_1234 : memref<1x128xi32, #tpu.memory_space<vmem>> -> memref<128xi32, #tpu.memory_space<vmem>>
    %dma_start3A_1236 = arith.constant 0 : i32
    %dma_start3A_1237 = arith.constant 0 : i32
    %dma_start3A_1238 = tpu.memref_slice %arg6[%dma_start3A_1236, %dma_start3A_1237] : memref<10240x128xf32, #tpu.memory_space<vmem_shared>> -> memref<10240x128xf32, #tpu.memory_space<vmem_shared>>
    tpu.enqueue_indirect_dma source(%arg10 : memref<128x128xf32, #tpu.memory_space<vmem>>) target(%dma_start3A_1238 : memref<10240x128xf32, #tpu.memory_space<vmem_shared>>) offsets(%dma_start3A_1235 : memref<128xi32, #tpu.memory_space<vmem>>) semaphore(%arg12 : memref<!tpu.dma_semaphore, #tpu.memory_space<semaphore_mem>>) {add = true}
    %dma_wait3A_1239 = arith.constant 2 : i32
    %dma_wait3A_1240 = arith.constant 0 : i32
    %dma_wait3A_1241 = tpu.memref_slice %arg8[%dma_wait3A_1239, %dma_wait3A_1240] : memref<40x128xi32, #tpu.memory_space<vmem>> -> memref<1x128xi32, #tpu.memory_space<vmem>>
    %dma_wait3A_1242 = tpu.memref_squeeze %dma_wait3A_1241 : memref<1x128xi32, #tpu.memory_space<vmem>> -> memref<128xi32, #tpu.memory_space<vmem>>
    %dma_wait3A_1243 = arith.constant 0 : i32
    %dma_wait3A_1244 = arith.constant 0 : i32
    %dma_wait3A_1245 = tpu.memref_slice %arg6[%dma_wait3A_1243, %dma_wait3A_1244] : memref<10240x128xf32, #tpu.memory_space<vmem_shared>> -> memref<10240x128xf32, #tpu.memory_space<vmem_shared>>
    tpu.wait_indirect_dma semaphore(%arg12 : memref<!tpu.dma_semaphore, #tpu.memory_space<semaphore_mem>>) src(%arg9 : memref<128x128xf32, #tpu.memory_space<vmem>>) dst(%dma_wait3A_1245 : memref<10240x128xf32, #tpu.memory_space<vmem_shared>>)
    %dma_start3A_1246 = arith.constant 4 : i32
    %dma_start3A_1247 = arith.constant 0 : i32
    %dma_start3A_1248 = tpu.memref_slice %arg7[%dma_start3A_1246, %dma_start3A_1247] : memref<40x128xi32, #tpu.memory_space<vmem>> -> memref<1x128xi32, #tpu.memory_space<vmem>>
    %dma_start3A_1249 = tpu.memref_squeeze %dma_start3A_1248 : memref<1x128xi32, #tpu.memory_space<vmem>> -> memref<128xi32, #tpu.memory_space<vmem>>
    %dma_start3A_1250 = arith.constant 0 : i32
    %dma_start3A_1251 = arith.constant 0 : i32
    %dma_start3A_1252 = tpu.memref_slice %arg3[%dma_start3A_1250, %dma_start3A_1251] : memref<10240x128xf32, #tpu.memory_space<hbm>> -> memref<10240x128xf32, #tpu.memory_space<hbm>>
    tpu.enqueue_indirect_dma source(%dma_start3A_1252 : memref<10240x128xf32, #tpu.memory_space<hbm>>) target(%arg9 : memref<128x128xf32, #tpu.memory_space<vmem>>) offsets(%dma_start3A_1249 : memref<128xi32, #tpu.memory_space<vmem>>) semaphore(%arg11 : memref<!tpu.dma_semaphore, #tpu.memory_space<semaphore_mem>>)
    %dma_wait3A_1253 = arith.constant 3 : i32
    %dma_wait3A_1254 = arith.constant 0 : i32
    %dma_wait3A_1255 = tpu.memref_slice %arg8[%dma_wait3A_1253, %dma_wait3A_1254] : memref<40x128xi32, #tpu.memory_space<vmem>> -> memref<1x128xi32, #tpu.memory_space<vmem>>
    %dma_wait3A_1256 = tpu.memref_squeeze %dma_wait3A_1255 : memref<1x128xi32, #tpu.memory_space<vmem>> -> memref<128xi32, #tpu.memory_space<vmem>>
    %dma_wait3A_1257 = arith.constant 0 : i32
    %dma_wait3A_1258 = arith.constant 0 : i32
    %dma_wait3A_1259 = tpu.memref_slice %arg6[%dma_wait3A_1257, %dma_wait3A_1258] : memref<10240x128xf32, #tpu.memory_space<vmem_shared>> -> memref<10240x128xf32, #tpu.memory_space<vmem_shared>>
    tpu.wait_indirect_dma semaphore(%arg12 : memref<!tpu.dma_semaphore, #tpu.memory_space<semaphore_mem>>) src(%arg10 : memref<128x128xf32, #tpu.memory_space<vmem>>) dst(%dma_wait3A_1259 : memref<10240x128xf32, #tpu.memory_space<vmem_shared>>)
    %dma_start3A_1260 = arith.constant 5 : i32
    %dma_start3A_1261 = arith.constant 0 : i32
    %dma_start3A_1262 = tpu.memref_slice %arg7[%dma_start3A_1260, %dma_start3A_1261] : memref<40x128xi32, #tpu.memory_space<vmem>> -> memref<1x128xi32, #tpu.memory_space<vmem>>
    %dma_start3A_1263 = tpu.memref_squeeze %dma_start3A_1262 : memref<1x128xi32, #tpu.memory_space<vmem>> -> memref<128xi32, #tpu.memory_space<vmem>>
    %dma_start3A_1264 = arith.constant 0 : i32
    %dma_start3A_1265 = arith.constant 0 : i32
    %dma_start3A_1266 = tpu.memref_slice %arg3[%dma_start3A_1264, %dma_start3A_1265] : memref<10240x128xf32, #tpu.memory_space<hbm>> -> memref<10240x128xf32, #tpu.memory_space<hbm>>
    tpu.enqueue_indirect_dma source(%dma_start3A_1266 : memref<10240x128xf32, #tpu.memory_space<hbm>>) target(%arg10 : memref<128x128xf32, #tpu.memory_space<vmem>>) offsets(%dma_start3A_1263 : memref<128xi32, #tpu.memory_space<vmem>>) semaphore(%arg11 : memref<!tpu.dma_semaphore, #tpu.memory_space<semaphore_mem>>)
    %dma_wait3A_1267 = arith.constant 4 : i32
    %dma_wait3A_1268 = arith.constant 0 : i32
    %dma_wait3A_1269 = tpu.memref_slice %arg7[%dma_wait3A_1267, %dma_wait3A_1268] : memref<40x128xi32, #tpu.memory_space<vmem>> -> memref<1x128xi32, #tpu.memory_space<vmem>>
    %dma_wait3A_1270 = tpu.memref_squeeze %dma_wait3A_1269 : memref<1x128xi32, #tpu.memory_space<vmem>> -> memref<128xi32, #tpu.memory_space<vmem>>
    %dma_wait3A_1271 = arith.constant 0 : i32
    %dma_wait3A_1272 = arith.constant 0 : i32
    %dma_wait3A_1273 = tpu.memref_slice %arg3[%dma_wait3A_1271, %dma_wait3A_1272] : memref<10240x128xf32, #tpu.memory_space<hbm>> -> memref<10240x128xf32, #tpu.memory_space<hbm>>
    tpu.wait_indirect_dma semaphore(%arg11 : memref<!tpu.dma_semaphore, #tpu.memory_space<semaphore_mem>>) src(%dma_wait3A_1273 : memref<10240x128xf32, #tpu.memory_space<hbm>>) dst(%arg9 : memref<128x128xf32, #tpu.memory_space<vmem>>)
    %dma_start3A_1274 = arith.constant 4 : i32
    %dma_start3A_1275 = arith.constant 0 : i32
    %dma_start3A_1276 = tpu.memref_slice %arg8[%dma_start3A_1274, %dma_start3A_1275] : memref<40x128xi32, #tpu.memory_space<vmem>> -> memref<1x128xi32, #tpu.memory_space<vmem>>
    %dma_start3A_1277 = tpu.memref_squeeze %dma_start3A_1276 : memref<1x128xi32, #tpu.memory_space<vmem>> -> memref<128xi32, #tpu.memory_space<vmem>>
    %dma_start3A_1278 = arith.constant 0 : i32
    %dma_start3A_1279 = arith.constant 0 : i32
    %dma_start3A_1280 = tpu.memref_slice %arg6[%dma_start3A_1278, %dma_start3A_1279] : memref<10240x128xf32, #tpu.memory_space<vmem_shared>> -> memref<10240x128xf32, #tpu.memory_space<vmem_shared>>
    tpu.enqueue_indirect_dma source(%arg9 : memref<128x128xf32, #tpu.memory_space<vmem>>) target(%dma_start3A_1280 : memref<10240x128xf32, #tpu.memory_space<vmem_shared>>) offsets(%dma_start3A_1277 : memref<128xi32, #tpu.memory_space<vmem>>) semaphore(%arg12 : memref<!tpu.dma_semaphore, #tpu.memory_space<semaphore_mem>>) {add = true}
    %dma_wait3A_1281 = arith.constant 5 : i32
    %dma_wait3A_1282 = arith.constant 0 : i32
    %dma_wait3A_1283 = tpu.memref_slice %arg7[%dma_wait3A_1281, %dma_wait3A_1282] : memref<40x128xi32, #tpu.memory_space<vmem>> -> memref<1x128xi32, #tpu.memory_space<vmem>>
    %dma_wait3A_1284 = tpu.memref_squeeze %dma_wait3A_1283 : memref<1x128xi32, #tpu.memory_space<vmem>> -> memref<128xi32, #tpu.memory_space<vmem>>
    %dma_wait3A_1285 = arith.constant 0 : i32
    %dma_wait3A_1286 = arith.constant 0 : i32
    %dma_wait3A_1287 = tpu.memref_slice %arg3[%dma_wait3A_1285, %dma_wait3A_1286] : memref<10240x128xf32, #tpu.memory_space<hbm>> -> memref<10240x128xf32, #tpu.memory_space<hbm>>
    tpu.wait_indirect_dma semaphore(%arg11 : memref<!tpu.dma_semaphore, #tpu.memory_space<semaphore_mem>>) src(%dma_wait3A_1287 : memref<10240x128xf32, #tpu.memory_space<hbm>>) dst(%arg10 : memref<128x128xf32, #tpu.memory_space<vmem>>)
    %dma_start3A_1288 = arith.constant 5 : i32
    %dma_start3A_1289 = arith.constant 0 : i32
    %dma_start3A_1290 = tpu.memref_slice %arg8[%dma_start3A_1288, %dma_start3A_1289] : memref<40x128xi32, #tpu.memory_space<vmem>> -> memref<1x128xi32, #tpu.memory_space<vmem>>
    %dma_start3A_1291 = tpu.memref_squeeze %dma_start3A_1290 : memref<1x128xi32, #tpu.memory_space<vmem>> -> memref<128xi32, #tpu.memory_space<vmem>>
    %dma_start3A_1292 = arith.constant 0 : i32
    %dma_start3A_1293 = arith.constant 0 : i32
    %dma_start3A_1294 = tpu.memref_slice %arg6[%dma_start3A_1292, %dma_start3A_1293] : memref<10240x128xf32, #tpu.memory_space<vmem_shared>> -> memref<10240x128xf32, #tpu.memory_space<vmem_shared>>
    tpu.enqueue_indirect_dma source(%arg10 : memref<128x128xf32, #tpu.memory_space<vmem>>) target(%dma_start3A_1294 : memref<10240x128xf32, #tpu.memory_space<vmem_shared>>) offsets(%dma_start3A_1291 : memref<128xi32, #tpu.memory_space<vmem>>) semaphore(%arg12 : memref<!tpu.dma_semaphore, #tpu.memory_space<semaphore_mem>>) {add = true}
    %dma_wait3A_1295 = arith.constant 4 : i32
    %dma_wait3A_1296 = arith.constant 0 : i32
    %dma_wait3A_1297 = tpu.memref_slice %arg8[%dma_wait3A_1295, %dma_wait3A_1296] : memref<40x128xi32, #tpu.memory_space<vmem>> -> memref<1x128xi32, #tpu.memory_space<vmem>>
    %dma_wait3A_1298 = tpu.memref_squeeze %dma_wait3A_1297 : memref<1x128xi32, #tpu.memory_space<vmem>> -> memref<128xi32, #tpu.memory_space<vmem>>
    %dma_wait3A_1299 = arith.constant 0 : i32
    %dma_wait3A_1300 = arith.constant 0 : i32
    %dma_wait3A_1301 = tpu.memref_slice %arg6[%dma_wait3A_1299, %dma_wait3A_1300] : memref<10240x128xf32, #tpu.memory_space<vmem_shared>> -> memref<10240x128xf32, #tpu.memory_space<vmem_shared>>
    tpu.wait_indirect_dma semaphore(%arg12 : memref<!tpu.dma_semaphore, #tpu.memory_space<semaphore_mem>>) src(%arg9 : memref<128x128xf32, #tpu.memory_space<vmem>>) dst(%dma_wait3A_1301 : memref<10240x128xf32, #tpu.memory_space<vmem_shared>>)
    %dma_start3A_1302 = arith.constant 6 : i32
    %dma_start3A_1303 = arith.constant 0 : i32
    %dma_start3A_1304 = tpu.memref_slice %arg7[%dma_start3A_1302, %dma_start3A_1303] : memref<40x128xi32, #tpu.memory_space<vmem>> -> memref<1x128xi32, #tpu.memory_space<vmem>>
    %dma_start3A_1305 = tpu.memref_squeeze %dma_start3A_1304 : memref<1x128xi32, #tpu.memory_space<vmem>> -> memref<128xi32, #tpu.memory_space<vmem>>
    %dma_start3A_1306 = arith.constant 0 : i32
    %dma_start3A_1307 = arith.constant 0 : i32
    %dma_start3A_1308 = tpu.memref_slice %arg3[%dma_start3A_1306, %dma_start3A_1307] : memref<10240x128xf32, #tpu.memory_space<hbm>> -> memref<10240x128xf32, #tpu.memory_space<hbm>>
    tpu.enqueue_indirect_dma source(%dma_start3A_1308 : memref<10240x128xf32, #tpu.memory_space<hbm>>) target(%arg9 : memref<128x128xf32, #tpu.memory_space<vmem>>) offsets(%dma_start3A_1305 : memref<128xi32, #tpu.memory_space<vmem>>) semaphore(%arg11 : memref<!tpu.dma_semaphore, #tpu.memory_space<semaphore_mem>>)
    %dma_wait3A_1309 = arith.constant 5 : i32
    %dma_wait3A_1310 = arith.constant 0 : i32
    %dma_wait3A_1311 = tpu.memref_slice %arg8[%dma_wait3A_1309, %dma_wait3A_1310] : memref<40x128xi32, #tpu.memory_space<vmem>> -> memref<1x128xi32, #tpu.memory_space<vmem>>
    %dma_wait3A_1312 = tpu.memref_squeeze %dma_wait3A_1311 : memref<1x128xi32, #tpu.memory_space<vmem>> -> memref<128xi32, #tpu.memory_space<vmem>>
    %dma_wait3A_1313 = arith.constant 0 : i32
    %dma_wait3A_1314 = arith.constant 0 : i32
    %dma_wait3A_1315 = tpu.memref_slice %arg6[%dma_wait3A_1313, %dma_wait3A_1314] : memref<10240x128xf32, #tpu.memory_space<vmem_shared>> -> memref<10240x128xf32, #tpu.memory_space<vmem_shared>>
    tpu.wait_indirect_dma semaphore(%arg12 : memref<!tpu.dma_semaphore, #tpu.memory_space<semaphore_mem>>) src(%arg10 : memref<128x128xf32, #tpu.memory_space<vmem>>) dst(%dma_wait3A_1315 : memref<10240x128xf32, #tpu.memory_space<vmem_shared>>)
    %dma_start3A_1316 = arith.constant 7 : i32
    %dma_start3A_1317 = arith.constant 0 : i32
    %dma_start3A_1318 = tpu.memref_slice %arg7[%dma_start3A_1316, %dma_start3A_1317] : memref<40x128xi32, #tpu.memory_space<vmem>> -> memref<1x128xi32, #tpu.memory_space<vmem>>
    %dma_start3A_1319 = tpu.memref_squeeze %dma_start3A_1318 : memref<1x128xi32, #tpu.memory_space<vmem>> -> memref<128xi32, #tpu.memory_space<vmem>>
    %dma_start3A_1320 = arith.constant 0 : i32
    %dma_start3A_1321 = arith.constant 0 : i32
    %dma_start3A_1322 = tpu.memref_slice %arg3[%dma_start3A_1320, %dma_start3A_1321] : memref<10240x128xf32, #tpu.memory_space<hbm>> -> memref<10240x128xf32, #tpu.memory_space<hbm>>
    tpu.enqueue_indirect_dma source(%dma_start3A_1322 : memref<10240x128xf32, #tpu.memory_space<hbm>>) target(%arg10 : memref<128x128xf32, #tpu.memory_space<vmem>>) offsets(%dma_start3A_1319 : memref<128xi32, #tpu.memory_space<vmem>>) semaphore(%arg11 : memref<!tpu.dma_semaphore, #tpu.memory_space<semaphore_mem>>)
    %dma_wait3A_1323 = arith.constant 6 : i32
    %dma_wait3A_1324 = arith.constant 0 : i32
    %dma_wait3A_1325 = tpu.memref_slice %arg7[%dma_wait3A_1323, %dma_wait3A_1324] : memref<40x128xi32, #tpu.memory_space<vmem>> -> memref<1x128xi32, #tpu.memory_space<vmem>>
    %dma_wait3A_1326 = tpu.memref_squeeze %dma_wait3A_1325 : memref<1x128xi32, #tpu.memory_space<vmem>> -> memref<128xi32, #tpu.memory_space<vmem>>
    %dma_wait3A_1327 = arith.constant 0 : i32
    %dma_wait3A_1328 = arith.constant 0 : i32
    %dma_wait3A_1329 = tpu.memref_slice %arg3[%dma_wait3A_1327, %dma_wait3A_1328] : memref<10240x128xf32, #tpu.memory_space<hbm>> -> memref<10240x128xf32, #tpu.memory_space<hbm>>
    tpu.wait_indirect_dma semaphore(%arg11 : memref<!tpu.dma_semaphore, #tpu.memory_space<semaphore_mem>>) src(%dma_wait3A_1329 : memref<10240x128xf32, #tpu.memory_space<hbm>>) dst(%arg9 : memref<128x128xf32, #tpu.memory_space<vmem>>)
    %dma_start3A_1330 = arith.constant 6 : i32
    %dma_start3A_1331 = arith.constant 0 : i32
    %dma_start3A_1332 = tpu.memref_slice %arg8[%dma_start3A_1330, %dma_start3A_1331] : memref<40x128xi32, #tpu.memory_space<vmem>> -> memref<1x128xi32, #tpu.memory_space<vmem>>
    %dma_start3A_1333 = tpu.memref_squeeze %dma_start3A_1332 : memref<1x128xi32, #tpu.memory_space<vmem>> -> memref<128xi32, #tpu.memory_space<vmem>>
    %dma_start3A_1334 = arith.constant 0 : i32
    %dma_start3A_1335 = arith.constant 0 : i32
    %dma_start3A_1336 = tpu.memref_slice %arg6[%dma_start3A_1334, %dma_start3A_1335] : memref<10240x128xf32, #tpu.memory_space<vmem_shared>> -> memref<10240x128xf32, #tpu.memory_space<vmem_shared>>
    tpu.enqueue_indirect_dma source(%arg9 : memref<128x128xf32, #tpu.memory_space<vmem>>) target(%dma_start3A_1336 : memref<10240x128xf32, #tpu.memory_space<vmem_shared>>) offsets(%dma_start3A_1333 : memref<128xi32, #tpu.memory_space<vmem>>) semaphore(%arg12 : memref<!tpu.dma_semaphore, #tpu.memory_space<semaphore_mem>>) {add = true}
    %dma_wait3A_1337 = arith.constant 7 : i32
    %dma_wait3A_1338 = arith.constant 0 : i32
    %dma_wait3A_1339 = tpu.memref_slice %arg7[%dma_wait3A_1337, %dma_wait3A_1338] : memref<40x128xi32, #tpu.memory_space<vmem>> -> memref<1x128xi32, #tpu.memory_space<vmem>>
    %dma_wait3A_1340 = tpu.memref_squeeze %dma_wait3A_1339 : memref<1x128xi32, #tpu.memory_space<vmem>> -> memref<128xi32, #tpu.memory_space<vmem>>
    %dma_wait3A_1341 = arith.constant 0 : i32
    %dma_wait3A_1342 = arith.constant 0 : i32
    %dma_wait3A_1343 = tpu.memref_slice %arg3[%dma_wait3A_1341, %dma_wait3A_1342] : memref<10240x128xf32, #tpu.memory_space<hbm>> -> memref<10240x128xf32, #tpu.memory_space<hbm>>
    tpu.wait_indirect_dma semaphore(%arg11 : memref<!tpu.dma_semaphore, #tpu.memory_space<semaphore_mem>>) src(%dma_wait3A_1343 : memref<10240x128xf32, #tpu.memory_space<hbm>>) dst(%arg10 : memref<128x128xf32, #tpu.memory_space<vmem>>)
    %dma_start3A_1344 = arith.constant 7 : i32
    %dma_start3A_1345 = arith.constant 0 : i32
    %dma_start3A_1346 = tpu.memref_slice %arg8[%dma_start3A_1344, %dma_start3A_1345] : memref<40x128xi32, #tpu.memory_space<vmem>> -> memref<1x128xi32, #tpu.memory_space<vmem>>
    %dma_start3A_1347 = tpu.memref_squeeze %dma_start3A_1346 : memref<1x128xi32, #tpu.memory_space<vmem>> -> memref<128xi32, #tpu.memory_space<vmem>>
    %dma_start3A_1348 = arith.constant 0 : i32
    %dma_start3A_1349 = arith.constant 0 : i32
    %dma_start3A_1350 = tpu.memref_slice %arg6[%dma_start3A_1348, %dma_start3A_1349] : memref<10240x128xf32, #tpu.memory_space<vmem_shared>> -> memref<10240x128xf32, #tpu.memory_space<vmem_shared>>
    tpu.enqueue_indirect_dma source(%arg10 : memref<128x128xf32, #tpu.memory_space<vmem>>) target(%dma_start3A_1350 : memref<10240x128xf32, #tpu.memory_space<vmem_shared>>) offsets(%dma_start3A_1347 : memref<128xi32, #tpu.memory_space<vmem>>) semaphore(%arg12 : memref<!tpu.dma_semaphore, #tpu.memory_space<semaphore_mem>>) {add = true}
    %dma_wait3A_1351 = arith.constant 6 : i32
    %dma_wait3A_1352 = arith.constant 0 : i32
    %dma_wait3A_1353 = tpu.memref_slice %arg8[%dma_wait3A_1351, %dma_wait3A_1352] : memref<40x128xi32, #tpu.memory_space<vmem>> -> memref<1x128xi32, #tpu.memory_space<vmem>>
    %dma_wait3A_1354 = tpu.memref_squeeze %dma_wait3A_1353 : memref<1x128xi32, #tpu.memory_space<vmem>> -> memref<128xi32, #tpu.memory_space<vmem>>
    %dma_wait3A_1355 = arith.constant 0 : i32
    %dma_wait3A_1356 = arith.constant 0 : i32
    %dma_wait3A_1357 = tpu.memref_slice %arg6[%dma_wait3A_1355, %dma_wait3A_1356] : memref<10240x128xf32, #tpu.memory_space<vmem_shared>> -> memref<10240x128xf32, #tpu.memory_space<vmem_shared>>
    tpu.wait_indirect_dma semaphore(%arg12 : memref<!tpu.dma_semaphore, #tpu.memory_space<semaphore_mem>>) src(%arg9 : memref<128x128xf32, #tpu.memory_space<vmem>>) dst(%dma_wait3A_1357 : memref<10240x128xf32, #tpu.memory_space<vmem_shared>>)
    %dma_start3A_1358 = arith.constant 8 : i32
    %dma_start3A_1359 = arith.constant 0 : i32
    %dma_start3A_1360 = tpu.memref_slice %arg7[%dma_start3A_1358, %dma_start3A_1359] : memref<40x128xi32, #tpu.memory_space<vmem>> -> memref<1x128xi32, #tpu.memory_space<vmem>>
    %dma_start3A_1361 = tpu.memref_squeeze %dma_start3A_1360 : memref<1x128xi32, #tpu.memory_space<vmem>> -> memref<128xi32, #tpu.memory_space<vmem>>
    %dma_start3A_1362 = arith.constant 0 : i32
    %dma_start3A_1363 = arith.constant 0 : i32
    %dma_start3A_1364 = tpu.memref_slice %arg3[%dma_start3A_1362, %dma_start3A_1363] : memref<10240x128xf32, #tpu.memory_space<hbm>> -> memref<10240x128xf32, #tpu.memory_space<hbm>>
    tpu.enqueue_indirect_dma source(%dma_start3A_1364 : memref<10240x128xf32, #tpu.memory_space<hbm>>) target(%arg9 : memref<128x128xf32, #tpu.memory_space<vmem>>) offsets(%dma_start3A_1361 : memref<128xi32, #tpu.memory_space<vmem>>) semaphore(%arg11 : memref<!tpu.dma_semaphore, #tpu.memory_space<semaphore_mem>>)
    %dma_wait3A_1365 = arith.constant 7 : i32
    %dma_wait3A_1366 = arith.constant 0 : i32
    %dma_wait3A_1367 = tpu.memref_slice %arg8[%dma_wait3A_1365, %dma_wait3A_1366] : memref<40x128xi32, #tpu.memory_space<vmem>> -> memref<1x128xi32, #tpu.memory_space<vmem>>
    %dma_wait3A_1368 = tpu.memref_squeeze %dma_wait3A_1367 : memref<1x128xi32, #tpu.memory_space<vmem>> -> memref<128xi32, #tpu.memory_space<vmem>>
    %dma_wait3A_1369 = arith.constant 0 : i32
    %dma_wait3A_1370 = arith.constant 0 : i32
    %dma_wait3A_1371 = tpu.memref_slice %arg6[%dma_wait3A_1369, %dma_wait3A_1370] : memref<10240x128xf32, #tpu.memory_space<vmem_shared>> -> memref<10240x128xf32, #tpu.memory_space<vmem_shared>>
    tpu.wait_indirect_dma semaphore(%arg12 : memref<!tpu.dma_semaphore, #tpu.memory_space<semaphore_mem>>) src(%arg10 : memref<128x128xf32, #tpu.memory_space<vmem>>) dst(%dma_wait3A_1371 : memref<10240x128xf32, #tpu.memory_space<vmem_shared>>)
    %dma_start3A_1372 = arith.constant 9 : i32
    %dma_start3A_1373 = arith.constant 0 : i32
    %dma_start3A_1374 = tpu.memref_slice %arg7[%dma_start3A_1372, %dma_start3A_1373] : memref<40x128xi32, #tpu.memory_space<vmem>> -> memref<1x128xi32, #tpu.memory_space<vmem>>
    %dma_start3A_1375 = tpu.memref_squeeze %dma_start3A_1374 : memref<1x128xi32, #tpu.memory_space<vmem>> -> memref<128xi32, #tpu.memory_space<vmem>>
    %dma_start3A_1376 = arith.constant 0 : i32
    %dma_start3A_1377 = arith.constant 0 : i32
    %dma_start3A_1378 = tpu.memref_slice %arg3[%dma_start3A_1376, %dma_start3A_1377] : memref<10240x128xf32, #tpu.memory_space<hbm>> -> memref<10240x128xf32, #tpu.memory_space<hbm>>
    tpu.enqueue_indirect_dma source(%dma_start3A_1378 : memref<10240x128xf32, #tpu.memory_space<hbm>>) target(%arg10 : memref<128x128xf32, #tpu.memory_space<vmem>>) offsets(%dma_start3A_1375 : memref<128xi32, #tpu.memory_space<vmem>>) semaphore(%arg11 : memref<!tpu.dma_semaphore, #tpu.memory_space<semaphore_mem>>)
    %dma_wait3A_1379 = arith.constant 8 : i32
    %dma_wait3A_1380 = arith.constant 0 : i32
    %dma_wait3A_1381 = tpu.memref_slice %arg7[%dma_wait3A_1379, %dma_wait3A_1380] : memref<40x128xi32, #tpu.memory_space<vmem>> -> memref<1x128xi32, #tpu.memory_space<vmem>>
    %dma_wait3A_1382 = tpu.memref_squeeze %dma_wait3A_1381 : memref<1x128xi32, #tpu.memory_space<vmem>> -> memref<128xi32, #tpu.memory_space<vmem>>
    %dma_wait3A_1383 = arith.constant 0 : i32
    %dma_wait3A_1384 = arith.constant 0 : i32
    %dma_wait3A_1385 = tpu.memref_slice %arg3[%dma_wait3A_1383, %dma_wait3A_1384] : memref<10240x128xf32, #tpu.memory_space<hbm>> -> memref<10240x128xf32, #tpu.memory_space<hbm>>
    tpu.wait_indirect_dma semaphore(%arg11 : memref<!tpu.dma_semaphore, #tpu.memory_space<semaphore_mem>>) src(%dma_wait3A_1385 : memref<10240x128xf32, #tpu.memory_space<hbm>>) dst(%arg9 : memref<128x128xf32, #tpu.memory_space<vmem>>)
    %dma_start3A_1386 = arith.constant 8 : i32
    %dma_start3A_1387 = arith.constant 0 : i32
    %dma_start3A_1388 = tpu.memref_slice %arg8[%dma_start3A_1386, %dma_start3A_1387] : memref<40x128xi32, #tpu.memory_space<vmem>> -> memref<1x128xi32, #tpu.memory_space<vmem>>
    %dma_start3A_1389 = tpu.memref_squeeze %dma_start3A_1388 : memref<1x128xi32, #tpu.memory_space<vmem>> -> memref<128xi32, #tpu.memory_space<vmem>>
    %dma_start3A_1390 = arith.constant 0 : i32
    %dma_start3A_1391 = arith.constant 0 : i32
    %dma_start3A_1392 = tpu.memref_slice %arg6[%dma_start3A_1390, %dma_start3A_1391] : memref<10240x128xf32, #tpu.memory_space<vmem_shared>> -> memref<10240x128xf32, #tpu.memory_space<vmem_shared>>
    tpu.enqueue_indirect_dma source(%arg9 : memref<128x128xf32, #tpu.memory_space<vmem>>) target(%dma_start3A_1392 : memref<10240x128xf32, #tpu.memory_space<vmem_shared>>) offsets(%dma_start3A_1389 : memref<128xi32, #tpu.memory_space<vmem>>) semaphore(%arg12 : memref<!tpu.dma_semaphore, #tpu.memory_space<semaphore_mem>>) {add = true}
    %dma_wait3A_1393 = arith.constant 9 : i32
    %dma_wait3A_1394 = arith.constant 0 : i32
    %dma_wait3A_1395 = tpu.memref_slice %arg7[%dma_wait3A_1393, %dma_wait3A_1394] : memref<40x128xi32, #tpu.memory_space<vmem>> -> memref<1x128xi32, #tpu.memory_space<vmem>>
    %dma_wait3A_1396 = tpu.memref_squeeze %dma_wait3A_1395 : memref<1x128xi32, #tpu.memory_space<vmem>> -> memref<128xi32, #tpu.memory_space<vmem>>
    %dma_wait3A_1397 = arith.constant 0 : i32
    %dma_wait3A_1398 = arith.constant 0 : i32
    %dma_wait3A_1399 = tpu.memref_slice %arg3[%dma_wait3A_1397, %dma_wait3A_1398] : memref<10240x128xf32, #tpu.memory_space<hbm>> -> memref<10240x128xf32, #tpu.memory_space<hbm>>
    tpu.wait_indirect_dma semaphore(%arg11 : memref<!tpu.dma_semaphore, #tpu.memory_space<semaphore_mem>>) src(%dma_wait3A_1399 : memref<10240x128xf32, #tpu.memory_space<hbm>>) dst(%arg10 : memref<128x128xf32, #tpu.memory_space<vmem>>)
    %dma_start3A_1400 = arith.constant 9 : i32
    %dma_start3A_1401 = arith.constant 0 : i32
    %dma_start3A_1402 = tpu.memref_slice %arg8[%dma_start3A_1400, %dma_start3A_1401] : memref<40x128xi32, #tpu.memory_space<vmem>> -> memref<1x128xi32, #tpu.memory_space<vmem>>
    %dma_start3A_1403 = tpu.memref_squeeze %dma_start3A_1402 : memref<1x128xi32, #tpu.memory_space<vmem>> -> memref<128xi32, #tpu.memory_space<vmem>>
    %dma_start3A_1404 = arith.constant 0 : i32
    %dma_start3A_1405 = arith.constant 0 : i32
    %dma_start3A_1406 = tpu.memref_slice %arg6[%dma_start3A_1404, %dma_start3A_1405] : memref<10240x128xf32, #tpu.memory_space<vmem_shared>> -> memref<10240x128xf32, #tpu.memory_space<vmem_shared>>
    tpu.enqueue_indirect_dma source(%arg10 : memref<128x128xf32, #tpu.memory_space<vmem>>) target(%dma_start3A_1406 : memref<10240x128xf32, #tpu.memory_space<vmem_shared>>) offsets(%dma_start3A_1403 : memref<128xi32, #tpu.memory_space<vmem>>) semaphore(%arg12 : memref<!tpu.dma_semaphore, #tpu.memory_space<semaphore_mem>>) {add = true}
    %dma_wait3A_1407 = arith.constant 8 : i32
    %dma_wait3A_1408 = arith.constant 0 : i32
    %dma_wait3A_1409 = tpu.memref_slice %arg8[%dma_wait3A_1407, %dma_wait3A_1408] : memref<40x128xi32, #tpu.memory_space<vmem>> -> memref<1x128xi32, #tpu.memory_space<vmem>>
    %dma_wait3A_1410 = tpu.memref_squeeze %dma_wait3A_1409 : memref<1x128xi32, #tpu.memory_space<vmem>> -> memref<128xi32, #tpu.memory_space<vmem>>
    %dma_wait3A_1411 = arith.constant 0 : i32
    %dma_wait3A_1412 = arith.constant 0 : i32
    %dma_wait3A_1413 = tpu.memref_slice %arg6[%dma_wait3A_1411, %dma_wait3A_1412] : memref<10240x128xf32, #tpu.memory_space<vmem_shared>> -> memref<10240x128xf32, #tpu.memory_space<vmem_shared>>
    tpu.wait_indirect_dma semaphore(%arg12 : memref<!tpu.dma_semaphore, #tpu.memory_space<semaphore_mem>>) src(%arg9 : memref<128x128xf32, #tpu.memory_space<vmem>>) dst(%dma_wait3A_1413 : memref<10240x128xf32, #tpu.memory_space<vmem_shared>>)
    %dma_start3A_1414 = arith.constant 10 : i32
    %dma_start3A_1415 = arith.constant 0 : i32
    %dma_start3A_1416 = tpu.memref_slice %arg7[%dma_start3A_1414, %dma_start3A_1415] : memref<40x128xi32, #tpu.memory_space<vmem>> -> memref<1x128xi32, #tpu.memory_space<vmem>>
    %dma_start3A_1417 = tpu.memref_squeeze %dma_start3A_1416 : memref<1x128xi32, #tpu.memory_space<vmem>> -> memref<128xi32, #tpu.memory_space<vmem>>
    %dma_start3A_1418 = arith.constant 0 : i32
    %dma_start3A_1419 = arith.constant 0 : i32
    %dma_start3A_1420 = tpu.memref_slice %arg3[%dma_start3A_1418, %dma_start3A_1419] : memref<10240x128xf32, #tpu.memory_space<hbm>> -> memref<10240x128xf32, #tpu.memory_space<hbm>>
    tpu.enqueue_indirect_dma source(%dma_start3A_1420 : memref<10240x128xf32, #tpu.memory_space<hbm>>) target(%arg9 : memref<128x128xf32, #tpu.memory_space<vmem>>) offsets(%dma_start3A_1417 : memref<128xi32, #tpu.memory_space<vmem>>) semaphore(%arg11 : memref<!tpu.dma_semaphore, #tpu.memory_space<semaphore_mem>>)
    %dma_wait3A_1421 = arith.constant 9 : i32
    %dma_wait3A_1422 = arith.constant 0 : i32
    %dma_wait3A_1423 = tpu.memref_slice %arg8[%dma_wait3A_1421, %dma_wait3A_1422] : memref<40x128xi32, #tpu.memory_space<vmem>> -> memref<1x128xi32, #tpu.memory_space<vmem>>
    %dma_wait3A_1424 = tpu.memref_squeeze %dma_wait3A_1423 : memref<1x128xi32, #tpu.memory_space<vmem>> -> memref<128xi32, #tpu.memory_space<vmem>>
    %dma_wait3A_1425 = arith.constant 0 : i32
    %dma_wait3A_1426 = arith.constant 0 : i32
    %dma_wait3A_1427 = tpu.memref_slice %arg6[%dma_wait3A_1425, %dma_wait3A_1426] : memref<10240x128xf32, #tpu.memory_space<vmem_shared>> -> memref<10240x128xf32, #tpu.memory_space<vmem_shared>>
    tpu.wait_indirect_dma semaphore(%arg12 : memref<!tpu.dma_semaphore, #tpu.memory_space<semaphore_mem>>) src(%arg10 : memref<128x128xf32, #tpu.memory_space<vmem>>) dst(%dma_wait3A_1427 : memref<10240x128xf32, #tpu.memory_space<vmem_shared>>)
    %dma_start3A_1428 = arith.constant 11 : i32
    %dma_start3A_1429 = arith.constant 0 : i32
    %dma_start3A_1430 = tpu.memref_slice %arg7[%dma_start3A_1428, %dma_start3A_1429] : memref<40x128xi32, #tpu.memory_space<vmem>> -> memref<1x128xi32, #tpu.memory_space<vmem>>
    %dma_start3A_1431 = tpu.memref_squeeze %dma_start3A_1430 : memref<1x128xi32, #tpu.memory_space<vmem>> -> memref<128xi32, #tpu.memory_space<vmem>>
    %dma_start3A_1432 = arith.constant 0 : i32
    %dma_start3A_1433 = arith.constant 0 : i32
    %dma_start3A_1434 = tpu.memref_slice %arg3[%dma_start3A_1432, %dma_start3A_1433] : memref<10240x128xf32, #tpu.memory_space<hbm>> -> memref<10240x128xf32, #tpu.memory_space<hbm>>
    tpu.enqueue_indirect_dma source(%dma_start3A_1434 : memref<10240x128xf32, #tpu.memory_space<hbm>>) target(%arg10 : memref<128x128xf32, #tpu.memory_space<vmem>>) offsets(%dma_start3A_1431 : memref<128xi32, #tpu.memory_space<vmem>>) semaphore(%arg11 : memref<!tpu.dma_semaphore, #tpu.memory_space<semaphore_mem>>)
    %dma_wait3A_1435 = arith.constant 10 : i32
    %dma_wait3A_1436 = arith.constant 0 : i32
    %dma_wait3A_1437 = tpu.memref_slice %arg7[%dma_wait3A_1435, %dma_wait3A_1436] : memref<40x128xi32, #tpu.memory_space<vmem>> -> memref<1x128xi32, #tpu.memory_space<vmem>>
    %dma_wait3A_1438 = tpu.memref_squeeze %dma_wait3A_1437 : memref<1x128xi32, #tpu.memory_space<vmem>> -> memref<128xi32, #tpu.memory_space<vmem>>
    %dma_wait3A_1439 = arith.constant 0 : i32
    %dma_wait3A_1440 = arith.constant 0 : i32
    %dma_wait3A_1441 = tpu.memref_slice %arg3[%dma_wait3A_1439, %dma_wait3A_1440] : memref<10240x128xf32, #tpu.memory_space<hbm>> -> memref<10240x128xf32, #tpu.memory_space<hbm>>
    tpu.wait_indirect_dma semaphore(%arg11 : memref<!tpu.dma_semaphore, #tpu.memory_space<semaphore_mem>>) src(%dma_wait3A_1441 : memref<10240x128xf32, #tpu.memory_space<hbm>>) dst(%arg9 : memref<128x128xf32, #tpu.memory_space<vmem>>)
    %dma_start3A_1442 = arith.constant 10 : i32
    %dma_start3A_1443 = arith.constant 0 : i32
    %dma_start3A_1444 = tpu.memref_slice %arg8[%dma_start3A_1442, %dma_start3A_1443] : memref<40x128xi32, #tpu.memory_space<vmem>> -> memref<1x128xi32, #tpu.memory_space<vmem>>
    %dma_start3A_1445 = tpu.memref_squeeze %dma_start3A_1444 : memref<1x128xi32, #tpu.memory_space<vmem>> -> memref<128xi32, #tpu.memory_space<vmem>>
    %dma_start3A_1446 = arith.constant 0 : i32
    %dma_start3A_1447 = arith.constant 0 : i32
    %dma_start3A_1448 = tpu.memref_slice %arg6[%dma_start3A_1446, %dma_start3A_1447] : memref<10240x128xf32, #tpu.memory_space<vmem_shared>> -> memref<10240x128xf32, #tpu.memory_space<vmem_shared>>
    tpu.enqueue_indirect_dma source(%arg9 : memref<128x128xf32, #tpu.memory_space<vmem>>) target(%dma_start3A_1448 : memref<10240x128xf32, #tpu.memory_space<vmem_shared>>) offsets(%dma_start3A_1445 : memref<128xi32, #tpu.memory_space<vmem>>) semaphore(%arg12 : memref<!tpu.dma_semaphore, #tpu.memory_space<semaphore_mem>>) {add = true}
    %dma_wait3A_1449 = arith.constant 11 : i32
    %dma_wait3A_1450 = arith.constant 0 : i32
    %dma_wait3A_1451 = tpu.memref_slice %arg7[%dma_wait3A_1449, %dma_wait3A_1450] : memref<40x128xi32, #tpu.memory_space<vmem>> -> memref<1x128xi32, #tpu.memory_space<vmem>>
    %dma_wait3A_1452 = tpu.memref_squeeze %dma_wait3A_1451 : memref<1x128xi32, #tpu.memory_space<vmem>> -> memref<128xi32, #tpu.memory_space<vmem>>
    %dma_wait3A_1453 = arith.constant 0 : i32
    %dma_wait3A_1454 = arith.constant 0 : i32
    %dma_wait3A_1455 = tpu.memref_slice %arg3[%dma_wait3A_1453, %dma_wait3A_1454] : memref<10240x128xf32, #tpu.memory_space<hbm>> -> memref<10240x128xf32, #tpu.memory_space<hbm>>
    tpu.wait_indirect_dma semaphore(%arg11 : memref<!tpu.dma_semaphore, #tpu.memory_space<semaphore_mem>>) src(%dma_wait3A_1455 : memref<10240x128xf32, #tpu.memory_space<hbm>>) dst(%arg10 : memref<128x128xf32, #tpu.memory_space<vmem>>)
    %dma_start3A_1456 = arith.constant 11 : i32
    %dma_start3A_1457 = arith.constant 0 : i32
    %dma_start3A_1458 = tpu.memref_slice %arg8[%dma_start3A_1456, %dma_start3A_1457] : memref<40x128xi32, #tpu.memory_space<vmem>> -> memref<1x128xi32, #tpu.memory_space<vmem>>
    %dma_start3A_1459 = tpu.memref_squeeze %dma_start3A_1458 : memref<1x128xi32, #tpu.memory_space<vmem>> -> memref<128xi32, #tpu.memory_space<vmem>>
    %dma_start3A_1460 = arith.constant 0 : i32
    %dma_start3A_1461 = arith.constant 0 : i32
    %dma_start3A_1462 = tpu.memref_slice %arg6[%dma_start3A_1460, %dma_start3A_1461] : memref<10240x128xf32, #tpu.memory_space<vmem_shared>> -> memref<10240x128xf32, #tpu.memory_space<vmem_shared>>
    tpu.enqueue_indirect_dma source(%arg10 : memref<128x128xf32, #tpu.memory_space<vmem>>) target(%dma_start3A_1462 : memref<10240x128xf32, #tpu.memory_space<vmem_shared>>) offsets(%dma_start3A_1459 : memref<128xi32, #tpu.memory_space<vmem>>) semaphore(%arg12 : memref<!tpu.dma_semaphore, #tpu.memory_space<semaphore_mem>>) {add = true}
    %dma_wait3A_1463 = arith.constant 10 : i32
    %dma_wait3A_1464 = arith.constant 0 : i32
    %dma_wait3A_1465 = tpu.memref_slice %arg8[%dma_wait3A_1463, %dma_wait3A_1464] : memref<40x128xi32, #tpu.memory_space<vmem>> -> memref<1x128xi32, #tpu.memory_space<vmem>>
    %dma_wait3A_1466 = tpu.memref_squeeze %dma_wait3A_1465 : memref<1x128xi32, #tpu.memory_space<vmem>> -> memref<128xi32, #tpu.memory_space<vmem>>
    %dma_wait3A_1467 = arith.constant 0 : i32
    %dma_wait3A_1468 = arith.constant 0 : i32
    %dma_wait3A_1469 = tpu.memref_slice %arg6[%dma_wait3A_1467, %dma_wait3A_1468] : memref<10240x128xf32, #tpu.memory_space<vmem_shared>> -> memref<10240x128xf32, #tpu.memory_space<vmem_shared>>
    tpu.wait_indirect_dma semaphore(%arg12 : memref<!tpu.dma_semaphore, #tpu.memory_space<semaphore_mem>>) src(%arg9 : memref<128x128xf32, #tpu.memory_space<vmem>>) dst(%dma_wait3A_1469 : memref<10240x128xf32, #tpu.memory_space<vmem_shared>>)
    %dma_start3A_1470 = arith.constant 12 : i32
    %dma_start3A_1471 = arith.constant 0 : i32
    %dma_start3A_1472 = tpu.memref_slice %arg7[%dma_start3A_1470, %dma_start3A_1471] : memref<40x128xi32, #tpu.memory_space<vmem>> -> memref<1x128xi32, #tpu.memory_space<vmem>>
    %dma_start3A_1473 = tpu.memref_squeeze %dma_start3A_1472 : memref<1x128xi32, #tpu.memory_space<vmem>> -> memref<128xi32, #tpu.memory_space<vmem>>
    %dma_start3A_1474 = arith.constant 0 : i32
    %dma_start3A_1475 = arith.constant 0 : i32
    %dma_start3A_1476 = tpu.memref_slice %arg3[%dma_start3A_1474, %dma_start3A_1475] : memref<10240x128xf32, #tpu.memory_space<hbm>> -> memref<10240x128xf32, #tpu.memory_space<hbm>>
    tpu.enqueue_indirect_dma source(%dma_start3A_1476 : memref<10240x128xf32, #tpu.memory_space<hbm>>) target(%arg9 : memref<128x128xf32, #tpu.memory_space<vmem>>) offsets(%dma_start3A_1473 : memref<128xi32, #tpu.memory_space<vmem>>) semaphore(%arg11 : memref<!tpu.dma_semaphore, #tpu.memory_space<semaphore_mem>>)
    %dma_wait3A_1477 = arith.constant 11 : i32
    %dma_wait3A_1478 = arith.constant 0 : i32
    %dma_wait3A_1479 = tpu.memref_slice %arg8[%dma_wait3A_1477, %dma_wait3A_1478] : memref<40x128xi32, #tpu.memory_space<vmem>> -> memref<1x128xi32, #tpu.memory_space<vmem>>
    %dma_wait3A_1480 = tpu.memref_squeeze %dma_wait3A_1479 : memref<1x128xi32, #tpu.memory_space<vmem>> -> memref<128xi32, #tpu.memory_space<vmem>>
    %dma_wait3A_1481 = arith.constant 0 : i32
    %dma_wait3A_1482 = arith.constant 0 : i32
    %dma_wait3A_1483 = tpu.memref_slice %arg6[%dma_wait3A_1481, %dma_wait3A_1482] : memref<10240x128xf32, #tpu.memory_space<vmem_shared>> -> memref<10240x128xf32, #tpu.memory_space<vmem_shared>>
    tpu.wait_indirect_dma semaphore(%arg12 : memref<!tpu.dma_semaphore, #tpu.memory_space<semaphore_mem>>) src(%arg10 : memref<128x128xf32, #tpu.memory_space<vmem>>) dst(%dma_wait3A_1483 : memref<10240x128xf32, #tpu.memory_space<vmem_shared>>)
    %dma_start3A_1484 = arith.constant 13 : i32
    %dma_start3A_1485 = arith.constant 0 : i32
    %dma_start3A_1486 = tpu.memref_slice %arg7[%dma_start3A_1484, %dma_start3A_1485] : memref<40x128xi32, #tpu.memory_space<vmem>> -> memref<1x128xi32, #tpu.memory_space<vmem>>
    %dma_start3A_1487 = tpu.memref_squeeze %dma_start3A_1486 : memref<1x128xi32, #tpu.memory_space<vmem>> -> memref<128xi32, #tpu.memory_space<vmem>>
    %dma_start3A_1488 = arith.constant 0 : i32
    %dma_start3A_1489 = arith.constant 0 : i32
    %dma_start3A_1490 = tpu.memref_slice %arg3[%dma_start3A_1488, %dma_start3A_1489] : memref<10240x128xf32, #tpu.memory_space<hbm>> -> memref<10240x128xf32, #tpu.memory_space<hbm>>
    tpu.enqueue_indirect_dma source(%dma_start3A_1490 : memref<10240x128xf32, #tpu.memory_space<hbm>>) target(%arg10 : memref<128x128xf32, #tpu.memory_space<vmem>>) offsets(%dma_start3A_1487 : memref<128xi32, #tpu.memory_space<vmem>>) semaphore(%arg11 : memref<!tpu.dma_semaphore, #tpu.memory_space<semaphore_mem>>)
    %dma_wait3A_1491 = arith.constant 12 : i32
    %dma_wait3A_1492 = arith.constant 0 : i32
    %dma_wait3A_1493 = tpu.memref_slice %arg7[%dma_wait3A_1491, %dma_wait3A_1492] : memref<40x128xi32, #tpu.memory_space<vmem>> -> memref<1x128xi32, #tpu.memory_space<vmem>>
    %dma_wait3A_1494 = tpu.memref_squeeze %dma_wait3A_1493 : memref<1x128xi32, #tpu.memory_space<vmem>> -> memref<128xi32, #tpu.memory_space<vmem>>
    %dma_wait3A_1495 = arith.constant 0 : i32
    %dma_wait3A_1496 = arith.constant 0 : i32
    %dma_wait3A_1497 = tpu.memref_slice %arg3[%dma_wait3A_1495, %dma_wait3A_1496] : memref<10240x128xf32, #tpu.memory_space<hbm>> -> memref<10240x128xf32, #tpu.memory_space<hbm>>
    tpu.wait_indirect_dma semaphore(%arg11 : memref<!tpu.dma_semaphore, #tpu.memory_space<semaphore_mem>>) src(%dma_wait3A_1497 : memref<10240x128xf32, #tpu.memory_space<hbm>>) dst(%arg9 : memref<128x128xf32, #tpu.memory_space<vmem>>)
    %dma_start3A_1498 = arith.constant 12 : i32
    %dma_start3A_1499 = arith.constant 0 : i32
    %dma_start3A_1500 = tpu.memref_slice %arg8[%dma_start3A_1498, %dma_start3A_1499] : memref<40x128xi32, #tpu.memory_space<vmem>> -> memref<1x128xi32, #tpu.memory_space<vmem>>
    %dma_start3A_1501 = tpu.memref_squeeze %dma_start3A_1500 : memref<1x128xi32, #tpu.memory_space<vmem>> -> memref<128xi32, #tpu.memory_space<vmem>>
    %dma_start3A_1502 = arith.constant 0 : i32
    %dma_start3A_1503 = arith.constant 0 : i32
    %dma_start3A_1504 = tpu.memref_slice %arg6[%dma_start3A_1502, %dma_start3A_1503] : memref<10240x128xf32, #tpu.memory_space<vmem_shared>> -> memref<10240x128xf32, #tpu.memory_space<vmem_shared>>
    tpu.enqueue_indirect_dma source(%arg9 : memref<128x128xf32, #tpu.memory_space<vmem>>) target(%dma_start3A_1504 : memref<10240x128xf32, #tpu.memory_space<vmem_shared>>) offsets(%dma_start3A_1501 : memref<128xi32, #tpu.memory_space<vmem>>) semaphore(%arg12 : memref<!tpu.dma_semaphore, #tpu.memory_space<semaphore_mem>>) {add = true}
    %dma_wait3A_1505 = arith.constant 13 : i32
    %dma_wait3A_1506 = arith.constant 0 : i32
    %dma_wait3A_1507 = tpu.memref_slice %arg7[%dma_wait3A_1505, %dma_wait3A_1506] : memref<40x128xi32, #tpu.memory_space<vmem>> -> memref<1x128xi32, #tpu.memory_space<vmem>>
    %dma_wait3A_1508 = tpu.memref_squeeze %dma_wait3A_1507 : memref<1x128xi32, #tpu.memory_space<vmem>> -> memref<128xi32, #tpu.memory_space<vmem>>
    %dma_wait3A_1509 = arith.constant 0 : i32
    %dma_wait3A_1510 = arith.constant 0 : i32
    %dma_wait3A_1511 = tpu.memref_slice %arg3[%dma_wait3A_1509, %dma_wait3A_1510] : memref<10240x128xf32, #tpu.memory_space<hbm>> -> memref<10240x128xf32, #tpu.memory_space<hbm>>
    tpu.wait_indirect_dma semaphore(%arg11 : memref<!tpu.dma_semaphore, #tpu.memory_space<semaphore_mem>>) src(%dma_wait3A_1511 : memref<10240x128xf32, #tpu.memory_space<hbm>>) dst(%arg10 : memref<128x128xf32, #tpu.memory_space<vmem>>)
    %dma_start3A_1512 = arith.constant 13 : i32
    %dma_start3A_1513 = arith.constant 0 : i32
    %dma_start3A_1514 = tpu.memref_slice %arg8[%dma_start3A_1512, %dma_start3A_1513] : memref<40x128xi32, #tpu.memory_space<vmem>> -> memref<1x128xi32, #tpu.memory_space<vmem>>
    %dma_start3A_1515 = tpu.memref_squeeze %dma_start3A_1514 : memref<1x128xi32, #tpu.memory_space<vmem>> -> memref<128xi32, #tpu.memory_space<vmem>>
    %dma_start3A_1516 = arith.constant 0 : i32
    %dma_start3A_1517 = arith.constant 0 : i32
    %dma_start3A_1518 = tpu.memref_slice %arg6[%dma_start3A_1516, %dma_start3A_1517] : memref<10240x128xf32, #tpu.memory_space<vmem_shared>> -> memref<10240x128xf32, #tpu.memory_space<vmem_shared>>
    tpu.enqueue_indirect_dma source(%arg10 : memref<128x128xf32, #tpu.memory_space<vmem>>) target(%dma_start3A_1518 : memref<10240x128xf32, #tpu.memory_space<vmem_shared>>) offsets(%dma_start3A_1515 : memref<128xi32, #tpu.memory_space<vmem>>) semaphore(%arg12 : memref<!tpu.dma_semaphore, #tpu.memory_space<semaphore_mem>>) {add = true}
    %dma_wait3A_1519 = arith.constant 12 : i32
    %dma_wait3A_1520 = arith.constant 0 : i32
    %dma_wait3A_1521 = tpu.memref_slice %arg8[%dma_wait3A_1519, %dma_wait3A_1520] : memref<40x128xi32, #tpu.memory_space<vmem>> -> memref<1x128xi32, #tpu.memory_space<vmem>>
    %dma_wait3A_1522 = tpu.memref_squeeze %dma_wait3A_1521 : memref<1x128xi32, #tpu.memory_space<vmem>> -> memref<128xi32, #tpu.memory_space<vmem>>
    %dma_wait3A_1523 = arith.constant 0 : i32
    %dma_wait3A_1524 = arith.constant 0 : i32
    %dma_wait3A_1525 = tpu.memref_slice %arg6[%dma_wait3A_1523, %dma_wait3A_1524] : memref<10240x128xf32, #tpu.memory_space<vmem_shared>> -> memref<10240x128xf32, #tpu.memory_space<vmem_shared>>
    tpu.wait_indirect_dma semaphore(%arg12 : memref<!tpu.dma_semaphore, #tpu.memory_space<semaphore_mem>>) src(%arg9 : memref<128x128xf32, #tpu.memory_space<vmem>>) dst(%dma_wait3A_1525 : memref<10240x128xf32, #tpu.memory_space<vmem_shared>>)
    %dma_start3A_1526 = arith.constant 14 : i32
    %dma_start3A_1527 = arith.constant 0 : i32
    %dma_start3A_1528 = tpu.memref_slice %arg7[%dma_start3A_1526, %dma_start3A_1527] : memref<40x128xi32, #tpu.memory_space<vmem>> -> memref<1x128xi32, #tpu.memory_space<vmem>>
    %dma_start3A_1529 = tpu.memref_squeeze %dma_start3A_1528 : memref<1x128xi32, #tpu.memory_space<vmem>> -> memref<128xi32, #tpu.memory_space<vmem>>
    %dma_start3A_1530 = arith.constant 0 : i32
    %dma_start3A_1531 = arith.constant 0 : i32
    %dma_start3A_1532 = tpu.memref_slice %arg3[%dma_start3A_1530, %dma_start3A_1531] : memref<10240x128xf32, #tpu.memory_space<hbm>> -> memref<10240x128xf32, #tpu.memory_space<hbm>>
    tpu.enqueue_indirect_dma source(%dma_start3A_1532 : memref<10240x128xf32, #tpu.memory_space<hbm>>) target(%arg9 : memref<128x128xf32, #tpu.memory_space<vmem>>) offsets(%dma_start3A_1529 : memref<128xi32, #tpu.memory_space<vmem>>) semaphore(%arg11 : memref<!tpu.dma_semaphore, #tpu.memory_space<semaphore_mem>>)
    %dma_wait3A_1533 = arith.constant 13 : i32
    %dma_wait3A_1534 = arith.constant 0 : i32
    %dma_wait3A_1535 = tpu.memref_slice %arg8[%dma_wait3A_1533, %dma_wait3A_1534] : memref<40x128xi32, #tpu.memory_space<vmem>> -> memref<1x128xi32, #tpu.memory_space<vmem>>
    %dma_wait3A_1536 = tpu.memref_squeeze %dma_wait3A_1535 : memref<1x128xi32, #tpu.memory_space<vmem>> -> memref<128xi32, #tpu.memory_space<vmem>>
    %dma_wait3A_1537 = arith.constant 0 : i32
    %dma_wait3A_1538 = arith.constant 0 : i32
    %dma_wait3A_1539 = tpu.memref_slice %arg6[%dma_wait3A_1537, %dma_wait3A_1538] : memref<10240x128xf32, #tpu.memory_space<vmem_shared>> -> memref<10240x128xf32, #tpu.memory_space<vmem_shared>>
    tpu.wait_indirect_dma semaphore(%arg12 : memref<!tpu.dma_semaphore, #tpu.memory_space<semaphore_mem>>) src(%arg10 : memref<128x128xf32, #tpu.memory_space<vmem>>) dst(%dma_wait3A_1539 : memref<10240x128xf32, #tpu.memory_space<vmem_shared>>)
    %dma_start3A_1540 = arith.constant 15 : i32
    %dma_start3A_1541 = arith.constant 0 : i32
    %dma_start3A_1542 = tpu.memref_slice %arg7[%dma_start3A_1540, %dma_start3A_1541] : memref<40x128xi32, #tpu.memory_space<vmem>> -> memref<1x128xi32, #tpu.memory_space<vmem>>
    %dma_start3A_1543 = tpu.memref_squeeze %dma_start3A_1542 : memref<1x128xi32, #tpu.memory_space<vmem>> -> memref<128xi32, #tpu.memory_space<vmem>>
    %dma_start3A_1544 = arith.constant 0 : i32
    %dma_start3A_1545 = arith.constant 0 : i32
    %dma_start3A_1546 = tpu.memref_slice %arg3[%dma_start3A_1544, %dma_start3A_1545] : memref<10240x128xf32, #tpu.memory_space<hbm>> -> memref<10240x128xf32, #tpu.memory_space<hbm>>
    tpu.enqueue_indirect_dma source(%dma_start3A_1546 : memref<10240x128xf32, #tpu.memory_space<hbm>>) target(%arg10 : memref<128x128xf32, #tpu.memory_space<vmem>>) offsets(%dma_start3A_1543 : memref<128xi32, #tpu.memory_space<vmem>>) semaphore(%arg11 : memref<!tpu.dma_semaphore, #tpu.memory_space<semaphore_mem>>)
    %dma_wait3A_1547 = arith.constant 14 : i32
    %dma_wait3A_1548 = arith.constant 0 : i32
    %dma_wait3A_1549 = tpu.memref_slice %arg7[%dma_wait3A_1547, %dma_wait3A_1548] : memref<40x128xi32, #tpu.memory_space<vmem>> -> memref<1x128xi32, #tpu.memory_space<vmem>>
    %dma_wait3A_1550 = tpu.memref_squeeze %dma_wait3A_1549 : memref<1x128xi32, #tpu.memory_space<vmem>> -> memref<128xi32, #tpu.memory_space<vmem>>
    %dma_wait3A_1551 = arith.constant 0 : i32
    %dma_wait3A_1552 = arith.constant 0 : i32
    %dma_wait3A_1553 = tpu.memref_slice %arg3[%dma_wait3A_1551, %dma_wait3A_1552] : memref<10240x128xf32, #tpu.memory_space<hbm>> -> memref<10240x128xf32, #tpu.memory_space<hbm>>
    tpu.wait_indirect_dma semaphore(%arg11 : memref<!tpu.dma_semaphore, #tpu.memory_space<semaphore_mem>>) src(%dma_wait3A_1553 : memref<10240x128xf32, #tpu.memory_space<hbm>>) dst(%arg9 : memref<128x128xf32, #tpu.memory_space<vmem>>)
    %dma_start3A_1554 = arith.constant 14 : i32
    %dma_start3A_1555 = arith.constant 0 : i32
    %dma_start3A_1556 = tpu.memref_slice %arg8[%dma_start3A_1554, %dma_start3A_1555] : memref<40x128xi32, #tpu.memory_space<vmem>> -> memref<1x128xi32, #tpu.memory_space<vmem>>
    %dma_start3A_1557 = tpu.memref_squeeze %dma_start3A_1556 : memref<1x128xi32, #tpu.memory_space<vmem>> -> memref<128xi32, #tpu.memory_space<vmem>>
    %dma_start3A_1558 = arith.constant 0 : i32
    %dma_start3A_1559 = arith.constant 0 : i32
    %dma_start3A_1560 = tpu.memref_slice %arg6[%dma_start3A_1558, %dma_start3A_1559] : memref<10240x128xf32, #tpu.memory_space<vmem_shared>> -> memref<10240x128xf32, #tpu.memory_space<vmem_shared>>
    tpu.enqueue_indirect_dma source(%arg9 : memref<128x128xf32, #tpu.memory_space<vmem>>) target(%dma_start3A_1560 : memref<10240x128xf32, #tpu.memory_space<vmem_shared>>) offsets(%dma_start3A_1557 : memref<128xi32, #tpu.memory_space<vmem>>) semaphore(%arg12 : memref<!tpu.dma_semaphore, #tpu.memory_space<semaphore_mem>>) {add = true}
    %dma_wait3A_1561 = arith.constant 15 : i32
    %dma_wait3A_1562 = arith.constant 0 : i32
    %dma_wait3A_1563 = tpu.memref_slice %arg7[%dma_wait3A_1561, %dma_wait3A_1562] : memref<40x128xi32, #tpu.memory_space<vmem>> -> memref<1x128xi32, #tpu.memory_space<vmem>>
    %dma_wait3A_1564 = tpu.memref_squeeze %dma_wait3A_1563 : memref<1x128xi32, #tpu.memory_space<vmem>> -> memref<128xi32, #tpu.memory_space<vmem>>
    %dma_wait3A_1565 = arith.constant 0 : i32
    %dma_wait3A_1566 = arith.constant 0 : i32
    %dma_wait3A_1567 = tpu.memref_slice %arg3[%dma_wait3A_1565, %dma_wait3A_1566] : memref<10240x128xf32, #tpu.memory_space<hbm>> -> memref<10240x128xf32, #tpu.memory_space<hbm>>
    tpu.wait_indirect_dma semaphore(%arg11 : memref<!tpu.dma_semaphore, #tpu.memory_space<semaphore_mem>>) src(%dma_wait3A_1567 : memref<10240x128xf32, #tpu.memory_space<hbm>>) dst(%arg10 : memref<128x128xf32, #tpu.memory_space<vmem>>)
    %dma_start3A_1568 = arith.constant 15 : i32
    %dma_start3A_1569 = arith.constant 0 : i32
    %dma_start3A_1570 = tpu.memref_slice %arg8[%dma_start3A_1568, %dma_start3A_1569] : memref<40x128xi32, #tpu.memory_space<vmem>> -> memref<1x128xi32, #tpu.memory_space<vmem>>
    %dma_start3A_1571 = tpu.memref_squeeze %dma_start3A_1570 : memref<1x128xi32, #tpu.memory_space<vmem>> -> memref<128xi32, #tpu.memory_space<vmem>>
    %dma_start3A_1572 = arith.constant 0 : i32
    %dma_start3A_1573 = arith.constant 0 : i32
    %dma_start3A_1574 = tpu.memref_slice %arg6[%dma_start3A_1572, %dma_start3A_1573] : memref<10240x128xf32, #tpu.memory_space<vmem_shared>> -> memref<10240x128xf32, #tpu.memory_space<vmem_shared>>
    tpu.enqueue_indirect_dma source(%arg10 : memref<128x128xf32, #tpu.memory_space<vmem>>) target(%dma_start3A_1574 : memref<10240x128xf32, #tpu.memory_space<vmem_shared>>) offsets(%dma_start3A_1571 : memref<128xi32, #tpu.memory_space<vmem>>) semaphore(%arg12 : memref<!tpu.dma_semaphore, #tpu.memory_space<semaphore_mem>>) {add = true}
    %dma_wait3A_1575 = arith.constant 14 : i32
    %dma_wait3A_1576 = arith.constant 0 : i32
    %dma_wait3A_1577 = tpu.memref_slice %arg8[%dma_wait3A_1575, %dma_wait3A_1576] : memref<40x128xi32, #tpu.memory_space<vmem>> -> memref<1x128xi32, #tpu.memory_space<vmem>>
    %dma_wait3A_1578 = tpu.memref_squeeze %dma_wait3A_1577 : memref<1x128xi32, #tpu.memory_space<vmem>> -> memref<128xi32, #tpu.memory_space<vmem>>
    %dma_wait3A_1579 = arith.constant 0 : i32
    %dma_wait3A_1580 = arith.constant 0 : i32
    %dma_wait3A_1581 = tpu.memref_slice %arg6[%dma_wait3A_1579, %dma_wait3A_1580] : memref<10240x128xf32, #tpu.memory_space<vmem_shared>> -> memref<10240x128xf32, #tpu.memory_space<vmem_shared>>
    tpu.wait_indirect_dma semaphore(%arg12 : memref<!tpu.dma_semaphore, #tpu.memory_space<semaphore_mem>>) src(%arg9 : memref<128x128xf32, #tpu.memory_space<vmem>>) dst(%dma_wait3A_1581 : memref<10240x128xf32, #tpu.memory_space<vmem_shared>>)
    %dma_start3A_1582 = arith.constant 16 : i32
    %dma_start3A_1583 = arith.constant 0 : i32
    %dma_start3A_1584 = tpu.memref_slice %arg7[%dma_start3A_1582, %dma_start3A_1583] : memref<40x128xi32, #tpu.memory_space<vmem>> -> memref<1x128xi32, #tpu.memory_space<vmem>>
    %dma_start3A_1585 = tpu.memref_squeeze %dma_start3A_1584 : memref<1x128xi32, #tpu.memory_space<vmem>> -> memref<128xi32, #tpu.memory_space<vmem>>
    %dma_start3A_1586 = arith.constant 0 : i32
    %dma_start3A_1587 = arith.constant 0 : i32
    %dma_start3A_1588 = tpu.memref_slice %arg3[%dma_start3A_1586, %dma_start3A_1587] : memref<10240x128xf32, #tpu.memory_space<hbm>> -> memref<10240x128xf32, #tpu.memory_space<hbm>>
    tpu.enqueue_indirect_dma source(%dma_start3A_1588 : memref<10240x128xf32, #tpu.memory_space<hbm>>) target(%arg9 : memref<128x128xf32, #tpu.memory_space<vmem>>) offsets(%dma_start3A_1585 : memref<128xi32, #tpu.memory_space<vmem>>) semaphore(%arg11 : memref<!tpu.dma_semaphore, #tpu.memory_space<semaphore_mem>>)
    %dma_wait3A_1589 = arith.constant 15 : i32
    %dma_wait3A_1590 = arith.constant 0 : i32
    %dma_wait3A_1591 = tpu.memref_slice %arg8[%dma_wait3A_1589, %dma_wait3A_1590] : memref<40x128xi32, #tpu.memory_space<vmem>> -> memref<1x128xi32, #tpu.memory_space<vmem>>
    %dma_wait3A_1592 = tpu.memref_squeeze %dma_wait3A_1591 : memref<1x128xi32, #tpu.memory_space<vmem>> -> memref<128xi32, #tpu.memory_space<vmem>>
    %dma_wait3A_1593 = arith.constant 0 : i32
    %dma_wait3A_1594 = arith.constant 0 : i32
    %dma_wait3A_1595 = tpu.memref_slice %arg6[%dma_wait3A_1593, %dma_wait3A_1594] : memref<10240x128xf32, #tpu.memory_space<vmem_shared>> -> memref<10240x128xf32, #tpu.memory_space<vmem_shared>>
    tpu.wait_indirect_dma semaphore(%arg12 : memref<!tpu.dma_semaphore, #tpu.memory_space<semaphore_mem>>) src(%arg10 : memref<128x128xf32, #tpu.memory_space<vmem>>) dst(%dma_wait3A_1595 : memref<10240x128xf32, #tpu.memory_space<vmem_shared>>)
    %dma_start3A_1596 = arith.constant 17 : i32
    %dma_start3A_1597 = arith.constant 0 : i32
    %dma_start3A_1598 = tpu.memref_slice %arg7[%dma_start3A_1596, %dma_start3A_1597] : memref<40x128xi32, #tpu.memory_space<vmem>> -> memref<1x128xi32, #tpu.memory_space<vmem>>
    %dma_start3A_1599 = tpu.memref_squeeze %dma_start3A_1598 : memref<1x128xi32, #tpu.memory_space<vmem>> -> memref<128xi32, #tpu.memory_space<vmem>>
    %dma_start3A_1600 = arith.constant 0 : i32
    %dma_start3A_1601 = arith.constant 0 : i32
    %dma_start3A_1602 = tpu.memref_slice %arg3[%dma_start3A_1600, %dma_start3A_1601] : memref<10240x128xf32, #tpu.memory_space<hbm>> -> memref<10240x128xf32, #tpu.memory_space<hbm>>
    tpu.enqueue_indirect_dma source(%dma_start3A_1602 : memref<10240x128xf32, #tpu.memory_space<hbm>>) target(%arg10 : memref<128x128xf32, #tpu.memory_space<vmem>>) offsets(%dma_start3A_1599 : memref<128xi32, #tpu.memory_space<vmem>>) semaphore(%arg11 : memref<!tpu.dma_semaphore, #tpu.memory_space<semaphore_mem>>)
    %dma_wait3A_1603 = arith.constant 16 : i32
    %dma_wait3A_1604 = arith.constant 0 : i32
    %dma_wait3A_1605 = tpu.memref_slice %arg7[%dma_wait3A_1603, %dma_wait3A_1604] : memref<40x128xi32, #tpu.memory_space<vmem>> -> memref<1x128xi32, #tpu.memory_space<vmem>>
    %dma_wait3A_1606 = tpu.memref_squeeze %dma_wait3A_1605 : memref<1x128xi32, #tpu.memory_space<vmem>> -> memref<128xi32, #tpu.memory_space<vmem>>
    %dma_wait3A_1607 = arith.constant 0 : i32
    %dma_wait3A_1608 = arith.constant 0 : i32
    %dma_wait3A_1609 = tpu.memref_slice %arg3[%dma_wait3A_1607, %dma_wait3A_1608] : memref<10240x128xf32, #tpu.memory_space<hbm>> -> memref<10240x128xf32, #tpu.memory_space<hbm>>
    tpu.wait_indirect_dma semaphore(%arg11 : memref<!tpu.dma_semaphore, #tpu.memory_space<semaphore_mem>>) src(%dma_wait3A_1609 : memref<10240x128xf32, #tpu.memory_space<hbm>>) dst(%arg9 : memref<128x128xf32, #tpu.memory_space<vmem>>)
    %dma_start3A_1610 = arith.constant 16 : i32
    %dma_start3A_1611 = arith.constant 0 : i32
    %dma_start3A_1612 = tpu.memref_slice %arg8[%dma_start3A_1610, %dma_start3A_1611] : memref<40x128xi32, #tpu.memory_space<vmem>> -> memref<1x128xi32, #tpu.memory_space<vmem>>
    %dma_start3A_1613 = tpu.memref_squeeze %dma_start3A_1612 : memref<1x128xi32, #tpu.memory_space<vmem>> -> memref<128xi32, #tpu.memory_space<vmem>>
    %dma_start3A_1614 = arith.constant 0 : i32
    %dma_start3A_1615 = arith.constant 0 : i32
    %dma_start3A_1616 = tpu.memref_slice %arg6[%dma_start3A_1614, %dma_start3A_1615] : memref<10240x128xf32, #tpu.memory_space<vmem_shared>> -> memref<10240x128xf32, #tpu.memory_space<vmem_shared>>
    tpu.enqueue_indirect_dma source(%arg9 : memref<128x128xf32, #tpu.memory_space<vmem>>) target(%dma_start3A_1616 : memref<10240x128xf32, #tpu.memory_space<vmem_shared>>) offsets(%dma_start3A_1613 : memref<128xi32, #tpu.memory_space<vmem>>) semaphore(%arg12 : memref<!tpu.dma_semaphore, #tpu.memory_space<semaphore_mem>>) {add = true}
    %dma_wait3A_1617 = arith.constant 17 : i32
    %dma_wait3A_1618 = arith.constant 0 : i32
    %dma_wait3A_1619 = tpu.memref_slice %arg7[%dma_wait3A_1617, %dma_wait3A_1618] : memref<40x128xi32, #tpu.memory_space<vmem>> -> memref<1x128xi32, #tpu.memory_space<vmem>>
    %dma_wait3A_1620 = tpu.memref_squeeze %dma_wait3A_1619 : memref<1x128xi32, #tpu.memory_space<vmem>> -> memref<128xi32, #tpu.memory_space<vmem>>
    %dma_wait3A_1621 = arith.constant 0 : i32
    %dma_wait3A_1622 = arith.constant 0 : i32
    %dma_wait3A_1623 = tpu.memref_slice %arg3[%dma_wait3A_1621, %dma_wait3A_1622] : memref<10240x128xf32, #tpu.memory_space<hbm>> -> memref<10240x128xf32, #tpu.memory_space<hbm>>
    tpu.wait_indirect_dma semaphore(%arg11 : memref<!tpu.dma_semaphore, #tpu.memory_space<semaphore_mem>>) src(%dma_wait3A_1623 : memref<10240x128xf32, #tpu.memory_space<hbm>>) dst(%arg10 : memref<128x128xf32, #tpu.memory_space<vmem>>)
    %dma_start3A_1624 = arith.constant 17 : i32
    %dma_start3A_1625 = arith.constant 0 : i32
    %dma_start3A_1626 = tpu.memref_slice %arg8[%dma_start3A_1624, %dma_start3A_1625] : memref<40x128xi32, #tpu.memory_space<vmem>> -> memref<1x128xi32, #tpu.memory_space<vmem>>
    %dma_start3A_1627 = tpu.memref_squeeze %dma_start3A_1626 : memref<1x128xi32, #tpu.memory_space<vmem>> -> memref<128xi32, #tpu.memory_space<vmem>>
    %dma_start3A_1628 = arith.constant 0 : i32
    %dma_start3A_1629 = arith.constant 0 : i32
    %dma_start3A_1630 = tpu.memref_slice %arg6[%dma_start3A_1628, %dma_start3A_1629] : memref<10240x128xf32, #tpu.memory_space<vmem_shared>> -> memref<10240x128xf32, #tpu.memory_space<vmem_shared>>
    tpu.enqueue_indirect_dma source(%arg10 : memref<128x128xf32, #tpu.memory_space<vmem>>) target(%dma_start3A_1630 : memref<10240x128xf32, #tpu.memory_space<vmem_shared>>) offsets(%dma_start3A_1627 : memref<128xi32, #tpu.memory_space<vmem>>) semaphore(%arg12 : memref<!tpu.dma_semaphore, #tpu.memory_space<semaphore_mem>>) {add = true}
    %dma_wait3A_1631 = arith.constant 16 : i32
    %dma_wait3A_1632 = arith.constant 0 : i32
    %dma_wait3A_1633 = tpu.memref_slice %arg8[%dma_wait3A_1631, %dma_wait3A_1632] : memref<40x128xi32, #tpu.memory_space<vmem>> -> memref<1x128xi32, #tpu.memory_space<vmem>>
    %dma_wait3A_1634 = tpu.memref_squeeze %dma_wait3A_1633 : memref<1x128xi32, #tpu.memory_space<vmem>> -> memref<128xi32, #tpu.memory_space<vmem>>
    %dma_wait3A_1635 = arith.constant 0 : i32
    %dma_wait3A_1636 = arith.constant 0 : i32
    %dma_wait3A_1637 = tpu.memref_slice %arg6[%dma_wait3A_1635, %dma_wait3A_1636] : memref<10240x128xf32, #tpu.memory_space<vmem_shared>> -> memref<10240x128xf32, #tpu.memory_space<vmem_shared>>
    tpu.wait_indirect_dma semaphore(%arg12 : memref<!tpu.dma_semaphore, #tpu.memory_space<semaphore_mem>>) src(%arg9 : memref<128x128xf32, #tpu.memory_space<vmem>>) dst(%dma_wait3A_1637 : memref<10240x128xf32, #tpu.memory_space<vmem_shared>>)
    %dma_start3A_1638 = arith.constant 18 : i32
    %dma_start3A_1639 = arith.constant 0 : i32
    %dma_start3A_1640 = tpu.memref_slice %arg7[%dma_start3A_1638, %dma_start3A_1639] : memref<40x128xi32, #tpu.memory_space<vmem>> -> memref<1x128xi32, #tpu.memory_space<vmem>>
    %dma_start3A_1641 = tpu.memref_squeeze %dma_start3A_1640 : memref<1x128xi32, #tpu.memory_space<vmem>> -> memref<128xi32, #tpu.memory_space<vmem>>
    %dma_start3A_1642 = arith.constant 0 : i32
    %dma_start3A_1643 = arith.constant 0 : i32
    %dma_start3A_1644 = tpu.memref_slice %arg3[%dma_start3A_1642, %dma_start3A_1643] : memref<10240x128xf32, #tpu.memory_space<hbm>> -> memref<10240x128xf32, #tpu.memory_space<hbm>>
    tpu.enqueue_indirect_dma source(%dma_start3A_1644 : memref<10240x128xf32, #tpu.memory_space<hbm>>) target(%arg9 : memref<128x128xf32, #tpu.memory_space<vmem>>) offsets(%dma_start3A_1641 : memref<128xi32, #tpu.memory_space<vmem>>) semaphore(%arg11 : memref<!tpu.dma_semaphore, #tpu.memory_space<semaphore_mem>>)
    %dma_wait3A_1645 = arith.constant 17 : i32
    %dma_wait3A_1646 = arith.constant 0 : i32
    %dma_wait3A_1647 = tpu.memref_slice %arg8[%dma_wait3A_1645, %dma_wait3A_1646] : memref<40x128xi32, #tpu.memory_space<vmem>> -> memref<1x128xi32, #tpu.memory_space<vmem>>
    %dma_wait3A_1648 = tpu.memref_squeeze %dma_wait3A_1647 : memref<1x128xi32, #tpu.memory_space<vmem>> -> memref<128xi32, #tpu.memory_space<vmem>>
    %dma_wait3A_1649 = arith.constant 0 : i32
    %dma_wait3A_1650 = arith.constant 0 : i32
    %dma_wait3A_1651 = tpu.memref_slice %arg6[%dma_wait3A_1649, %dma_wait3A_1650] : memref<10240x128xf32, #tpu.memory_space<vmem_shared>> -> memref<10240x128xf32, #tpu.memory_space<vmem_shared>>
    tpu.wait_indirect_dma semaphore(%arg12 : memref<!tpu.dma_semaphore, #tpu.memory_space<semaphore_mem>>) src(%arg10 : memref<128x128xf32, #tpu.memory_space<vmem>>) dst(%dma_wait3A_1651 : memref<10240x128xf32, #tpu.memory_space<vmem_shared>>)
    %dma_start3A_1652 = arith.constant 19 : i32
    %dma_start3A_1653 = arith.constant 0 : i32
    %dma_start3A_1654 = tpu.memref_slice %arg7[%dma_start3A_1652, %dma_start3A_1653] : memref<40x128xi32, #tpu.memory_space<vmem>> -> memref<1x128xi32, #tpu.memory_space<vmem>>
    %dma_start3A_1655 = tpu.memref_squeeze %dma_start3A_1654 : memref<1x128xi32, #tpu.memory_space<vmem>> -> memref<128xi32, #tpu.memory_space<vmem>>
    %dma_start3A_1656 = arith.constant 0 : i32
    %dma_start3A_1657 = arith.constant 0 : i32
    %dma_start3A_1658 = tpu.memref_slice %arg3[%dma_start3A_1656, %dma_start3A_1657] : memref<10240x128xf32, #tpu.memory_space<hbm>> -> memref<10240x128xf32, #tpu.memory_space<hbm>>
    tpu.enqueue_indirect_dma source(%dma_start3A_1658 : memref<10240x128xf32, #tpu.memory_space<hbm>>) target(%arg10 : memref<128x128xf32, #tpu.memory_space<vmem>>) offsets(%dma_start3A_1655 : memref<128xi32, #tpu.memory_space<vmem>>) semaphore(%arg11 : memref<!tpu.dma_semaphore, #tpu.memory_space<semaphore_mem>>)
    %dma_wait3A_1659 = arith.constant 18 : i32
    %dma_wait3A_1660 = arith.constant 0 : i32
    %dma_wait3A_1661 = tpu.memref_slice %arg7[%dma_wait3A_1659, %dma_wait3A_1660] : memref<40x128xi32, #tpu.memory_space<vmem>> -> memref<1x128xi32, #tpu.memory_space<vmem>>
    %dma_wait3A_1662 = tpu.memref_squeeze %dma_wait3A_1661 : memref<1x128xi32, #tpu.memory_space<vmem>> -> memref<128xi32, #tpu.memory_space<vmem>>
    %dma_wait3A_1663 = arith.constant 0 : i32
    %dma_wait3A_1664 = arith.constant 0 : i32
    %dma_wait3A_1665 = tpu.memref_slice %arg3[%dma_wait3A_1663, %dma_wait3A_1664] : memref<10240x128xf32, #tpu.memory_space<hbm>> -> memref<10240x128xf32, #tpu.memory_space<hbm>>
    tpu.wait_indirect_dma semaphore(%arg11 : memref<!tpu.dma_semaphore, #tpu.memory_space<semaphore_mem>>) src(%dma_wait3A_1665 : memref<10240x128xf32, #tpu.memory_space<hbm>>) dst(%arg9 : memref<128x128xf32, #tpu.memory_space<vmem>>)
    %dma_start3A_1666 = arith.constant 18 : i32
    %dma_start3A_1667 = arith.constant 0 : i32
    %dma_start3A_1668 = tpu.memref_slice %arg8[%dma_start3A_1666, %dma_start3A_1667] : memref<40x128xi32, #tpu.memory_space<vmem>> -> memref<1x128xi32, #tpu.memory_space<vmem>>
    %dma_start3A_1669 = tpu.memref_squeeze %dma_start3A_1668 : memref<1x128xi32, #tpu.memory_space<vmem>> -> memref<128xi32, #tpu.memory_space<vmem>>
    %dma_start3A_1670 = arith.constant 0 : i32
    %dma_start3A_1671 = arith.constant 0 : i32
    %dma_start3A_1672 = tpu.memref_slice %arg6[%dma_start3A_1670, %dma_start3A_1671] : memref<10240x128xf32, #tpu.memory_space<vmem_shared>> -> memref<10240x128xf32, #tpu.memory_space<vmem_shared>>
    tpu.enqueue_indirect_dma source(%arg9 : memref<128x128xf32, #tpu.memory_space<vmem>>) target(%dma_start3A_1672 : memref<10240x128xf32, #tpu.memory_space<vmem_shared>>) offsets(%dma_start3A_1669 : memref<128xi32, #tpu.memory_space<vmem>>) semaphore(%arg12 : memref<!tpu.dma_semaphore, #tpu.memory_space<semaphore_mem>>) {add = true}
    %dma_wait3A_1673 = arith.constant 19 : i32
    %dma_wait3A_1674 = arith.constant 0 : i32
    %dma_wait3A_1675 = tpu.memref_slice %arg7[%dma_wait3A_1673, %dma_wait3A_1674] : memref<40x128xi32, #tpu.memory_space<vmem>> -> memref<1x128xi32, #tpu.memory_space<vmem>>
    %dma_wait3A_1676 = tpu.memref_squeeze %dma_wait3A_1675 : memref<1x128xi32, #tpu.memory_space<vmem>> -> memref<128xi32, #tpu.memory_space<vmem>>
    %dma_wait3A_1677 = arith.constant 0 : i32
    %dma_wait3A_1678 = arith.constant 0 : i32
    %dma_wait3A_1679 = tpu.memref_slice %arg3[%dma_wait3A_1677, %dma_wait3A_1678] : memref<10240x128xf32, #tpu.memory_space<hbm>> -> memref<10240x128xf32, #tpu.memory_space<hbm>>
    tpu.wait_indirect_dma semaphore(%arg11 : memref<!tpu.dma_semaphore, #tpu.memory_space<semaphore_mem>>) src(%dma_wait3A_1679 : memref<10240x128xf32, #tpu.memory_space<hbm>>) dst(%arg10 : memref<128x128xf32, #tpu.memory_space<vmem>>)
    %dma_start3A_1680 = arith.constant 19 : i32
    %dma_start3A_1681 = arith.constant 0 : i32
    %dma_start3A_1682 = tpu.memref_slice %arg8[%dma_start3A_1680, %dma_start3A_1681] : memref<40x128xi32, #tpu.memory_space<vmem>> -> memref<1x128xi32, #tpu.memory_space<vmem>>
    %dma_start3A_1683 = tpu.memref_squeeze %dma_start3A_1682 : memref<1x128xi32, #tpu.memory_space<vmem>> -> memref<128xi32, #tpu.memory_space<vmem>>
    %dma_start3A_1684 = arith.constant 0 : i32
    %dma_start3A_1685 = arith.constant 0 : i32
    %dma_start3A_1686 = tpu.memref_slice %arg6[%dma_start3A_1684, %dma_start3A_1685] : memref<10240x128xf32, #tpu.memory_space<vmem_shared>> -> memref<10240x128xf32, #tpu.memory_space<vmem_shared>>
    tpu.enqueue_indirect_dma source(%arg10 : memref<128x128xf32, #tpu.memory_space<vmem>>) target(%dma_start3A_1686 : memref<10240x128xf32, #tpu.memory_space<vmem_shared>>) offsets(%dma_start3A_1683 : memref<128xi32, #tpu.memory_space<vmem>>) semaphore(%arg12 : memref<!tpu.dma_semaphore, #tpu.memory_space<semaphore_mem>>) {add = true}
    %dma_wait3A_1687 = arith.constant 18 : i32
    %dma_wait3A_1688 = arith.constant 0 : i32
    %dma_wait3A_1689 = tpu.memref_slice %arg8[%dma_wait3A_1687, %dma_wait3A_1688] : memref<40x128xi32, #tpu.memory_space<vmem>> -> memref<1x128xi32, #tpu.memory_space<vmem>>
    %dma_wait3A_1690 = tpu.memref_squeeze %dma_wait3A_1689 : memref<1x128xi32, #tpu.memory_space<vmem>> -> memref<128xi32, #tpu.memory_space<vmem>>
    %dma_wait3A_1691 = arith.constant 0 : i32
    %dma_wait3A_1692 = arith.constant 0 : i32
    %dma_wait3A_1693 = tpu.memref_slice %arg6[%dma_wait3A_1691, %dma_wait3A_1692] : memref<10240x128xf32, #tpu.memory_space<vmem_shared>> -> memref<10240x128xf32, #tpu.memory_space<vmem_shared>>
    tpu.wait_indirect_dma semaphore(%arg12 : memref<!tpu.dma_semaphore, #tpu.memory_space<semaphore_mem>>) src(%arg9 : memref<128x128xf32, #tpu.memory_space<vmem>>) dst(%dma_wait3A_1693 : memref<10240x128xf32, #tpu.memory_space<vmem_shared>>)
    %dma_start3A_1694 = arith.constant 20 : i32
    %dma_start3A_1695 = arith.constant 0 : i32
    %dma_start3A_1696 = tpu.memref_slice %arg7[%dma_start3A_1694, %dma_start3A_1695] : memref<40x128xi32, #tpu.memory_space<vmem>> -> memref<1x128xi32, #tpu.memory_space<vmem>>
    %dma_start3A_1697 = tpu.memref_squeeze %dma_start3A_1696 : memref<1x128xi32, #tpu.memory_space<vmem>> -> memref<128xi32, #tpu.memory_space<vmem>>
    %dma_start3A_1698 = arith.constant 0 : i32
    %dma_start3A_1699 = arith.constant 0 : i32
    %dma_start3A_1700 = tpu.memref_slice %arg3[%dma_start3A_1698, %dma_start3A_1699] : memref<10240x128xf32, #tpu.memory_space<hbm>> -> memref<10240x128xf32, #tpu.memory_space<hbm>>
    tpu.enqueue_indirect_dma source(%dma_start3A_1700 : memref<10240x128xf32, #tpu.memory_space<hbm>>) target(%arg9 : memref<128x128xf32, #tpu.memory_space<vmem>>) offsets(%dma_start3A_1697 : memref<128xi32, #tpu.memory_space<vmem>>) semaphore(%arg11 : memref<!tpu.dma_semaphore, #tpu.memory_space<semaphore_mem>>)
    %dma_wait3A_1701 = arith.constant 19 : i32
    %dma_wait3A_1702 = arith.constant 0 : i32
    %dma_wait3A_1703 = tpu.memref_slice %arg8[%dma_wait3A_1701, %dma_wait3A_1702] : memref<40x128xi32, #tpu.memory_space<vmem>> -> memref<1x128xi32, #tpu.memory_space<vmem>>
    %dma_wait3A_1704 = tpu.memref_squeeze %dma_wait3A_1703 : memref<1x128xi32, #tpu.memory_space<vmem>> -> memref<128xi32, #tpu.memory_space<vmem>>
    %dma_wait3A_1705 = arith.constant 0 : i32
    %dma_wait3A_1706 = arith.constant 0 : i32
    %dma_wait3A_1707 = tpu.memref_slice %arg6[%dma_wait3A_1705, %dma_wait3A_1706] : memref<10240x128xf32, #tpu.memory_space<vmem_shared>> -> memref<10240x128xf32, #tpu.memory_space<vmem_shared>>
    tpu.wait_indirect_dma semaphore(%arg12 : memref<!tpu.dma_semaphore, #tpu.memory_space<semaphore_mem>>) src(%arg10 : memref<128x128xf32, #tpu.memory_space<vmem>>) dst(%dma_wait3A_1707 : memref<10240x128xf32, #tpu.memory_space<vmem_shared>>)
    %dma_start3A_1708 = arith.constant 21 : i32
    %dma_start3A_1709 = arith.constant 0 : i32
    %dma_start3A_1710 = tpu.memref_slice %arg7[%dma_start3A_1708, %dma_start3A_1709] : memref<40x128xi32, #tpu.memory_space<vmem>> -> memref<1x128xi32, #tpu.memory_space<vmem>>
    %dma_start3A_1711 = tpu.memref_squeeze %dma_start3A_1710 : memref<1x128xi32, #tpu.memory_space<vmem>> -> memref<128xi32, #tpu.memory_space<vmem>>
    %dma_start3A_1712 = arith.constant 0 : i32
    %dma_start3A_1713 = arith.constant 0 : i32
    %dma_start3A_1714 = tpu.memref_slice %arg3[%dma_start3A_1712, %dma_start3A_1713] : memref<10240x128xf32, #tpu.memory_space<hbm>> -> memref<10240x128xf32, #tpu.memory_space<hbm>>
    tpu.enqueue_indirect_dma source(%dma_start3A_1714 : memref<10240x128xf32, #tpu.memory_space<hbm>>) target(%arg10 : memref<128x128xf32, #tpu.memory_space<vmem>>) offsets(%dma_start3A_1711 : memref<128xi32, #tpu.memory_space<vmem>>) semaphore(%arg11 : memref<!tpu.dma_semaphore, #tpu.memory_space<semaphore_mem>>)
    %dma_wait3A_1715 = arith.constant 20 : i32
    %dma_wait3A_1716 = arith.constant 0 : i32
    %dma_wait3A_1717 = tpu.memref_slice %arg7[%dma_wait3A_1715, %dma_wait3A_1716] : memref<40x128xi32, #tpu.memory_space<vmem>> -> memref<1x128xi32, #tpu.memory_space<vmem>>
    %dma_wait3A_1718 = tpu.memref_squeeze %dma_wait3A_1717 : memref<1x128xi32, #tpu.memory_space<vmem>> -> memref<128xi32, #tpu.memory_space<vmem>>
    %dma_wait3A_1719 = arith.constant 0 : i32
    %dma_wait3A_1720 = arith.constant 0 : i32
    %dma_wait3A_1721 = tpu.memref_slice %arg3[%dma_wait3A_1719, %dma_wait3A_1720] : memref<10240x128xf32, #tpu.memory_space<hbm>> -> memref<10240x128xf32, #tpu.memory_space<hbm>>
    tpu.wait_indirect_dma semaphore(%arg11 : memref<!tpu.dma_semaphore, #tpu.memory_space<semaphore_mem>>) src(%dma_wait3A_1721 : memref<10240x128xf32, #tpu.memory_space<hbm>>) dst(%arg9 : memref<128x128xf32, #tpu.memory_space<vmem>>)
    %dma_start3A_1722 = arith.constant 20 : i32
    %dma_start3A_1723 = arith.constant 0 : i32
    %dma_start3A_1724 = tpu.memref_slice %arg8[%dma_start3A_1722, %dma_start3A_1723] : memref<40x128xi32, #tpu.memory_space<vmem>> -> memref<1x128xi32, #tpu.memory_space<vmem>>
    %dma_start3A_1725 = tpu.memref_squeeze %dma_start3A_1724 : memref<1x128xi32, #tpu.memory_space<vmem>> -> memref<128xi32, #tpu.memory_space<vmem>>
    %dma_start3A_1726 = arith.constant 0 : i32
    %dma_start3A_1727 = arith.constant 0 : i32
    %dma_start3A_1728 = tpu.memref_slice %arg6[%dma_start3A_1726, %dma_start3A_1727] : memref<10240x128xf32, #tpu.memory_space<vmem_shared>> -> memref<10240x128xf32, #tpu.memory_space<vmem_shared>>
    tpu.enqueue_indirect_dma source(%arg9 : memref<128x128xf32, #tpu.memory_space<vmem>>) target(%dma_start3A_1728 : memref<10240x128xf32, #tpu.memory_space<vmem_shared>>) offsets(%dma_start3A_1725 : memref<128xi32, #tpu.memory_space<vmem>>) semaphore(%arg12 : memref<!tpu.dma_semaphore, #tpu.memory_space<semaphore_mem>>) {add = true}
    %dma_wait3A_1729 = arith.constant 21 : i32
    %dma_wait3A_1730 = arith.constant 0 : i32
    %dma_wait3A_1731 = tpu.memref_slice %arg7[%dma_wait3A_1729, %dma_wait3A_1730] : memref<40x128xi32, #tpu.memory_space<vmem>> -> memref<1x128xi32, #tpu.memory_space<vmem>>
    %dma_wait3A_1732 = tpu.memref_squeeze %dma_wait3A_1731 : memref<1x128xi32, #tpu.memory_space<vmem>> -> memref<128xi32, #tpu.memory_space<vmem>>
    %dma_wait3A_1733 = arith.constant 0 : i32
    %dma_wait3A_1734 = arith.constant 0 : i32
    %dma_wait3A_1735 = tpu.memref_slice %arg3[%dma_wait3A_1733, %dma_wait3A_1734] : memref<10240x128xf32, #tpu.memory_space<hbm>> -> memref<10240x128xf32, #tpu.memory_space<hbm>>
    tpu.wait_indirect_dma semaphore(%arg11 : memref<!tpu.dma_semaphore, #tpu.memory_space<semaphore_mem>>) src(%dma_wait3A_1735 : memref<10240x128xf32, #tpu.memory_space<hbm>>) dst(%arg10 : memref<128x128xf32, #tpu.memory_space<vmem>>)
    %dma_start3A_1736 = arith.constant 21 : i32
    %dma_start3A_1737 = arith.constant 0 : i32
    %dma_start3A_1738 = tpu.memref_slice %arg8[%dma_start3A_1736, %dma_start3A_1737] : memref<40x128xi32, #tpu.memory_space<vmem>> -> memref<1x128xi32, #tpu.memory_space<vmem>>
    %dma_start3A_1739 = tpu.memref_squeeze %dma_start3A_1738 : memref<1x128xi32, #tpu.memory_space<vmem>> -> memref<128xi32, #tpu.memory_space<vmem>>
    %dma_start3A_1740 = arith.constant 0 : i32
    %dma_start3A_1741 = arith.constant 0 : i32
    %dma_start3A_1742 = tpu.memref_slice %arg6[%dma_start3A_1740, %dma_start3A_1741] : memref<10240x128xf32, #tpu.memory_space<vmem_shared>> -> memref<10240x128xf32, #tpu.memory_space<vmem_shared>>
    tpu.enqueue_indirect_dma source(%arg10 : memref<128x128xf32, #tpu.memory_space<vmem>>) target(%dma_start3A_1742 : memref<10240x128xf32, #tpu.memory_space<vmem_shared>>) offsets(%dma_start3A_1739 : memref<128xi32, #tpu.memory_space<vmem>>) semaphore(%arg12 : memref<!tpu.dma_semaphore, #tpu.memory_space<semaphore_mem>>) {add = true}
    %dma_wait3A_1743 = arith.constant 20 : i32
    %dma_wait3A_1744 = arith.constant 0 : i32
    %dma_wait3A_1745 = tpu.memref_slice %arg8[%dma_wait3A_1743, %dma_wait3A_1744] : memref<40x128xi32, #tpu.memory_space<vmem>> -> memref<1x128xi32, #tpu.memory_space<vmem>>
    %dma_wait3A_1746 = tpu.memref_squeeze %dma_wait3A_1745 : memref<1x128xi32, #tpu.memory_space<vmem>> -> memref<128xi32, #tpu.memory_space<vmem>>
    %dma_wait3A_1747 = arith.constant 0 : i32
    %dma_wait3A_1748 = arith.constant 0 : i32
    %dma_wait3A_1749 = tpu.memref_slice %arg6[%dma_wait3A_1747, %dma_wait3A_1748] : memref<10240x128xf32, #tpu.memory_space<vmem_shared>> -> memref<10240x128xf32, #tpu.memory_space<vmem_shared>>
    tpu.wait_indirect_dma semaphore(%arg12 : memref<!tpu.dma_semaphore, #tpu.memory_space<semaphore_mem>>) src(%arg9 : memref<128x128xf32, #tpu.memory_space<vmem>>) dst(%dma_wait3A_1749 : memref<10240x128xf32, #tpu.memory_space<vmem_shared>>)
    %dma_start3A_1750 = arith.constant 22 : i32
    %dma_start3A_1751 = arith.constant 0 : i32
    %dma_start3A_1752 = tpu.memref_slice %arg7[%dma_start3A_1750, %dma_start3A_1751] : memref<40x128xi32, #tpu.memory_space<vmem>> -> memref<1x128xi32, #tpu.memory_space<vmem>>
    %dma_start3A_1753 = tpu.memref_squeeze %dma_start3A_1752 : memref<1x128xi32, #tpu.memory_space<vmem>> -> memref<128xi32, #tpu.memory_space<vmem>>
    %dma_start3A_1754 = arith.constant 0 : i32
    %dma_start3A_1755 = arith.constant 0 : i32
    %dma_start3A_1756 = tpu.memref_slice %arg3[%dma_start3A_1754, %dma_start3A_1755] : memref<10240x128xf32, #tpu.memory_space<hbm>> -> memref<10240x128xf32, #tpu.memory_space<hbm>>
    tpu.enqueue_indirect_dma source(%dma_start3A_1756 : memref<10240x128xf32, #tpu.memory_space<hbm>>) target(%arg9 : memref<128x128xf32, #tpu.memory_space<vmem>>) offsets(%dma_start3A_1753 : memref<128xi32, #tpu.memory_space<vmem>>) semaphore(%arg11 : memref<!tpu.dma_semaphore, #tpu.memory_space<semaphore_mem>>)
    %dma_wait3A_1757 = arith.constant 21 : i32
    %dma_wait3A_1758 = arith.constant 0 : i32
    %dma_wait3A_1759 = tpu.memref_slice %arg8[%dma_wait3A_1757, %dma_wait3A_1758] : memref<40x128xi32, #tpu.memory_space<vmem>> -> memref<1x128xi32, #tpu.memory_space<vmem>>
    %dma_wait3A_1760 = tpu.memref_squeeze %dma_wait3A_1759 : memref<1x128xi32, #tpu.memory_space<vmem>> -> memref<128xi32, #tpu.memory_space<vmem>>
    %dma_wait3A_1761 = arith.constant 0 : i32
    %dma_wait3A_1762 = arith.constant 0 : i32
    %dma_wait3A_1763 = tpu.memref_slice %arg6[%dma_wait3A_1761, %dma_wait3A_1762] : memref<10240x128xf32, #tpu.memory_space<vmem_shared>> -> memref<10240x128xf32, #tpu.memory_space<vmem_shared>>
    tpu.wait_indirect_dma semaphore(%arg12 : memref<!tpu.dma_semaphore, #tpu.memory_space<semaphore_mem>>) src(%arg10 : memref<128x128xf32, #tpu.memory_space<vmem>>) dst(%dma_wait3A_1763 : memref<10240x128xf32, #tpu.memory_space<vmem_shared>>)
    %dma_start3A_1764 = arith.constant 23 : i32
    %dma_start3A_1765 = arith.constant 0 : i32
    %dma_start3A_1766 = tpu.memref_slice %arg7[%dma_start3A_1764, %dma_start3A_1765] : memref<40x128xi32, #tpu.memory_space<vmem>> -> memref<1x128xi32, #tpu.memory_space<vmem>>
    %dma_start3A_1767 = tpu.memref_squeeze %dma_start3A_1766 : memref<1x128xi32, #tpu.memory_space<vmem>> -> memref<128xi32, #tpu.memory_space<vmem>>
    %dma_start3A_1768 = arith.constant 0 : i32
    %dma_start3A_1769 = arith.constant 0 : i32
    %dma_start3A_1770 = tpu.memref_slice %arg3[%dma_start3A_1768, %dma_start3A_1769] : memref<10240x128xf32, #tpu.memory_space<hbm>> -> memref<10240x128xf32, #tpu.memory_space<hbm>>
    tpu.enqueue_indirect_dma source(%dma_start3A_1770 : memref<10240x128xf32, #tpu.memory_space<hbm>>) target(%arg10 : memref<128x128xf32, #tpu.memory_space<vmem>>) offsets(%dma_start3A_1767 : memref<128xi32, #tpu.memory_space<vmem>>) semaphore(%arg11 : memref<!tpu.dma_semaphore, #tpu.memory_space<semaphore_mem>>)
    %dma_wait3A_1771 = arith.constant 22 : i32
    %dma_wait3A_1772 = arith.constant 0 : i32
    %dma_wait3A_1773 = tpu.memref_slice %arg7[%dma_wait3A_1771, %dma_wait3A_1772] : memref<40x128xi32, #tpu.memory_space<vmem>> -> memref<1x128xi32, #tpu.memory_space<vmem>>
    %dma_wait3A_1774 = tpu.memref_squeeze %dma_wait3A_1773 : memref<1x128xi32, #tpu.memory_space<vmem>> -> memref<128xi32, #tpu.memory_space<vmem>>
    %dma_wait3A_1775 = arith.constant 0 : i32
    %dma_wait3A_1776 = arith.constant 0 : i32
    %dma_wait3A_1777 = tpu.memref_slice %arg3[%dma_wait3A_1775, %dma_wait3A_1776] : memref<10240x128xf32, #tpu.memory_space<hbm>> -> memref<10240x128xf32, #tpu.memory_space<hbm>>
    tpu.wait_indirect_dma semaphore(%arg11 : memref<!tpu.dma_semaphore, #tpu.memory_space<semaphore_mem>>) src(%dma_wait3A_1777 : memref<10240x128xf32, #tpu.memory_space<hbm>>) dst(%arg9 : memref<128x128xf32, #tpu.memory_space<vmem>>)
    %dma_start3A_1778 = arith.constant 22 : i32
    %dma_start3A_1779 = arith.constant 0 : i32
    %dma_start3A_1780 = tpu.memref_slice %arg8[%dma_start3A_1778, %dma_start3A_1779] : memref<40x128xi32, #tpu.memory_space<vmem>> -> memref<1x128xi32, #tpu.memory_space<vmem>>
    %dma_start3A_1781 = tpu.memref_squeeze %dma_start3A_1780 : memref<1x128xi32, #tpu.memory_space<vmem>> -> memref<128xi32, #tpu.memory_space<vmem>>
    %dma_start3A_1782 = arith.constant 0 : i32
    %dma_start3A_1783 = arith.constant 0 : i32
    %dma_start3A_1784 = tpu.memref_slice %arg6[%dma_start3A_1782, %dma_start3A_1783] : memref<10240x128xf32, #tpu.memory_space<vmem_shared>> -> memref<10240x128xf32, #tpu.memory_space<vmem_shared>>
    tpu.enqueue_indirect_dma source(%arg9 : memref<128x128xf32, #tpu.memory_space<vmem>>) target(%dma_start3A_1784 : memref<10240x128xf32, #tpu.memory_space<vmem_shared>>) offsets(%dma_start3A_1781 : memref<128xi32, #tpu.memory_space<vmem>>) semaphore(%arg12 : memref<!tpu.dma_semaphore, #tpu.memory_space<semaphore_mem>>) {add = true}
    %dma_wait3A_1785 = arith.constant 23 : i32
    %dma_wait3A_1786 = arith.constant 0 : i32
    %dma_wait3A_1787 = tpu.memref_slice %arg7[%dma_wait3A_1785, %dma_wait3A_1786] : memref<40x128xi32, #tpu.memory_space<vmem>> -> memref<1x128xi32, #tpu.memory_space<vmem>>
    %dma_wait3A_1788 = tpu.memref_squeeze %dma_wait3A_1787 : memref<1x128xi32, #tpu.memory_space<vmem>> -> memref<128xi32, #tpu.memory_space<vmem>>
    %dma_wait3A_1789 = arith.constant 0 : i32
    %dma_wait3A_1790 = arith.constant 0 : i32
    %dma_wait3A_1791 = tpu.memref_slice %arg3[%dma_wait3A_1789, %dma_wait3A_1790] : memref<10240x128xf32, #tpu.memory_space<hbm>> -> memref<10240x128xf32, #tpu.memory_space<hbm>>
    tpu.wait_indirect_dma semaphore(%arg11 : memref<!tpu.dma_semaphore, #tpu.memory_space<semaphore_mem>>) src(%dma_wait3A_1791 : memref<10240x128xf32, #tpu.memory_space<hbm>>) dst(%arg10 : memref<128x128xf32, #tpu.memory_space<vmem>>)
    %dma_start3A_1792 = arith.constant 23 : i32
    %dma_start3A_1793 = arith.constant 0 : i32
    %dma_start3A_1794 = tpu.memref_slice %arg8[%dma_start3A_1792, %dma_start3A_1793] : memref<40x128xi32, #tpu.memory_space<vmem>> -> memref<1x128xi32, #tpu.memory_space<vmem>>
    %dma_start3A_1795 = tpu.memref_squeeze %dma_start3A_1794 : memref<1x128xi32, #tpu.memory_space<vmem>> -> memref<128xi32, #tpu.memory_space<vmem>>
    %dma_start3A_1796 = arith.constant 0 : i32
    %dma_start3A_1797 = arith.constant 0 : i32
    %dma_start3A_1798 = tpu.memref_slice %arg6[%dma_start3A_1796, %dma_start3A_1797] : memref<10240x128xf32, #tpu.memory_space<vmem_shared>> -> memref<10240x128xf32, #tpu.memory_space<vmem_shared>>
    tpu.enqueue_indirect_dma source(%arg10 : memref<128x128xf32, #tpu.memory_space<vmem>>) target(%dma_start3A_1798 : memref<10240x128xf32, #tpu.memory_space<vmem_shared>>) offsets(%dma_start3A_1795 : memref<128xi32, #tpu.memory_space<vmem>>) semaphore(%arg12 : memref<!tpu.dma_semaphore, #tpu.memory_space<semaphore_mem>>) {add = true}
    %dma_wait3A_1799 = arith.constant 22 : i32
    %dma_wait3A_1800 = arith.constant 0 : i32
    %dma_wait3A_1801 = tpu.memref_slice %arg8[%dma_wait3A_1799, %dma_wait3A_1800] : memref<40x128xi32, #tpu.memory_space<vmem>> -> memref<1x128xi32, #tpu.memory_space<vmem>>
    %dma_wait3A_1802 = tpu.memref_squeeze %dma_wait3A_1801 : memref<1x128xi32, #tpu.memory_space<vmem>> -> memref<128xi32, #tpu.memory_space<vmem>>
    %dma_wait3A_1803 = arith.constant 0 : i32
    %dma_wait3A_1804 = arith.constant 0 : i32
    %dma_wait3A_1805 = tpu.memref_slice %arg6[%dma_wait3A_1803, %dma_wait3A_1804] : memref<10240x128xf32, #tpu.memory_space<vmem_shared>> -> memref<10240x128xf32, #tpu.memory_space<vmem_shared>>
    tpu.wait_indirect_dma semaphore(%arg12 : memref<!tpu.dma_semaphore, #tpu.memory_space<semaphore_mem>>) src(%arg9 : memref<128x128xf32, #tpu.memory_space<vmem>>) dst(%dma_wait3A_1805 : memref<10240x128xf32, #tpu.memory_space<vmem_shared>>)
    %dma_start3A_1806 = arith.constant 24 : i32
    %dma_start3A_1807 = arith.constant 0 : i32
    %dma_start3A_1808 = tpu.memref_slice %arg7[%dma_start3A_1806, %dma_start3A_1807] : memref<40x128xi32, #tpu.memory_space<vmem>> -> memref<1x128xi32, #tpu.memory_space<vmem>>
    %dma_start3A_1809 = tpu.memref_squeeze %dma_start3A_1808 : memref<1x128xi32, #tpu.memory_space<vmem>> -> memref<128xi32, #tpu.memory_space<vmem>>
    %dma_start3A_1810 = arith.constant 0 : i32
    %dma_start3A_1811 = arith.constant 0 : i32
    %dma_start3A_1812 = tpu.memref_slice %arg3[%dma_start3A_1810, %dma_start3A_1811] : memref<10240x128xf32, #tpu.memory_space<hbm>> -> memref<10240x128xf32, #tpu.memory_space<hbm>>
    tpu.enqueue_indirect_dma source(%dma_start3A_1812 : memref<10240x128xf32, #tpu.memory_space<hbm>>) target(%arg9 : memref<128x128xf32, #tpu.memory_space<vmem>>) offsets(%dma_start3A_1809 : memref<128xi32, #tpu.memory_space<vmem>>) semaphore(%arg11 : memref<!tpu.dma_semaphore, #tpu.memory_space<semaphore_mem>>)
    %dma_wait3A_1813 = arith.constant 23 : i32
    %dma_wait3A_1814 = arith.constant 0 : i32
    %dma_wait3A_1815 = tpu.memref_slice %arg8[%dma_wait3A_1813, %dma_wait3A_1814] : memref<40x128xi32, #tpu.memory_space<vmem>> -> memref<1x128xi32, #tpu.memory_space<vmem>>
    %dma_wait3A_1816 = tpu.memref_squeeze %dma_wait3A_1815 : memref<1x128xi32, #tpu.memory_space<vmem>> -> memref<128xi32, #tpu.memory_space<vmem>>
    %dma_wait3A_1817 = arith.constant 0 : i32
    %dma_wait3A_1818 = arith.constant 0 : i32
    %dma_wait3A_1819 = tpu.memref_slice %arg6[%dma_wait3A_1817, %dma_wait3A_1818] : memref<10240x128xf32, #tpu.memory_space<vmem_shared>> -> memref<10240x128xf32, #tpu.memory_space<vmem_shared>>
    tpu.wait_indirect_dma semaphore(%arg12 : memref<!tpu.dma_semaphore, #tpu.memory_space<semaphore_mem>>) src(%arg10 : memref<128x128xf32, #tpu.memory_space<vmem>>) dst(%dma_wait3A_1819 : memref<10240x128xf32, #tpu.memory_space<vmem_shared>>)
    %dma_start3A_1820 = arith.constant 25 : i32
    %dma_start3A_1821 = arith.constant 0 : i32
    %dma_start3A_1822 = tpu.memref_slice %arg7[%dma_start3A_1820, %dma_start3A_1821] : memref<40x128xi32, #tpu.memory_space<vmem>> -> memref<1x128xi32, #tpu.memory_space<vmem>>
    %dma_start3A_1823 = tpu.memref_squeeze %dma_start3A_1822 : memref<1x128xi32, #tpu.memory_space<vmem>> -> memref<128xi32, #tpu.memory_space<vmem>>
    %dma_start3A_1824 = arith.constant 0 : i32
    %dma_start3A_1825 = arith.constant 0 : i32
    %dma_start3A_1826 = tpu.memref_slice %arg3[%dma_start3A_1824, %dma_start3A_1825] : memref<10240x128xf32, #tpu.memory_space<hbm>> -> memref<10240x128xf32, #tpu.memory_space<hbm>>
    tpu.enqueue_indirect_dma source(%dma_start3A_1826 : memref<10240x128xf32, #tpu.memory_space<hbm>>) target(%arg10 : memref<128x128xf32, #tpu.memory_space<vmem>>) offsets(%dma_start3A_1823 : memref<128xi32, #tpu.memory_space<vmem>>) semaphore(%arg11 : memref<!tpu.dma_semaphore, #tpu.memory_space<semaphore_mem>>)
    %dma_wait3A_1827 = arith.constant 24 : i32
    %dma_wait3A_1828 = arith.constant 0 : i32
    %dma_wait3A_1829 = tpu.memref_slice %arg7[%dma_wait3A_1827, %dma_wait3A_1828] : memref<40x128xi32, #tpu.memory_space<vmem>> -> memref<1x128xi32, #tpu.memory_space<vmem>>
    %dma_wait3A_1830 = tpu.memref_squeeze %dma_wait3A_1829 : memref<1x128xi32, #tpu.memory_space<vmem>> -> memref<128xi32, #tpu.memory_space<vmem>>
    %dma_wait3A_1831 = arith.constant 0 : i32
    %dma_wait3A_1832 = arith.constant 0 : i32
    %dma_wait3A_1833 = tpu.memref_slice %arg3[%dma_wait3A_1831, %dma_wait3A_1832] : memref<10240x128xf32, #tpu.memory_space<hbm>> -> memref<10240x128xf32, #tpu.memory_space<hbm>>
    tpu.wait_indirect_dma semaphore(%arg11 : memref<!tpu.dma_semaphore, #tpu.memory_space<semaphore_mem>>) src(%dma_wait3A_1833 : memref<10240x128xf32, #tpu.memory_space<hbm>>) dst(%arg9 : memref<128x128xf32, #tpu.memory_space<vmem>>)
    %dma_start3A_1834 = arith.constant 24 : i32
    %dma_start3A_1835 = arith.constant 0 : i32
    %dma_start3A_1836 = tpu.memref_slice %arg8[%dma_start3A_1834, %dma_start3A_1835] : memref<40x128xi32, #tpu.memory_space<vmem>> -> memref<1x128xi32, #tpu.memory_space<vmem>>
    %dma_start3A_1837 = tpu.memref_squeeze %dma_start3A_1836 : memref<1x128xi32, #tpu.memory_space<vmem>> -> memref<128xi32, #tpu.memory_space<vmem>>
    %dma_start3A_1838 = arith.constant 0 : i32
    %dma_start3A_1839 = arith.constant 0 : i32
    %dma_start3A_1840 = tpu.memref_slice %arg6[%dma_start3A_1838, %dma_start3A_1839] : memref<10240x128xf32, #tpu.memory_space<vmem_shared>> -> memref<10240x128xf32, #tpu.memory_space<vmem_shared>>
    tpu.enqueue_indirect_dma source(%arg9 : memref<128x128xf32, #tpu.memory_space<vmem>>) target(%dma_start3A_1840 : memref<10240x128xf32, #tpu.memory_space<vmem_shared>>) offsets(%dma_start3A_1837 : memref<128xi32, #tpu.memory_space<vmem>>) semaphore(%arg12 : memref<!tpu.dma_semaphore, #tpu.memory_space<semaphore_mem>>) {add = true}
    %dma_wait3A_1841 = arith.constant 25 : i32
    %dma_wait3A_1842 = arith.constant 0 : i32
    %dma_wait3A_1843 = tpu.memref_slice %arg7[%dma_wait3A_1841, %dma_wait3A_1842] : memref<40x128xi32, #tpu.memory_space<vmem>> -> memref<1x128xi32, #tpu.memory_space<vmem>>
    %dma_wait3A_1844 = tpu.memref_squeeze %dma_wait3A_1843 : memref<1x128xi32, #tpu.memory_space<vmem>> -> memref<128xi32, #tpu.memory_space<vmem>>
    %dma_wait3A_1845 = arith.constant 0 : i32
    %dma_wait3A_1846 = arith.constant 0 : i32
    %dma_wait3A_1847 = tpu.memref_slice %arg3[%dma_wait3A_1845, %dma_wait3A_1846] : memref<10240x128xf32, #tpu.memory_space<hbm>> -> memref<10240x128xf32, #tpu.memory_space<hbm>>
    tpu.wait_indirect_dma semaphore(%arg11 : memref<!tpu.dma_semaphore, #tpu.memory_space<semaphore_mem>>) src(%dma_wait3A_1847 : memref<10240x128xf32, #tpu.memory_space<hbm>>) dst(%arg10 : memref<128x128xf32, #tpu.memory_space<vmem>>)
    %dma_start3A_1848 = arith.constant 25 : i32
    %dma_start3A_1849 = arith.constant 0 : i32
    %dma_start3A_1850 = tpu.memref_slice %arg8[%dma_start3A_1848, %dma_start3A_1849] : memref<40x128xi32, #tpu.memory_space<vmem>> -> memref<1x128xi32, #tpu.memory_space<vmem>>
    %dma_start3A_1851 = tpu.memref_squeeze %dma_start3A_1850 : memref<1x128xi32, #tpu.memory_space<vmem>> -> memref<128xi32, #tpu.memory_space<vmem>>
    %dma_start3A_1852 = arith.constant 0 : i32
    %dma_start3A_1853 = arith.constant 0 : i32
    %dma_start3A_1854 = tpu.memref_slice %arg6[%dma_start3A_1852, %dma_start3A_1853] : memref<10240x128xf32, #tpu.memory_space<vmem_shared>> -> memref<10240x128xf32, #tpu.memory_space<vmem_shared>>
    tpu.enqueue_indirect_dma source(%arg10 : memref<128x128xf32, #tpu.memory_space<vmem>>) target(%dma_start3A_1854 : memref<10240x128xf32, #tpu.memory_space<vmem_shared>>) offsets(%dma_start3A_1851 : memref<128xi32, #tpu.memory_space<vmem>>) semaphore(%arg12 : memref<!tpu.dma_semaphore, #tpu.memory_space<semaphore_mem>>) {add = true}
    %dma_wait3A_1855 = arith.constant 24 : i32
    %dma_wait3A_1856 = arith.constant 0 : i32
    %dma_wait3A_1857 = tpu.memref_slice %arg8[%dma_wait3A_1855, %dma_wait3A_1856] : memref<40x128xi32, #tpu.memory_space<vmem>> -> memref<1x128xi32, #tpu.memory_space<vmem>>
    %dma_wait3A_1858 = tpu.memref_squeeze %dma_wait3A_1857 : memref<1x128xi32, #tpu.memory_space<vmem>> -> memref<128xi32, #tpu.memory_space<vmem>>
    %dma_wait3A_1859 = arith.constant 0 : i32
    %dma_wait3A_1860 = arith.constant 0 : i32
    %dma_wait3A_1861 = tpu.memref_slice %arg6[%dma_wait3A_1859, %dma_wait3A_1860] : memref<10240x128xf32, #tpu.memory_space<vmem_shared>> -> memref<10240x128xf32, #tpu.memory_space<vmem_shared>>
    tpu.wait_indirect_dma semaphore(%arg12 : memref<!tpu.dma_semaphore, #tpu.memory_space<semaphore_mem>>) src(%arg9 : memref<128x128xf32, #tpu.memory_space<vmem>>) dst(%dma_wait3A_1861 : memref<10240x128xf32, #tpu.memory_space<vmem_shared>>)
    %dma_start3A_1862 = arith.constant 26 : i32
    %dma_start3A_1863 = arith.constant 0 : i32
    %dma_start3A_1864 = tpu.memref_slice %arg7[%dma_start3A_1862, %dma_start3A_1863] : memref<40x128xi32, #tpu.memory_space<vmem>> -> memref<1x128xi32, #tpu.memory_space<vmem>>
    %dma_start3A_1865 = tpu.memref_squeeze %dma_start3A_1864 : memref<1x128xi32, #tpu.memory_space<vmem>> -> memref<128xi32, #tpu.memory_space<vmem>>
    %dma_start3A_1866 = arith.constant 0 : i32
    %dma_start3A_1867 = arith.constant 0 : i32
    %dma_start3A_1868 = tpu.memref_slice %arg3[%dma_start3A_1866, %dma_start3A_1867] : memref<10240x128xf32, #tpu.memory_space<hbm>> -> memref<10240x128xf32, #tpu.memory_space<hbm>>
    tpu.enqueue_indirect_dma source(%dma_start3A_1868 : memref<10240x128xf32, #tpu.memory_space<hbm>>) target(%arg9 : memref<128x128xf32, #tpu.memory_space<vmem>>) offsets(%dma_start3A_1865 : memref<128xi32, #tpu.memory_space<vmem>>) semaphore(%arg11 : memref<!tpu.dma_semaphore, #tpu.memory_space<semaphore_mem>>)
    %dma_wait3A_1869 = arith.constant 25 : i32
    %dma_wait3A_1870 = arith.constant 0 : i32
    %dma_wait3A_1871 = tpu.memref_slice %arg8[%dma_wait3A_1869, %dma_wait3A_1870] : memref<40x128xi32, #tpu.memory_space<vmem>> -> memref<1x128xi32, #tpu.memory_space<vmem>>
    %dma_wait3A_1872 = tpu.memref_squeeze %dma_wait3A_1871 : memref<1x128xi32, #tpu.memory_space<vmem>> -> memref<128xi32, #tpu.memory_space<vmem>>
    %dma_wait3A_1873 = arith.constant 0 : i32
    %dma_wait3A_1874 = arith.constant 0 : i32
    %dma_wait3A_1875 = tpu.memref_slice %arg6[%dma_wait3A_1873, %dma_wait3A_1874] : memref<10240x128xf32, #tpu.memory_space<vmem_shared>> -> memref<10240x128xf32, #tpu.memory_space<vmem_shared>>
    tpu.wait_indirect_dma semaphore(%arg12 : memref<!tpu.dma_semaphore, #tpu.memory_space<semaphore_mem>>) src(%arg10 : memref<128x128xf32, #tpu.memory_space<vmem>>) dst(%dma_wait3A_1875 : memref<10240x128xf32, #tpu.memory_space<vmem_shared>>)
    %dma_start3A_1876 = arith.constant 27 : i32
    %dma_start3A_1877 = arith.constant 0 : i32
    %dma_start3A_1878 = tpu.memref_slice %arg7[%dma_start3A_1876, %dma_start3A_1877] : memref<40x128xi32, #tpu.memory_space<vmem>> -> memref<1x128xi32, #tpu.memory_space<vmem>>
    %dma_start3A_1879 = tpu.memref_squeeze %dma_start3A_1878 : memref<1x128xi32, #tpu.memory_space<vmem>> -> memref<128xi32, #tpu.memory_space<vmem>>
    %dma_start3A_1880 = arith.constant 0 : i32
    %dma_start3A_1881 = arith.constant 0 : i32
    %dma_start3A_1882 = tpu.memref_slice %arg3[%dma_start3A_1880, %dma_start3A_1881] : memref<10240x128xf32, #tpu.memory_space<hbm>> -> memref<10240x128xf32, #tpu.memory_space<hbm>>
    tpu.enqueue_indirect_dma source(%dma_start3A_1882 : memref<10240x128xf32, #tpu.memory_space<hbm>>) target(%arg10 : memref<128x128xf32, #tpu.memory_space<vmem>>) offsets(%dma_start3A_1879 : memref<128xi32, #tpu.memory_space<vmem>>) semaphore(%arg11 : memref<!tpu.dma_semaphore, #tpu.memory_space<semaphore_mem>>)
    %dma_wait3A_1883 = arith.constant 26 : i32
    %dma_wait3A_1884 = arith.constant 0 : i32
    %dma_wait3A_1885 = tpu.memref_slice %arg7[%dma_wait3A_1883, %dma_wait3A_1884] : memref<40x128xi32, #tpu.memory_space<vmem>> -> memref<1x128xi32, #tpu.memory_space<vmem>>
    %dma_wait3A_1886 = tpu.memref_squeeze %dma_wait3A_1885 : memref<1x128xi32, #tpu.memory_space<vmem>> -> memref<128xi32, #tpu.memory_space<vmem>>
    %dma_wait3A_1887 = arith.constant 0 : i32
    %dma_wait3A_1888 = arith.constant 0 : i32
    %dma_wait3A_1889 = tpu.memref_slice %arg3[%dma_wait3A_1887, %dma_wait3A_1888] : memref<10240x128xf32, #tpu.memory_space<hbm>> -> memref<10240x128xf32, #tpu.memory_space<hbm>>
    tpu.wait_indirect_dma semaphore(%arg11 : memref<!tpu.dma_semaphore, #tpu.memory_space<semaphore_mem>>) src(%dma_wait3A_1889 : memref<10240x128xf32, #tpu.memory_space<hbm>>) dst(%arg9 : memref<128x128xf32, #tpu.memory_space<vmem>>)
    %dma_start3A_1890 = arith.constant 26 : i32
    %dma_start3A_1891 = arith.constant 0 : i32
    %dma_start3A_1892 = tpu.memref_slice %arg8[%dma_start3A_1890, %dma_start3A_1891] : memref<40x128xi32, #tpu.memory_space<vmem>> -> memref<1x128xi32, #tpu.memory_space<vmem>>
    %dma_start3A_1893 = tpu.memref_squeeze %dma_start3A_1892 : memref<1x128xi32, #tpu.memory_space<vmem>> -> memref<128xi32, #tpu.memory_space<vmem>>
    %dma_start3A_1894 = arith.constant 0 : i32
    %dma_start3A_1895 = arith.constant 0 : i32
    %dma_start3A_1896 = tpu.memref_slice %arg6[%dma_start3A_1894, %dma_start3A_1895] : memref<10240x128xf32, #tpu.memory_space<vmem_shared>> -> memref<10240x128xf32, #tpu.memory_space<vmem_shared>>
    tpu.enqueue_indirect_dma source(%arg9 : memref<128x128xf32, #tpu.memory_space<vmem>>) target(%dma_start3A_1896 : memref<10240x128xf32, #tpu.memory_space<vmem_shared>>) offsets(%dma_start3A_1893 : memref<128xi32, #tpu.memory_space<vmem>>) semaphore(%arg12 : memref<!tpu.dma_semaphore, #tpu.memory_space<semaphore_mem>>) {add = true}
    %dma_wait3A_1897 = arith.constant 27 : i32
    %dma_wait3A_1898 = arith.constant 0 : i32
    %dma_wait3A_1899 = tpu.memref_slice %arg7[%dma_wait3A_1897, %dma_wait3A_1898] : memref<40x128xi32, #tpu.memory_space<vmem>> -> memref<1x128xi32, #tpu.memory_space<vmem>>
    %dma_wait3A_1900 = tpu.memref_squeeze %dma_wait3A_1899 : memref<1x128xi32, #tpu.memory_space<vmem>> -> memref<128xi32, #tpu.memory_space<vmem>>
    %dma_wait3A_1901 = arith.constant 0 : i32
    %dma_wait3A_1902 = arith.constant 0 : i32
    %dma_wait3A_1903 = tpu.memref_slice %arg3[%dma_wait3A_1901, %dma_wait3A_1902] : memref<10240x128xf32, #tpu.memory_space<hbm>> -> memref<10240x128xf32, #tpu.memory_space<hbm>>
    tpu.wait_indirect_dma semaphore(%arg11 : memref<!tpu.dma_semaphore, #tpu.memory_space<semaphore_mem>>) src(%dma_wait3A_1903 : memref<10240x128xf32, #tpu.memory_space<hbm>>) dst(%arg10 : memref<128x128xf32, #tpu.memory_space<vmem>>)
    %dma_start3A_1904 = arith.constant 27 : i32
    %dma_start3A_1905 = arith.constant 0 : i32
    %dma_start3A_1906 = tpu.memref_slice %arg8[%dma_start3A_1904, %dma_start3A_1905] : memref<40x128xi32, #tpu.memory_space<vmem>> -> memref<1x128xi32, #tpu.memory_space<vmem>>
    %dma_start3A_1907 = tpu.memref_squeeze %dma_start3A_1906 : memref<1x128xi32, #tpu.memory_space<vmem>> -> memref<128xi32, #tpu.memory_space<vmem>>
    %dma_start3A_1908 = arith.constant 0 : i32
    %dma_start3A_1909 = arith.constant 0 : i32
    %dma_start3A_1910 = tpu.memref_slice %arg6[%dma_start3A_1908, %dma_start3A_1909] : memref<10240x128xf32, #tpu.memory_space<vmem_shared>> -> memref<10240x128xf32, #tpu.memory_space<vmem_shared>>
    tpu.enqueue_indirect_dma source(%arg10 : memref<128x128xf32, #tpu.memory_space<vmem>>) target(%dma_start3A_1910 : memref<10240x128xf32, #tpu.memory_space<vmem_shared>>) offsets(%dma_start3A_1907 : memref<128xi32, #tpu.memory_space<vmem>>) semaphore(%arg12 : memref<!tpu.dma_semaphore, #tpu.memory_space<semaphore_mem>>) {add = true}
    %dma_wait3A_1911 = arith.constant 26 : i32
    %dma_wait3A_1912 = arith.constant 0 : i32
    %dma_wait3A_1913 = tpu.memref_slice %arg8[%dma_wait3A_1911, %dma_wait3A_1912] : memref<40x128xi32, #tpu.memory_space<vmem>> -> memref<1x128xi32, #tpu.memory_space<vmem>>
    %dma_wait3A_1914 = tpu.memref_squeeze %dma_wait3A_1913 : memref<1x128xi32, #tpu.memory_space<vmem>> -> memref<128xi32, #tpu.memory_space<vmem>>
    %dma_wait3A_1915 = arith.constant 0 : i32
    %dma_wait3A_1916 = arith.constant 0 : i32
    %dma_wait3A_1917 = tpu.memref_slice %arg6[%dma_wait3A_1915, %dma_wait3A_1916] : memref<10240x128xf32, #tpu.memory_space<vmem_shared>> -> memref<10240x128xf32, #tpu.memory_space<vmem_shared>>
    tpu.wait_indirect_dma semaphore(%arg12 : memref<!tpu.dma_semaphore, #tpu.memory_space<semaphore_mem>>) src(%arg9 : memref<128x128xf32, #tpu.memory_space<vmem>>) dst(%dma_wait3A_1917 : memref<10240x128xf32, #tpu.memory_space<vmem_shared>>)
    %dma_start3A_1918 = arith.constant 28 : i32
    %dma_start3A_1919 = arith.constant 0 : i32
    %dma_start3A_1920 = tpu.memref_slice %arg7[%dma_start3A_1918, %dma_start3A_1919] : memref<40x128xi32, #tpu.memory_space<vmem>> -> memref<1x128xi32, #tpu.memory_space<vmem>>
    %dma_start3A_1921 = tpu.memref_squeeze %dma_start3A_1920 : memref<1x128xi32, #tpu.memory_space<vmem>> -> memref<128xi32, #tpu.memory_space<vmem>>
    %dma_start3A_1922 = arith.constant 0 : i32
    %dma_start3A_1923 = arith.constant 0 : i32
    %dma_start3A_1924 = tpu.memref_slice %arg3[%dma_start3A_1922, %dma_start3A_1923] : memref<10240x128xf32, #tpu.memory_space<hbm>> -> memref<10240x128xf32, #tpu.memory_space<hbm>>
    tpu.enqueue_indirect_dma source(%dma_start3A_1924 : memref<10240x128xf32, #tpu.memory_space<hbm>>) target(%arg9 : memref<128x128xf32, #tpu.memory_space<vmem>>) offsets(%dma_start3A_1921 : memref<128xi32, #tpu.memory_space<vmem>>) semaphore(%arg11 : memref<!tpu.dma_semaphore, #tpu.memory_space<semaphore_mem>>)
    %dma_wait3A_1925 = arith.constant 27 : i32
    %dma_wait3A_1926 = arith.constant 0 : i32
    %dma_wait3A_1927 = tpu.memref_slice %arg8[%dma_wait3A_1925, %dma_wait3A_1926] : memref<40x128xi32, #tpu.memory_space<vmem>> -> memref<1x128xi32, #tpu.memory_space<vmem>>
    %dma_wait3A_1928 = tpu.memref_squeeze %dma_wait3A_1927 : memref<1x128xi32, #tpu.memory_space<vmem>> -> memref<128xi32, #tpu.memory_space<vmem>>
    %dma_wait3A_1929 = arith.constant 0 : i32
    %dma_wait3A_1930 = arith.constant 0 : i32
    %dma_wait3A_1931 = tpu.memref_slice %arg6[%dma_wait3A_1929, %dma_wait3A_1930] : memref<10240x128xf32, #tpu.memory_space<vmem_shared>> -> memref<10240x128xf32, #tpu.memory_space<vmem_shared>>
    tpu.wait_indirect_dma semaphore(%arg12 : memref<!tpu.dma_semaphore, #tpu.memory_space<semaphore_mem>>) src(%arg10 : memref<128x128xf32, #tpu.memory_space<vmem>>) dst(%dma_wait3A_1931 : memref<10240x128xf32, #tpu.memory_space<vmem_shared>>)
    %dma_start3A_1932 = arith.constant 29 : i32
    %dma_start3A_1933 = arith.constant 0 : i32
    %dma_start3A_1934 = tpu.memref_slice %arg7[%dma_start3A_1932, %dma_start3A_1933] : memref<40x128xi32, #tpu.memory_space<vmem>> -> memref<1x128xi32, #tpu.memory_space<vmem>>
    %dma_start3A_1935 = tpu.memref_squeeze %dma_start3A_1934 : memref<1x128xi32, #tpu.memory_space<vmem>> -> memref<128xi32, #tpu.memory_space<vmem>>
    %dma_start3A_1936 = arith.constant 0 : i32
    %dma_start3A_1937 = arith.constant 0 : i32
    %dma_start3A_1938 = tpu.memref_slice %arg3[%dma_start3A_1936, %dma_start3A_1937] : memref<10240x128xf32, #tpu.memory_space<hbm>> -> memref<10240x128xf32, #tpu.memory_space<hbm>>
    tpu.enqueue_indirect_dma source(%dma_start3A_1938 : memref<10240x128xf32, #tpu.memory_space<hbm>>) target(%arg10 : memref<128x128xf32, #tpu.memory_space<vmem>>) offsets(%dma_start3A_1935 : memref<128xi32, #tpu.memory_space<vmem>>) semaphore(%arg11 : memref<!tpu.dma_semaphore, #tpu.memory_space<semaphore_mem>>)
    %dma_wait3A_1939 = arith.constant 28 : i32
    %dma_wait3A_1940 = arith.constant 0 : i32
    %dma_wait3A_1941 = tpu.memref_slice %arg7[%dma_wait3A_1939, %dma_wait3A_1940] : memref<40x128xi32, #tpu.memory_space<vmem>> -> memref<1x128xi32, #tpu.memory_space<vmem>>
    %dma_wait3A_1942 = tpu.memref_squeeze %dma_wait3A_1941 : memref<1x128xi32, #tpu.memory_space<vmem>> -> memref<128xi32, #tpu.memory_space<vmem>>
    %dma_wait3A_1943 = arith.constant 0 : i32
    %dma_wait3A_1944 = arith.constant 0 : i32
    %dma_wait3A_1945 = tpu.memref_slice %arg3[%dma_wait3A_1943, %dma_wait3A_1944] : memref<10240x128xf32, #tpu.memory_space<hbm>> -> memref<10240x128xf32, #tpu.memory_space<hbm>>
    tpu.wait_indirect_dma semaphore(%arg11 : memref<!tpu.dma_semaphore, #tpu.memory_space<semaphore_mem>>) src(%dma_wait3A_1945 : memref<10240x128xf32, #tpu.memory_space<hbm>>) dst(%arg9 : memref<128x128xf32, #tpu.memory_space<vmem>>)
    %dma_start3A_1946 = arith.constant 28 : i32
    %dma_start3A_1947 = arith.constant 0 : i32
    %dma_start3A_1948 = tpu.memref_slice %arg8[%dma_start3A_1946, %dma_start3A_1947] : memref<40x128xi32, #tpu.memory_space<vmem>> -> memref<1x128xi32, #tpu.memory_space<vmem>>
    %dma_start3A_1949 = tpu.memref_squeeze %dma_start3A_1948 : memref<1x128xi32, #tpu.memory_space<vmem>> -> memref<128xi32, #tpu.memory_space<vmem>>
    %dma_start3A_1950 = arith.constant 0 : i32
    %dma_start3A_1951 = arith.constant 0 : i32
    %dma_start3A_1952 = tpu.memref_slice %arg6[%dma_start3A_1950, %dma_start3A_1951] : memref<10240x128xf32, #tpu.memory_space<vmem_shared>> -> memref<10240x128xf32, #tpu.memory_space<vmem_shared>>
    tpu.enqueue_indirect_dma source(%arg9 : memref<128x128xf32, #tpu.memory_space<vmem>>) target(%dma_start3A_1952 : memref<10240x128xf32, #tpu.memory_space<vmem_shared>>) offsets(%dma_start3A_1949 : memref<128xi32, #tpu.memory_space<vmem>>) semaphore(%arg12 : memref<!tpu.dma_semaphore, #tpu.memory_space<semaphore_mem>>) {add = true}
    %dma_wait3A_1953 = arith.constant 29 : i32
    %dma_wait3A_1954 = arith.constant 0 : i32
    %dma_wait3A_1955 = tpu.memref_slice %arg7[%dma_wait3A_1953, %dma_wait3A_1954] : memref<40x128xi32, #tpu.memory_space<vmem>> -> memref<1x128xi32, #tpu.memory_space<vmem>>
    %dma_wait3A_1956 = tpu.memref_squeeze %dma_wait3A_1955 : memref<1x128xi32, #tpu.memory_space<vmem>> -> memref<128xi32, #tpu.memory_space<vmem>>
    %dma_wait3A_1957 = arith.constant 0 : i32
    %dma_wait3A_1958 = arith.constant 0 : i32
    %dma_wait3A_1959 = tpu.memref_slice %arg3[%dma_wait3A_1957, %dma_wait3A_1958] : memref<10240x128xf32, #tpu.memory_space<hbm>> -> memref<10240x128xf32, #tpu.memory_space<hbm>>
    tpu.wait_indirect_dma semaphore(%arg11 : memref<!tpu.dma_semaphore, #tpu.memory_space<semaphore_mem>>) src(%dma_wait3A_1959 : memref<10240x128xf32, #tpu.memory_space<hbm>>) dst(%arg10 : memref<128x128xf32, #tpu.memory_space<vmem>>)
    %dma_start3A_1960 = arith.constant 29 : i32
    %dma_start3A_1961 = arith.constant 0 : i32
    %dma_start3A_1962 = tpu.memref_slice %arg8[%dma_start3A_1960, %dma_start3A_1961] : memref<40x128xi32, #tpu.memory_space<vmem>> -> memref<1x128xi32, #tpu.memory_space<vmem>>
    %dma_start3A_1963 = tpu.memref_squeeze %dma_start3A_1962 : memref<1x128xi32, #tpu.memory_space<vmem>> -> memref<128xi32, #tpu.memory_space<vmem>>
    %dma_start3A_1964 = arith.constant 0 : i32
    %dma_start3A_1965 = arith.constant 0 : i32
    %dma_start3A_1966 = tpu.memref_slice %arg6[%dma_start3A_1964, %dma_start3A_1965] : memref<10240x128xf32, #tpu.memory_space<vmem_shared>> -> memref<10240x128xf32, #tpu.memory_space<vmem_shared>>
    tpu.enqueue_indirect_dma source(%arg10 : memref<128x128xf32, #tpu.memory_space<vmem>>) target(%dma_start3A_1966 : memref<10240x128xf32, #tpu.memory_space<vmem_shared>>) offsets(%dma_start3A_1963 : memref<128xi32, #tpu.memory_space<vmem>>) semaphore(%arg12 : memref<!tpu.dma_semaphore, #tpu.memory_space<semaphore_mem>>) {add = true}
    %dma_wait3A_1967 = arith.constant 28 : i32
    %dma_wait3A_1968 = arith.constant 0 : i32
    %dma_wait3A_1969 = tpu.memref_slice %arg8[%dma_wait3A_1967, %dma_wait3A_1968] : memref<40x128xi32, #tpu.memory_space<vmem>> -> memref<1x128xi32, #tpu.memory_space<vmem>>
    %dma_wait3A_1970 = tpu.memref_squeeze %dma_wait3A_1969 : memref<1x128xi32, #tpu.memory_space<vmem>> -> memref<128xi32, #tpu.memory_space<vmem>>
    %dma_wait3A_1971 = arith.constant 0 : i32
    %dma_wait3A_1972 = arith.constant 0 : i32
    %dma_wait3A_1973 = tpu.memref_slice %arg6[%dma_wait3A_1971, %dma_wait3A_1972] : memref<10240x128xf32, #tpu.memory_space<vmem_shared>> -> memref<10240x128xf32, #tpu.memory_space<vmem_shared>>
    tpu.wait_indirect_dma semaphore(%arg12 : memref<!tpu.dma_semaphore, #tpu.memory_space<semaphore_mem>>) src(%arg9 : memref<128x128xf32, #tpu.memory_space<vmem>>) dst(%dma_wait3A_1973 : memref<10240x128xf32, #tpu.memory_space<vmem_shared>>)
    %dma_start3A_1974 = arith.constant 30 : i32
    %dma_start3A_1975 = arith.constant 0 : i32
    %dma_start3A_1976 = tpu.memref_slice %arg7[%dma_start3A_1974, %dma_start3A_1975] : memref<40x128xi32, #tpu.memory_space<vmem>> -> memref<1x128xi32, #tpu.memory_space<vmem>>
    %dma_start3A_1977 = tpu.memref_squeeze %dma_start3A_1976 : memref<1x128xi32, #tpu.memory_space<vmem>> -> memref<128xi32, #tpu.memory_space<vmem>>
    %dma_start3A_1978 = arith.constant 0 : i32
    %dma_start3A_1979 = arith.constant 0 : i32
    %dma_start3A_1980 = tpu.memref_slice %arg3[%dma_start3A_1978, %dma_start3A_1979] : memref<10240x128xf32, #tpu.memory_space<hbm>> -> memref<10240x128xf32, #tpu.memory_space<hbm>>
    tpu.enqueue_indirect_dma source(%dma_start3A_1980 : memref<10240x128xf32, #tpu.memory_space<hbm>>) target(%arg9 : memref<128x128xf32, #tpu.memory_space<vmem>>) offsets(%dma_start3A_1977 : memref<128xi32, #tpu.memory_space<vmem>>) semaphore(%arg11 : memref<!tpu.dma_semaphore, #tpu.memory_space<semaphore_mem>>)
    %dma_wait3A_1981 = arith.constant 29 : i32
    %dma_wait3A_1982 = arith.constant 0 : i32
    %dma_wait3A_1983 = tpu.memref_slice %arg8[%dma_wait3A_1981, %dma_wait3A_1982] : memref<40x128xi32, #tpu.memory_space<vmem>> -> memref<1x128xi32, #tpu.memory_space<vmem>>
    %dma_wait3A_1984 = tpu.memref_squeeze %dma_wait3A_1983 : memref<1x128xi32, #tpu.memory_space<vmem>> -> memref<128xi32, #tpu.memory_space<vmem>>
    %dma_wait3A_1985 = arith.constant 0 : i32
    %dma_wait3A_1986 = arith.constant 0 : i32
    %dma_wait3A_1987 = tpu.memref_slice %arg6[%dma_wait3A_1985, %dma_wait3A_1986] : memref<10240x128xf32, #tpu.memory_space<vmem_shared>> -> memref<10240x128xf32, #tpu.memory_space<vmem_shared>>
    tpu.wait_indirect_dma semaphore(%arg12 : memref<!tpu.dma_semaphore, #tpu.memory_space<semaphore_mem>>) src(%arg10 : memref<128x128xf32, #tpu.memory_space<vmem>>) dst(%dma_wait3A_1987 : memref<10240x128xf32, #tpu.memory_space<vmem_shared>>)
    %dma_start3A_1988 = arith.constant 31 : i32
    %dma_start3A_1989 = arith.constant 0 : i32
    %dma_start3A_1990 = tpu.memref_slice %arg7[%dma_start3A_1988, %dma_start3A_1989] : memref<40x128xi32, #tpu.memory_space<vmem>> -> memref<1x128xi32, #tpu.memory_space<vmem>>
    %dma_start3A_1991 = tpu.memref_squeeze %dma_start3A_1990 : memref<1x128xi32, #tpu.memory_space<vmem>> -> memref<128xi32, #tpu.memory_space<vmem>>
    %dma_start3A_1992 = arith.constant 0 : i32
    %dma_start3A_1993 = arith.constant 0 : i32
    %dma_start3A_1994 = tpu.memref_slice %arg3[%dma_start3A_1992, %dma_start3A_1993] : memref<10240x128xf32, #tpu.memory_space<hbm>> -> memref<10240x128xf32, #tpu.memory_space<hbm>>
    tpu.enqueue_indirect_dma source(%dma_start3A_1994 : memref<10240x128xf32, #tpu.memory_space<hbm>>) target(%arg10 : memref<128x128xf32, #tpu.memory_space<vmem>>) offsets(%dma_start3A_1991 : memref<128xi32, #tpu.memory_space<vmem>>) semaphore(%arg11 : memref<!tpu.dma_semaphore, #tpu.memory_space<semaphore_mem>>)
    %dma_wait3A_1995 = arith.constant 30 : i32
    %dma_wait3A_1996 = arith.constant 0 : i32
    %dma_wait3A_1997 = tpu.memref_slice %arg7[%dma_wait3A_1995, %dma_wait3A_1996] : memref<40x128xi32, #tpu.memory_space<vmem>> -> memref<1x128xi32, #tpu.memory_space<vmem>>
    %dma_wait3A_1998 = tpu.memref_squeeze %dma_wait3A_1997 : memref<1x128xi32, #tpu.memory_space<vmem>> -> memref<128xi32, #tpu.memory_space<vmem>>
    %dma_wait3A_1999 = arith.constant 0 : i32
    %dma_wait3A_2000 = arith.constant 0 : i32
    %dma_wait3A_2001 = tpu.memref_slice %arg3[%dma_wait3A_1999, %dma_wait3A_2000] : memref<10240x128xf32, #tpu.memory_space<hbm>> -> memref<10240x128xf32, #tpu.memory_space<hbm>>
    tpu.wait_indirect_dma semaphore(%arg11 : memref<!tpu.dma_semaphore, #tpu.memory_space<semaphore_mem>>) src(%dma_wait3A_2001 : memref<10240x128xf32, #tpu.memory_space<hbm>>) dst(%arg9 : memref<128x128xf32, #tpu.memory_space<vmem>>)
    %dma_start3A_2002 = arith.constant 30 : i32
    %dma_start3A_2003 = arith.constant 0 : i32
    %dma_start3A_2004 = tpu.memref_slice %arg8[%dma_start3A_2002, %dma_start3A_2003] : memref<40x128xi32, #tpu.memory_space<vmem>> -> memref<1x128xi32, #tpu.memory_space<vmem>>
    %dma_start3A_2005 = tpu.memref_squeeze %dma_start3A_2004 : memref<1x128xi32, #tpu.memory_space<vmem>> -> memref<128xi32, #tpu.memory_space<vmem>>
    %dma_start3A_2006 = arith.constant 0 : i32
    %dma_start3A_2007 = arith.constant 0 : i32
    %dma_start3A_2008 = tpu.memref_slice %arg6[%dma_start3A_2006, %dma_start3A_2007] : memref<10240x128xf32, #tpu.memory_space<vmem_shared>> -> memref<10240x128xf32, #tpu.memory_space<vmem_shared>>
    tpu.enqueue_indirect_dma source(%arg9 : memref<128x128xf32, #tpu.memory_space<vmem>>) target(%dma_start3A_2008 : memref<10240x128xf32, #tpu.memory_space<vmem_shared>>) offsets(%dma_start3A_2005 : memref<128xi32, #tpu.memory_space<vmem>>) semaphore(%arg12 : memref<!tpu.dma_semaphore, #tpu.memory_space<semaphore_mem>>) {add = true}
    %dma_wait3A_2009 = arith.constant 31 : i32
    %dma_wait3A_2010 = arith.constant 0 : i32
    %dma_wait3A_2011 = tpu.memref_slice %arg7[%dma_wait3A_2009, %dma_wait3A_2010] : memref<40x128xi32, #tpu.memory_space<vmem>> -> memref<1x128xi32, #tpu.memory_space<vmem>>
    %dma_wait3A_2012 = tpu.memref_squeeze %dma_wait3A_2011 : memref<1x128xi32, #tpu.memory_space<vmem>> -> memref<128xi32, #tpu.memory_space<vmem>>
    %dma_wait3A_2013 = arith.constant 0 : i32
    %dma_wait3A_2014 = arith.constant 0 : i32
    %dma_wait3A_2015 = tpu.memref_slice %arg3[%dma_wait3A_2013, %dma_wait3A_2014] : memref<10240x128xf32, #tpu.memory_space<hbm>> -> memref<10240x128xf32, #tpu.memory_space<hbm>>
    tpu.wait_indirect_dma semaphore(%arg11 : memref<!tpu.dma_semaphore, #tpu.memory_space<semaphore_mem>>) src(%dma_wait3A_2015 : memref<10240x128xf32, #tpu.memory_space<hbm>>) dst(%arg10 : memref<128x128xf32, #tpu.memory_space<vmem>>)
    %dma_start3A_2016 = arith.constant 31 : i32
    %dma_start3A_2017 = arith.constant 0 : i32
    %dma_start3A_2018 = tpu.memref_slice %arg8[%dma_start3A_2016, %dma_start3A_2017] : memref<40x128xi32, #tpu.memory_space<vmem>> -> memref<1x128xi32, #tpu.memory_space<vmem>>
    %dma_start3A_2019 = tpu.memref_squeeze %dma_start3A_2018 : memref<1x128xi32, #tpu.memory_space<vmem>> -> memref<128xi32, #tpu.memory_space<vmem>>
    %dma_start3A_2020 = arith.constant 0 : i32
    %dma_start3A_2021 = arith.constant 0 : i32
    %dma_start3A_2022 = tpu.memref_slice %arg6[%dma_start3A_2020, %dma_start3A_2021] : memref<10240x128xf32, #tpu.memory_space<vmem_shared>> -> memref<10240x128xf32, #tpu.memory_space<vmem_shared>>
    tpu.enqueue_indirect_dma source(%arg10 : memref<128x128xf32, #tpu.memory_space<vmem>>) target(%dma_start3A_2022 : memref<10240x128xf32, #tpu.memory_space<vmem_shared>>) offsets(%dma_start3A_2019 : memref<128xi32, #tpu.memory_space<vmem>>) semaphore(%arg12 : memref<!tpu.dma_semaphore, #tpu.memory_space<semaphore_mem>>) {add = true}
    %dma_wait3A_2023 = arith.constant 30 : i32
    %dma_wait3A_2024 = arith.constant 0 : i32
    %dma_wait3A_2025 = tpu.memref_slice %arg8[%dma_wait3A_2023, %dma_wait3A_2024] : memref<40x128xi32, #tpu.memory_space<vmem>> -> memref<1x128xi32, #tpu.memory_space<vmem>>
    %dma_wait3A_2026 = tpu.memref_squeeze %dma_wait3A_2025 : memref<1x128xi32, #tpu.memory_space<vmem>> -> memref<128xi32, #tpu.memory_space<vmem>>
    %dma_wait3A_2027 = arith.constant 0 : i32
    %dma_wait3A_2028 = arith.constant 0 : i32
    %dma_wait3A_2029 = tpu.memref_slice %arg6[%dma_wait3A_2027, %dma_wait3A_2028] : memref<10240x128xf32, #tpu.memory_space<vmem_shared>> -> memref<10240x128xf32, #tpu.memory_space<vmem_shared>>
    tpu.wait_indirect_dma semaphore(%arg12 : memref<!tpu.dma_semaphore, #tpu.memory_space<semaphore_mem>>) src(%arg9 : memref<128x128xf32, #tpu.memory_space<vmem>>) dst(%dma_wait3A_2029 : memref<10240x128xf32, #tpu.memory_space<vmem_shared>>)
    %dma_start3A_2030 = arith.constant 32 : i32
    %dma_start3A_2031 = arith.constant 0 : i32
    %dma_start3A_2032 = tpu.memref_slice %arg7[%dma_start3A_2030, %dma_start3A_2031] : memref<40x128xi32, #tpu.memory_space<vmem>> -> memref<1x128xi32, #tpu.memory_space<vmem>>
    %dma_start3A_2033 = tpu.memref_squeeze %dma_start3A_2032 : memref<1x128xi32, #tpu.memory_space<vmem>> -> memref<128xi32, #tpu.memory_space<vmem>>
    %dma_start3A_2034 = arith.constant 0 : i32
    %dma_start3A_2035 = arith.constant 0 : i32
    %dma_start3A_2036 = tpu.memref_slice %arg3[%dma_start3A_2034, %dma_start3A_2035] : memref<10240x128xf32, #tpu.memory_space<hbm>> -> memref<10240x128xf32, #tpu.memory_space<hbm>>
    tpu.enqueue_indirect_dma source(%dma_start3A_2036 : memref<10240x128xf32, #tpu.memory_space<hbm>>) target(%arg9 : memref<128x128xf32, #tpu.memory_space<vmem>>) offsets(%dma_start3A_2033 : memref<128xi32, #tpu.memory_space<vmem>>) semaphore(%arg11 : memref<!tpu.dma_semaphore, #tpu.memory_space<semaphore_mem>>)
    %dma_wait3A_2037 = arith.constant 31 : i32
    %dma_wait3A_2038 = arith.constant 0 : i32
    %dma_wait3A_2039 = tpu.memref_slice %arg8[%dma_wait3A_2037, %dma_wait3A_2038] : memref<40x128xi32, #tpu.memory_space<vmem>> -> memref<1x128xi32, #tpu.memory_space<vmem>>
    %dma_wait3A_2040 = tpu.memref_squeeze %dma_wait3A_2039 : memref<1x128xi32, #tpu.memory_space<vmem>> -> memref<128xi32, #tpu.memory_space<vmem>>
    %dma_wait3A_2041 = arith.constant 0 : i32
    %dma_wait3A_2042 = arith.constant 0 : i32
    %dma_wait3A_2043 = tpu.memref_slice %arg6[%dma_wait3A_2041, %dma_wait3A_2042] : memref<10240x128xf32, #tpu.memory_space<vmem_shared>> -> memref<10240x128xf32, #tpu.memory_space<vmem_shared>>
    tpu.wait_indirect_dma semaphore(%arg12 : memref<!tpu.dma_semaphore, #tpu.memory_space<semaphore_mem>>) src(%arg10 : memref<128x128xf32, #tpu.memory_space<vmem>>) dst(%dma_wait3A_2043 : memref<10240x128xf32, #tpu.memory_space<vmem_shared>>)
    %dma_start3A_2044 = arith.constant 33 : i32
    %dma_start3A_2045 = arith.constant 0 : i32
    %dma_start3A_2046 = tpu.memref_slice %arg7[%dma_start3A_2044, %dma_start3A_2045] : memref<40x128xi32, #tpu.memory_space<vmem>> -> memref<1x128xi32, #tpu.memory_space<vmem>>
    %dma_start3A_2047 = tpu.memref_squeeze %dma_start3A_2046 : memref<1x128xi32, #tpu.memory_space<vmem>> -> memref<128xi32, #tpu.memory_space<vmem>>
    %dma_start3A_2048 = arith.constant 0 : i32
    %dma_start3A_2049 = arith.constant 0 : i32
    %dma_start3A_2050 = tpu.memref_slice %arg3[%dma_start3A_2048, %dma_start3A_2049] : memref<10240x128xf32, #tpu.memory_space<hbm>> -> memref<10240x128xf32, #tpu.memory_space<hbm>>
    tpu.enqueue_indirect_dma source(%dma_start3A_2050 : memref<10240x128xf32, #tpu.memory_space<hbm>>) target(%arg10 : memref<128x128xf32, #tpu.memory_space<vmem>>) offsets(%dma_start3A_2047 : memref<128xi32, #tpu.memory_space<vmem>>) semaphore(%arg11 : memref<!tpu.dma_semaphore, #tpu.memory_space<semaphore_mem>>)
    %dma_wait3A_2051 = arith.constant 32 : i32
    %dma_wait3A_2052 = arith.constant 0 : i32
    %dma_wait3A_2053 = tpu.memref_slice %arg7[%dma_wait3A_2051, %dma_wait3A_2052] : memref<40x128xi32, #tpu.memory_space<vmem>> -> memref<1x128xi32, #tpu.memory_space<vmem>>
    %dma_wait3A_2054 = tpu.memref_squeeze %dma_wait3A_2053 : memref<1x128xi32, #tpu.memory_space<vmem>> -> memref<128xi32, #tpu.memory_space<vmem>>
    %dma_wait3A_2055 = arith.constant 0 : i32
    %dma_wait3A_2056 = arith.constant 0 : i32
    %dma_wait3A_2057 = tpu.memref_slice %arg3[%dma_wait3A_2055, %dma_wait3A_2056] : memref<10240x128xf32, #tpu.memory_space<hbm>> -> memref<10240x128xf32, #tpu.memory_space<hbm>>
    tpu.wait_indirect_dma semaphore(%arg11 : memref<!tpu.dma_semaphore, #tpu.memory_space<semaphore_mem>>) src(%dma_wait3A_2057 : memref<10240x128xf32, #tpu.memory_space<hbm>>) dst(%arg9 : memref<128x128xf32, #tpu.memory_space<vmem>>)
    %dma_start3A_2058 = arith.constant 32 : i32
    %dma_start3A_2059 = arith.constant 0 : i32
    %dma_start3A_2060 = tpu.memref_slice %arg8[%dma_start3A_2058, %dma_start3A_2059] : memref<40x128xi32, #tpu.memory_space<vmem>> -> memref<1x128xi32, #tpu.memory_space<vmem>>
    %dma_start3A_2061 = tpu.memref_squeeze %dma_start3A_2060 : memref<1x128xi32, #tpu.memory_space<vmem>> -> memref<128xi32, #tpu.memory_space<vmem>>
    %dma_start3A_2062 = arith.constant 0 : i32
    %dma_start3A_2063 = arith.constant 0 : i32
    %dma_start3A_2064 = tpu.memref_slice %arg6[%dma_start3A_2062, %dma_start3A_2063] : memref<10240x128xf32, #tpu.memory_space<vmem_shared>> -> memref<10240x128xf32, #tpu.memory_space<vmem_shared>>
    tpu.enqueue_indirect_dma source(%arg9 : memref<128x128xf32, #tpu.memory_space<vmem>>) target(%dma_start3A_2064 : memref<10240x128xf32, #tpu.memory_space<vmem_shared>>) offsets(%dma_start3A_2061 : memref<128xi32, #tpu.memory_space<vmem>>) semaphore(%arg12 : memref<!tpu.dma_semaphore, #tpu.memory_space<semaphore_mem>>) {add = true}
    %dma_wait3A_2065 = arith.constant 33 : i32
    %dma_wait3A_2066 = arith.constant 0 : i32
    %dma_wait3A_2067 = tpu.memref_slice %arg7[%dma_wait3A_2065, %dma_wait3A_2066] : memref<40x128xi32, #tpu.memory_space<vmem>> -> memref<1x128xi32, #tpu.memory_space<vmem>>
    %dma_wait3A_2068 = tpu.memref_squeeze %dma_wait3A_2067 : memref<1x128xi32, #tpu.memory_space<vmem>> -> memref<128xi32, #tpu.memory_space<vmem>>
    %dma_wait3A_2069 = arith.constant 0 : i32
    %dma_wait3A_2070 = arith.constant 0 : i32
    %dma_wait3A_2071 = tpu.memref_slice %arg3[%dma_wait3A_2069, %dma_wait3A_2070] : memref<10240x128xf32, #tpu.memory_space<hbm>> -> memref<10240x128xf32, #tpu.memory_space<hbm>>
    tpu.wait_indirect_dma semaphore(%arg11 : memref<!tpu.dma_semaphore, #tpu.memory_space<semaphore_mem>>) src(%dma_wait3A_2071 : memref<10240x128xf32, #tpu.memory_space<hbm>>) dst(%arg10 : memref<128x128xf32, #tpu.memory_space<vmem>>)
    %dma_start3A_2072 = arith.constant 33 : i32
    %dma_start3A_2073 = arith.constant 0 : i32
    %dma_start3A_2074 = tpu.memref_slice %arg8[%dma_start3A_2072, %dma_start3A_2073] : memref<40x128xi32, #tpu.memory_space<vmem>> -> memref<1x128xi32, #tpu.memory_space<vmem>>
    %dma_start3A_2075 = tpu.memref_squeeze %dma_start3A_2074 : memref<1x128xi32, #tpu.memory_space<vmem>> -> memref<128xi32, #tpu.memory_space<vmem>>
    %dma_start3A_2076 = arith.constant 0 : i32
    %dma_start3A_2077 = arith.constant 0 : i32
    %dma_start3A_2078 = tpu.memref_slice %arg6[%dma_start3A_2076, %dma_start3A_2077] : memref<10240x128xf32, #tpu.memory_space<vmem_shared>> -> memref<10240x128xf32, #tpu.memory_space<vmem_shared>>
    tpu.enqueue_indirect_dma source(%arg10 : memref<128x128xf32, #tpu.memory_space<vmem>>) target(%dma_start3A_2078 : memref<10240x128xf32, #tpu.memory_space<vmem_shared>>) offsets(%dma_start3A_2075 : memref<128xi32, #tpu.memory_space<vmem>>) semaphore(%arg12 : memref<!tpu.dma_semaphore, #tpu.memory_space<semaphore_mem>>) {add = true}
    %dma_wait3A_2079 = arith.constant 32 : i32
    %dma_wait3A_2080 = arith.constant 0 : i32
    %dma_wait3A_2081 = tpu.memref_slice %arg8[%dma_wait3A_2079, %dma_wait3A_2080] : memref<40x128xi32, #tpu.memory_space<vmem>> -> memref<1x128xi32, #tpu.memory_space<vmem>>
    %dma_wait3A_2082 = tpu.memref_squeeze %dma_wait3A_2081 : memref<1x128xi32, #tpu.memory_space<vmem>> -> memref<128xi32, #tpu.memory_space<vmem>>
    %dma_wait3A_2083 = arith.constant 0 : i32
    %dma_wait3A_2084 = arith.constant 0 : i32
    %dma_wait3A_2085 = tpu.memref_slice %arg6[%dma_wait3A_2083, %dma_wait3A_2084] : memref<10240x128xf32, #tpu.memory_space<vmem_shared>> -> memref<10240x128xf32, #tpu.memory_space<vmem_shared>>
    tpu.wait_indirect_dma semaphore(%arg12 : memref<!tpu.dma_semaphore, #tpu.memory_space<semaphore_mem>>) src(%arg9 : memref<128x128xf32, #tpu.memory_space<vmem>>) dst(%dma_wait3A_2085 : memref<10240x128xf32, #tpu.memory_space<vmem_shared>>)
    %dma_start3A_2086 = arith.constant 34 : i32
    %dma_start3A_2087 = arith.constant 0 : i32
    %dma_start3A_2088 = tpu.memref_slice %arg7[%dma_start3A_2086, %dma_start3A_2087] : memref<40x128xi32, #tpu.memory_space<vmem>> -> memref<1x128xi32, #tpu.memory_space<vmem>>
    %dma_start3A_2089 = tpu.memref_squeeze %dma_start3A_2088 : memref<1x128xi32, #tpu.memory_space<vmem>> -> memref<128xi32, #tpu.memory_space<vmem>>
    %dma_start3A_2090 = arith.constant 0 : i32
    %dma_start3A_2091 = arith.constant 0 : i32
    %dma_start3A_2092 = tpu.memref_slice %arg3[%dma_start3A_2090, %dma_start3A_2091] : memref<10240x128xf32, #tpu.memory_space<hbm>> -> memref<10240x128xf32, #tpu.memory_space<hbm>>
    tpu.enqueue_indirect_dma source(%dma_start3A_2092 : memref<10240x128xf32, #tpu.memory_space<hbm>>) target(%arg9 : memref<128x128xf32, #tpu.memory_space<vmem>>) offsets(%dma_start3A_2089 : memref<128xi32, #tpu.memory_space<vmem>>) semaphore(%arg11 : memref<!tpu.dma_semaphore, #tpu.memory_space<semaphore_mem>>)
    %dma_wait3A_2093 = arith.constant 33 : i32
    %dma_wait3A_2094 = arith.constant 0 : i32
    %dma_wait3A_2095 = tpu.memref_slice %arg8[%dma_wait3A_2093, %dma_wait3A_2094] : memref<40x128xi32, #tpu.memory_space<vmem>> -> memref<1x128xi32, #tpu.memory_space<vmem>>
    %dma_wait3A_2096 = tpu.memref_squeeze %dma_wait3A_2095 : memref<1x128xi32, #tpu.memory_space<vmem>> -> memref<128xi32, #tpu.memory_space<vmem>>
    %dma_wait3A_2097 = arith.constant 0 : i32
    %dma_wait3A_2098 = arith.constant 0 : i32
    %dma_wait3A_2099 = tpu.memref_slice %arg6[%dma_wait3A_2097, %dma_wait3A_2098] : memref<10240x128xf32, #tpu.memory_space<vmem_shared>> -> memref<10240x128xf32, #tpu.memory_space<vmem_shared>>
    tpu.wait_indirect_dma semaphore(%arg12 : memref<!tpu.dma_semaphore, #tpu.memory_space<semaphore_mem>>) src(%arg10 : memref<128x128xf32, #tpu.memory_space<vmem>>) dst(%dma_wait3A_2099 : memref<10240x128xf32, #tpu.memory_space<vmem_shared>>)
    %dma_start3A_2100 = arith.constant 35 : i32
    %dma_start3A_2101 = arith.constant 0 : i32
    %dma_start3A_2102 = tpu.memref_slice %arg7[%dma_start3A_2100, %dma_start3A_2101] : memref<40x128xi32, #tpu.memory_space<vmem>> -> memref<1x128xi32, #tpu.memory_space<vmem>>
    %dma_start3A_2103 = tpu.memref_squeeze %dma_start3A_2102 : memref<1x128xi32, #tpu.memory_space<vmem>> -> memref<128xi32, #tpu.memory_space<vmem>>
    %dma_start3A_2104 = arith.constant 0 : i32
    %dma_start3A_2105 = arith.constant 0 : i32
    %dma_start3A_2106 = tpu.memref_slice %arg3[%dma_start3A_2104, %dma_start3A_2105] : memref<10240x128xf32, #tpu.memory_space<hbm>> -> memref<10240x128xf32, #tpu.memory_space<hbm>>
    tpu.enqueue_indirect_dma source(%dma_start3A_2106 : memref<10240x128xf32, #tpu.memory_space<hbm>>) target(%arg10 : memref<128x128xf32, #tpu.memory_space<vmem>>) offsets(%dma_start3A_2103 : memref<128xi32, #tpu.memory_space<vmem>>) semaphore(%arg11 : memref<!tpu.dma_semaphore, #tpu.memory_space<semaphore_mem>>)
    %dma_wait3A_2107 = arith.constant 34 : i32
    %dma_wait3A_2108 = arith.constant 0 : i32
    %dma_wait3A_2109 = tpu.memref_slice %arg7[%dma_wait3A_2107, %dma_wait3A_2108] : memref<40x128xi32, #tpu.memory_space<vmem>> -> memref<1x128xi32, #tpu.memory_space<vmem>>
    %dma_wait3A_2110 = tpu.memref_squeeze %dma_wait3A_2109 : memref<1x128xi32, #tpu.memory_space<vmem>> -> memref<128xi32, #tpu.memory_space<vmem>>
    %dma_wait3A_2111 = arith.constant 0 : i32
    %dma_wait3A_2112 = arith.constant 0 : i32
    %dma_wait3A_2113 = tpu.memref_slice %arg3[%dma_wait3A_2111, %dma_wait3A_2112] : memref<10240x128xf32, #tpu.memory_space<hbm>> -> memref<10240x128xf32, #tpu.memory_space<hbm>>
    tpu.wait_indirect_dma semaphore(%arg11 : memref<!tpu.dma_semaphore, #tpu.memory_space<semaphore_mem>>) src(%dma_wait3A_2113 : memref<10240x128xf32, #tpu.memory_space<hbm>>) dst(%arg9 : memref<128x128xf32, #tpu.memory_space<vmem>>)
    %dma_start3A_2114 = arith.constant 34 : i32
    %dma_start3A_2115 = arith.constant 0 : i32
    %dma_start3A_2116 = tpu.memref_slice %arg8[%dma_start3A_2114, %dma_start3A_2115] : memref<40x128xi32, #tpu.memory_space<vmem>> -> memref<1x128xi32, #tpu.memory_space<vmem>>
    %dma_start3A_2117 = tpu.memref_squeeze %dma_start3A_2116 : memref<1x128xi32, #tpu.memory_space<vmem>> -> memref<128xi32, #tpu.memory_space<vmem>>
    %dma_start3A_2118 = arith.constant 0 : i32
    %dma_start3A_2119 = arith.constant 0 : i32
    %dma_start3A_2120 = tpu.memref_slice %arg6[%dma_start3A_2118, %dma_start3A_2119] : memref<10240x128xf32, #tpu.memory_space<vmem_shared>> -> memref<10240x128xf32, #tpu.memory_space<vmem_shared>>
    tpu.enqueue_indirect_dma source(%arg9 : memref<128x128xf32, #tpu.memory_space<vmem>>) target(%dma_start3A_2120 : memref<10240x128xf32, #tpu.memory_space<vmem_shared>>) offsets(%dma_start3A_2117 : memref<128xi32, #tpu.memory_space<vmem>>) semaphore(%arg12 : memref<!tpu.dma_semaphore, #tpu.memory_space<semaphore_mem>>) {add = true}
    %dma_wait3A_2121 = arith.constant 35 : i32
    %dma_wait3A_2122 = arith.constant 0 : i32
    %dma_wait3A_2123 = tpu.memref_slice %arg7[%dma_wait3A_2121, %dma_wait3A_2122] : memref<40x128xi32, #tpu.memory_space<vmem>> -> memref<1x128xi32, #tpu.memory_space<vmem>>
    %dma_wait3A_2124 = tpu.memref_squeeze %dma_wait3A_2123 : memref<1x128xi32, #tpu.memory_space<vmem>> -> memref<128xi32, #tpu.memory_space<vmem>>
    %dma_wait3A_2125 = arith.constant 0 : i32
    %dma_wait3A_2126 = arith.constant 0 : i32
    %dma_wait3A_2127 = tpu.memref_slice %arg3[%dma_wait3A_2125, %dma_wait3A_2126] : memref<10240x128xf32, #tpu.memory_space<hbm>> -> memref<10240x128xf32, #tpu.memory_space<hbm>>
    tpu.wait_indirect_dma semaphore(%arg11 : memref<!tpu.dma_semaphore, #tpu.memory_space<semaphore_mem>>) src(%dma_wait3A_2127 : memref<10240x128xf32, #tpu.memory_space<hbm>>) dst(%arg10 : memref<128x128xf32, #tpu.memory_space<vmem>>)
    %dma_start3A_2128 = arith.constant 35 : i32
    %dma_start3A_2129 = arith.constant 0 : i32
    %dma_start3A_2130 = tpu.memref_slice %arg8[%dma_start3A_2128, %dma_start3A_2129] : memref<40x128xi32, #tpu.memory_space<vmem>> -> memref<1x128xi32, #tpu.memory_space<vmem>>
    %dma_start3A_2131 = tpu.memref_squeeze %dma_start3A_2130 : memref<1x128xi32, #tpu.memory_space<vmem>> -> memref<128xi32, #tpu.memory_space<vmem>>
    %dma_start3A_2132 = arith.constant 0 : i32
    %dma_start3A_2133 = arith.constant 0 : i32
    %dma_start3A_2134 = tpu.memref_slice %arg6[%dma_start3A_2132, %dma_start3A_2133] : memref<10240x128xf32, #tpu.memory_space<vmem_shared>> -> memref<10240x128xf32, #tpu.memory_space<vmem_shared>>
    tpu.enqueue_indirect_dma source(%arg10 : memref<128x128xf32, #tpu.memory_space<vmem>>) target(%dma_start3A_2134 : memref<10240x128xf32, #tpu.memory_space<vmem_shared>>) offsets(%dma_start3A_2131 : memref<128xi32, #tpu.memory_space<vmem>>) semaphore(%arg12 : memref<!tpu.dma_semaphore, #tpu.memory_space<semaphore_mem>>) {add = true}
    %dma_wait3A_2135 = arith.constant 34 : i32
    %dma_wait3A_2136 = arith.constant 0 : i32
    %dma_wait3A_2137 = tpu.memref_slice %arg8[%dma_wait3A_2135, %dma_wait3A_2136] : memref<40x128xi32, #tpu.memory_space<vmem>> -> memref<1x128xi32, #tpu.memory_space<vmem>>
    %dma_wait3A_2138 = tpu.memref_squeeze %dma_wait3A_2137 : memref<1x128xi32, #tpu.memory_space<vmem>> -> memref<128xi32, #tpu.memory_space<vmem>>
    %dma_wait3A_2139 = arith.constant 0 : i32
    %dma_wait3A_2140 = arith.constant 0 : i32
    %dma_wait3A_2141 = tpu.memref_slice %arg6[%dma_wait3A_2139, %dma_wait3A_2140] : memref<10240x128xf32, #tpu.memory_space<vmem_shared>> -> memref<10240x128xf32, #tpu.memory_space<vmem_shared>>
    tpu.wait_indirect_dma semaphore(%arg12 : memref<!tpu.dma_semaphore, #tpu.memory_space<semaphore_mem>>) src(%arg9 : memref<128x128xf32, #tpu.memory_space<vmem>>) dst(%dma_wait3A_2141 : memref<10240x128xf32, #tpu.memory_space<vmem_shared>>)
    %dma_start3A_2142 = arith.constant 36 : i32
    %dma_start3A_2143 = arith.constant 0 : i32
    %dma_start3A_2144 = tpu.memref_slice %arg7[%dma_start3A_2142, %dma_start3A_2143] : memref<40x128xi32, #tpu.memory_space<vmem>> -> memref<1x128xi32, #tpu.memory_space<vmem>>
    %dma_start3A_2145 = tpu.memref_squeeze %dma_start3A_2144 : memref<1x128xi32, #tpu.memory_space<vmem>> -> memref<128xi32, #tpu.memory_space<vmem>>
    %dma_start3A_2146 = arith.constant 0 : i32
    %dma_start3A_2147 = arith.constant 0 : i32
    %dma_start3A_2148 = tpu.memref_slice %arg3[%dma_start3A_2146, %dma_start3A_2147] : memref<10240x128xf32, #tpu.memory_space<hbm>> -> memref<10240x128xf32, #tpu.memory_space<hbm>>
    tpu.enqueue_indirect_dma source(%dma_start3A_2148 : memref<10240x128xf32, #tpu.memory_space<hbm>>) target(%arg9 : memref<128x128xf32, #tpu.memory_space<vmem>>) offsets(%dma_start3A_2145 : memref<128xi32, #tpu.memory_space<vmem>>) semaphore(%arg11 : memref<!tpu.dma_semaphore, #tpu.memory_space<semaphore_mem>>)
    %dma_wait3A_2149 = arith.constant 35 : i32
    %dma_wait3A_2150 = arith.constant 0 : i32
    %dma_wait3A_2151 = tpu.memref_slice %arg8[%dma_wait3A_2149, %dma_wait3A_2150] : memref<40x128xi32, #tpu.memory_space<vmem>> -> memref<1x128xi32, #tpu.memory_space<vmem>>
    %dma_wait3A_2152 = tpu.memref_squeeze %dma_wait3A_2151 : memref<1x128xi32, #tpu.memory_space<vmem>> -> memref<128xi32, #tpu.memory_space<vmem>>
    %dma_wait3A_2153 = arith.constant 0 : i32
    %dma_wait3A_2154 = arith.constant 0 : i32
    %dma_wait3A_2155 = tpu.memref_slice %arg6[%dma_wait3A_2153, %dma_wait3A_2154] : memref<10240x128xf32, #tpu.memory_space<vmem_shared>> -> memref<10240x128xf32, #tpu.memory_space<vmem_shared>>
    tpu.wait_indirect_dma semaphore(%arg12 : memref<!tpu.dma_semaphore, #tpu.memory_space<semaphore_mem>>) src(%arg10 : memref<128x128xf32, #tpu.memory_space<vmem>>) dst(%dma_wait3A_2155 : memref<10240x128xf32, #tpu.memory_space<vmem_shared>>)
    %dma_start3A_2156 = arith.constant 37 : i32
    %dma_start3A_2157 = arith.constant 0 : i32
    %dma_start3A_2158 = tpu.memref_slice %arg7[%dma_start3A_2156, %dma_start3A_2157] : memref<40x128xi32, #tpu.memory_space<vmem>> -> memref<1x128xi32, #tpu.memory_space<vmem>>
    %dma_start3A_2159 = tpu.memref_squeeze %dma_start3A_2158 : memref<1x128xi32, #tpu.memory_space<vmem>> -> memref<128xi32, #tpu.memory_space<vmem>>
    %dma_start3A_2160 = arith.constant 0 : i32
    %dma_start3A_2161 = arith.constant 0 : i32
    %dma_start3A_2162 = tpu.memref_slice %arg3[%dma_start3A_2160, %dma_start3A_2161] : memref<10240x128xf32, #tpu.memory_space<hbm>> -> memref<10240x128xf32, #tpu.memory_space<hbm>>
    tpu.enqueue_indirect_dma source(%dma_start3A_2162 : memref<10240x128xf32, #tpu.memory_space<hbm>>) target(%arg10 : memref<128x128xf32, #tpu.memory_space<vmem>>) offsets(%dma_start3A_2159 : memref<128xi32, #tpu.memory_space<vmem>>) semaphore(%arg11 : memref<!tpu.dma_semaphore, #tpu.memory_space<semaphore_mem>>)
    %dma_wait3A_2163 = arith.constant 36 : i32
    %dma_wait3A_2164 = arith.constant 0 : i32
    %dma_wait3A_2165 = tpu.memref_slice %arg7[%dma_wait3A_2163, %dma_wait3A_2164] : memref<40x128xi32, #tpu.memory_space<vmem>> -> memref<1x128xi32, #tpu.memory_space<vmem>>
    %dma_wait3A_2166 = tpu.memref_squeeze %dma_wait3A_2165 : memref<1x128xi32, #tpu.memory_space<vmem>> -> memref<128xi32, #tpu.memory_space<vmem>>
    %dma_wait3A_2167 = arith.constant 0 : i32
    %dma_wait3A_2168 = arith.constant 0 : i32
    %dma_wait3A_2169 = tpu.memref_slice %arg3[%dma_wait3A_2167, %dma_wait3A_2168] : memref<10240x128xf32, #tpu.memory_space<hbm>> -> memref<10240x128xf32, #tpu.memory_space<hbm>>
    tpu.wait_indirect_dma semaphore(%arg11 : memref<!tpu.dma_semaphore, #tpu.memory_space<semaphore_mem>>) src(%dma_wait3A_2169 : memref<10240x128xf32, #tpu.memory_space<hbm>>) dst(%arg9 : memref<128x128xf32, #tpu.memory_space<vmem>>)
    %dma_start3A_2170 = arith.constant 36 : i32
    %dma_start3A_2171 = arith.constant 0 : i32
    %dma_start3A_2172 = tpu.memref_slice %arg8[%dma_start3A_2170, %dma_start3A_2171] : memref<40x128xi32, #tpu.memory_space<vmem>> -> memref<1x128xi32, #tpu.memory_space<vmem>>
    %dma_start3A_2173 = tpu.memref_squeeze %dma_start3A_2172 : memref<1x128xi32, #tpu.memory_space<vmem>> -> memref<128xi32, #tpu.memory_space<vmem>>
    %dma_start3A_2174 = arith.constant 0 : i32
    %dma_start3A_2175 = arith.constant 0 : i32
    %dma_start3A_2176 = tpu.memref_slice %arg6[%dma_start3A_2174, %dma_start3A_2175] : memref<10240x128xf32, #tpu.memory_space<vmem_shared>> -> memref<10240x128xf32, #tpu.memory_space<vmem_shared>>
    tpu.enqueue_indirect_dma source(%arg9 : memref<128x128xf32, #tpu.memory_space<vmem>>) target(%dma_start3A_2176 : memref<10240x128xf32, #tpu.memory_space<vmem_shared>>) offsets(%dma_start3A_2173 : memref<128xi32, #tpu.memory_space<vmem>>) semaphore(%arg12 : memref<!tpu.dma_semaphore, #tpu.memory_space<semaphore_mem>>) {add = true}
    %dma_wait3A_2177 = arith.constant 37 : i32
    %dma_wait3A_2178 = arith.constant 0 : i32
    %dma_wait3A_2179 = tpu.memref_slice %arg7[%dma_wait3A_2177, %dma_wait3A_2178] : memref<40x128xi32, #tpu.memory_space<vmem>> -> memref<1x128xi32, #tpu.memory_space<vmem>>
    %dma_wait3A_2180 = tpu.memref_squeeze %dma_wait3A_2179 : memref<1x128xi32, #tpu.memory_space<vmem>> -> memref<128xi32, #tpu.memory_space<vmem>>
    %dma_wait3A_2181 = arith.constant 0 : i32
    %dma_wait3A_2182 = arith.constant 0 : i32
    %dma_wait3A_2183 = tpu.memref_slice %arg3[%dma_wait3A_2181, %dma_wait3A_2182] : memref<10240x128xf32, #tpu.memory_space<hbm>> -> memref<10240x128xf32, #tpu.memory_space<hbm>>
    tpu.wait_indirect_dma semaphore(%arg11 : memref<!tpu.dma_semaphore, #tpu.memory_space<semaphore_mem>>) src(%dma_wait3A_2183 : memref<10240x128xf32, #tpu.memory_space<hbm>>) dst(%arg10 : memref<128x128xf32, #tpu.memory_space<vmem>>)
    %dma_start3A_2184 = arith.constant 37 : i32
    %dma_start3A_2185 = arith.constant 0 : i32
    %dma_start3A_2186 = tpu.memref_slice %arg8[%dma_start3A_2184, %dma_start3A_2185] : memref<40x128xi32, #tpu.memory_space<vmem>> -> memref<1x128xi32, #tpu.memory_space<vmem>>
    %dma_start3A_2187 = tpu.memref_squeeze %dma_start3A_2186 : memref<1x128xi32, #tpu.memory_space<vmem>> -> memref<128xi32, #tpu.memory_space<vmem>>
    %dma_start3A_2188 = arith.constant 0 : i32
    %dma_start3A_2189 = arith.constant 0 : i32
    %dma_start3A_2190 = tpu.memref_slice %arg6[%dma_start3A_2188, %dma_start3A_2189] : memref<10240x128xf32, #tpu.memory_space<vmem_shared>> -> memref<10240x128xf32, #tpu.memory_space<vmem_shared>>
    tpu.enqueue_indirect_dma source(%arg10 : memref<128x128xf32, #tpu.memory_space<vmem>>) target(%dma_start3A_2190 : memref<10240x128xf32, #tpu.memory_space<vmem_shared>>) offsets(%dma_start3A_2187 : memref<128xi32, #tpu.memory_space<vmem>>) semaphore(%arg12 : memref<!tpu.dma_semaphore, #tpu.memory_space<semaphore_mem>>) {add = true}
    %dma_wait3A_2191 = arith.constant 36 : i32
    %dma_wait3A_2192 = arith.constant 0 : i32
    %dma_wait3A_2193 = tpu.memref_slice %arg8[%dma_wait3A_2191, %dma_wait3A_2192] : memref<40x128xi32, #tpu.memory_space<vmem>> -> memref<1x128xi32, #tpu.memory_space<vmem>>
    %dma_wait3A_2194 = tpu.memref_squeeze %dma_wait3A_2193 : memref<1x128xi32, #tpu.memory_space<vmem>> -> memref<128xi32, #tpu.memory_space<vmem>>
    %dma_wait3A_2195 = arith.constant 0 : i32
    %dma_wait3A_2196 = arith.constant 0 : i32
    %dma_wait3A_2197 = tpu.memref_slice %arg6[%dma_wait3A_2195, %dma_wait3A_2196] : memref<10240x128xf32, #tpu.memory_space<vmem_shared>> -> memref<10240x128xf32, #tpu.memory_space<vmem_shared>>
    tpu.wait_indirect_dma semaphore(%arg12 : memref<!tpu.dma_semaphore, #tpu.memory_space<semaphore_mem>>) src(%arg9 : memref<128x128xf32, #tpu.memory_space<vmem>>) dst(%dma_wait3A_2197 : memref<10240x128xf32, #tpu.memory_space<vmem_shared>>)
    %dma_start3A_2198 = arith.constant 38 : i32
    %dma_start3A_2199 = arith.constant 0 : i32
    %dma_start3A_2200 = tpu.memref_slice %arg7[%dma_start3A_2198, %dma_start3A_2199] : memref<40x128xi32, #tpu.memory_space<vmem>> -> memref<1x128xi32, #tpu.memory_space<vmem>>
    %dma_start3A_2201 = tpu.memref_squeeze %dma_start3A_2200 : memref<1x128xi32, #tpu.memory_space<vmem>> -> memref<128xi32, #tpu.memory_space<vmem>>
    %dma_start3A_2202 = arith.constant 0 : i32
    %dma_start3A_2203 = arith.constant 0 : i32
    %dma_start3A_2204 = tpu.memref_slice %arg3[%dma_start3A_2202, %dma_start3A_2203] : memref<10240x128xf32, #tpu.memory_space<hbm>> -> memref<10240x128xf32, #tpu.memory_space<hbm>>
    tpu.enqueue_indirect_dma source(%dma_start3A_2204 : memref<10240x128xf32, #tpu.memory_space<hbm>>) target(%arg9 : memref<128x128xf32, #tpu.memory_space<vmem>>) offsets(%dma_start3A_2201 : memref<128xi32, #tpu.memory_space<vmem>>) semaphore(%arg11 : memref<!tpu.dma_semaphore, #tpu.memory_space<semaphore_mem>>)
    %dma_wait3A_2205 = arith.constant 37 : i32
    %dma_wait3A_2206 = arith.constant 0 : i32
    %dma_wait3A_2207 = tpu.memref_slice %arg8[%dma_wait3A_2205, %dma_wait3A_2206] : memref<40x128xi32, #tpu.memory_space<vmem>> -> memref<1x128xi32, #tpu.memory_space<vmem>>
    %dma_wait3A_2208 = tpu.memref_squeeze %dma_wait3A_2207 : memref<1x128xi32, #tpu.memory_space<vmem>> -> memref<128xi32, #tpu.memory_space<vmem>>
    %dma_wait3A_2209 = arith.constant 0 : i32
    %dma_wait3A_2210 = arith.constant 0 : i32
    %dma_wait3A_2211 = tpu.memref_slice %arg6[%dma_wait3A_2209, %dma_wait3A_2210] : memref<10240x128xf32, #tpu.memory_space<vmem_shared>> -> memref<10240x128xf32, #tpu.memory_space<vmem_shared>>
    tpu.wait_indirect_dma semaphore(%arg12 : memref<!tpu.dma_semaphore, #tpu.memory_space<semaphore_mem>>) src(%arg10 : memref<128x128xf32, #tpu.memory_space<vmem>>) dst(%dma_wait3A_2211 : memref<10240x128xf32, #tpu.memory_space<vmem_shared>>)
    %dma_start3A_2212 = arith.constant 39 : i32
    %dma_start3A_2213 = arith.constant 0 : i32
    %dma_start3A_2214 = tpu.memref_slice %arg7[%dma_start3A_2212, %dma_start3A_2213] : memref<40x128xi32, #tpu.memory_space<vmem>> -> memref<1x128xi32, #tpu.memory_space<vmem>>
    %dma_start3A_2215 = tpu.memref_squeeze %dma_start3A_2214 : memref<1x128xi32, #tpu.memory_space<vmem>> -> memref<128xi32, #tpu.memory_space<vmem>>
    %dma_start3A_2216 = arith.constant 0 : i32
    %dma_start3A_2217 = arith.constant 0 : i32
    %dma_start3A_2218 = tpu.memref_slice %arg3[%dma_start3A_2216, %dma_start3A_2217] : memref<10240x128xf32, #tpu.memory_space<hbm>> -> memref<10240x128xf32, #tpu.memory_space<hbm>>
    tpu.enqueue_indirect_dma source(%dma_start3A_2218 : memref<10240x128xf32, #tpu.memory_space<hbm>>) target(%arg10 : memref<128x128xf32, #tpu.memory_space<vmem>>) offsets(%dma_start3A_2215 : memref<128xi32, #tpu.memory_space<vmem>>) semaphore(%arg11 : memref<!tpu.dma_semaphore, #tpu.memory_space<semaphore_mem>>)
    %dma_wait3A_2219 = arith.constant 38 : i32
    %dma_wait3A_2220 = arith.constant 0 : i32
    %dma_wait3A_2221 = tpu.memref_slice %arg7[%dma_wait3A_2219, %dma_wait3A_2220] : memref<40x128xi32, #tpu.memory_space<vmem>> -> memref<1x128xi32, #tpu.memory_space<vmem>>
    %dma_wait3A_2222 = tpu.memref_squeeze %dma_wait3A_2221 : memref<1x128xi32, #tpu.memory_space<vmem>> -> memref<128xi32, #tpu.memory_space<vmem>>
    %dma_wait3A_2223 = arith.constant 0 : i32
    %dma_wait3A_2224 = arith.constant 0 : i32
    %dma_wait3A_2225 = tpu.memref_slice %arg3[%dma_wait3A_2223, %dma_wait3A_2224] : memref<10240x128xf32, #tpu.memory_space<hbm>> -> memref<10240x128xf32, #tpu.memory_space<hbm>>
    tpu.wait_indirect_dma semaphore(%arg11 : memref<!tpu.dma_semaphore, #tpu.memory_space<semaphore_mem>>) src(%dma_wait3A_2225 : memref<10240x128xf32, #tpu.memory_space<hbm>>) dst(%arg9 : memref<128x128xf32, #tpu.memory_space<vmem>>)
    %dma_start3A_2226 = arith.constant 38 : i32
    %dma_start3A_2227 = arith.constant 0 : i32
    %dma_start3A_2228 = tpu.memref_slice %arg8[%dma_start3A_2226, %dma_start3A_2227] : memref<40x128xi32, #tpu.memory_space<vmem>> -> memref<1x128xi32, #tpu.memory_space<vmem>>
    %dma_start3A_2229 = tpu.memref_squeeze %dma_start3A_2228 : memref<1x128xi32, #tpu.memory_space<vmem>> -> memref<128xi32, #tpu.memory_space<vmem>>
    %dma_start3A_2230 = arith.constant 0 : i32
    %dma_start3A_2231 = arith.constant 0 : i32
    %dma_start3A_2232 = tpu.memref_slice %arg6[%dma_start3A_2230, %dma_start3A_2231] : memref<10240x128xf32, #tpu.memory_space<vmem_shared>> -> memref<10240x128xf32, #tpu.memory_space<vmem_shared>>
    tpu.enqueue_indirect_dma source(%arg9 : memref<128x128xf32, #tpu.memory_space<vmem>>) target(%dma_start3A_2232 : memref<10240x128xf32, #tpu.memory_space<vmem_shared>>) offsets(%dma_start3A_2229 : memref<128xi32, #tpu.memory_space<vmem>>) semaphore(%arg12 : memref<!tpu.dma_semaphore, #tpu.memory_space<semaphore_mem>>) {add = true}
    %dma_wait3A_2233 = arith.constant 39 : i32
    %dma_wait3A_2234 = arith.constant 0 : i32
    %dma_wait3A_2235 = tpu.memref_slice %arg7[%dma_wait3A_2233, %dma_wait3A_2234] : memref<40x128xi32, #tpu.memory_space<vmem>> -> memref<1x128xi32, #tpu.memory_space<vmem>>
    %dma_wait3A_2236 = tpu.memref_squeeze %dma_wait3A_2235 : memref<1x128xi32, #tpu.memory_space<vmem>> -> memref<128xi32, #tpu.memory_space<vmem>>
    %dma_wait3A_2237 = arith.constant 0 : i32
    %dma_wait3A_2238 = arith.constant 0 : i32
    %dma_wait3A_2239 = tpu.memref_slice %arg3[%dma_wait3A_2237, %dma_wait3A_2238] : memref<10240x128xf32, #tpu.memory_space<hbm>> -> memref<10240x128xf32, #tpu.memory_space<hbm>>
    tpu.wait_indirect_dma semaphore(%arg11 : memref<!tpu.dma_semaphore, #tpu.memory_space<semaphore_mem>>) src(%dma_wait3A_2239 : memref<10240x128xf32, #tpu.memory_space<hbm>>) dst(%arg10 : memref<128x128xf32, #tpu.memory_space<vmem>>)
    %dma_start3A_2240 = arith.constant 39 : i32
    %dma_start3A_2241 = arith.constant 0 : i32
    %dma_start3A_2242 = tpu.memref_slice %arg8[%dma_start3A_2240, %dma_start3A_2241] : memref<40x128xi32, #tpu.memory_space<vmem>> -> memref<1x128xi32, #tpu.memory_space<vmem>>
    %dma_start3A_2243 = tpu.memref_squeeze %dma_start3A_2242 : memref<1x128xi32, #tpu.memory_space<vmem>> -> memref<128xi32, #tpu.memory_space<vmem>>
    %dma_start3A_2244 = arith.constant 0 : i32
    %dma_start3A_2245 = arith.constant 0 : i32
    %dma_start3A_2246 = tpu.memref_slice %arg6[%dma_start3A_2244, %dma_start3A_2245] : memref<10240x128xf32, #tpu.memory_space<vmem_shared>> -> memref<10240x128xf32, #tpu.memory_space<vmem_shared>>
    tpu.enqueue_indirect_dma source(%arg10 : memref<128x128xf32, #tpu.memory_space<vmem>>) target(%dma_start3A_2246 : memref<10240x128xf32, #tpu.memory_space<vmem_shared>>) offsets(%dma_start3A_2243 : memref<128xi32, #tpu.memory_space<vmem>>) semaphore(%arg12 : memref<!tpu.dma_semaphore, #tpu.memory_space<semaphore_mem>>) {add = true}
    %dma_wait3A_2247 = arith.constant 38 : i32
    %dma_wait3A_2248 = arith.constant 0 : i32
    %dma_wait3A_2249 = tpu.memref_slice %arg8[%dma_wait3A_2247, %dma_wait3A_2248] : memref<40x128xi32, #tpu.memory_space<vmem>> -> memref<1x128xi32, #tpu.memory_space<vmem>>
    %dma_wait3A_2250 = tpu.memref_squeeze %dma_wait3A_2249 : memref<1x128xi32, #tpu.memory_space<vmem>> -> memref<128xi32, #tpu.memory_space<vmem>>
    %dma_wait3A_2251 = arith.constant 0 : i32
    %dma_wait3A_2252 = arith.constant 0 : i32
    %dma_wait3A_2253 = tpu.memref_slice %arg6[%dma_wait3A_2251, %dma_wait3A_2252] : memref<10240x128xf32, #tpu.memory_space<vmem_shared>> -> memref<10240x128xf32, #tpu.memory_space<vmem_shared>>
    tpu.wait_indirect_dma semaphore(%arg12 : memref<!tpu.dma_semaphore, #tpu.memory_space<semaphore_mem>>) src(%arg9 : memref<128x128xf32, #tpu.memory_space<vmem>>) dst(%dma_wait3A_2253 : memref<10240x128xf32, #tpu.memory_space<vmem_shared>>)
    %dma_wait3A_2254 = arith.constant 39 : i32
    %dma_wait3A_2255 = arith.constant 0 : i32
    %dma_wait3A_2256 = tpu.memref_slice %arg8[%dma_wait3A_2254, %dma_wait3A_2255] : memref<40x128xi32, #tpu.memory_space<vmem>> -> memref<1x128xi32, #tpu.memory_space<vmem>>
    %dma_wait3A_2257 = tpu.memref_squeeze %dma_wait3A_2256 : memref<1x128xi32, #tpu.memory_space<vmem>> -> memref<128xi32, #tpu.memory_space<vmem>>
    %dma_wait3A_2258 = arith.constant 0 : i32
    %dma_wait3A_2259 = arith.constant 0 : i32
    %dma_wait3A_2260 = tpu.memref_slice %arg6[%dma_wait3A_2258, %dma_wait3A_2259] : memref<10240x128xf32, #tpu.memory_space<vmem_shared>> -> memref<10240x128xf32, #tpu.memory_space<vmem_shared>>
    tpu.wait_indirect_dma semaphore(%arg12 : memref<!tpu.dma_semaphore, #tpu.memory_space<semaphore_mem>>) src(%arg10 : memref<128x128xf32, #tpu.memory_space<vmem>>) dst(%dma_wait3A_2260 : memref<10240x128xf32, #tpu.memory_space<vmem_shared>>)
    %barrier3A_2261 = arith.constant 0 : index
    tpu.barrier barrier_id(%barrier3A_2261)
    %eq3A = arith.constant 0 : i32
    %eq3A_2262 = arith.cmpi eq, %arg0, %eq3A : i32
    %convert_element_type3A = arith.extui %eq3A_2262 : i1 to i32
    %cond3A = arith.constant 0 : i32
    %cond3A_2263 = arith.cmpi ne, %convert_element_type3A, %cond3A : i32
    scf.if %cond3A_2263 {
      %scan3A_2269 = arith.constant 0 : i32
      %scan3A_2270 = arith.constant 0 : i32
      %scan3A_2271 = arith.constant 8 : i32
      %scan3A_2272 = arith.addi %scan3A_2270, %scan3A_2271 : i32
      %scan3A_2273 = arith.constant 1 : i32
      scf.for %scan3A_2275 = %scan3A_2270 to %scan3A_2272 step %scan3A_2273  : i32 {
        %mul3A_2276 = arith.constant 640 : i32
        %mul3A_2277 = arith.muli %arg1, %mul3A_2276 : i32
        %mul3A_2278 = arith.constant 80 : i32
        %mul3A_2279 = arith.muli %scan3A_2275, %mul3A_2278 : i32
        %add3A_2280 = arith.addi %mul3A_2277, %mul3A_2279 : i32
        "tpu.region"() ({
          %run_scoped3A_2281 = tpu.sem_alloc : memref<!tpu.dma_semaphore, #tpu.memory_space<semaphore_mem>>
          %dma_start3A_2282 = arith.constant 0 : i32
          %dma_start3A_2283 = arith.constant 0 : i32
          %dma_start3A_2284 = tpu.memref_slice %arg9[%dma_start3A_2282, %dma_start3A_2283] : memref<128x128xf32, #tpu.memory_space<vmem>> -> memref<80x128xf32, #tpu.memory_space<vmem>>
          %dma_start3A_2285 = arith.constant 0 : i32
          %dma_start3A_2286 = tpu.memref_slice %arg6[%add3A_2280, %dma_start3A_2285] : memref<10240x128xf32, #tpu.memory_space<vmem_shared>> -> memref<80x128xf32, #tpu.memory_space<vmem_shared>>
          %dma_start3A_2287 = arith.constant 0 : i32
          %dma_start3A_2288 = arith.constant 0 : i32
          %dma_start3A_2289 = tpu.memref_slice %arg9[%dma_start3A_2287, %dma_start3A_2288] : memref<128x128xf32, #tpu.memory_space<vmem>> -> memref<80x128xf32, #tpu.memory_space<vmem>>
          %dma_start3A_2290 = arith.constant 0 : i32
          %dma_start3A_2291 = tpu.memref_slice %arg6[%add3A_2280, %dma_start3A_2290] : memref<10240x128xf32, #tpu.memory_space<vmem_shared>> -> memref<80x128xf32, #tpu.memory_space<vmem_shared>>
          tpu.enqueue_dma source(%dma_start3A_2291 : memref<80x128xf32, #tpu.memory_space<vmem_shared>>) target(%dma_start3A_2289 : memref<80x128xf32, #tpu.memory_space<vmem>>) target_semaphore(%run_scoped3A_2281 : memref<!tpu.dma_semaphore, #tpu.memory_space<semaphore_mem>>)
          %dma_wait3A_2292 = arith.constant 0 : i32
          %dma_wait3A_2293 = arith.constant 0 : i32
          %dma_wait3A_2294 = tpu.memref_slice %arg9[%dma_wait3A_2292, %dma_wait3A_2293] : memref<128x128xf32, #tpu.memory_space<vmem>> -> memref<80x128xf32, #tpu.memory_space<vmem>>
          %dma_wait3A_2295 = arith.constant 0 : i32
          %dma_wait3A_2296 = tpu.memref_slice %arg6[%add3A_2280, %dma_wait3A_2295] : memref<10240x128xf32, #tpu.memory_space<vmem_shared>> -> memref<80x128xf32, #tpu.memory_space<vmem_shared>>
          %dma_wait3A_2297 = arith.constant 0 : i32
          %dma_wait3A_2298 = arith.constant 0 : i32
          %dma_wait3A_2299 = tpu.memref_slice %arg9[%dma_wait3A_2297, %dma_wait3A_2298] : memref<128x128xf32, #tpu.memory_space<vmem>> -> memref<80x128xf32, #tpu.memory_space<vmem>>
          %dma_wait3A_2300 = arith.constant 0 : i32
          %dma_wait3A_2301 = tpu.memref_slice %arg6[%add3A_2280, %dma_wait3A_2300] : memref<10240x128xf32, #tpu.memory_space<vmem_shared>> -> memref<80x128xf32, #tpu.memory_space<vmem_shared>>
          tpu.wait_dma2 semaphore(%run_scoped3A_2281 : memref<!tpu.dma_semaphore, #tpu.memory_space<semaphore_mem>>) src(%dma_wait3A_2301 : memref<80x128xf32, #tpu.memory_space<vmem_shared>>) dst(%dma_wait3A_2299 : memref<80x128xf32, #tpu.memory_space<vmem>>)
          tpu.yield
        }) : () -> ()
        "tpu.region"() ({
          %run_scoped3A_2281 = tpu.sem_alloc : memref<!tpu.dma_semaphore, #tpu.memory_space<semaphore_mem>>
          %dma_start3A_2282 = arith.constant 0 : i32
          %dma_start3A_2283 = arith.constant 0 : i32
          %dma_start3A_2284 = tpu.memref_slice %arg9[%dma_start3A_2282, %dma_start3A_2283] : memref<128x128xf32, #tpu.memory_space<vmem>> -> memref<80x128xf32, #tpu.memory_space<vmem>>
          %dma_start3A_2285 = arith.constant 0 : i32
          %dma_start3A_2286 = tpu.memref_slice %arg4[%add3A_2280, %dma_start3A_2285] : memref<10240x128xf32, #tpu.memory_space<hbm>> -> memref<80x128xf32, #tpu.memory_space<hbm>>
          %dma_start3A_2287 = arith.constant 0 : i32
          %dma_start3A_2288 = tpu.memref_slice %arg4[%add3A_2280, %dma_start3A_2287] : memref<10240x128xf32, #tpu.memory_space<hbm>> -> memref<80x128xf32, #tpu.memory_space<hbm>>
          %dma_start3A_2289 = arith.constant 0 : i32
          %dma_start3A_2290 = arith.constant 0 : i32
          %dma_start3A_2291 = tpu.memref_slice %arg9[%dma_start3A_2289, %dma_start3A_2290] : memref<128x128xf32, #tpu.memory_space<vmem>> -> memref<80x128xf32, #tpu.memory_space<vmem>>
          tpu.enqueue_dma source(%dma_start3A_2291 : memref<80x128xf32, #tpu.memory_space<vmem>>) target(%dma_start3A_2288 : memref<80x128xf32, #tpu.memory_space<hbm>>) target_semaphore(%run_scoped3A_2281 : memref<!tpu.dma_semaphore, #tpu.memory_space<semaphore_mem>>)
          %dma_wait3A_2292 = arith.constant 0 : i32
          %dma_wait3A_2293 = arith.constant 0 : i32
          %dma_wait3A_2294 = tpu.memref_slice %arg9[%dma_wait3A_2292, %dma_wait3A_2293] : memref<128x128xf32, #tpu.memory_space<vmem>> -> memref<80x128xf32, #tpu.memory_space<vmem>>
          %dma_wait3A_2295 = arith.constant 0 : i32
          %dma_wait3A_2296 = tpu.memref_slice %arg4[%add3A_2280, %dma_wait3A_2295] : memref<10240x128xf32, #tpu.memory_space<hbm>> -> memref<80x128xf32, #tpu.memory_space<hbm>>
          %dma_wait3A_2297 = arith.constant 0 : i32
          %dma_wait3A_2298 = tpu.memref_slice %arg4[%add3A_2280, %dma_wait3A_2297] : memref<10240x128xf32, #tpu.memory_space<hbm>> -> memref<80x128xf32, #tpu.memory_space<hbm>>
          %dma_wait3A_2299 = arith.constant 0 : i32
          %dma_wait3A_2300 = arith.constant 0 : i32
          %dma_wait3A_2301 = tpu.memref_slice %arg9[%dma_wait3A_2299, %dma_wait3A_2300] : memref<128x128xf32, #tpu.memory_space<vmem>> -> memref<80x128xf32, #tpu.memory_space<vmem>>
          tpu.wait_dma2 semaphore(%run_scoped3A_2281 : memref<!tpu.dma_semaphore, #tpu.memory_space<semaphore_mem>>) src(%dma_wait3A_2301 : memref<80x128xf32, #tpu.memory_space<vmem>>) dst(%dma_wait3A_2298 : memref<80x128xf32, #tpu.memory_space<hbm>>)
          tpu.yield
        }) : () -> ()
      }
      %scan3A_2274 = arith.constant 8 : i32
    } else {
    }
    %eq3A_2264 = arith.constant 1 : i32
    %eq3A_2265 = arith.cmpi eq, %arg0, %eq3A_2264 : i32
    %convert_element_type3A_2266 = arith.extui %eq3A_2265 : i1 to i32
    %cond3A_2267 = arith.constant 0 : i32
    %cond3A_2268 = arith.cmpi ne, %convert_element_type3A_2266, %cond3A_2267 : i32
    scf.if %cond3A_2268 {
      %scan3A_2269 = arith.constant 0 : i32
      %scan3A_2270 = arith.constant 0 : i32
      %scan3A_2271 = arith.constant 8 : i32
      %scan3A_2272 = arith.addi %scan3A_2270, %scan3A_2271 : i32
      %scan3A_2273 = arith.constant 1 : i32
      scf.for %scan3A_2275 = %scan3A_2270 to %scan3A_2272 step %scan3A_2273  : i32 {
        %mul3A_2276 = arith.constant 640 : i32
        %mul3A_2277 = arith.muli %arg1, %mul3A_2276 : i32
        %mul3A_2278 = arith.constant 80 : i32
        %mul3A_2279 = arith.muli %scan3A_2275, %mul3A_2278 : i32
        %add3A_2280 = arith.addi %mul3A_2277, %mul3A_2279 : i32
        "tpu.region"() ({
          %run_scoped3A_2281 = tpu.sem_alloc : memref<!tpu.dma_semaphore, #tpu.memory_space<semaphore_mem>>
          %dma_start3A_2282 = arith.constant 0 : i32
          %dma_start3A_2283 = arith.constant 0 : i32
          %dma_start3A_2284 = tpu.memref_slice %arg9[%dma_start3A_2282, %dma_start3A_2283] : memref<128x128xf32, #tpu.memory_space<vmem>> -> memref<80x128xf32, #tpu.memory_space<vmem>>
          %dma_start3A_2285 = arith.constant 0 : i32
          %dma_start3A_2286 = tpu.memref_slice %arg6[%add3A_2280, %dma_start3A_2285] : memref<10240x128xf32, #tpu.memory_space<vmem_shared>> -> memref<80x128xf32, #tpu.memory_space<vmem_shared>>
          %dma_start3A_2287 = arith.constant 0 : i32
          %dma_start3A_2288 = arith.constant 0 : i32
          %dma_start3A_2289 = tpu.memref_slice %arg9[%dma_start3A_2287, %dma_start3A_2288] : memref<128x128xf32, #tpu.memory_space<vmem>> -> memref<80x128xf32, #tpu.memory_space<vmem>>
          %dma_start3A_2290 = arith.constant 0 : i32
          %dma_start3A_2291 = tpu.memref_slice %arg6[%add3A_2280, %dma_start3A_2290] : memref<10240x128xf32, #tpu.memory_space<vmem_shared>> -> memref<80x128xf32, #tpu.memory_space<vmem_shared>>
          tpu.enqueue_dma source(%dma_start3A_2291 : memref<80x128xf32, #tpu.memory_space<vmem_shared>>) target(%dma_start3A_2289 : memref<80x128xf32, #tpu.memory_space<vmem>>) target_semaphore(%run_scoped3A_2281 : memref<!tpu.dma_semaphore, #tpu.memory_space<semaphore_mem>>)
          %dma_wait3A_2292 = arith.constant 0 : i32
          %dma_wait3A_2293 = arith.constant 0 : i32
          %dma_wait3A_2294 = tpu.memref_slice %arg9[%dma_wait3A_2292, %dma_wait3A_2293] : memref<128x128xf32, #tpu.memory_space<vmem>> -> memref<80x128xf32, #tpu.memory_space<vmem>>
          %dma_wait3A_2295 = arith.constant 0 : i32
          %dma_wait3A_2296 = tpu.memref_slice %arg6[%add3A_2280, %dma_wait3A_2295] : memref<10240x128xf32, #tpu.memory_space<vmem_shared>> -> memref<80x128xf32, #tpu.memory_space<vmem_shared>>
          %dma_wait3A_2297 = arith.constant 0 : i32
          %dma_wait3A_2298 = arith.constant 0 : i32
          %dma_wait3A_2299 = tpu.memref_slice %arg9[%dma_wait3A_2297, %dma_wait3A_2298] : memref<128x128xf32, #tpu.memory_space<vmem>> -> memref<80x128xf32, #tpu.memory_space<vmem>>
          %dma_wait3A_2300 = arith.constant 0 : i32
          %dma_wait3A_2301 = tpu.memref_slice %arg6[%add3A_2280, %dma_wait3A_2300] : memref<10240x128xf32, #tpu.memory_space<vmem_shared>> -> memref<80x128xf32, #tpu.memory_space<vmem_shared>>
          tpu.wait_dma2 semaphore(%run_scoped3A_2281 : memref<!tpu.dma_semaphore, #tpu.memory_space<semaphore_mem>>) src(%dma_wait3A_2301 : memref<80x128xf32, #tpu.memory_space<vmem_shared>>) dst(%dma_wait3A_2299 : memref<80x128xf32, #tpu.memory_space<vmem>>)
          tpu.yield
        }) : () -> ()
        "tpu.region"() ({
          %run_scoped3A_2281 = tpu.sem_alloc : memref<!tpu.dma_semaphore, #tpu.memory_space<semaphore_mem>>
          %dma_start3A_2282 = arith.constant 0 : i32
          %dma_start3A_2283 = arith.constant 0 : i32
          %dma_start3A_2284 = tpu.memref_slice %arg9[%dma_start3A_2282, %dma_start3A_2283] : memref<128x128xf32, #tpu.memory_space<vmem>> -> memref<80x128xf32, #tpu.memory_space<vmem>>
          %dma_start3A_2285 = arith.constant 0 : i32
          %dma_start3A_2286 = tpu.memref_slice %arg5[%add3A_2280, %dma_start3A_2285] : memref<10240x128xf32, #tpu.memory_space<hbm>> -> memref<80x128xf32, #tpu.memory_space<hbm>>
          %dma_start3A_2287 = arith.constant 0 : i32
          %dma_start3A_2288 = tpu.memref_slice %arg5[%add3A_2280, %dma_start3A_2287] : memref<10240x128xf32, #tpu.memory_space<hbm>> -> memref<80x128xf32, #tpu.memory_space<hbm>>
          %dma_start3A_2289 = arith.constant 0 : i32
          %dma_start3A_2290 = arith.constant 0 : i32
          %dma_start3A_2291 = tpu.memref_slice %arg9[%dma_start3A_2289, %dma_start3A_2290] : memref<128x128xf32, #tpu.memory_space<vmem>> -> memref<80x128xf32, #tpu.memory_space<vmem>>
          tpu.enqueue_dma source(%dma_start3A_2291 : memref<80x128xf32, #tpu.memory_space<vmem>>) target(%dma_start3A_2288 : memref<80x128xf32, #tpu.memory_space<hbm>>) target_semaphore(%run_scoped3A_2281 : memref<!tpu.dma_semaphore, #tpu.memory_space<semaphore_mem>>)
          %dma_wait3A_2292 = arith.constant 0 : i32
          %dma_wait3A_2293 = arith.constant 0 : i32
          %dma_wait3A_2294 = tpu.memref_slice %arg9[%dma_wait3A_2292, %dma_wait3A_2293] : memref<128x128xf32, #tpu.memory_space<vmem>> -> memref<80x128xf32, #tpu.memory_space<vmem>>
          %dma_wait3A_2295 = arith.constant 0 : i32
          %dma_wait3A_2296 = tpu.memref_slice %arg5[%add3A_2280, %dma_wait3A_2295] : memref<10240x128xf32, #tpu.memory_space<hbm>> -> memref<80x128xf32, #tpu.memory_space<hbm>>
          %dma_wait3A_2297 = arith.constant 0 : i32
          %dma_wait3A_2298 = tpu.memref_slice %arg5[%add3A_2280, %dma_wait3A_2297] : memref<10240x128xf32, #tpu.memory_space<hbm>> -> memref<80x128xf32, #tpu.memory_space<hbm>>
          %dma_wait3A_2299 = arith.constant 0 : i32
          %dma_wait3A_2300 = arith.constant 0 : i32
          %dma_wait3A_2301 = tpu.memref_slice %arg9[%dma_wait3A_2299, %dma_wait3A_2300] : memref<128x128xf32, #tpu.memory_space<vmem>> -> memref<80x128xf32, #tpu.memory_space<vmem>>
          tpu.wait_dma2 semaphore(%run_scoped3A_2281 : memref<!tpu.dma_semaphore, #tpu.memory_space<semaphore_mem>>) src(%dma_wait3A_2301 : memref<80x128xf32, #tpu.memory_space<vmem>>) dst(%dma_wait3A_2298 : memref<80x128xf32, #tpu.memory_space<hbm>>)
          tpu.yield
        }) : () -> ()
      }
      %scan3A_2274 = arith.constant 8 : i32
    } else {
    }
    return
  }
}

module attributes {stable_mosaic.version = 14 : i64} {
  func.func @body(%arg0: i32, %arg1: memref<2560x128xf32, #tpu.memory_space<vmem>>, %arg2: memref<128x128xf32, #tpu.memory_space<vmem>>, %arg3: memref<128x128xf32, #tpu.memory_space<vmem>>, %arg4: memref<128xf32, #tpu.memory_space<vmem>>, %arg5: memref<2x2560xf32, #tpu.memory_space<vmem>>, %arg6: memref<2560x128xf32, #tpu.memory_space<vmem>>, %arg7: memref<2560x64xf32, #tpu.memory_space<vmem>>, %arg8: memref<32x32xf32, #tpu.memory_space<vmem>>, %arg9: memref<2x32xf32, #tpu.memory_space<vmem>>) attributes {dimension_semantics = [#tpu.dimension_semantics<arbitrary>], iteration_bounds = array<i64: 4>, scalar_prefetch = 0 : i64, scratch_operands = 0 : i64, tpu.core_type = #tpu.core_type<tc>, window_params = [{transform_indices = @transform_0, window_bounds = array<i64: 2560, 128>}, {pipeline_mode = #tpu.pipeline_mode<synchronous>, transform_indices = @transform_1, window_bounds = array<i64: 128, 128>}, {pipeline_mode = #tpu.pipeline_mode<synchronous>, transform_indices = @transform_2, window_bounds = array<i64: 128, 128>}, {pipeline_mode = #tpu.pipeline_mode<synchronous>, transform_indices = @transform_3, window_bounds = array<i64: 128>}, {transform_indices = @transform_4, window_bounds = array<i64: 2, 2560>}, {transform_indices = @transform_5, window_bounds = array<i64: 2560, 128>}, {transform_indices = @transform_6, window_bounds = array<i64: 2560, 64>}, {pipeline_mode = #tpu.pipeline_mode<synchronous>, transform_indices = @transform_7, window_bounds = array<i64: 32, 32>}, {pipeline_mode = #tpu.pipeline_mode<synchronous>, transform_indices = @transform_8, window_bounds = array<i64: 2, 32>}]} {
    %get3A = arith.constant 0 : index
    %get3A_0 = arith.constant 0 : index
    %get3A_1 = vector.load %arg1[%get3A, %get3A_0] : memref<2560x128xf32, #tpu.memory_space<vmem>>, vector<2560x128xf32>
    %broadcast_in_dim3A = arith.constant 1.000000e+00 : f32
    %broadcast_in_dim3A_2 = vector.broadcast %broadcast_in_dim3A : f32 to vector<2x1xf32>
    %get3A_3 = arith.constant 0 : index
    %get3A_4 = arith.constant 0 : index
    %get3A_5 = vector.load %arg5[%get3A_3, %get3A_4] : memref<2x2560xf32, #tpu.memory_space<vmem>>, vector<2x2560xf32>
    %dot_general3A = arith.constant dense<0.000000e+00> : vector<2560x1xf32>
    %dot_general3A_6 = tpu.matmul %get3A_5, %broadcast_in_dim3A_2, %dot_general3A {dimension_numbers = #tpu.dot_dimension_numbers<[0], [0], [1], [1], [0, 1, 1, 1], [], []>, transpose_lhs_hint = false} : vector<2x2560xf32>, vector<2x1xf32>, vector<2560x1xf32> -> vector<2560x1xf32>
    %add3A = arith.constant 1.000000e+00 : f32
    %add3A_7 = vector.broadcast %add3A : f32 to vector<2560x1xf32>
    %add3A_8 = arith.addf %dot_general3A_6, %add3A_7 : vector<2560x1xf32>
    %max3A = arith.constant 9.99999996E-13 : f32
    %max3A_9 = vector.broadcast %max3A : f32 to vector<2560x1xf32>
    %max3A_10 = arith.maximumf %add3A_8, %max3A_9 : vector<2560x1xf32>
    %rsqrt3A = math.rsqrt %max3A_10 : vector<2560x1xf32>
    %get3A_11 = arith.constant 0 : index
    %get3A_12 = arith.constant 0 : index
    %get3A_13 = vector.load %arg2[%get3A_11, %get3A_12] : memref<128x128xf32, #tpu.memory_space<vmem>>, vector<128x128xf32>
    %dot_general3A_14 = arith.constant dense<0.000000e+00> : vector<2560x128xf32>
    %dot_general3A_15 = tpu.matmul %get3A_1, %get3A_13, %dot_general3A_14 {dimension_numbers = #tpu.dot_dimension_numbers<[1], [0], [0], [1], [0, 0, 1, 1], [], []>, transpose_lhs_hint = false} : vector<2560x128xf32>, vector<128x128xf32>, vector<2560x128xf32> -> vector<2560x128xf32>
    %mul3A = vector.broadcast %rsqrt3A : vector<2560x1xf32> to vector<2560x128xf32>
    %mul3A_16 = arith.mulf %dot_general3A_15, %mul3A : vector<2560x128xf32>
    %swap3A = arith.constant 0 : index
    %swap3A_17 = arith.constant 0 : index
    %swap3A_18 = vector.load %arg6[%swap3A, %swap3A_17] : memref<2560x128xf32, #tpu.memory_space<vmem>>, vector<2560x128xf32>
    tpu.vector_store %arg6[%swap3A, %swap3A_17], %mul3A_16 {strides = array<i32>} : memref<2560x128xf32, #tpu.memory_space<vmem>>, vector<2560x128xf32>,
    %get3A_19 = arith.constant 0 : index
    %get3A_20 = arith.constant 0 : index
    %get3A_21 = vector.load %arg3[%get3A_19, %get3A_20] : memref<128x128xf32, #tpu.memory_space<vmem>>, vector<128x128xf32>
    %dot_general3A_22 = arith.constant dense<0.000000e+00> : vector<2560x128xf32>
    %dot_general3A_23 = tpu.matmul %get3A_1, %get3A_21, %dot_general3A_22 {dimension_numbers = #tpu.dot_dimension_numbers<[1], [0], [0], [1], [0, 0, 1, 1], [], []>, transpose_lhs_hint = false} : vector<2560x128xf32>, vector<128x128xf32>, vector<2560x128xf32> -> vector<2560x128xf32>
    %get3A_24 = arith.constant 0 : index
    %get3A_25 = vector.load %arg4[%get3A_24] : memref<128xf32, #tpu.memory_space<vmem>>, vector<128xf32>
    %broadcast_in_dim3A_26 = vector.shape_cast %get3A_25 : vector<128xf32> to vector<1x128xf32>
    %add3A_27 = vector.broadcast %broadcast_in_dim3A_26 : vector<1x128xf32> to vector<2560x128xf32>
    %add3A_28 = arith.addf %dot_general3A_23, %add3A_27 : vector<2560x128xf32>
    %max3A_29 = arith.constant 0.000000e+00 : f32
    %max3A_30 = vector.broadcast %max3A_29 : f32 to vector<2560x128xf32>
    %max3A_31 = arith.maximumf %add3A_28, %max3A_30 : vector<2560x128xf32>
    %slice3A = vector.extract_strided_slice %max3A_31 {offsets = [0, 0], sizes = [2560, 32], strides = [1, 1]} : vector<2560x128xf32> to vector<2560x32xf32>
    %slice3A_32 = vector.extract_strided_slice %max3A_31 {offsets = [0, 96], sizes = [2560, 32], strides = [1, 1]} : vector<2560x128xf32> to vector<2560x32xf32>
    %concatenate3A = tpu.concatenate %slice3A, %slice3A_32 in 1 : vector<2560x32xf32>, vector<2560x32xf32> -> vector<2560x64xf32>
    %swap3A_33 = arith.constant 0 : index
    %swap3A_34 = arith.constant 0 : index
    %swap3A_35 = vector.load %arg7[%swap3A_33, %swap3A_34] : memref<2560x64xf32, #tpu.memory_space<vmem>>, vector<2560x64xf32>
    tpu.vector_store %arg7[%swap3A_33, %swap3A_34], %concatenate3A {strides = array<i32>} : memref<2560x64xf32, #tpu.memory_space<vmem>>, vector<2560x64xf32>,
    %iota3A = tpu.iota {dimensions = array<i32: 0>} : vector<2560x1xi32>
    %mul3A_36 = arith.constant 2560 : i32
    %mul3A_37 = arith.muli %arg0, %mul3A_36 : i32
    %add3A_38 = vector.broadcast %mul3A_37 : i32 to vector<2560x1xi32>
    %add3A_39 = arith.addi %iota3A, %add3A_38 : vector<2560x1xi32>
    %lt3A = arith.constant 10000 : i32
    %lt3A_40 = vector.broadcast %lt3A : i32 to vector<2560x1xi32>
    %lt3A_41 = arith.cmpi slt, %add3A_39, %lt3A_40 : vector<2560x1xi32>
    %slice3A_42 = vector.extract_strided_slice %max3A_31 {offsets = [0, 0], sizes = [2560, 32], strides = [1, 1]} : vector<2560x128xf32> to vector<2560x32xf32>
    %jit3A = arith.constant 0.000000e+00 : f32
    %broadcast_in_dim3A_43 = vector.shape_cast %lt3A_41 : vector<2560x1xi1> to vector<2560x1xi1>
    %broadcast_in_dim3A_44 = vector.broadcast %broadcast_in_dim3A_43 : vector<2560x1xi1> to vector<2560x32xi1>
    %broadcast_in_dim3A_45 = vector.broadcast %jit3A : f32 to vector<2560x32xf32>
    %select_n3A = arith.select %broadcast_in_dim3A_44, %slice3A_42, %broadcast_in_dim3A_45 : vector<2560x32xi1>, vector<2560x32xf32>
    %slice3A_46 = vector.extract_strided_slice %max3A_31 {offsets = [0, 32], sizes = [2560, 32], strides = [1, 1]} : vector<2560x128xf32> to vector<2560x32xf32>
    %jit3A_47 = arith.constant 0.000000e+00 : f32
    %broadcast_in_dim3A_48 = vector.shape_cast %lt3A_41 : vector<2560x1xi1> to vector<2560x1xi1>
    %broadcast_in_dim3A_49 = vector.broadcast %broadcast_in_dim3A_48 : vector<2560x1xi1> to vector<2560x32xi1>
    %broadcast_in_dim3A_50 = vector.broadcast %jit3A_47 : f32 to vector<2560x32xf32>
    %select_n3A_51 = arith.select %broadcast_in_dim3A_49, %slice3A_46, %broadcast_in_dim3A_50 : vector<2560x32xi1>, vector<2560x32xf32>
    %slice3A_52 = vector.extract_strided_slice %max3A_31 {offsets = [0, 64], sizes = [2560, 32], strides = [1, 1]} : vector<2560x128xf32> to vector<2560x32xf32>
    %dot_general3A_53 = arith.constant dense<0.000000e+00> : vector<32x32xf32>
    %dot_general3A_54 = tpu.matmul %select_n3A_51, %slice3A_52, %dot_general3A_53 {dimension_numbers = #tpu.dot_dimension_numbers<[0], [0], [1], [1], [0, 1, 1, 1], [], []>, transpose_lhs_hint = false} : vector<2560x32xf32>, vector<2560x32xf32>, vector<32x32xf32> -> vector<32x32xf32>
    %reduce_sum3A = arith.constant dense<0.000000e+00> : vector<32xf32>
    %reduce_sum3A_55 = vector.multi_reduction <add>, %select_n3A, %reduce_sum3A [0] : vector<2560x32xf32> to vector<32xf32>
    %broadcast_in_dim3A_56 = vector.shape_cast %reduce_sum3A_55 : vector<32xf32> to vector<1x32xf32>
    %reduce_sum3A_57 = arith.constant dense<0.000000e+00> : vector<32xf32>
    %reduce_sum3A_58 = vector.multi_reduction <add>, %select_n3A_51, %reduce_sum3A_57 [0] : vector<2560x32xf32> to vector<32xf32>
    %broadcast_in_dim3A_59 = vector.shape_cast %reduce_sum3A_58 : vector<32xf32> to vector<1x32xf32>
    %concatenate3A_60 = tpu.concatenate %broadcast_in_dim3A_56, %broadcast_in_dim3A_59 in 0 : vector<1x32xf32>, vector<1x32xf32> -> vector<2x32xf32>
    %eq3A = arith.constant 0 : i32
    %eq3A_61 = arith.cmpi eq, %arg0, %eq3A : i32
    %convert_element_type3A = arith.extui %eq3A_61 : i1 to i32
    %cond3A = arith.constant 0 : i32
    %cond3A_62 = arith.cmpi ne, %convert_element_type3A, %cond3A : i32
    scf.if %cond3A_62 {
      %swap3A_67 = arith.constant 0 : index
      %swap3A_68 = arith.constant 0 : index
      %swap3A_69 = vector.load %arg8[%swap3A_67, %swap3A_68] : memref<32x32xf32, #tpu.memory_space<vmem>>, vector<32x32xf32>
      tpu.vector_store %arg8[%swap3A_67, %swap3A_68], %dot_general3A_54 {strides = array<i32>} : memref<32x32xf32, #tpu.memory_space<vmem>>, vector<32x32xf32>,
      %swap3A_70 = arith.constant 0 : index
      %swap3A_71 = arith.constant 0 : index
      %swap3A_72 = vector.load %arg9[%swap3A_70, %swap3A_71] : memref<2x32xf32, #tpu.memory_space<vmem>>, vector<2x32xf32>
      tpu.vector_store %arg9[%swap3A_70, %swap3A_71], %concatenate3A_60 {strides = array<i32>} : memref<2x32xf32, #tpu.memory_space<vmem>>, vector<2x32xf32>,
    } else {
    }
    %gt3A = arith.constant 0 : i32
    %gt3A_63 = arith.cmpi sgt, %arg0, %gt3A : i32
    %convert_element_type3A_64 = arith.extui %gt3A_63 : i1 to i32
    %cond3A_65 = arith.constant 0 : i32
    %cond3A_66 = arith.cmpi ne, %convert_element_type3A_64, %cond3A_65 : i32
    scf.if %cond3A_66 {
      %get3A_67 = arith.constant 0 : index
      %get3A_68 = arith.constant 0 : index
      %get3A_69 = vector.load %arg8[%get3A_67, %get3A_68] : memref<32x32xf32, #tpu.memory_space<vmem>>, vector<32x32xf32>
      %add3A_70 = arith.addf %get3A_69, %dot_general3A_54 : vector<32x32xf32>
      %swap3A_71 = arith.constant 0 : index
      %swap3A_72 = arith.constant 0 : index
      %swap3A_73 = vector.load %arg8[%swap3A_71, %swap3A_72] : memref<32x32xf32, #tpu.memory_space<vmem>>, vector<32x32xf32>
      tpu.vector_store %arg8[%swap3A_71, %swap3A_72], %add3A_70 {strides = array<i32>} : memref<32x32xf32, #tpu.memory_space<vmem>>, vector<32x32xf32>,
      %get3A_74 = arith.constant 0 : index
      %get3A_75 = arith.constant 0 : index
      %get3A_76 = vector.load %arg9[%get3A_74, %get3A_75] : memref<2x32xf32, #tpu.memory_space<vmem>>, vector<2x32xf32>
      %add3A_77 = arith.addf %get3A_76, %concatenate3A_60 : vector<2x32xf32>
      %swap3A_78 = arith.constant 0 : index
      %swap3A_79 = arith.constant 0 : index
      %swap3A_80 = vector.load %arg9[%swap3A_78, %swap3A_79] : memref<2x32xf32, #tpu.memory_space<vmem>>, vector<2x32xf32>
      tpu.vector_store %arg9[%swap3A_78, %swap3A_79], %add3A_77 {strides = array<i32>} : memref<2x32xf32, #tpu.memory_space<vmem>>, vector<2x32xf32>,
    } else {
    }
    return
  }
  func.func @transform_0(%arg0: i32) -> (i32, i32) {
    %c0_i32 = arith.constant 0 : i32
    %c0_i32_0 = arith.constant 0 : i32
    return %arg0, %c0_i32 : i32, i32
  }
  func.func @transform_1(%arg0: i32) -> (i32, i32) {
    %c0_i32 = arith.constant 0 : i32
    %c0_i32_0 = arith.constant 0 : i32
    %c0_i32_1 = arith.constant 0 : i32
    return %c0_i32, %c0_i32_0 : i32, i32
  }
  func.func @transform_2(%arg0: i32) -> (i32, i32) {
    %c0_i32 = arith.constant 0 : i32
    %c0_i32_0 = arith.constant 0 : i32
    %c0_i32_1 = arith.constant 0 : i32
    return %c0_i32, %c0_i32_0 : i32, i32
  }
  func.func @transform_3(%arg0: i32) -> i32 {
    %c0_i32 = arith.constant 0 : i32
    %c0_i32_0 = arith.constant 0 : i32
    return %c0_i32 : i32
  }
  func.func @transform_4(%arg0: i32) -> (i32, i32) {
    %c0_i32 = arith.constant 0 : i32
    %c0_i32_0 = arith.constant 0 : i32
    return %c0_i32, %arg0 : i32, i32
  }
  func.func @transform_5(%arg0: i32) -> (i32, i32) {
    %c0_i32 = arith.constant 0 : i32
    %c0_i32_0 = arith.constant 0 : i32
    return %arg0, %c0_i32 : i32, i32
  }
  func.func @transform_6(%arg0: i32) -> (i32, i32) {
    %c0_i32 = arith.constant 0 : i32
    %c0_i32_0 = arith.constant 0 : i32
    return %arg0, %c0_i32 : i32, i32
  }
  func.func @transform_7(%arg0: i32) -> (i32, i32) {
    %c0_i32 = arith.constant 0 : i32
    %c0_i32_0 = arith.constant 0 : i32
    %c0_i32_1 = arith.constant 0 : i32
    return %c0_i32, %c0_i32_0 : i32, i32
  }
  func.func @transform_8(%arg0: i32) -> (i32, i32) {
    %c0_i32 = arith.constant 0 : i32
    %c0_i32_0 = arith.constant 0 : i32
    %c0_i32_1 = arith.constant 0 : i32
    return %c0_i32, %c0_i32_0 : i32, i32
  }
}

module attributes {stable_mosaic.version = 14 : i64} {
  func.func @body(%arg0: i32, %arg1: memref<2560x128xf32, #tpu.memory_space<vmem>>, %arg2: memref<2560x128xf32, #tpu.memory_space<vmem>>, %arg3: memref<2560x128xf32, #tpu.memory_space<vmem>>, %arg4: memref<2560x64xf32, #tpu.memory_space<vmem>>, %arg5: memref<2x2560xf32, #tpu.memory_space<vmem>>, %arg6: memref<32x32xf32, #tpu.memory_space<vmem>>, %arg7: memref<2x32xf32, #tpu.memory_space<vmem>>, %arg8: memref<192x128xf32, #tpu.memory_space<vmem>>, %arg9: memref<128xf32, #tpu.memory_space<vmem>>, %arg10: memref<128xf32, #tpu.memory_space<vmem>>, %arg11: memref<2560x128xf32, #tpu.memory_space<vmem>>) attributes {dimension_semantics = [#tpu.dimension_semantics<arbitrary>], iteration_bounds = array<i64: 4>, scalar_prefetch = 0 : i64, scratch_operands = 0 : i64, tpu.core_type = #tpu.core_type<tc>, window_params = [{transform_indices = @transform_0, window_bounds = array<i64: 2560, 128>}, {transform_indices = @transform_1, window_bounds = array<i64: 2560, 128>}, {transform_indices = @transform_2, window_bounds = array<i64: 2560, 128>}, {transform_indices = @transform_3, window_bounds = array<i64: 2560, 64>}, {transform_indices = @transform_4, window_bounds = array<i64: 2, 2560>}, {pipeline_mode = #tpu.pipeline_mode<synchronous>, transform_indices = @transform_5, window_bounds = array<i64: 32, 32>}, {pipeline_mode = #tpu.pipeline_mode<synchronous>, transform_indices = @transform_6, window_bounds = array<i64: 2, 32>}, {pipeline_mode = #tpu.pipeline_mode<synchronous>, transform_indices = @transform_7, window_bounds = array<i64: 192, 128>}, {pipeline_mode = #tpu.pipeline_mode<synchronous>, transform_indices = @transform_8, window_bounds = array<i64: 128>}, {pipeline_mode = #tpu.pipeline_mode<synchronous>, transform_indices = @transform_9, window_bounds = array<i64: 128>}, {transform_indices = @transform_10, window_bounds = array<i64: 2560, 128>}]} {
    %broadcast_in_dim3A = arith.constant 1.000000e+00 : f32
    %broadcast_in_dim3A_0 = vector.broadcast %broadcast_in_dim3A : f32 to vector<2x1xf32>
    %get3A = arith.constant 0 : index
    %get3A_1 = arith.constant 0 : index
    %get3A_2 = vector.load %arg5[%get3A, %get3A_1] : memref<2x2560xf32, #tpu.memory_space<vmem>>, vector<2x2560xf32>
    %dot_general3A = arith.constant dense<0.000000e+00> : vector<2560x1xf32>
    %dot_general3A_3 = tpu.matmul %get3A_2, %broadcast_in_dim3A_0, %dot_general3A {dimension_numbers = #tpu.dot_dimension_numbers<[0], [0], [1], [1], [0, 1, 1, 1], [], []>, transpose_lhs_hint = false} : vector<2x2560xf32>, vector<2x1xf32>, vector<2560x1xf32> -> vector<2560x1xf32>
    %add3A = arith.constant 1.000000e+00 : f32
    %add3A_4 = vector.broadcast %add3A : f32 to vector<2560x1xf32>
    %add3A_5 = arith.addf %dot_general3A_3, %add3A_4 : vector<2560x1xf32>
    %max3A = arith.constant 9.99999996E-13 : f32
    %max3A_6 = vector.broadcast %max3A : f32 to vector<2560x1xf32>
    %max3A_7 = arith.maximumf %add3A_5, %max3A_6 : vector<2560x1xf32>
    %rsqrt3A = math.rsqrt %max3A_7 : vector<2560x1xf32>
    %get3A_8 = arith.constant 0 : index
    %get3A_9 = arith.constant 0 : index
    %get3A_10 = vector.load %arg1[%get3A_8, %get3A_9] : memref<2560x128xf32, #tpu.memory_space<vmem>>, vector<2560x128xf32>
    %get3A_11 = arith.constant 0 : index
    %get3A_12 = arith.constant 0 : index
    %get3A_13 = vector.load %arg2[%get3A_11, %get3A_12] : memref<2560x128xf32, #tpu.memory_space<vmem>>, vector<2560x128xf32>
    %add3A_14 = arith.addf %get3A_10, %get3A_13 : vector<2560x128xf32>
    %get3A_15 = arith.constant 0 : index
    %get3A_16 = arith.constant 0 : index
    %get3A_17 = vector.load %arg3[%get3A_15, %get3A_16] : memref<2560x128xf32, #tpu.memory_space<vmem>>, vector<2560x128xf32>
    %add3A_18 = arith.addf %add3A_14, %get3A_17 : vector<2560x128xf32>
    %mul3A = vector.broadcast %rsqrt3A : vector<2560x1xf32> to vector<2560x128xf32>
    %mul3A_19 = arith.mulf %mul3A, %add3A_18 : vector<2560x128xf32>
    %get3A_20 = arith.constant 0 : index
    %get3A_21 = vector.load %arg9[%get3A_20] : memref<128xf32, #tpu.memory_space<vmem>>, vector<128xf32>
    %broadcast_in_dim3A_22 = vector.shape_cast %get3A_21 : vector<128xf32> to vector<1x128xf32>
    %add3A_23 = vector.broadcast %broadcast_in_dim3A_22 : vector<1x128xf32> to vector<2560x128xf32>
    %add3A_24 = arith.addf %mul3A_19, %add3A_23 : vector<2560x128xf32>
    %max3A_25 = arith.constant 0.000000e+00 : f32
    %max3A_26 = vector.broadcast %max3A_25 : f32 to vector<2560x128xf32>
    %max3A_27 = arith.maximumf %add3A_24, %max3A_26 : vector<2560x128xf32>
    %get3A_28 = arith.constant 0 : index
    %get3A_29 = arith.constant 0 : index
    %get3A_30 = vector.load %arg7[%get3A_28, %get3A_29] : memref<2x32xf32, #tpu.memory_space<vmem>>, vector<1x32xf32>
    %get3A_31 = arith.constant 1 : index
    %get3A_32 = arith.constant 0 : index
    %get3A_33 = vector.load %arg7[%get3A_31, %get3A_32] : memref<2x32xf32, #tpu.memory_space<vmem>>, vector<1x32xf32>
    %mul3A_34 = arith.mulf %get3A_30, %get3A_33 : vector<1x32xf32>
    %reduce_sum3A = vector.shape_cast %mul3A_34 : vector<1x32xf32> to vector<1x1x32xf32>
    %reduce_sum3A_35 = arith.constant dense<0.000000e+00> : vector<1xf32>
    %reduce_sum3A_36 = vector.multi_reduction <add>, %reduce_sum3A, %reduce_sum3A_35 [1, 2] : vector<1x1x32xf32> to vector<1xf32>
    %reduce_sum3A_37 = vector.shape_cast %reduce_sum3A_36 : vector<1xf32> to vector<1x1x1xf32>
    %reduce_sum3A_38 = vector.extract %reduce_sum3A_37[0, 0, 0] : f32 from vector<1x1x1xf32>
    %div3A = arith.constant 1.000000e+04 : f32
    %div3A_39 = arith.divf %div3A, %reduce_sum3A_38 : f32
    %get3A_40 = arith.constant 0 : index
    %get3A_41 = arith.constant 0 : index
    %get3A_42 = vector.load %arg8[%get3A_40, %get3A_41] : memref<192x128xf32, #tpu.memory_space<vmem>>, vector<128x128xf32>
    %get3A_43 = arith.constant 128 : index
    %get3A_44 = arith.constant 0 : index
    %get3A_45 = vector.load %arg8[%get3A_43, %get3A_44] : memref<192x128xf32, #tpu.memory_space<vmem>>, vector<32x128xf32>
    %get3A_46 = arith.constant 160 : index
    %get3A_47 = arith.constant 0 : index
    %get3A_48 = vector.load %arg8[%get3A_46, %get3A_47] : memref<192x128xf32, #tpu.memory_space<vmem>>, vector<32x128xf32>
    %get3A_49 = arith.constant 0 : index
    %get3A_50 = arith.constant 0 : index
    %get3A_51 = vector.load %arg6[%get3A_49, %get3A_50] : memref<32x32xf32, #tpu.memory_space<vmem>>, vector<32x32xf32>
    %dot_general3A_52 = arith.constant dense<0.000000e+00> : vector<32x128xf32>
    %dot_general3A_53 = tpu.matmul %get3A_51, %get3A_45, %dot_general3A_52 {dimension_numbers = #tpu.dot_dimension_numbers<[1], [0], [0], [1], [0, 0, 1, 1], [], []>, transpose_lhs_hint = false} : vector<32x32xf32>, vector<32x128xf32>, vector<32x128xf32> -> vector<32x128xf32>
    %mul3A_54 = vector.broadcast %div3A_39 : f32 to vector<32x128xf32>
    %mul3A_55 = arith.mulf %dot_general3A_53, %mul3A_54 : vector<32x128xf32>
    %get3A_56 = arith.constant 0 : index
    %get3A_57 = arith.constant 0 : index
    %get3A_58 = vector.load %arg4[%get3A_56, %get3A_57] : memref<2560x64xf32, #tpu.memory_space<vmem>>, vector<2560x64xf32>
    %slice3A = vector.extract_strided_slice %get3A_58 {offsets = [0, 0], sizes = [2560, 32], strides = [1, 1]} : vector<2560x64xf32> to vector<2560x32xf32>
    %slice3A_59 = vector.extract_strided_slice %get3A_58 {offsets = [0, 32], sizes = [2560, 32], strides = [1, 1]} : vector<2560x64xf32> to vector<2560x32xf32>
    %dot_general3A_60 = arith.constant dense<0.000000e+00> : vector<2560x128xf32>
    %dot_general3A_61 = tpu.matmul %max3A_27, %get3A_42, %dot_general3A_60 {dimension_numbers = #tpu.dot_dimension_numbers<[1], [0], [0], [1], [0, 0, 1, 1], [], []>, transpose_lhs_hint = false} : vector<2560x128xf32>, vector<128x128xf32>, vector<2560x128xf32> -> vector<2560x128xf32>
    %dot_general3A_62 = arith.constant dense<0.000000e+00> : vector<2560x128xf32>
    %dot_general3A_63 = tpu.matmul %slice3A, %mul3A_55, %dot_general3A_62 {dimension_numbers = #tpu.dot_dimension_numbers<[1], [0], [0], [1], [0, 0, 1, 1], [], []>, transpose_lhs_hint = false} : vector<2560x32xf32>, vector<32x128xf32>, vector<2560x128xf32> -> vector<2560x128xf32>
    %add3A_64 = arith.addf %dot_general3A_61, %dot_general3A_63 : vector<2560x128xf32>
    %dot_general3A_65 = arith.constant dense<0.000000e+00> : vector<2560x128xf32>
    %dot_general3A_66 = tpu.matmul %slice3A_59, %get3A_48, %dot_general3A_65 {dimension_numbers = #tpu.dot_dimension_numbers<[1], [0], [0], [1], [0, 0, 1, 1], [], []>, transpose_lhs_hint = false} : vector<2560x32xf32>, vector<32x128xf32>, vector<2560x128xf32> -> vector<2560x128xf32>
    %add3A_67 = arith.addf %add3A_64, %dot_general3A_66 : vector<2560x128xf32>
    %get3A_68 = arith.constant 0 : index
    %get3A_69 = vector.load %arg10[%get3A_68] : memref<128xf32, #tpu.memory_space<vmem>>, vector<128xf32>
    %broadcast_in_dim3A_70 = vector.shape_cast %get3A_69 : vector<128xf32> to vector<1x128xf32>
    %add3A_71 = vector.broadcast %broadcast_in_dim3A_70 : vector<1x128xf32> to vector<2560x128xf32>
    %add3A_72 = arith.addf %add3A_67, %add3A_71 : vector<2560x128xf32>
    %swap3A = arith.constant 0 : index
    %swap3A_73 = arith.constant 0 : index
    %swap3A_74 = vector.load %arg11[%swap3A, %swap3A_73] : memref<2560x128xf32, #tpu.memory_space<vmem>>, vector<2560x128xf32>
    tpu.vector_store %arg11[%swap3A, %swap3A_73], %add3A_72 {strides = array<i32>} : memref<2560x128xf32, #tpu.memory_space<vmem>>, vector<2560x128xf32>,
    return
  }
  func.func @transform_0(%arg0: i32) -> (i32, i32) {
    %c0_i32 = arith.constant 0 : i32
    %c0_i32_0 = arith.constant 0 : i32
    return %arg0, %c0_i32 : i32, i32
  }
  func.func @transform_1(%arg0: i32) -> (i32, i32) {
    %c0_i32 = arith.constant 0 : i32
    %c0_i32_0 = arith.constant 0 : i32
    return %arg0, %c0_i32 : i32, i32
  }
  func.func @transform_2(%arg0: i32) -> (i32, i32) {
    %c0_i32 = arith.constant 0 : i32
    %c0_i32_0 = arith.constant 0 : i32
    return %arg0, %c0_i32 : i32, i32
  }
  func.func @transform_3(%arg0: i32) -> (i32, i32) {
    %c0_i32 = arith.constant 0 : i32
    %c0_i32_0 = arith.constant 0 : i32
    return %arg0, %c0_i32 : i32, i32
  }
  func.func @transform_4(%arg0: i32) -> (i32, i32) {
    %c0_i32 = arith.constant 0 : i32
    %c0_i32_0 = arith.constant 0 : i32
    return %c0_i32, %arg0 : i32, i32
  }
  func.func @transform_5(%arg0: i32) -> (i32, i32) {
    %c0_i32 = arith.constant 0 : i32
    %c0_i32_0 = arith.constant 0 : i32
    %c0_i32_1 = arith.constant 0 : i32
    return %c0_i32, %c0_i32_0 : i32, i32
  }
  func.func @transform_6(%arg0: i32) -> (i32, i32) {
    %c0_i32 = arith.constant 0 : i32
    %c0_i32_0 = arith.constant 0 : i32
    %c0_i32_1 = arith.constant 0 : i32
    return %c0_i32, %c0_i32_0 : i32, i32
  }
  func.func @transform_7(%arg0: i32) -> (i32, i32) {
    %c0_i32 = arith.constant 0 : i32
    %c0_i32_0 = arith.constant 0 : i32
    %c0_i32_1 = arith.constant 0 : i32
    return %c0_i32, %c0_i32_0 : i32, i32
  }
  func.func @transform_8(%arg0: i32) -> i32 {
    %c0_i32 = arith.constant 0 : i32
    %c0_i32_0 = arith.constant 0 : i32
    return %c0_i32 : i32
  }
  func.func @transform_9(%arg0: i32) -> i32 {
    %c0_i32 = arith.constant 0 : i32
    %c0_i32_0 = arith.constant 0 : i32
    return %c0_i32 : i32
  }
  func.func @transform_10(%arg0: i32) -> (i32, i32) {
    %c0_i32 = arith.constant 0 : i32
    %c0_i32_0 = arith.constant 0 : i32
    return %arg0, %c0_i32 : i32, i32
  }
}

</mosaic_0001>

<sc_bundles>
// kernel: kernel.6.cloned.1.call-start
scs
__scs_entry_jumppad:
0x0: {  	(pc) =	sbr.rel $0x88, $3  }
0x1: {  	(tag) =	ssettag $0x0;
	lr =	simm.s32 $0x1  }
0x2: {  	[smem:$0x3F99] =	sst lr;
	_ =	strace $0xD0000000  }
0x3: {  	_ = 	snop  }
0x4: {  	_ = 	snop  }
0x5: {  	_ = 	snop  }
0x6: {  	_ = 	snop  }
0x7: {  	_ = 	snop  }
__scs_overlays_trampoline_lowered:
0x8: {  	[smem:$0x3FA8] =	sst s0  }
0x9: {  	[smem:$0x3FA9] =	sst s1  }
0xa: {  	[smem:$0x3FAA] =	sst s2  }
0xb: {  	[smem:$0x3FAB] =	sst s3  }
0xc: {  	[smem:$0x3FAC] =	sst s4  }
0xd: {  	[smem:$0x3FAD] =	sst s5  }
0xe: {  	[smem:$0x3FAE] =	sst s6  }
0xf: {  	[smem:$0x3FAF] =	sst s7  }
0x10: {  	[smem:$0x3FB0] =	sst s8  }
0x11: {  	[smem:$0x3FB1] =	sst s9;
	s0 =	simm.s32 @!p0 $0x0  }
0x12: {  	s1 =	sld [smem:$0x3F97];
	s0 =	simm.s32 @p0 $0x1  }
0x13: {  	[smem:$0x3FB2] =	sst s0;
	s0 =	simm.s32 @!p1 $0x0  }
0x14: {  	s2 =	sld [smem:$0x3F96];
	s0 =	simm.s32 @p1 $0x1  }
0x15: {  	[smem:$0x3FB3] =	sst s0;
	s0 =	simm.s32 @!p2 $0x0  }
0x16: {  	s3 =	sld [smem:$0x3FDB];
	s0 =	simm.s32 @p2 $0x1  }
0x17: {  	s4 =	simm.s32 $0x1BF5;
	[smem:$0x3FB5] =	sst s0  }
0x18: {  	s0 =	sld [smem:$0x3F98];
	_ =	swait.ge [sflag:s4], $0x0  }
0x19: {  	s7 =	sld [smem:$0x3F99]  }
0x1a: {  	s8 =	sadd.s32 $0xFFFFE003, lr  }
0x1b: {  	s9 =	sadd.s32 $0xFFFFFEF7, lr;
	s5 =	simm.s32 $0xFFFFFFFF;
	p2 =	slt.u32 s8, $0xFFFFF086  }
0x1c: {  	p1 =	slt.u32 s9, $0xF7A;
	s5 =	simm.s32 @!p2 $0x0  }
0x1d: {  	s5 =	simm.s32 @p1 $0x1;
	p0 =	seq.s32 s7, s2  }
0x1e: {  	s7 =	smul.u32 @!p0 $0xF7A, s2;
	p2 =	seq.s32 @!p0 s5, $0x0  }
0x1f: {  	s9 =	smul.u32 $0xF7A, s1;
	s8 =	simm.s32 @!p0 $0x1BF5;
	p2 =	por !p2, p0  }
0x20: {  	[sflag:s8] =	ssyncset.s32 @!p0 $0xFFFFF086;
	s6 =	sadd.s32 @!p0 s3, s7;
	s7 =	simm.s32 @!p0 $0x108  }
0x21: {  	s3 =	sadd.s32 s3, s9;
	s6 =	sadd.s32 @!p0 $0x88, s6;
	s7 =	simm.s32 @p2 $0x1082  }
0x22: {  	[simem:s7], [sflag:s8] =	dma.local @!p0 [hbm:s6], $0xF7A  }
0x23: {  	s9 =	sor.u32 $0xD0000000, s2;
	s6 =	simm.s32 $0x108;
	_ =	swait.ge @!p0 [sflag:s8], $0x0  }
0x24: {  	s3 =	sadd.s32 $0x88, s3;
	s6 =	simm.s32 @!p1 $0x1082;
	[sflag:s4] =	ssyncset.s32 $0xFFFFF086  }
0x25: {  	[simem:s6], [sflag:s4] =	dma.local [hbm:s3], $0xF7A  }
0x26: {  	[smem:$0x3F99] =	sst s1;
	(tag) =	ssettag s2;
	_ =	strace s9  }
0x27: {  	s1 =	sld [smem:$0x3FA9]  }
0x28: {  	s2 =	sld [smem:$0x3FAA]  }
0x29: {  	s4 =	sld [smem:$0x3FAC]  }
0x2a: {  	p0 =	seq.s32 s5, $0x0;
	s5 =	sld [smem:$0x3FAD]  }
0x2b: {  	s6 =	sld [smem:$0x3FAE]  }
0x2c: {  	s7 =	sld [smem:$0x3FAF]  }
0x2d: {  	s3 =	simm.s32 $0x108;
	s8 =	sld [smem:$0x3FB0]  }
0x2e: {  	s3 =	simm.s32 @!p0 $0x1082;
	s9 =	sld [smem:$0x3FB1]  }
0x2f: {  	lr =	sadd.s32 s0, s3;
	s0 =	sld [smem:$0x3FA8]  }
0x30: {  	s3 =	sld [smem:$0x3FAB]  }
0x31: {  	[smem:$0x3FB4] =	sst s10  }
0x32: {  	s10 =	sld [smem:$0x3FB2];
	_ =	sdelay $0x3  }
0x33: {  	p0 =	seq.s32 s10, $0x1;
	s10 =	sld [smem:$0x3FB4];
	_ =	sdelay $0x3  }
0x34: {  	[smem:$0x3FB4] =	sst s10  }
0x35: {  	s10 =	sld [smem:$0x3FB3];
	_ =	sdelay $0x3  }
0x36: {  	p1 =	seq.s32 s10, $0x1;
	s10 =	sld [smem:$0x3FB4];
	_ =	sdelay $0x3  }
0x37: {  	[smem:$0x3FB4] =	sst s10  }
0x38: {  	s10 =	sld [smem:$0x3FB5]  }
0x39: {  	_ = 	snop;
	(pc) =	sbr.ind lr, $3  }
0x3a: {  	_ = 	snop  }
0x3b: {  	_ = 	snop  }
0x3c: {  	p2 =	seq.s32 s10, $0x1;
	s10 =	sld [smem:$0x3FB4]  }
0x3d: {  	_ =	shalt  }
0x3e: {  	_ =	shalt  }
0x3f: {  	_ =	shalt  }
0x40: {  	_ =	shalt  }
0x41: {  	_ =	shalt  }
0x42: {  	_ =	shalt  }
0x43: {  	_ =	shalt  }
0x44: {  	_ =	shalt  }
0x45: {  	_ =	shalt  }
0x46: {  	_ =	shalt  }
0x47: {  	_ =	shalt  }
0x48: {  	_ =	shalt  }
0x49: {  	_ =	shalt  }
0x4a: {  	_ =	shalt  }
0x4b: {  	_ =	shalt  }
0x4c: {  	_ =	shalt  }
0x4d: {  	_ =	shalt  }
0x4e: {  	_ =	shalt  }
0x4f: {  	_ =	shalt  }
0x50: {  	_ =	shalt  }
0x51: {  	_ =	shalt  }
0x52: {  	_ =	shalt  }
0x53: {  	_ =	shalt  }
0x54: {  	_ =	shalt  }
0x55: {  	_ =	shalt  }
0x56: {  	_ =	shalt  }
0x57: {  	_ =	shalt  }
0x58: {  	_ =	shalt  }
0x59: {  	_ =	shalt  }
0x5a: {  	_ =	shalt  }
0x5b: {  	_ =	shalt  }
0x5c: {  	_ =	shalt  }
0x5d: {  	_ =	shalt  }
0x5e: {  	_ =	shalt  }
0x5f: {  	_ =	shalt  }
0x60: {  	_ =	shalt  }
0x61: {  	_ =	shalt  }
0x62: {  	_ =	shalt  }
0x63: {  	_ =	shalt  }
0x64: {  	_ =	shalt  }
0x65: {  	_ =	shalt  }
0x66: {  	_ =	shalt  }
0x67: {  	_ =	shalt  }
0x68: {  	_ =	shalt  }
0x69: {  	_ =	shalt  }
0x6a: {  	_ =	shalt  }
0x6b: {  	_ =	shalt  }
0x6c: {  	_ =	shalt  }
0x6d: {  	_ =	shalt  }
0x6e: {  	_ =	shalt  }
0x6f: {  	_ =	shalt  }
0x70: {  	_ =	shalt  }
0x71: {  	_ =	shalt  }
0x72: {  	_ =	shalt  }
0x73: {  	_ =	shalt  }
0x74: {  	_ =	shalt  }
0x75: {  	_ =	shalt  }
0x76: {  	_ =	shalt  }
0x77: {  	_ =	shalt  }
0x78: {  	_ =	shalt  }
0x79: {  	_ =	shalt  }
0x7a: {  	_ =	shalt  }
0x7b: {  	_ =	shalt  }
0x7c: {  	_ =	shalt  }
0x7d: {  	_ =	shalt  }
0x7e: {  	_ =	shalt  }
0x7f: {  	_ =	shalt  }
0x80: {  	_ =	shalt  }
0x81: {  	_ =	shalt  }
0x82: {  	_ =	shalt  }
0x83: {  	_ =	shalt  }
0x84: {  	_ =	shalt  }
0x85: {  	_ =	shalt  }
0x86: {  	_ =	shalt  }
0x87: {  	_ =	shalt  }
.Lfunc_end0:
.L_simem_size_0:
called_computation_lowered:
.L_overlay_start_0:
0x88: {  	s2 =	sld [smem:$0x3FD9]  }
0x89: {  	s3 =	sld [smem:$0x3FFE];
	_ =	sdelay $0x1  }
0x8a: {  	s1 =	srdreg.scid  }
0x8b: {  	s0 =	sand.u32 $0x1, s1  }
0x8c: {  	s17 =	sshll.u32 s0, $0xA;
	s2 =	sadd.s32 s3, s2  }
0x8d: {  	s2 =	sadd.s32 s2, s17  }
0x8e: {  	[smem:$0x3FC0] =	sst s2  }
0x8f: {  	_ = 	snop  }
0x90: {  	s2 =	sld [smem:$0x3FD0];
	(tm) =	ssettm $0x1  }
0x91: {  	s18 =	sld [smem:$0x3FFB];
	_ =	sdelay $0x3  }
0x92: {  	_ =	strace s18  }
0x93: {  	s3 =	sld [smem:$0x3FFC];
	_ =	sdelay $0x3  }
0x94: {  	_ =	strace s3  }
0x95: {  	s3 =	sld [smem:$0x3FFD];
	_ =	sdelay $0x3  }
0x96: {  	_ =	strace s3  }
0x97: {  	_ =	strace $0x8FFFFFFF  }
0x98: {  	s19 =	sld [smem:$0x3FDB];
	_ =	sdelay $0x1  }
0x99: {  	s4 =	simm.s32 $_scs_section_size  }
0x9a: {  	s5 =	simm.s32 $_size__tile_overlayer_lowered;
	s6 =	simm.s32 $_tile_overlayer_lowered  }
0x9b: {  	s22 =	simm.s32 $0x1BFF;
	s21 =	sshll.u32 s6, $0x1;
	s3 =	sadd.s32 s4, s19  }
0x9c: {  	s7 =	simm.s32 $0x0;
	s20 =	sshll.u32 s5, $0x1;
	s5 =	sadd.s32 s21, s3  }
0x9d: {  	[timem:s7], [sflag:s22] =	dma.local [hbm:s5], s20  }
0x9e: {  	_ =	swait.ge [sflag:s22], s20  }
0x9f: {  	s4 =	ssub.s32 $0x0, s20;
	[sflag:s22] =	ssyncset.done $0x0  }
0xa0: {  	[sflag:s22] =	ssyncadd.s32 s4;
	_ =	sdelay $0x1  }
0xa1: {  	s23 =	simm.s32 $0x1B8B  }
0xa2: {  	_ =	swait.ge [sflag:s23], $0x1  }
0xa3: {  	[sflag:s23] =	ssyncset.done $0x0  }
0xa4: {  	s25 =	simm.s32 $0x1B8E;
	s24 =	sld [smem:$0x3FFE];
	[sflag:s23] =	ssyncadd.s32 $0xFFFFFFFF  }
0xa5: {  	s26 =	simm.s32 $execute0_lowered;
	[smem:$0x3FD2] =	sst s25  }
0xa6: {  	s5 =	sshll.u32 s26, $0x1;
	_ =	strace $0x80000046;
	[dreg:$0x1] =	wrdreg $0xFFFFFFFF  }
0xa7: {  	s28 =	simm.s32 $_size_execute0_lowered;
	s3 =	sadd.s32 s3, s5;
	[dreg:$0x0] =	wrdreg $0x0  }
0xa8: {  	s5 =	sshll.u32 s28, $0x1;
	[dreg:$0x2] =	wrdreg s3  }
0xa9: {  	[dreg:$0x3] =	wrdreg s5  }
0xaa: {  	[dreg:$0x4] =	wrdreg $0xC0  }
0xab: {  	_ =	task [dreg:s7], $0x5FFFF  }
0xac: {  	[dreg:$0x1] =	wrdreg $0xFFFFFFFF  }
0xad: {  	[dreg:$0x0] =	wrdreg $0x60  }
0xae: {  	[dreg:$0x2] =	wrdreg s2  }
0xaf: {  	[dreg:$0x3] =	wrdreg s24  }
0xb0: {  	[dreg:$0x4] =	wrdreg $0x0  }
0xb1: {  	[dreg:$0x5] =	wrdreg $0x9  }
0xb2: {  	_ =	task.clear_ibuf [dreg:s7], $0x6FFFF;
	_ =	strace $0x90000046  }
0xb3: {  	s29 =	simm.s32 $0x9;
	_ =	strace $0x80000048  }
0xb4: {  	_ =	swait.ge [sflag:s29], $0x1  }
0xb5: {  	[sflag:s29] =	ssyncadd.s32 $0xFFFFFFFF  }
0xb6: {  	_ =	strace $0x90000048  }
0xb7: {  	_ =	sfence  }
0xb8: {  	s30 =	sld [smem:$0x0];
	_ =	sdelay $0x2  }
0xb9: {  	s31 =	sshll.u32 s1, $0xD;
	s1 =	sshrl.u32 s1, $0x2  }
0xba: {  	s3 =	sand.u32 $0x4000, s31;
	s1 =	sadd.s32 s1, s30  }
0xbb: {  	s0 =	sor.u32 s3, s0;
	s1 =	sshll.u32 s1, $0x11  }
0xbc: {  	s0 =	sor.u32 s1, s0  }
0xbd: {  	s0 =	sadd.s32 $0x8F2B, s0  }
0xbe: {  	[sflag:s0] =	ssyncadd.remote.s32 $0x1  }
0xbf: {  	_ =	sfence.sel $0xFFFF  }
0xc0: {  	[dreg:$0x0] =	wrdreg $0xFFFFFFFF;
	(pc) =	sbr.abs _section_cstart, $3  }
0xc1: {  	[dreg:$0x1] =	wrdreg $0xFFFFFFFF  }
0xc2: {  	_ =	task.clear_ibuf [dreg:s7], $0x2FFFF;
	_ =	strace $0x9FFFFFFF  }
0xc3: {  	(tm) =	ssettm $0x7FFFFFFF  }
tec
execute0_lowered:
.L_overlay_start_1:
0x0: {  	(tag) =	ssettag $0x1  }
0x1: {  	s4 =	rddreg [dreg:$0x0]  }
0x2: {  	s5 =	rddreg [dreg:$0x1]  }
0x3: {  	s2 =	rddreg [dreg:$0x2]  }
0x4: {  	s0 =	rddreg [dreg:$0x3]  }
0x5: {  	s3 =	simm.s32 $0x0;
	s6 =	srdreg.scid;
	s1 =	stileid.u32  }
0x6: {  	s11 =	simm.s32 $0x80;
	s12 =	simm.s32 $0x2A80;
	s13 =	simm.s32 $0x1  }
0x7: {  	s14 =	simm.s32 $0x100;
	s15 =	simm.s32 $0x0;
	s6 =	sand.u32 $0x1, s6  }
0x8: {  	s7 =	smul.u32 $0x500, s1;
	s8 =	sshll.u32 s1, $0x1;
	[smem:$0x7FF] =	sst s3  }
0x9: {  	s28 =	smul.u32 $0xA00, s1;
	s9 =	sshll.u32 s6, $0x7;
	s8 =	sor.u32 s6, s8  }
0xa: {  	_ =	strace $0x80000047;
	s6 =	ssub.s32 $0x2, s6;
	s8 =	smul.u32 $0x2800, s8  }
0xb: {  	s7 =	sor.u32 s9, s7;
	s29 =	sshrl.u32 s6, $0x1;
	s30 =	sshrl.u32 s28, $0x2  }
0xc: {  	s9 =	simm.s32 $0x2;
	s7 =	sshrl.u32 s7, $0x3;
	s8 =	sshrl.u32 s8, $0x3  }
0xd: {  	s10 =	ssub.s32 s6, s29;
	s7 =	sadd.s32 s7, s5;
	s31 =	sadd.s32 s4, s8  }
0xe: {  	s4 =	sadd.s32 s30, s2;
	s6 =	sadd.s32 $0x3200, s7;
	s7 =	smax.u32 s10, $0x1  }
0xf: {  	v0 =	vimm.f32 $0.0e+00;
	v1 =	vimm.f32 $1.000000000e+00;
	s8 =	simm.s32 $0x2B00;
	s10 =	simm.s32 $0x280;
	s5 =	sadd.s32 $0xA000, s31  }
.LBB2_1:
0x10: {  	[tilespmem:$0x2B00] =	vst v0  }
0x11: {  	[tilespmem:$0x2B10] =	vst v0  }
0x12: {  	[tilespmem:$0x2B20] =	vst v0  }
0x13: {  	[tilespmem:$0x2B30] =	vst v0  }
0x14: {  	[tilespmem:$0x2B40] =	vst v0  }
0x15: {  	[tilespmem:$0x2B50] =	vst v0  }
0x16: {  	[tilespmem:$0x2B60] =	vst v0  }
0x17: {  	[tilespmem:$0x2B70] =	vst v0  }
0x18: {  	[tilespmem:$0x2B80] =	vst v0  }
0x19: {  	[tilespmem:$0x2B90] =	vst v0  }
0x1a: {  	[tilespmem:$0x2BA0] =	vst v0  }
0x1b: {  	[tilespmem:$0x2BB0] =	vst v0  }
0x1c: {  	[tilespmem:$0x2BC0] =	vst v0  }
0x1d: {  	[tilespmem:$0x2BD0] =	vst v0  }
0x1e: {  	[tilespmem:$0x2BE0] =	vst v0  }
0x1f: {  	[tilespmem:$0x2BF0] =	vst v0  }
0x20: {  	[tilespmem:$0x2C00] =	vst v0  }
0x21: {  	[tilespmem:$0x2C10] =	vst v0  }
0x22: {  	[tilespmem:$0x2C20] =	vst v0  }
0x23: {  	[tilespmem:$0x2C30] =	vst v0  }
0x24: {  	[tilespmem:$0x2C40] =	vst v0  }
0x25: {  	[tilespmem:$0x2C50] =	vst v0  }
0x26: {  	[tilespmem:$0x2C60] =	vst v0  }
0x27: {  	[tilespmem:$0x2C70] =	vst v0  }
0x28: {  	[tilespmem:$0x2C80] =	vst v0  }
0x29: {  	[tilespmem:$0x2C90] =	vst v0  }
0x2a: {  	[tilespmem:$0x2CA0] =	vst v0  }
0x2b: {  	[tilespmem:$0x2CB0] =	vst v0  }
0x2c: {  	[tilespmem:$0x2CC0] =	vst v0  }
0x2d: {  	[tilespmem:$0x2CD0] =	vst v0  }
0x2e: {  	[tilespmem:$0x2CE0] =	vst v0  }
0x2f: {  	[tilespmem:$0x2CF0] =	vst v0  }
0x30: {  	[tilespmem:$0x2D00] =	vst v0  }
0x31: {  	[tilespmem:$0x2D10] =	vst v0  }
0x32: {  	[tilespmem:$0x2D20] =	vst v0  }
0x33: {  	[tilespmem:$0x2D30] =	vst v0  }
0x34: {  	[tilespmem:$0x2D40] =	vst v0  }
0x35: {  	[tilespmem:$0x2D50] =	vst v0  }
0x36: {  	[tilespmem:$0x2D60] =	vst v0  }
0x37: {  	[tilespmem:$0x2D70] =	vst v0  }
0x38: {  	[tilespmem:$0x2A80] =	vst v1  }
0x39: {  	[tilespmem:$0x2A90] =	vst v1  }
0x3a: {  	[tilespmem:$0x2AA0] =	vst v1  }
0x3b: {  	[tilespmem:$0x2AB0] =	vst v1  }
0x3c: {  	[tilespmem:$0x2AC0] =	vst v1  }
0x3d: {  	[tilespmem:$0x2AD0] =	vst v1  }
0x3e: {  	[tilespmem:$0x2AE0] =	vst v1  }
0x3f: {  	[tilespmem:$0x2AF0] =	vst v1  }
0x40: {  	[spmem:s4] =	stream.linear.scatter [tilespmem:s8], [sflag:$0x2], $0x280, $0x38;
	[tilespmem:$0x2D80] =	vst v63  }
0x41: {  	_ =	swait.ge [sflag:s9], $0x280  }
0x42: {  	[sflag:s9] =	ssyncset.done $0x0  }
0x43: {  	[sflag:s9] =	ssyncadd.s32 $0xFFFFFD80  }
0x44: {  	[bflag:$0x0] =	sbarrier.arrive $0xFFFF  }
0x45: {  	[tilespmem:s10], [sflag:$0x2] =	stream.linear.gather [hbm4b:s5+s3], $0x2800, $0x38;
	[tilespmem:$0x2D80] =	vst v63  }
0x46: {  	_ =	swait.ge [sflag:s9], $0x2800  }
0x47: {  	[sflag:s9] =	ssyncset.done $0x0  }
0x48: {  	s16 =	simm.s32 $0x280;
	[sflag:s9] =	ssyncadd.s32 $0xFFFFD800  }
0x49: {  	[spmem:s2] =	stream.indirect.scatter.add.f32 [tilespmem:s12], [sflag:$0x1], $0x1, s16, s11, $0xb8;
	[tilespmem:$0x2D80] =	vst v63  }
0x4a: {  	s24 =	simm.s32 $0x300  }
0x4b: {  	[spmem:s2] =	stream.indirect.scatter.add.f32 [tilespmem:s12], [sflag:$0x1], $0x1, s24, s11, $0xb8;
	[tilespmem:$0x2D80] =	vst v63  }
0x4c: {  	s25 =	simm.s32 $0x380  }
0x4d: {  	[spmem:s2] =	stream.indirect.scatter.add.f32 [tilespmem:s12], [sflag:$0x1], $0x1, s25, s11, $0xb8;
	[tilespmem:$0x2D80] =	vst v63  }
0x4e: {  	s26 =	simm.s32 $0x400  }
0x4f: {  	[spmem:s2] =	stream.indirect.scatter.add.f32 [tilespmem:s12], [sflag:$0x1], $0x1, s26, s11, $0xb8;
	[tilespmem:$0x2D80] =	vst v63  }
0x50: {  	s28 =	simm.s32 $0x480  }
0x51: {  	[spmem:s2] =	stream.indirect.scatter.add.f32 [tilespmem:s12], [sflag:$0x1], $0x1, s28, s11, $0xb8;
	[tilespmem:$0x2D80] =	vst v63  }
0x52: {  	s29 =	simm.s32 $0x500  }
0x53: {  	[spmem:s2] =	stream.indirect.scatter.add.f32 [tilespmem:s12], [sflag:$0x1], $0x1, s29, s11, $0xb8;
	[tilespmem:$0x2D80] =	vst v63  }
0x54: {  	s30 =	simm.s32 $0x580  }
0x55: {  	[spmem:s2] =	stream.indirect.scatter.add.f32 [tilespmem:s12], [sflag:$0x1], $0x1, s30, s11, $0xb8;
	[tilespmem:$0x2D80] =	vst v63  }
0x56: {  	s31 =	simm.s32 $0x600  }
0x57: {  	[spmem:s2] =	stream.indirect.scatter.add.f32 [tilespmem:s12], [sflag:$0x1], $0x1, s31, s11, $0xb8;
	[tilespmem:$0x2D80] =	vst v63  }
0x58: {  	_ =	swait.ge [sflag:s13], $0x80  }
0x59: {  	[sflag:s13] =	ssyncset.done $0x0  }
0x5a: {  	[sflag:s13] =	ssyncadd.s32 $0xFFFFFF80  }
0x5b: {  	_ =	swait.ge [sflag:s13], $0x80  }
0x5c: {  	[sflag:s13] =	ssyncset.done $0x0  }
0x5d: {  	[sflag:s13] =	ssyncadd.s32 $0xFFFFFF80  }
0x5e: {  	_ =	swait.ge [sflag:s13], $0x80  }
0x5f: {  	[sflag:s13] =	ssyncset.done $0x0  }
0x60: {  	[sflag:s13] =	ssyncadd.s32 $0xFFFFFF80  }
0x61: {  	_ =	swait.ge [sflag:s13], $0x80  }
0x62: {  	[sflag:s13] =	ssyncset.done $0x0  }
0x63: {  	[sflag:s13] =	ssyncadd.s32 $0xFFFFFF80  }
0x64: {  	_ =	swait.ge [sflag:s13], $0x80  }
0x65: {  	[sflag:s13] =	ssyncset.done $0x0  }
0x66: {  	[sflag:s13] =	ssyncadd.s32 $0xFFFFFF80  }
0x67: {  	_ =	swait.ge [sflag:s13], $0x80  }
0x68: {  	[sflag:s13] =	ssyncset.done $0x0  }
0x69: {  	[sflag:s13] =	ssyncadd.s32 $0xFFFFFF80  }
0x6a: {  	_ =	swait.ge [sflag:s13], $0x80  }
0x6b: {  	[sflag:s13] =	ssyncset.done $0x0  }
0x6c: {  	[sflag:s13] =	ssyncadd.s32 $0xFFFFFF80  }
0x6d: {  	_ =	swait.ge [sflag:s13], $0x80  }
0x6e: {  	s19 =	simm.s32 $0x2000;
	s18 =	simm.s32 $0x400;
	[sflag:s13] =	ssyncset.done $0x0  }
.LBB2_2:
0x6f: {  	s20 =	sadd.s32 $0x280, s18  }
0x70: {  	[sflag:s13] =	ssyncadd.s32 $0xFFFFFF80;
	s17 =	smov.u32 s19;
	s16 =	sadd.s32 $0x1000, s19  }
0x71: {  	[spmem:s2] =	stream.indirect.scatter.add.f32 [tilespmem:s12], [sflag:$0x1], $0x1, s20, s11, $0xb8;
	[tilespmem:$0x2D80] =	vst v63  }
0x72: {  	p0 =	sne.s32 s19, $0x9000;
	s19 =	sadd.s32 $0x300, s18  }
0x73: {  	[spmem:s2] =	stream.indirect.scatter.add.f32 [tilespmem:s12], [sflag:$0x1], $0x1, s19, s11, $0xb8;
	[tilespmem:$0x2D80] =	vst v63  }
0x74: {  	s19 =	sadd.s32 $0x380, s18  }
0x75: {  	[spmem:s2] =	stream.indirect.scatter.add.f32 [tilespmem:s12], [sflag:$0x1], $0x1, s19, s11, $0xb8;
	[tilespmem:$0x2D80] =	vst v63  }
0x76: {  	s19 =	sadd.s32 $0x400, s18  }
0x77: {  	[spmem:s2] =	stream.indirect.scatter.add.f32 [tilespmem:s12], [sflag:$0x1], $0x1, s19, s11, $0xb8;
	[tilespmem:$0x2D80] =	vst v63  }
0x78: {  	s19 =	sadd.s32 $0x480, s18  }
0x79: {  	[spmem:s2] =	stream.indirect.scatter.add.f32 [tilespmem:s12], [sflag:$0x1], $0x1, s19, s11, $0xb8;
	[tilespmem:$0x2D80] =	vst v63  }
0x7a: {  	s19 =	sadd.s32 $0x500, s18  }
0x7b: {  	[spmem:s2] =	stream.indirect.scatter.add.f32 [tilespmem:s12], [sflag:$0x1], $0x1, s19, s11, $0xb8;
	[tilespmem:$0x2D80] =	vst v63  }
0x7c: {  	s19 =	sadd.s32 $0x580, s18  }
0x7d: {  	[spmem:s2] =	stream.indirect.scatter.add.f32 [tilespmem:s12], [sflag:$0x1], $0x1, s19, s11, $0xb8;
	[tilespmem:$0x2D80] =	vst v63  }
0x7e: {  	s18 =	sadd.s32 $0x600, s18  }
0x7f: {  	[spmem:s2] =	stream.indirect.scatter.add.f32 [tilespmem:s12], [sflag:$0x1], $0x1, s18, s11, $0xb8;
	[tilespmem:$0x2D80] =	vst v63  }
0x80: {  	_ =	swait.ge [sflag:s13], $0x80  }
0x81: {  	[sflag:s13] =	ssyncset.done $0x0  }
0x82: {  	[sflag:s13] =	ssyncadd.s32 $0xFFFFFF80  }
0x83: {  	_ =	swait.ge [sflag:s13], $0x80  }
0x84: {  	[sflag:s13] =	ssyncset.done $0x0  }
0x85: {  	[sflag:s13] =	ssyncadd.s32 $0xFFFFFF80  }
0x86: {  	_ =	swait.ge [sflag:s13], $0x80  }
0x87: {  	[sflag:s13] =	ssyncset.done $0x0  }
0x88: {  	[sflag:s13] =	ssyncadd.s32 $0xFFFFFF80  }
0x89: {  	_ =	swait.ge [sflag:s13], $0x80  }
0x8a: {  	[sflag:s13] =	ssyncset.done $0x0  }
0x8b: {  	[sflag:s13] =	ssyncadd.s32 $0xFFFFFF80  }
0x8c: {  	_ =	swait.ge [sflag:s13], $0x80  }
0x8d: {  	[sflag:s13] =	ssyncset.done $0x0  }
0x8e: {  	[sflag:s13] =	ssyncadd.s32 $0xFFFFFF80  }
0x8f: {  	_ =	swait.ge [sflag:s13], $0x80  }
0x90: {  	[sflag:s13] =	ssyncset.done $0x0  }
0x91: {  	[sflag:s13] =	ssyncadd.s32 $0xFFFFFF80  }
.Ltmp0:
0x92: {  	_ =	swait.ge [sflag:s13], $0x80;
	(pc) =	sbr.rel @p0 .LBB2_2-.Ltmp0, $4  }
0x93: {  	[sflag:s13] =	ssyncset.done $0x0  }
0x94: {  	[sflag:s13] =	ssyncadd.s32 $0xFFFFFF80  }
0x95: {  	_ =	swait.ge [sflag:s13], $0x80  }
0x96: {  	s19 =	smov.u32 s16;
	s18 =	sshra.s32 s17, $0x2;
	[sflag:s13] =	ssyncset.done $0x0  }
0x97: {  	s16 =	sadd.s32 $0x280, s18;
	[sflag:s13] =	ssyncadd.s32 $0xFFFFFF80  }
0x98: {  	[spmem:s2] =	stream.indirect.scatter.add.f32 [tilespmem:s12], [sflag:$0x1], $0x1, s16, s11, $0xb8;
	[tilespmem:$0x2D80] =	vst v63  }
0x99: {  	s24 =	sadd.s32 $0x300, s18  }
0x9a: {  	[spmem:s2] =	stream.indirect.scatter.add.f32 [tilespmem:s12], [sflag:$0x1], $0x1, s24, s11, $0xb8;
	[tilespmem:$0x2D80] =	vst v63  }
0x9b: {  	s25 =	sadd.s32 $0x380, s18  }
0x9c: {  	[spmem:s2] =	stream.indirect.scatter.add.f32 [tilespmem:s12], [sflag:$0x1], $0x1, s25, s11, $0xb8;
	[tilespmem:$0x2D80] =	vst v63  }
0x9d: {  	s26 =	sadd.s32 $0x400, s18  }
0x9e: {  	[spmem:s2] =	stream.indirect.scatter.add.f32 [tilespmem:s12], [sflag:$0x1], $0x1, s26, s11, $0xb8;
	[tilespmem:$0x2D80] =	vst v63  }
0x9f: {  	s28 =	sadd.s32 $0x480, s18  }
0xa0: {  	[spmem:s2] =	stream.indirect.scatter.add.f32 [tilespmem:s12], [sflag:$0x1], $0x1, s28, s11, $0xb8;
	[tilespmem:$0x2D80] =	vst v63  }
0xa1: {  	s29 =	sadd.s32 $0x500, s18  }
0xa2: {  	[spmem:s2] =	stream.indirect.scatter.add.f32 [tilespmem:s12], [sflag:$0x1], $0x1, s29, s11, $0xb8;
	[tilespmem:$0x2D80] =	vst v63  }
0xa3: {  	s30 =	sadd.s32 $0x580, s18  }
0xa4: {  	[spmem:s2] =	stream.indirect.scatter.add.f32 [tilespmem:s12], [sflag:$0x1], $0x1, s30, s11, $0xb8;
	[tilespmem:$0x2D80] =	vst v63  }
0xa5: {  	s31 =	sadd.s32 $0x600, s18  }
0xa6: {  	[spmem:s2] =	stream.indirect.scatter.add.f32 [tilespmem:s12], [sflag:$0x1], $0x1, s31, s11, $0xb8;
	[tilespmem:$0x2D80] =	vst v63  }
0xa7: {  	_ =	swait.ge [sflag:s13], $0x80  }
0xa8: {  	[sflag:s13] =	ssyncset.done $0x0  }
0xa9: {  	[sflag:s13] =	ssyncadd.s32 $0xFFFFFF80  }
0xaa: {  	_ =	swait.ge [sflag:s13], $0x80  }
0xab: {  	[sflag:s13] =	ssyncset.done $0x0  }
0xac: {  	[sflag:s13] =	ssyncadd.s32 $0xFFFFFF80  }
0xad: {  	_ =	swait.ge [sflag:s13], $0x80  }
0xae: {  	[sflag:s13] =	ssyncset.done $0x0  }
0xaf: {  	[sflag:s13] =	ssyncadd.s32 $0xFFFFFF80  }
0xb0: {  	_ =	swait.ge [sflag:s13], $0x80  }
0xb1: {  	[sflag:s13] =	ssyncset.done $0x0  }
0xb2: {  	[sflag:s13] =	ssyncadd.s32 $0xFFFFFF80  }
0xb3: {  	_ =	swait.ge [sflag:s13], $0x80  }
0xb4: {  	[sflag:s13] =	ssyncset.done $0x0  }
0xb5: {  	[sflag:s13] =	ssyncadd.s32 $0xFFFFFF80  }
0xb6: {  	_ =	swait.ge [sflag:s13], $0x80  }
0xb7: {  	[sflag:s13] =	ssyncset.done $0x0  }
0xb8: {  	[sflag:s13] =	ssyncadd.s32 $0xFFFFFF80  }
0xb9: {  	_ =	swait.ge [sflag:s13], $0x80  }
0xba: {  	[sflag:s13] =	ssyncset.done $0x0  }
0xbb: {  	[sflag:s13] =	ssyncadd.s32 $0xFFFFFF80  }
0xbc: {  	_ =	swait.ge [sflag:s13], $0x80  }
0xbd: {  	[sflag:s13] =	ssyncset.done $0x0  }
0xbe: {  	[sflag:s13] =	ssyncadd.s32 $0xFFFFFF80  }
0xbf: {  	[bflag:$0x0] =	sbarrier.arrive $0xFFFF  }
0xc0: {  	[tilespmem:s8], [sflag:$0x2] =	stream.linear.gather [spmem:s4], $0x280, $0x38;
	[tilespmem:$0x2D80] =	vst v63  }
0xc1: {  	s15 =	sadd.s32 $0x1, s15;
	_ =	swait.ge [sflag:s9], $0x280  }
0xc2: {  	p0 =	sne.s32 s15, s7;
	[sflag:s9] =	ssyncset.done $0x0  }
.Ltmp1:
0xc3: {  	[sflag:s9] =	ssyncadd.s32 $0xFFFFFD80;
	(pc) =	sbr.rel @p0 .LBB2_1-.Ltmp1, $4  }
0xc4: {  	[hbm4b:s6+s11] =	stream.strided.scatter [tilespmem:s8], [sflag:$0x2], $0x280, s14, s11, $0x38;
	[tilespmem:$0x2D80] =	vst v63  }
0xc5: {  	_ =	swait.ge [sflag:s9], $0x280  }
0xc6: {  	[sflag:s9] =	ssyncset.done $0x0  }
0xc7: {  	[sflag:s9] =	ssyncadd.s32 $0xFFFFFD80  }
0xc8: {  	_ =	sfence.sel $0x180000  }
0xc9: {  	[bflag:$0x0] =	sbarrier.arrive $0xFFFF  }
0xca: {  	p0 =	sne.s32 s1, $0x0;
	_ =	strace $0x90000047  }
0xcb: {  	s0 =	sadd.s32 @!p0 $0x100000, s0;
	[bflag:$0x2] =	sbarrier.arrive $0xFFFF  }
0xcc: {  	[sflag:s0] =	ssyncadd.tile.s32 @!p0 $0x1;
	_ =	shalt  }
.Lfunc_end2:
_tile_overlayer_lowered:
.L_overlay_start_2:
0xcd: {  	(tag) =	ssettag $0x2  }
0xce: {  	s0 =	rddreg [dreg:$0x0];
	s2 =	stileid.u32  }
0xcf: {  	s1 =	rddreg [dreg:$0x1];
	p0 =	sne.s32 s2, $0x0  }
0xd0: {  	s3 =	rddreg [dreg:$0x2];
	[bflag:$0x3] =	sbarrier.arrive $0xFFFF;
	s2 =	simm.s32 @!p0 $0x1C02  }
0xd1: {  	[timem:s3], [sflag:s2] =	dma.local @!p0 [hbm:s0], s1  }
0xd2: {  	s0 =	simm.s32 @!p0 $0x2  }
0xd3: {  	_ =	swait.ge @!p0 [sflag:s0], s1  }
0xd4: {  	s1 =	ssub.s32 @!p0 $0x0, s1;
	[sflag:s0] =	ssyncset.done @!p0 $0x0  }
0xd5: {  	[sflag:s0] =	ssyncadd.s32 @!p0 s1  }
0xd6: {  	[bflag:$0x3] =	sbarrier.arrive $0xFFFF  }
0xd7: {  	_ =	shalt  }

// kernel: kernel.9.cloned.1.call-start
scs
__scs_entry_jumppad:
0x0: {  	(pc) =	sbr.rel $0x88, $3  }
0x1: {  	(tag) =	ssettag $0x0;
	lr =	simm.s32 $0x1  }
0x2: {  	[smem:$0x3F99] =	sst lr;
	_ =	strace $0xD0000000  }
0x3: {  	_ = 	snop  }
0x4: {  	_ = 	snop  }
0x5: {  	_ = 	snop  }
0x6: {  	_ = 	snop  }
0x7: {  	_ = 	snop  }
__scs_overlays_trampoline_lowered:
0x8: {  	[smem:$0x3FA8] =	sst s0  }
0x9: {  	[smem:$0x3FA9] =	sst s1  }
0xa: {  	[smem:$0x3FAA] =	sst s2  }
0xb: {  	[smem:$0x3FAB] =	sst s3  }
0xc: {  	[smem:$0x3FAC] =	sst s4  }
0xd: {  	[smem:$0x3FAD] =	sst s5  }
0xe: {  	[smem:$0x3FAE] =	sst s6  }
0xf: {  	[smem:$0x3FAF] =	sst s7  }
0x10: {  	[smem:$0x3FB0] =	sst s8  }
0x11: {  	[smem:$0x3FB1] =	sst s9;
	s0 =	simm.s32 @!p0 $0x0  }
0x12: {  	s1 =	sld [smem:$0x3F97];
	s0 =	simm.s32 @p0 $0x1  }
0x13: {  	[smem:$0x3FB2] =	sst s0;
	s0 =	simm.s32 @!p1 $0x0  }
0x14: {  	s2 =	sld [smem:$0x3F96];
	s0 =	simm.s32 @p1 $0x1  }
0x15: {  	[smem:$0x3FB3] =	sst s0;
	s0 =	simm.s32 @!p2 $0x0  }
0x16: {  	s3 =	sld [smem:$0x3FDB];
	s0 =	simm.s32 @p2 $0x1  }
0x17: {  	s4 =	simm.s32 $0x1BF5;
	[smem:$0x3FB5] =	sst s0  }
0x18: {  	s0 =	sld [smem:$0x3F98];
	_ =	swait.ge [sflag:s4], $0x0  }
0x19: {  	s7 =	sld [smem:$0x3F99]  }
0x1a: {  	s8 =	sadd.s32 $0xFFFFE003, lr  }
0x1b: {  	s9 =	sadd.s32 $0xFFFFFEF7, lr;
	s5 =	simm.s32 $0xFFFFFFFF;
	p2 =	slt.u32 s8, $0xFFFFF086  }
0x1c: {  	p1 =	slt.u32 s9, $0xF7A;
	s5 =	simm.s32 @!p2 $0x0  }
0x1d: {  	s5 =	simm.s32 @p1 $0x1;
	p0 =	seq.s32 s7, s2  }
0x1e: {  	s7 =	smul.u32 @!p0 $0xF7A, s2;
	p2 =	seq.s32 @!p0 s5, $0x0  }
0x1f: {  	s9 =	smul.u32 $0xF7A, s1;
	s8 =	simm.s32 @!p0 $0x1BF5;
	p2 =	por !p2, p0  }
0x20: {  	[sflag:s8] =	ssyncset.s32 @!p0 $0xFFFFF086;
	s6 =	sadd.s32 @!p0 s3, s7;
	s7 =	simm.s32 @!p0 $0x108  }
0x21: {  	s3 =	sadd.s32 s3, s9;
	s6 =	sadd.s32 @!p0 $0x88, s6;
	s7 =	simm.s32 @p2 $0x1082  }
0x22: {  	[simem:s7], [sflag:s8] =	dma.local @!p0 [hbm:s6], $0xF7A  }
0x23: {  	s9 =	sor.u32 $0xD0000000, s2;
	s6 =	simm.s32 $0x108;
	_ =	swait.ge @!p0 [sflag:s8], $0x0  }
0x24: {  	s3 =	sadd.s32 $0x88, s3;
	s6 =	simm.s32 @!p1 $0x1082;
	[sflag:s4] =	ssyncset.s32 $0xFFFFF086  }
0x25: {  	[simem:s6], [sflag:s4] =	dma.local [hbm:s3], $0xF7A  }
0x26: {  	[smem:$0x3F99] =	sst s1;
	(tag) =	ssettag s2;
	_ =	strace s9  }
0x27: {  	s1 =	sld [smem:$0x3FA9]  }
0x28: {  	s2 =	sld [smem:$0x3FAA]  }
0x29: {  	s4 =	sld [smem:$0x3FAC]  }
0x2a: {  	p0 =	seq.s32 s5, $0x0;
	s5 =	sld [smem:$0x3FAD]  }
0x2b: {  	s6 =	sld [smem:$0x3FAE]  }
0x2c: {  	s7 =	sld [smem:$0x3FAF]  }
0x2d: {  	s3 =	simm.s32 $0x108;
	s8 =	sld [smem:$0x3FB0]  }
0x2e: {  	s3 =	simm.s32 @!p0 $0x1082;
	s9 =	sld [smem:$0x3FB1]  }
0x2f: {  	lr =	sadd.s32 s0, s3;
	s0 =	sld [smem:$0x3FA8]  }
0x30: {  	s3 =	sld [smem:$0x3FAB]  }
0x31: {  	[smem:$0x3FB4] =	sst s10  }
0x32: {  	s10 =	sld [smem:$0x3FB2];
	_ =	sdelay $0x3  }
0x33: {  	p0 =	seq.s32 s10, $0x1;
	s10 =	sld [smem:$0x3FB4];
	_ =	sdelay $0x3  }
0x34: {  	[smem:$0x3FB4] =	sst s10  }
0x35: {  	s10 =	sld [smem:$0x3FB3];
	_ =	sdelay $0x3  }
0x36: {  	p1 =	seq.s32 s10, $0x1;
	s10 =	sld [smem:$0x3FB4];
	_ =	sdelay $0x3  }
0x37: {  	[smem:$0x3FB4] =	sst s10  }
0x38: {  	s10 =	sld [smem:$0x3FB5]  }
0x39: {  	_ = 	snop;
	(pc) =	sbr.ind lr, $3  }
0x3a: {  	_ = 	snop  }
0x3b: {  	_ = 	snop  }
0x3c: {  	p2 =	seq.s32 s10, $0x1;
	s10 =	sld [smem:$0x3FB4]  }
0x3d: {  	_ =	shalt  }
0x3e: {  	_ =	shalt  }
0x3f: {  	_ =	shalt  }
0x40: {  	_ =	shalt  }
0x41: {  	_ =	shalt  }
0x42: {  	_ =	shalt  }
0x43: {  	_ =	shalt  }
0x44: {  	_ =	shalt  }
0x45: {  	_ =	shalt  }
0x46: {  	_ =	shalt  }
0x47: {  	_ =	shalt  }
0x48: {  	_ =	shalt  }
0x49: {  	_ =	shalt  }
0x4a: {  	_ =	shalt  }
0x4b: {  	_ =	shalt  }
0x4c: {  	_ =	shalt  }
0x4d: {  	_ =	shalt  }
0x4e: {  	_ =	shalt  }
0x4f: {  	_ =	shalt  }
0x50: {  	_ =	shalt  }
0x51: {  	_ =	shalt  }
0x52: {  	_ =	shalt  }
0x53: {  	_ =	shalt  }
0x54: {  	_ =	shalt  }
0x55: {  	_ =	shalt  }
0x56: {  	_ =	shalt  }
0x57: {  	_ =	shalt  }
0x58: {  	_ =	shalt  }
0x59: {  	_ =	shalt  }
0x5a: {  	_ =	shalt  }
0x5b: {  	_ =	shalt  }
0x5c: {  	_ =	shalt  }
0x5d: {  	_ =	shalt  }
0x5e: {  	_ =	shalt  }
0x5f: {  	_ =	shalt  }
0x60: {  	_ =	shalt  }
0x61: {  	_ =	shalt  }
0x62: {  	_ =	shalt  }
0x63: {  	_ =	shalt  }
0x64: {  	_ =	shalt  }
0x65: {  	_ =	shalt  }
0x66: {  	_ =	shalt  }
0x67: {  	_ =	shalt  }
0x68: {  	_ =	shalt  }
0x69: {  	_ =	shalt  }
0x6a: {  	_ =	shalt  }
0x6b: {  	_ =	shalt  }
0x6c: {  	_ =	shalt  }
0x6d: {  	_ =	shalt  }
0x6e: {  	_ =	shalt  }
0x6f: {  	_ =	shalt  }
0x70: {  	_ =	shalt  }
0x71: {  	_ =	shalt  }
0x72: {  	_ =	shalt  }
0x73: {  	_ =	shalt  }
0x74: {  	_ =	shalt  }
0x75: {  	_ =	shalt  }
0x76: {  	_ =	shalt  }
0x77: {  	_ =	shalt  }
0x78: {  	_ =	shalt  }
0x79: {  	_ =	shalt  }
0x7a: {  	_ =	shalt  }
0x7b: {  	_ =	shalt  }
0x7c: {  	_ =	shalt  }
0x7d: {  	_ =	shalt  }
0x7e: {  	_ =	shalt  }
0x7f: {  	_ =	shalt  }
0x80: {  	_ =	shalt  }
0x81: {  	_ =	shalt  }
0x82: {  	_ =	shalt  }
0x83: {  	_ =	shalt  }
0x84: {  	_ =	shalt  }
0x85: {  	_ =	shalt  }
0x86: {  	_ =	shalt  }
0x87: {  	_ =	shalt  }
.Lfunc_end0:
.L_simem_size_0:
called_computation.1_lowered:
.L_overlay_start_0:
0x88: {  	s2 =	sld [smem:$0x3FD9]  }
0x89: {  	s3 =	sld [smem:$0x3FFE];
	_ =	sdelay $0x1  }
0x8a: {  	s1 =	srdreg.scid  }
0x8b: {  	s0 =	sand.u32 $0x1, s1  }
0x8c: {  	s17 =	sshll.u32 s0, $0xA;
	s2 =	sadd.s32 s3, s2  }
0x8d: {  	s2 =	sadd.s32 s2, s17  }
0x8e: {  	[smem:$0x3FC0] =	sst s2  }
0x8f: {  	_ = 	snop  }
0x90: {  	s2 =	sld [smem:$0x3FD0];
	(tm) =	ssettm $0x1  }
0x91: {  	s18 =	sld [smem:$0x3FFB];
	_ =	sdelay $0x3  }
0x92: {  	_ =	strace s18  }
0x93: {  	s3 =	sld [smem:$0x3FFC];
	_ =	sdelay $0x3  }
0x94: {  	_ =	strace s3  }
0x95: {  	s3 =	sld [smem:$0x3FFD];
	_ =	sdelay $0x3  }
0x96: {  	_ =	strace s3  }
0x97: {  	_ =	strace $0x8FFFFFFF  }
0x98: {  	s19 =	sld [smem:$0x3FDB];
	_ =	sdelay $0x1  }
0x99: {  	s4 =	simm.s32 $_scs_section_size  }
0x9a: {  	s5 =	simm.s32 $_size__tile_overlayer_lowered;
	s6 =	simm.s32 $_tile_overlayer_lowered  }
0x9b: {  	s22 =	simm.s32 $0x1BFF;
	s21 =	sshll.u32 s6, $0x1;
	s3 =	sadd.s32 s4, s19  }
0x9c: {  	s7 =	simm.s32 $0x0;
	s20 =	sshll.u32 s5, $0x1;
	s5 =	sadd.s32 s21, s3  }
0x9d: {  	[timem:s7], [sflag:s22] =	dma.local [hbm:s5], s20  }
0x9e: {  	_ =	swait.ge [sflag:s22], s20  }
0x9f: {  	s4 =	ssub.s32 $0x0, s20;
	[sflag:s22] =	ssyncset.done $0x0  }
0xa0: {  	[sflag:s22] =	ssyncadd.s32 s4;
	_ =	sdelay $0x1  }
0xa1: {  	s23 =	simm.s32 $0x1B8B  }
0xa2: {  	_ =	swait.ge [sflag:s23], $0x1  }
0xa3: {  	[sflag:s23] =	ssyncset.done $0x0  }
0xa4: {  	s25 =	simm.s32 $0x1B8E;
	s24 =	sld [smem:$0x3FFE];
	[sflag:s23] =	ssyncadd.s32 $0xFFFFFFFF  }
0xa5: {  	s26 =	simm.s32 $execute0_lowered;
	[smem:$0x3FD2] =	sst s25  }
0xa6: {  	s5 =	sshll.u32 s26, $0x1;
	_ =	strace $0x80000049;
	[dreg:$0x1] =	wrdreg $0xFFFFFFFF  }
0xa7: {  	s28 =	simm.s32 $_size_execute0_lowered;
	s3 =	sadd.s32 s3, s5;
	[dreg:$0x0] =	wrdreg $0x0  }
0xa8: {  	s5 =	sshll.u32 s28, $0x1;
	[dreg:$0x2] =	wrdreg s3  }
0xa9: {  	[dreg:$0x3] =	wrdreg s5  }
0xaa: {  	[dreg:$0x4] =	wrdreg $0xC0  }
0xab: {  	_ =	task [dreg:s7], $0x5FFFF  }
0xac: {  	[dreg:$0x1] =	wrdreg $0xFFFFFFFF  }
0xad: {  	[dreg:$0x0] =	wrdreg $0x60  }
0xae: {  	[dreg:$0x2] =	wrdreg s2  }
0xaf: {  	[dreg:$0x3] =	wrdreg s24  }
0xb0: {  	[dreg:$0x4] =	wrdreg $0x0  }
0xb1: {  	[dreg:$0x5] =	wrdreg $0x9  }
0xb2: {  	_ =	task.clear_ibuf [dreg:s7], $0x6FFFF;
	_ =	strace $0x90000049  }
0xb3: {  	s29 =	simm.s32 $0x9;
	_ =	strace $0x8000004B  }
0xb4: {  	_ =	swait.ge [sflag:s29], $0x1  }
0xb5: {  	[sflag:s29] =	ssyncadd.s32 $0xFFFFFFFF  }
0xb6: {  	_ =	strace $0x9000004B  }
0xb7: {  	_ =	sfence  }
0xb8: {  	s30 =	sld [smem:$0x0];
	_ =	sdelay $0x2  }
0xb9: {  	s31 =	sshll.u32 s1, $0xD;
	s1 =	sshrl.u32 s1, $0x2  }
0xba: {  	s3 =	sand.u32 $0x4000, s31;
	s1 =	sadd.s32 s1, s30  }
0xbb: {  	s0 =	sor.u32 s3, s0;
	s1 =	sshll.u32 s1, $0x11  }
0xbc: {  	s0 =	sor.u32 s1, s0  }
0xbd: {  	s0 =	sadd.s32 $0x8F2B, s0  }
0xbe: {  	[sflag:s0] =	ssyncadd.remote.s32 $0x1  }
0xbf: {  	_ =	sfence.sel $0xFFFF  }
0xc0: {  	[dreg:$0x0] =	wrdreg $0xFFFFFFFF;
	(pc) =	sbr.abs _section_cstart, $3  }
0xc1: {  	[dreg:$0x1] =	wrdreg $0xFFFFFFFF  }
0xc2: {  	_ =	task.clear_ibuf [dreg:s7], $0x2FFFF;
	_ =	strace $0x9FFFFFFF  }
0xc3: {  	(tm) =	ssettm $0x7FFFFFFF  }
tec
execute0_lowered:
.L_overlay_start_1:
0x0: {  	(tag) =	ssettag $0x1  }
0x1: {  	s0 =	rddreg [dreg:$0x0]  }
0x2: {  	s1 =	rddreg [dreg:$0x1]  }
0x3: {  	s3 =	srdreg.scid;
	s13 =	stileid.u32  }
0x4: {  	s2 =	rddreg [dreg:$0x2];
	s16 =	simm.s32 $0x53200;
	s28 =	simm.s32 $0x3  }
0x5: {  	s31 =	simm.s32 $0x80;
	s30 =	simm.s32 $0x14000;
	s29 =	simm.s32 $0x15880  }
0x6: {  	s5 =	sand.u32 $0x1, s3;
	s4 =	sshll.u32 s13, $0x1;
	s3 =	simm.s32 $0x0  }
0x7: {  	s26 =	smul.u32 $0x280, s13;
	s4 =	sor.u32 s5, s4;
	[smem:$0x7FF] =	sst s3  }
0x8: {  	s7 =	ssub.s32 $0x2, s5;
	p0 =	seq.s32 s5, $0x1;
	s6 =	smul.u32 $0x2800, s4  }
0x9: {  	_ =	strace $0x8000004A;
	s4 =	sadd.s32 $0x3200, s1;
	s8 =	sshrl.u32 s7, $0x1  }
0xa: {  	s5 =	sor.u32 $0x50, s26;
	s9 =	sadd.s32 $0xF0, s26;
	s10 =	sadd.s32 $0x140, s26  }
0xb: {  	s11 =	sadd.s32 $0x190, s26;
	s16 =	simm.s32 @!p0 $0x2B200;
	s7 =	ssub.s32 s7, s8  }
0xc: {  	s8 =	sadd.s32 $0x230, s26;
	s14 =	sshll.u32 s5, $0x4;
	s17 =	sshll.u32 s9, $0x4  }
0xd: {  	s18 =	sshll.u32 s10, $0x4;
	s19 =	sshll.u32 s11, $0x4;
	s1 =	sadd.s32 s16, s1  }
0xe: {  	s6 =	sshrl.u32 s6, $0x3;
	s16 =	sshll.u32 s8, $0x4;
	s14 =	sadd.s32 s1, s14  }
0xf: {  	s23 =	sadd.s32 s1, s17;
	s24 =	sadd.s32 s1, s18;
	[dreg:$0x8] =	wrdreg s14  }
0x10: {  	s25 =	sadd.s32 s1, s19;
	s18 =	sshll.u32 s9, $0x7;
	[dreg:$0xa] =	wrdreg s23  }
0x11: {  	s19 =	sshll.u32 s10, $0x7;
	s10 =	simm.s32 $0x15500;
	[dreg:$0xb] =	wrdreg s24  }
0x12: {  	s21 =	sadd.s32 s0, s6;
	s6 =	sadd.s32 $0xA0, s26;
	[dreg:$0xc] =	wrdreg s25  }
0x13: {  	s14 =	sshll.u32 s5, $0x7;
	s24 =	sshll.u32 s8, $0x7;
	s8 =	simm.s32 $0x2  }
0x14: {  	s5 =	simm.s32 $0x14180;
	s0 =	sadd.s32 $0xA000, s21;
	[dreg:$0x4] =	wrdreg s21  }
0x15: {  	s12 =	sadd.s32 $0x280, s21;
	s15 =	sshll.u32 s6, $0x4;
	[dreg:$0x5] =	wrdreg s0  }
0x16: {  	s17 =	sshll.u32 s6, $0x7;
	s6 =	simm.s32 $0x1;
	[dreg:$0x6] =	wrdreg s12  }
0x17: {  	s0 =	smul.u32 $0x50000, s13;
	s12 =	sadd.s32 $0x1E0, s26;
	s22 =	sadd.s32 s1, s15  }
0x18: {  	s13 =	smul.u32 $0x2800, s13;
	s15 =	smax.u32 s7, $0x1;
	[dreg:$0x9] =	wrdreg s22  }
0x19: {  	s20 =	sshll.u32 s12, $0x4;
	[dreg:$0x10] =	wrdreg s15;
	s22 =	sshll.u32 s11, $0x7  }
0x1a: {  	s23 =	sshll.u32 s12, $0x7;
	s11 =	simm.s32 $0x15580;
	s12 =	simm.s32 $0x14200  }
0x1b: {  	s15 =	simm.s32 $0x15680;
	s13 =	sadd.s32 s1, s13;
	s26 =	sadd.s32 s1, s20  }
0x1c: {  	s1 =	sadd.s32 s1, s16;
	s0 =	sshrl.u32 s0, $0x2;
	[dreg:$0x7] =	wrdreg s13  }
0x1d: {  	s16 =	sadd.s32 s14, s2;
	s20 =	sadd.s32 s18, s2;
	[dreg:$0xd] =	wrdreg s26  }
0x1e: {  	s25 =	sadd.s32 s23, s2;
	s23 =	simm.s32 $0x15400;
	[dreg:$0xe] =	wrdreg s1  }
0x1f: {  	s14 =	simm.s32 $0x15600;
	s18 =	simm.s32 $0x14300;
	[dreg:$0x12] =	wrdreg s16  }
0x20: {  	s13 =	sadd.s32 $0xA280, s21;
	s0 =	sadd.s32 s0, s2;
	[dreg:$0x14] =	wrdreg s20  }
0x21: {  	s21 =	sadd.s32 s19, s2;
	[dreg:$0x17] =	wrdreg s25;
	s26 =	sadd.s32 s24, s2  }
0x22: {  	s16 =	simm.s32 $0x0;
	s19 =	simm.s32 $0x14380;
	[dreg:$0xf] =	wrdreg s13  }
0x23: {  	s20 =	simm.s32 $0x15700;
	s24 =	simm.s32 $0x14480;
	[dreg:$0x11] =	wrdreg s0  }
0x24: {  	s25 =	simm.s32 $0x15800;
	s0 =	sadd.s32 s17, s2;
	[dreg:$0x15] =	wrdreg s21  }
0x25: {  	[dreg:$0x18] =	wrdreg s26;
	s26 =	simm.s32 $0x16800;
	s13 =	simm.s32 $0x14280  }
0x26: {  	s21 =	simm.s32 $0x15780;
	[dreg:$0x13] =	wrdreg s0;
	s0 =	sadd.s32 s22, s2  }
0x27: {  	v0 =	vimm.f32 $0.0e+00;
	s22 =	simm.s32 $0x14400;
	[dreg:$0x16] =	wrdreg s0;
	s0 =	simm.s32 $0x1A800  }
.LBB2_1:
0x28: {  	s1 =	sand.u32 $0xFE00, s3  }
0x29: {  	s7 =	sand.u32 $0x70, s3;
	s1 =	sshrl.u32 s1, $0x2  }
0x2a: {  	s17 =	simm.s32 $0x40;
	s7 =	sor.u32 s7, s1;
	s1 =	simm.s32 $0x0  }
.LBB2_2:
0x2b: {  	p0 =	sne.s32 s17, $0x9FC0  }
0x2c: {  	[tilespmem:s7+$0x16800] =	vst v0;
	s1 =	sadd.s32 $0x10, s1;
	s7 =	smov.u32 s17;
	s17 =	sadd.s32 $0x40, s17  }
.Ltmp0:
0x2d: {  	(pc) =	sbr.rel @p0 .LBB2_2-.Ltmp0, $4  }
0x2e: {  	_ = 	snop  }
0x2f: {  	s7 =	sand.u32 $0xFE00, s7  }
0x30: {  	s9 =	sand.u32 $0x70, s1;
	s7 =	sshrl.u32 s7, $0x2  }
0x31: {  	s7 =	sor.u32 s9, s7  }
0x32: {  	[tilespmem:s7+$0x16800] =	vst v0;
	s1 =	rddreg [dreg:$0x11]  }
0x33: {  	[spmem:s1] =	stream.linear.scatter [tilespmem:s26], [sflag:$0x3], $0x2800, $0x38;
	[tilespmem:$0x1E800] =	vst v63  }
0x34: {  	_ =	swait.ge [sflag:s28], $0x2800  }
0x35: {  	[sflag:s28] =	ssyncset.done $0x0  }
0x36: {  	s9 =	rddreg [dreg:$0x12];
	[sflag:s28] =	ssyncadd.s32 $0xFFFFD800  }
0x37: {  	[spmem:s9] =	stream.linear.scatter [tilespmem:s26], [sflag:$0x3], $0x2800, $0x38;
	[tilespmem:$0x1E800] =	vst v63  }
0x38: {  	_ =	swait.ge [sflag:s28], $0x2800  }
0x39: {  	[sflag:s28] =	ssyncset.done $0x0  }
0x3a: {  	s17 =	rddreg [dreg:$0x13];
	[sflag:s28] =	ssyncadd.s32 $0xFFFFD800  }
0x3b: {  	[spmem:s17] =	stream.linear.scatter [tilespmem:s26], [sflag:$0x3], $0x2800, $0x38;
	[tilespmem:$0x1E800] =	vst v63  }
0x3c: {  	_ =	swait.ge [sflag:s28], $0x2800  }
0x3d: {  	[sflag:s28] =	ssyncset.done $0x0  }
0x3e: {  	s7 =	rddreg [dreg:$0x14];
	[sflag:s28] =	ssyncadd.s32 $0xFFFFD800  }
0x3f: {  	[spmem:s7] =	stream.linear.scatter [tilespmem:s26], [sflag:$0x3], $0x2800, $0x38;
	[tilespmem:$0x1E800] =	vst v63  }
0x40: {  	_ =	swait.ge [sflag:s28], $0x2800  }
0x41: {  	[sflag:s28] =	ssyncset.done $0x0  }
0x42: {  	s9 =	rddreg [dreg:$0x15];
	[sflag:s28] =	ssyncadd.s32 $0xFFFFD800  }
0x43: {  	[spmem:s9] =	stream.linear.scatter [tilespmem:s26], [sflag:$0x3], $0x2800, $0x38;
	[tilespmem:$0x1E800] =	vst v63  }
0x44: {  	_ =	swait.ge [sflag:s28], $0x2800  }
0x45: {  	[sflag:s28] =	ssyncset.done $0x0  }
0x46: {  	s17 =	rddreg [dreg:$0x16];
	[sflag:s28] =	ssyncadd.s32 $0xFFFFD800  }
0x47: {  	[spmem:s17] =	stream.linear.scatter [tilespmem:s26], [sflag:$0x3], $0x2800, $0x38;
	[tilespmem:$0x1E800] =	vst v63  }
0x48: {  	_ =	swait.ge [sflag:s28], $0x2800  }
0x49: {  	[sflag:s28] =	ssyncset.done $0x0  }
0x4a: {  	s7 =	rddreg [dreg:$0x17];
	[sflag:s28] =	ssyncadd.s32 $0xFFFFD800  }
0x4b: {  	[spmem:s7] =	stream.linear.scatter [tilespmem:s26], [sflag:$0x3], $0x2800, $0x38;
	[tilespmem:$0x1E800] =	vst v63  }
0x4c: {  	_ =	swait.ge [sflag:s28], $0x2800  }
0x4d: {  	[sflag:s28] =	ssyncset.done $0x0  }
0x4e: {  	s9 =	rddreg [dreg:$0x18];
	[sflag:s28] =	ssyncadd.s32 $0xFFFFD800  }
0x4f: {  	[spmem:s9] =	stream.linear.scatter [tilespmem:s26], [sflag:$0x3], $0x2800, $0x38;
	[tilespmem:$0x1E800] =	vst v63  }
0x50: {  	_ =	swait.ge [sflag:s28], $0x2800  }
0x51: {  	[sflag:s28] =	ssyncset.done $0x0  }
0x52: {  	[sflag:s28] =	ssyncadd.s32 $0xFFFFD800  }
0x53: {  	[bflag:$0x0] =	sbarrier.arrive $0xFFFF  }
0x54: {  	s17 =	rddreg [dreg:$0x4]  }
0x55: {  	[tilespmem:s30], [sflag:$0x3] =	stream.linear.gather [hbm4b:s17+s3], $0x1400, $0x38;
	[tilespmem:$0x1E800] =	vst v63  }
0x56: {  	_ =	swait.ge [sflag:s28], $0x1400  }
0x57: {  	[sflag:s28] =	ssyncset.done $0x0  }
0x58: {  	s7 =	rddreg [dreg:$0x5];
	[sflag:s28] =	ssyncadd.s32 $0xFFFFEC00  }
0x59: {  	[tilespmem:s23], [sflag:$0x3] =	stream.linear.gather [hbm4b:s7+s3], $0x1400, $0x38;
	[tilespmem:$0x1E800] =	vst v63  }
0x5a: {  	_ =	swait.ge [sflag:s28], $0x1400  }
0x5b: {  	[sflag:s28] =	ssyncset.done $0x0  }
0x5c: {  	[sflag:s28] =	ssyncadd.s32 $0xFFFFEC00  }
0x5d: {  	[tilespmem:s26], [sflag:$0x1] =	stream.indirect.gather [hbm4b:s4+s31], $0x80, s30, s31, $0xb8;
	[tilespmem:$0x1E800] =	vst v63  }
0x5e: {  	s7 =	simm.s32 $0x14080  }
0x5f: {  	[tilespmem:s0], [sflag:$0x1] =	stream.indirect.gather [hbm4b:s4+s31], $0x80, s7, s31, $0xb8;
	[tilespmem:$0x1E800] =	vst v63  }
0x60: {  	_ =	swait.ge [sflag:s6], $0x4000  }
0x61: {  	[sflag:s6] =	ssyncset.done $0x0  }
0x62: {  	[sflag:s6] =	ssyncadd.s32 $0xFFFFC000  }
0x63: {  	[spmem:s2] =	stream.indirect.scatter.add.f32 [tilespmem:s26], [sflag:$0x2], $0x80, s23, s31, $0xb8;
	[tilespmem:$0x1E800] =	vst v63  }
0x64: {  	_ =	swait.ge [sflag:s6], $0x4000  }
0x65: {  	[sflag:s6] =	ssyncset.done $0x0  }
0x66: {  	s9 =	simm.s32 $0x15480;
	[sflag:s6] =	ssyncadd.s32 $0xFFFFC000  }
0x67: {  	[spmem:s2] =	stream.indirect.scatter.add.f32 [tilespmem:s0], [sflag:$0x2], $0x80, s9, s31, $0xb8;
	[tilespmem:$0x1E800] =	vst v63  }
0x68: {  	_ =	swait.ge [sflag:s8], $0x4000  }
0x69: {  	[sflag:s8] =	ssyncset.done $0x0  }
0x6a: {  	s17 =	simm.s32 $0x14100;
	[sflag:s8] =	ssyncadd.s32 $0xFFFFC000  }
0x6b: {  	[tilespmem:s26], [sflag:$0x1] =	stream.indirect.gather [hbm4b:s4+s31], $0x80, s17, s31, $0xb8;
	[tilespmem:$0x1E800] =	vst v63  }
0x6c: {  	_ =	swait.ge [sflag:s8], $0x4000  }
0x6d: {  	[sflag:s8] =	ssyncset.done $0x0  }
0x6e: {  	[sflag:s8] =	ssyncadd.s32 $0xFFFFC000  }
0x6f: {  	[tilespmem:s0], [sflag:$0x1] =	stream.indirect.gather [hbm4b:s4+s31], $0x80, s5, s31, $0xb8;
	[tilespmem:$0x1E800] =	vst v63  }
0x70: {  	_ =	swait.ge [sflag:s6], $0x4000  }
0x71: {  	[sflag:s6] =	ssyncset.done $0x0  }
0x72: {  	[sflag:s6] =	ssyncadd.s32 $0xFFFFC000  }
0x73: {  	[spmem:s2] =	stream.indirect.scatter.add.f32 [tilespmem:s26], [sflag:$0x2], $0x80, s10, s31, $0xb8;
	[tilespmem:$0x1E800] =	vst v63  }
0x74: {  	_ =	swait.ge [sflag:s6], $0x4000  }
0x75: {  	[sflag:s6] =	ssyncset.done $0x0  }
0x76: {  	[sflag:s6] =	ssyncadd.s32 $0xFFFFC000  }
0x77: {  	[spmem:s2] =	stream.indirect.scatter.add.f32 [tilespmem:s0], [sflag:$0x2], $0x80, s11, s31, $0xb8;
	[tilespmem:$0x1E800] =	vst v63  }
0x78: {  	_ =	swait.ge [sflag:s8], $0x4000  }
0x79: {  	[sflag:s8] =	ssyncset.done $0x0  }
0x7a: {  	[sflag:s8] =	ssyncadd.s32 $0xFFFFC000  }
0x7b: {  	[tilespmem:s26], [sflag:$0x1] =	stream.indirect.gather [hbm4b:s4+s31], $0x80, s12, s31, $0xb8;
	[tilespmem:$0x1E800] =	vst v63  }
0x7c: {  	_ =	swait.ge [sflag:s8], $0x4000  }
0x7d: {  	[sflag:s8] =	ssyncset.done $0x0  }
0x7e: {  	[sflag:s8] =	ssyncadd.s32 $0xFFFFC000  }
0x7f: {  	[tilespmem:s0], [sflag:$0x1] =	stream.indirect.gather [hbm4b:s4+s31], $0x80, s13, s31, $0xb8;
	[tilespmem:$0x1E800] =	vst v63  }
0x80: {  	_ =	swait.ge [sflag:s6], $0x4000  }
0x81: {  	[sflag:s6] =	ssyncset.done $0x0  }
0x82: {  	[sflag:s6] =	ssyncadd.s32 $0xFFFFC000  }
0x83: {  	[spmem:s2] =	stream.indirect.scatter.add.f32 [tilespmem:s26], [sflag:$0x2], $0x80, s14, s31, $0xb8;
	[tilespmem:$0x1E800] =	vst v63  }
0x84: {  	_ =	swait.ge [sflag:s6], $0x4000  }
0x85: {  	[sflag:s6] =	ssyncset.done $0x0  }
0x86: {  	[sflag:s6] =	ssyncadd.s32 $0xFFFFC000  }
0x87: {  	[spmem:s2] =	stream.indirect.scatter.add.f32 [tilespmem:s0], [sflag:$0x2], $0x80, s15, s31, $0xb8;
	[tilespmem:$0x1E800] =	vst v63  }
0x88: {  	_ =	swait.ge [sflag:s8], $0x4000  }
0x89: {  	[sflag:s8] =	ssyncset.done $0x0  }
0x8a: {  	[sflag:s8] =	ssyncadd.s32 $0xFFFFC000  }
0x8b: {  	[tilespmem:s26], [sflag:$0x1] =	stream.indirect.gather [hbm4b:s4+s31], $0x80, s18, s31, $0xb8;
	[tilespmem:$0x1E800] =	vst v63  }
0x8c: {  	_ =	swait.ge [sflag:s8], $0x4000  }
0x8d: {  	[sflag:s8] =	ssyncset.done $0x0  }
0x8e: {  	[sflag:s8] =	ssyncadd.s32 $0xFFFFC000  }
0x8f: {  	[tilespmem:s0], [sflag:$0x1] =	stream.indirect.gather [hbm4b:s4+s31], $0x80, s19, s31, $0xb8;
	[tilespmem:$0x1E800] =	vst v63  }
0x90: {  	_ =	swait.ge [sflag:s6], $0x4000  }
0x91: {  	[sflag:s6] =	ssyncset.done $0x0  }
0x92: {  	[sflag:s6] =	ssyncadd.s32 $0xFFFFC000  }
0x93: {  	[spmem:s2] =	stream.indirect.scatter.add.f32 [tilespmem:s26], [sflag:$0x2], $0x80, s20, s31, $0xb8;
	[tilespmem:$0x1E800] =	vst v63  }
0x94: {  	_ =	swait.ge [sflag:s6], $0x4000  }
0x95: {  	[sflag:s6] =	ssyncset.done $0x0  }
0x96: {  	[sflag:s6] =	ssyncadd.s32 $0xFFFFC000  }
0x97: {  	[spmem:s2] =	stream.indirect.scatter.add.f32 [tilespmem:s0], [sflag:$0x2], $0x80, s21, s31, $0xb8;
	[tilespmem:$0x1E800] =	vst v63  }
0x98: {  	_ =	swait.ge [sflag:s8], $0x4000  }
0x99: {  	[sflag:s8] =	ssyncset.done $0x0  }
0x9a: {  	[sflag:s8] =	ssyncadd.s32 $0xFFFFC000  }
0x9b: {  	[tilespmem:s26], [sflag:$0x1] =	stream.indirect.gather [hbm4b:s4+s31], $0x80, s22, s31, $0xb8;
	[tilespmem:$0x1E800] =	vst v63  }
0x9c: {  	_ =	swait.ge [sflag:s8], $0x4000  }
0x9d: {  	[sflag:s8] =	ssyncset.done $0x0  }
0x9e: {  	[sflag:s8] =	ssyncadd.s32 $0xFFFFC000  }
0x9f: {  	[tilespmem:s0], [sflag:$0x1] =	stream.indirect.gather [hbm4b:s4+s31], $0x80, s24, s31, $0xb8;
	[tilespmem:$0x1E800] =	vst v63  }
0xa0: {  	_ =	swait.ge [sflag:s6], $0x4000  }
0xa1: {  	[sflag:s6] =	ssyncset.done $0x0  }
0xa2: {  	[sflag:s6] =	ssyncadd.s32 $0xFFFFC000  }
0xa3: {  	[spmem:s2] =	stream.indirect.scatter.add.f32 [tilespmem:s26], [sflag:$0x2], $0x80, s25, s31, $0xb8;
	[tilespmem:$0x1E800] =	vst v63  }
0xa4: {  	_ =	swait.ge [sflag:s6], $0x4000  }
0xa5: {  	[sflag:s6] =	ssyncset.done $0x0  }
0xa6: {  	[sflag:s6] =	ssyncadd.s32 $0xFFFFC000  }
0xa7: {  	[spmem:s2] =	stream.indirect.scatter.add.f32 [tilespmem:s0], [sflag:$0x2], $0x80, s29, s31, $0xb8;
	[tilespmem:$0x1E800] =	vst v63  }
0xa8: {  	_ =	swait.ge [sflag:s8], $0x4000  }
0xa9: {  	[sflag:s8] =	ssyncset.done $0x0  }
0xaa: {  	s1 =	simm.s32 $0x14500;
	[sflag:s8] =	ssyncadd.s32 $0xFFFFC000  }
0xab: {  	[tilespmem:s26], [sflag:$0x1] =	stream.indirect.gather [hbm4b:s4+s31], $0x80, s1, s31, $0xb8;
	[tilespmem:$0x1E800] =	vst v63  }
0xac: {  	_ =	swait.ge [sflag:s8], $0x4000  }
0xad: {  	[sflag:s8] =	ssyncset.done $0x0  }
0xae: {  	s1 =	simm.s32 $0x14580;
	[sflag:s8] =	ssyncadd.s32 $0xFFFFC000  }
0xaf: {  	[tilespmem:s0], [sflag:$0x1] =	stream.indirect.gather [hbm4b:s4+s31], $0x80, s1, s31, $0xb8;
	[tilespmem:$0x1E800] =	vst v63  }
0xb0: {  	_ =	swait.ge [sflag:s6], $0x4000  }
0xb1: {  	[sflag:s6] =	ssyncset.done $0x0  }
0xb2: {  	s1 =	simm.s32 $0x15900;
	[sflag:s6] =	ssyncadd.s32 $0xFFFFC000  }
0xb3: {  	[spmem:s2] =	stream.indirect.scatter.add.f32 [tilespmem:s26], [sflag:$0x2], $0x80, s1, s31, $0xb8;
	[tilespmem:$0x1E800] =	vst v63  }
0xb4: {  	_ =	swait.ge [sflag:s6], $0x4000  }
0xb5: {  	[sflag:s6] =	ssyncset.done $0x0  }
0xb6: {  	s1 =	simm.s32 $0x15980;
	[sflag:s6] =	ssyncadd.s32 $0xFFFFC000  }
0xb7: {  	[spmem:s2] =	stream.indirect.scatter.add.f32 [tilespmem:s0], [sflag:$0x2], $0x80, s1, s31, $0xb8;
	[tilespmem:$0x1E800] =	vst v63  }
0xb8: {  	_ =	swait.ge [sflag:s8], $0x4000  }
0xb9: {  	[sflag:s8] =	ssyncset.done $0x0  }
0xba: {  	s1 =	simm.s32 $0x14600;
	[sflag:s8] =	ssyncadd.s32 $0xFFFFC000  }
0xbb: {  	[tilespmem:s26], [sflag:$0x1] =	stream.indirect.gather [hbm4b:s4+s31], $0x80, s1, s31, $0xb8;
	[tilespmem:$0x1E800] =	vst v63  }
0xbc: {  	_ =	swait.ge [sflag:s8], $0x4000  }
0xbd: {  	[sflag:s8] =	ssyncset.done $0x0  }
0xbe: {  	s1 =	simm.s32 $0x14680;
	[sflag:s8] =	ssyncadd.s32 $0xFFFFC000  }
0xbf: {  	[tilespmem:s0], [sflag:$0x1] =	stream.indirect.gather [hbm4b:s4+s31], $0x80, s1, s31, $0xb8;
	[tilespmem:$0x1E800] =	vst v63  }
0xc0: {  	_ =	swait.ge [sflag:s6], $0x4000  }
0xc1: {  	[sflag:s6] =	ssyncset.done $0x0  }
0xc2: {  	s1 =	simm.s32 $0x15A00;
	[sflag:s6] =	ssyncadd.s32 $0xFFFFC000  }
0xc3: {  	[spmem:s2] =	stream.indirect.scatter.add.f32 [tilespmem:s26], [sflag:$0x2], $0x80, s1, s31, $0xb8;
	[tilespmem:$0x1E800] =	vst v63  }
0xc4: {  	_ =	swait.ge [sflag:s6], $0x4000  }
0xc5: {  	[sflag:s6] =	ssyncset.done $0x0  }
0xc6: {  	s1 =	simm.s32 $0x15A80;
	[sflag:s6] =	ssyncadd.s32 $0xFFFFC000  }
0xc7: {  	[spmem:s2] =	stream.indirect.scatter.add.f32 [tilespmem:s0], [sflag:$0x2], $0x80, s1, s31, $0xb8;
	[tilespmem:$0x1E800] =	vst v63  }
0xc8: {  	_ =	swait.ge [sflag:s8], $0x4000  }
0xc9: {  	[sflag:s8] =	ssyncset.done $0x0  }
0xca: {  	s1 =	simm.s32 $0x14700;
	[sflag:s8] =	ssyncadd.s32 $0xFFFFC000  }
0xcb: {  	[tilespmem:s26], [sflag:$0x1] =	stream.indirect.gather [hbm4b:s4+s31], $0x80, s1, s31, $0xb8;
	[tilespmem:$0x1E800] =	vst v63  }
0xcc: {  	_ =	swait.ge [sflag:s8], $0x4000  }
0xcd: {  	[sflag:s8] =	ssyncset.done $0x0  }
0xce: {  	s1 =	simm.s32 $0x14780;
	[sflag:s8] =	ssyncadd.s32 $0xFFFFC000  }
0xcf: {  	[tilespmem:s0], [sflag:$0x1] =	stream.indirect.gather [hbm4b:s4+s31], $0x80, s1, s31, $0xb8;
	[tilespmem:$0x1E800] =	vst v63  }
0xd0: {  	_ =	swait.ge [sflag:s6], $0x4000  }
0xd1: {  	[sflag:s6] =	ssyncset.done $0x0  }
0xd2: {  	s1 =	simm.s32 $0x15B00;
	[sflag:s6] =	ssyncadd.s32 $0xFFFFC000  }
0xd3: {  	[spmem:s2] =	stream.indirect.scatter.add.f32 [tilespmem:s26], [sflag:$0x2], $0x80, s1, s31, $0xb8;
	[tilespmem:$0x1E800] =	vst v63  }
0xd4: {  	_ =	swait.ge [sflag:s6], $0x4000  }
0xd5: {  	[sflag:s6] =	ssyncset.done $0x0  }
0xd6: {  	s1 =	simm.s32 $0x15B80;
	[sflag:s6] =	ssyncadd.s32 $0xFFFFC000  }
0xd7: {  	[spmem:s2] =	stream.indirect.scatter.add.f32 [tilespmem:s0], [sflag:$0x2], $0x80, s1, s31, $0xb8;
	[tilespmem:$0x1E800] =	vst v63  }
0xd8: {  	_ =	swait.ge [sflag:s8], $0x4000  }
0xd9: {  	[sflag:s8] =	ssyncset.done $0x0  }
0xda: {  	s1 =	simm.s32 $0x14800;
	[sflag:s8] =	ssyncadd.s32 $0xFFFFC000  }
0xdb: {  	[tilespmem:s26], [sflag:$0x1] =	stream.indirect.gather [hbm4b:s4+s31], $0x80, s1, s31, $0xb8;
	[tilespmem:$0x1E800] =	vst v63  }
0xdc: {  	_ =	swait.ge [sflag:s8], $0x4000  }
0xdd: {  	[sflag:s8] =	ssyncset.done $0x0  }
0xde: {  	s1 =	simm.s32 $0x14880;
	[sflag:s8] =	ssyncadd.s32 $0xFFFFC000  }
0xdf: {  	[tilespmem:s0], [sflag:$0x1] =	stream.indirect.gather [hbm4b:s4+s31], $0x80, s1, s31, $0xb8;
	[tilespmem:$0x1E800] =	vst v63  }
0xe0: {  	_ =	swait.ge [sflag:s6], $0x4000  }
0xe1: {  	[sflag:s6] =	ssyncset.done $0x0  }
0xe2: {  	s1 =	simm.s32 $0x15C00;
	[sflag:s6] =	ssyncadd.s32 $0xFFFFC000  }
0xe3: {  	[spmem:s2] =	stream.indirect.scatter.add.f32 [tilespmem:s26], [sflag:$0x2], $0x80, s1, s31, $0xb8;
	[tilespmem:$0x1E800] =	vst v63  }
0xe4: {  	_ =	swait.ge [sflag:s6], $0x4000  }
0xe5: {  	[sflag:s6] =	ssyncset.done $0x0  }
0xe6: {  	s1 =	simm.s32 $0x15C80;
	[sflag:s6] =	ssyncadd.s32 $0xFFFFC000  }
0xe7: {  	[spmem:s2] =	stream.indirect.scatter.add.f32 [tilespmem:s0], [sflag:$0x2], $0x80, s1, s31, $0xb8;
	[tilespmem:$0x1E800] =	vst v63  }
0xe8: {  	_ =	swait.ge [sflag:s8], $0x4000  }
0xe9: {  	[sflag:s8] =	ssyncset.done $0x0  }
0xea: {  	s1 =	simm.s32 $0x14900;
	[sflag:s8] =	ssyncadd.s32 $0xFFFFC000  }
0xeb: {  	[tilespmem:s26], [sflag:$0x1] =	stream.indirect.gather [hbm4b:s4+s31], $0x80, s1, s31, $0xb8;
	[tilespmem:$0x1E800] =	vst v63  }
0xec: {  	_ =	swait.ge [sflag:s8], $0x4000  }
0xed: {  	[sflag:s8] =	ssyncset.done $0x0  }
0xee: {  	s1 =	simm.s32 $0x14980;
	[sflag:s8] =	ssyncadd.s32 $0xFFFFC000  }
0xef: {  	[tilespmem:s0], [sflag:$0x1] =	stream.indirect.gather [hbm4b:s4+s31], $0x80, s1, s31, $0xb8;
	[tilespmem:$0x1E800] =	vst v63  }
0xf0: {  	_ =	swait.ge [sflag:s6], $0x4000  }
0xf1: {  	[sflag:s6] =	ssyncset.done $0x0  }
0xf2: {  	s1 =	simm.s32 $0x15D00;
	[sflag:s6] =	ssyncadd.s32 $0xFFFFC000  }
0xf3: {  	[spmem:s2] =	stream.indirect.scatter.add.f32 [tilespmem:s26], [sflag:$0x2], $0x80, s1, s31, $0xb8;
	[tilespmem:$0x1E800] =	vst v63  }
0xf4: {  	_ =	swait.ge [sflag:s6], $0x4000  }
0xf5: {  	[sflag:s6] =	ssyncset.done $0x0  }
0xf6: {  	s1 =	simm.s32 $0x15D80;
	[sflag:s6] =	ssyncadd.s32 $0xFFFFC000  }
0xf7: {  	[spmem:s2] =	stream.indirect.scatter.add.f32 [tilespmem:s0], [sflag:$0x2], $0x80, s1, s31, $0xb8;
	[tilespmem:$0x1E800] =	vst v63  }
0xf8: {  	_ =	swait.ge [sflag:s8], $0x4000  }
0xf9: {  	[sflag:s8] =	ssyncset.done $0x0  }
0xfa: {  	s1 =	simm.s32 $0x14A00;
	[sflag:s8] =	ssyncadd.s32 $0xFFFFC000  }
0xfb: {  	[tilespmem:s26], [sflag:$0x1] =	stream.indirect.gather [hbm4b:s4+s31], $0x80, s1, s31, $0xb8;
	[tilespmem:$0x1E800] =	vst v63  }
0xfc: {  	_ =	swait.ge [sflag:s8], $0x4000  }
0xfd: {  	[sflag:s8] =	ssyncset.done $0x0  }
0xfe: {  	s1 =	simm.s32 $0x14A80;
	[sflag:s8] =	ssyncadd.s32 $0xFFFFC000  }
0xff: {  	[tilespmem:s0], [sflag:$0x1] =	stream.indirect.gather [hbm4b:s4+s31], $0x80, s1, s31, $0xb8;
	[tilespmem:$0x1E800] =	vst v63  }
0x100: {  	_ =	swait.ge [sflag:s6], $0x4000  }
0x101: {  	[sflag:s6] =	ssyncset.done $0x0  }
0x102: {  	s1 =	simm.s32 $0x15E00;
	[sflag:s6] =	ssyncadd.s32 $0xFFFFC000  }
0x103: {  	[spmem:s2] =	stream.indirect.scatter.add.f32 [tilespmem:s26], [sflag:$0x2], $0x80, s1, s31, $0xb8;
	[tilespmem:$0x1E800] =	vst v63  }
0x104: {  	_ =	swait.ge [sflag:s6], $0x4000  }
0x105: {  	[sflag:s6] =	ssyncset.done $0x0  }
0x106: {  	s1 =	simm.s32 $0x15E80;
	[sflag:s6] =	ssyncadd.s32 $0xFFFFC000  }
0x107: {  	[spmem:s2] =	stream.indirect.scatter.add.f32 [tilespmem:s0], [sflag:$0x2], $0x80, s1, s31, $0xb8;
	[tilespmem:$0x1E800] =	vst v63  }
0x108: {  	_ =	swait.ge [sflag:s8], $0x4000  }
0x109: {  	[sflag:s8] =	ssyncset.done $0x0  }
0x10a: {  	s1 =	simm.s32 $0x14B00;
	[sflag:s8] =	ssyncadd.s32 $0xFFFFC000  }
0x10b: {  	[tilespmem:s26], [sflag:$0x1] =	stream.indirect.gather [hbm4b:s4+s31], $0x80, s1, s31, $0xb8;
	[tilespmem:$0x1E800] =	vst v63  }
0x10c: {  	_ =	swait.ge [sflag:s8], $0x4000  }
0x10d: {  	[sflag:s8] =	ssyncset.done $0x0  }
0x10e: {  	s1 =	simm.s32 $0x14B80;
	[sflag:s8] =	ssyncadd.s32 $0xFFFFC000  }
0x10f: {  	[tilespmem:s0], [sflag:$0x1] =	stream.indirect.gather [hbm4b:s4+s31], $0x80, s1, s31, $0xb8;
	[tilespmem:$0x1E800] =	vst v63  }
0x110: {  	_ =	swait.ge [sflag:s6], $0x4000  }
0x111: {  	[sflag:s6] =	ssyncset.done $0x0  }
0x112: {  	s1 =	simm.s32 $0x15F00;
	[sflag:s6] =	ssyncadd.s32 $0xFFFFC000  }
0x113: {  	[spmem:s2] =	stream.indirect.scatter.add.f32 [tilespmem:s26], [sflag:$0x2], $0x80, s1, s31, $0xb8;
	[tilespmem:$0x1E800] =	vst v63  }
0x114: {  	_ =	swait.ge [sflag:s6], $0x4000  }
0x115: {  	[sflag:s6] =	ssyncset.done $0x0  }
0x116: {  	s1 =	simm.s32 $0x15F80;
	[sflag:s6] =	ssyncadd.s32 $0xFFFFC000  }
0x117: {  	[spmem:s2] =	stream.indirect.scatter.add.f32 [tilespmem:s0], [sflag:$0x2], $0x80, s1, s31, $0xb8;
	[tilespmem:$0x1E800] =	vst v63  }
0x118: {  	_ =	swait.ge [sflag:s8], $0x4000  }
0x119: {  	[sflag:s8] =	ssyncset.done $0x0  }
0x11a: {  	s1 =	simm.s32 $0x14C00;
	[sflag:s8] =	ssyncadd.s32 $0xFFFFC000  }
0x11b: {  	[tilespmem:s26], [sflag:$0x1] =	stream.indirect.gather [hbm4b:s4+s31], $0x80, s1, s31, $0xb8;
	[tilespmem:$0x1E800] =	vst v63  }
0x11c: {  	_ =	swait.ge [sflag:s8], $0x4000  }
0x11d: {  	[sflag:s8] =	ssyncset.done $0x0  }
0x11e: {  	s1 =	simm.s32 $0x14C80;
	[sflag:s8] =	ssyncadd.s32 $0xFFFFC000  }
0x11f: {  	[tilespmem:s0], [sflag:$0x1] =	stream.indirect.gather [hbm4b:s4+s31], $0x80, s1, s31, $0xb8;
	[tilespmem:$0x1E800] =	vst v63  }
0x120: {  	_ =	swait.ge [sflag:s6], $0x4000  }
0x121: {  	[sflag:s6] =	ssyncset.done $0x0  }
0x122: {  	s1 =	simm.s32 $0x16000;
	[sflag:s6] =	ssyncadd.s32 $0xFFFFC000  }
0x123: {  	[spmem:s2] =	stream.indirect.scatter.add.f32 [tilespmem:s26], [sflag:$0x2], $0x80, s1, s31, $0xb8;
	[tilespmem:$0x1E800] =	vst v63  }
0x124: {  	_ =	swait.ge [sflag:s6], $0x4000  }
0x125: {  	[sflag:s6] =	ssyncset.done $0x0  }
0x126: {  	s1 =	simm.s32 $0x16080;
	[sflag:s6] =	ssyncadd.s32 $0xFFFFC000  }
0x127: {  	[spmem:s2] =	stream.indirect.scatter.add.f32 [tilespmem:s0], [sflag:$0x2], $0x80, s1, s31, $0xb8;
	[tilespmem:$0x1E800] =	vst v63  }
0x128: {  	_ =	swait.ge [sflag:s8], $0x4000  }
0x129: {  	[sflag:s8] =	ssyncset.done $0x0  }
0x12a: {  	s1 =	simm.s32 $0x14D00;
	[sflag:s8] =	ssyncadd.s32 $0xFFFFC000  }
0x12b: {  	[tilespmem:s26], [sflag:$0x1] =	stream.indirect.gather [hbm4b:s4+s31], $0x80, s1, s31, $0xb8;
	[tilespmem:$0x1E800] =	vst v63  }
0x12c: {  	_ =	swait.ge [sflag:s8], $0x4000  }
0x12d: {  	[sflag:s8] =	ssyncset.done $0x0  }
0x12e: {  	s1 =	simm.s32 $0x14D80;
	[sflag:s8] =	ssyncadd.s32 $0xFFFFC000  }
0x12f: {  	[tilespmem:s0], [sflag:$0x1] =	stream.indirect.gather [hbm4b:s4+s31], $0x80, s1, s31, $0xb8;
	[tilespmem:$0x1E800] =	vst v63  }
0x130: {  	_ =	swait.ge [sflag:s6], $0x4000  }
0x131: {  	[sflag:s6] =	ssyncset.done $0x0  }
0x132: {  	s1 =	simm.s32 $0x16100;
	[sflag:s6] =	ssyncadd.s32 $0xFFFFC000  }
0x133: {  	[spmem:s2] =	stream.indirect.scatter.add.f32 [tilespmem:s26], [sflag:$0x2], $0x80, s1, s31, $0xb8;
	[tilespmem:$0x1E800] =	vst v63  }
0x134: {  	_ =	swait.ge [sflag:s6], $0x4000  }
0x135: {  	[sflag:s6] =	ssyncset.done $0x0  }
0x136: {  	s1 =	simm.s32 $0x16180;
	[sflag:s6] =	ssyncadd.s32 $0xFFFFC000  }
0x137: {  	[spmem:s2] =	stream.indirect.scatter.add.f32 [tilespmem:s0], [sflag:$0x2], $0x80, s1, s31, $0xb8;
	[tilespmem:$0x1E800] =	vst v63  }
0x138: {  	_ =	swait.ge [sflag:s8], $0x4000  }
0x139: {  	[sflag:s8] =	ssyncset.done $0x0  }
0x13a: {  	s1 =	simm.s32 $0x14E00;
	[sflag:s8] =	ssyncadd.s32 $0xFFFFC000  }
0x13b: {  	[tilespmem:s26], [sflag:$0x1] =	stream.indirect.gather [hbm4b:s4+s31], $0x80, s1, s31, $0xb8;
	[tilespmem:$0x1E800] =	vst v63  }
0x13c: {  	_ =	swait.ge [sflag:s8], $0x4000  }
0x13d: {  	[sflag:s8] =	ssyncset.done $0x0  }
0x13e: {  	s1 =	simm.s32 $0x14E80;
	[sflag:s8] =	ssyncadd.s32 $0xFFFFC000  }
0x13f: {  	[tilespmem:s0], [sflag:$0x1] =	stream.indirect.gather [hbm4b:s4+s31], $0x80, s1, s31, $0xb8;
	[tilespmem:$0x1E800] =	vst v63  }
0x140: {  	_ =	swait.ge [sflag:s6], $0x4000  }
0x141: {  	[sflag:s6] =	ssyncset.done $0x0  }
0x142: {  	s1 =	simm.s32 $0x16200;
	[sflag:s6] =	ssyncadd.s32 $0xFFFFC000  }
0x143: {  	[spmem:s2] =	stream.indirect.scatter.add.f32 [tilespmem:s26], [sflag:$0x2], $0x80, s1, s31, $0xb8;
	[tilespmem:$0x1E800] =	vst v63  }
0x144: {  	_ =	swait.ge [sflag:s6], $0x4000  }
0x145: {  	[sflag:s6] =	ssyncset.done $0x0  }
0x146: {  	s1 =	simm.s32 $0x16280;
	[sflag:s6] =	ssyncadd.s32 $0xFFFFC000  }
0x147: {  	[spmem:s2] =	stream.indirect.scatter.add.f32 [tilespmem:s0], [sflag:$0x2], $0x80, s1, s31, $0xb8;
	[tilespmem:$0x1E800] =	vst v63  }
0x148: {  	_ =	swait.ge [sflag:s8], $0x4000  }
0x149: {  	[sflag:s8] =	ssyncset.done $0x0  }
0x14a: {  	s1 =	simm.s32 $0x14F00;
	[sflag:s8] =	ssyncadd.s32 $0xFFFFC000  }
0x14b: {  	[tilespmem:s26], [sflag:$0x1] =	stream.indirect.gather [hbm4b:s4+s31], $0x80, s1, s31, $0xb8;
	[tilespmem:$0x1E800] =	vst v63  }
0x14c: {  	_ =	swait.ge [sflag:s8], $0x4000  }
0x14d: {  	[sflag:s8] =	ssyncset.done $0x0  }
0x14e: {  	s1 =	simm.s32 $0x14F80;
	[sflag:s8] =	ssyncadd.s32 $0xFFFFC000  }
0x14f: {  	[tilespmem:s0], [sflag:$0x1] =	stream.indirect.gather [hbm4b:s4+s31], $0x80, s1, s31, $0xb8;
	[tilespmem:$0x1E800] =	vst v63  }
0x150: {  	_ =	swait.ge [sflag:s6], $0x4000  }
0x151: {  	[sflag:s6] =	ssyncset.done $0x0  }
0x152: {  	s1 =	simm.s32 $0x16300;
	[sflag:s6] =	ssyncadd.s32 $0xFFFFC000  }
0x153: {  	[spmem:s2] =	stream.indirect.scatter.add.f32 [tilespmem:s26], [sflag:$0x2], $0x80, s1, s31, $0xb8;
	[tilespmem:$0x1E800] =	vst v63  }
0x154: {  	_ =	swait.ge [sflag:s6], $0x4000  }
0x155: {  	[sflag:s6] =	ssyncset.done $0x0  }
0x156: {  	s1 =	simm.s32 $0x16380;
	[sflag:s6] =	ssyncadd.s32 $0xFFFFC000  }
0x157: {  	[spmem:s2] =	stream.indirect.scatter.add.f32 [tilespmem:s0], [sflag:$0x2], $0x80, s1, s31, $0xb8;
	[tilespmem:$0x1E800] =	vst v63  }
0x158: {  	_ =	swait.ge [sflag:s8], $0x4000  }
0x159: {  	[sflag:s8] =	ssyncset.done $0x0  }
0x15a: {  	s1 =	simm.s32 $0x15000;
	[sflag:s8] =	ssyncadd.s32 $0xFFFFC000  }
0x15b: {  	[tilespmem:s26], [sflag:$0x1] =	stream.indirect.gather [hbm4b:s4+s31], $0x80, s1, s31, $0xb8;
	[tilespmem:$0x1E800] =	vst v63  }
0x15c: {  	_ =	swait.ge [sflag:s8], $0x4000  }
0x15d: {  	[sflag:s8] =	ssyncset.done $0x0  }
0x15e: {  	s1 =	simm.s32 $0x15080;
	[sflag:s8] =	ssyncadd.s32 $0xFFFFC000  }
0x15f: {  	[tilespmem:s0], [sflag:$0x1] =	stream.indirect.gather [hbm4b:s4+s31], $0x80, s1, s31, $0xb8;
	[tilespmem:$0x1E800] =	vst v63  }
0x160: {  	_ =	swait.ge [sflag:s6], $0x4000  }
0x161: {  	[sflag:s6] =	ssyncset.done $0x0  }
0x162: {  	s1 =	simm.s32 $0x16400;
	[sflag:s6] =	ssyncadd.s32 $0xFFFFC000  }
0x163: {  	[spmem:s2] =	stream.indirect.scatter.add.f32 [tilespmem:s26], [sflag:$0x2], $0x80, s1, s31, $0xb8;
	[tilespmem:$0x1E800] =	vst v63  }
0x164: {  	_ =	swait.ge [sflag:s6], $0x4000  }
0x165: {  	[sflag:s6] =	ssyncset.done $0x0  }
0x166: {  	s1 =	simm.s32 $0x16480;
	[sflag:s6] =	ssyncadd.s32 $0xFFFFC000  }
0x167: {  	[spmem:s2] =	stream.indirect.scatter.add.f32 [tilespmem:s0], [sflag:$0x2], $0x80, s1, s31, $0xb8;
	[tilespmem:$0x1E800] =	vst v63  }
0x168: {  	_ =	swait.ge [sflag:s8], $0x4000  }
0x169: {  	[sflag:s8] =	ssyncset.done $0x0  }
0x16a: {  	s1 =	simm.s32 $0x15100;
	[sflag:s8] =	ssyncadd.s32 $0xFFFFC000  }
0x16b: {  	[tilespmem:s26], [sflag:$0x1] =	stream.indirect.gather [hbm4b:s4+s31], $0x80, s1, s31, $0xb8;
	[tilespmem:$0x1E800] =	vst v63  }
0x16c: {  	_ =	swait.ge [sflag:s8], $0x4000  }
0x16d: {  	[sflag:s8] =	ssyncset.done $0x0  }
0x16e: {  	s1 =	simm.s32 $0x15180;
	[sflag:s8] =	ssyncadd.s32 $0xFFFFC000  }
0x16f: {  	[tilespmem:s0], [sflag:$0x1] =	stream.indirect.gather [hbm4b:s4+s31], $0x80, s1, s31, $0xb8;
	[tilespmem:$0x1E800] =	vst v63  }
0x170: {  	_ =	swait.ge [sflag:s6], $0x4000  }
0x171: {  	[sflag:s6] =	ssyncset.done $0x0  }
0x172: {  	s1 =	simm.s32 $0x16500;
	[sflag:s6] =	ssyncadd.s32 $0xFFFFC000  }
0x173: {  	[spmem:s2] =	stream.indirect.scatter.add.f32 [tilespmem:s26], [sflag:$0x2], $0x80, s1, s31, $0xb8;
	[tilespmem:$0x1E800] =	vst v63  }
0x174: {  	_ =	swait.ge [sflag:s6], $0x4000  }
0x175: {  	[sflag:s6] =	ssyncset.done $0x0  }
0x176: {  	s1 =	simm.s32 $0x16580;
	[sflag:s6] =	ssyncadd.s32 $0xFFFFC000  }
0x177: {  	[spmem:s2] =	stream.indirect.scatter.add.f32 [tilespmem:s0], [sflag:$0x2], $0x80, s1, s31, $0xb8;
	[tilespmem:$0x1E800] =	vst v63  }
0x178: {  	_ =	swait.ge [sflag:s8], $0x4000  }
0x179: {  	[sflag:s8] =	ssyncset.done $0x0  }
0x17a: {  	s1 =	simm.s32 $0x15200;
	[sflag:s8] =	ssyncadd.s32 $0xFFFFC000  }
0x17b: {  	[tilespmem:s26], [sflag:$0x1] =	stream.indirect.gather [hbm4b:s4+s31], $0x80, s1, s31, $0xb8;
	[tilespmem:$0x1E800] =	vst v63  }
0x17c: {  	_ =	swait.ge [sflag:s8], $0x4000  }
0x17d: {  	[sflag:s8] =	ssyncset.done $0x0  }
0x17e: {  	s1 =	simm.s32 $0x15280;
	[sflag:s8] =	ssyncadd.s32 $0xFFFFC000  }
0x17f: {  	[tilespmem:s0], [sflag:$0x1] =	stream.indirect.gather [hbm4b:s4+s31], $0x80, s1, s31, $0xb8;
	[tilespmem:$0x1E800] =	vst v63  }
0x180: {  	_ =	swait.ge [sflag:s6], $0x4000  }
0x181: {  	[sflag:s6] =	ssyncset.done $0x0  }
0x182: {  	s1 =	simm.s32 $0x16600;
	[sflag:s6] =	ssyncadd.s32 $0xFFFFC000  }
0x183: {  	[spmem:s2] =	stream.indirect.scatter.add.f32 [tilespmem:s26], [sflag:$0x2], $0x80, s1, s31, $0xb8;
	[tilespmem:$0x1E800] =	vst v63  }
0x184: {  	_ =	swait.ge [sflag:s6], $0x4000  }
0x185: {  	[sflag:s6] =	ssyncset.done $0x0  }
0x186: {  	s1 =	simm.s32 $0x16680;
	[sflag:s6] =	ssyncadd.s32 $0xFFFFC000  }
0x187: {  	[spmem:s2] =	stream.indirect.scatter.add.f32 [tilespmem:s0], [sflag:$0x2], $0x80, s1, s31, $0xb8;
	[tilespmem:$0x1E800] =	vst v63  }
0x188: {  	_ =	swait.ge [sflag:s8], $0x4000  }
0x189: {  	[sflag:s8] =	ssyncset.done $0x0  }
0x18a: {  	s1 =	simm.s32 $0x15300;
	[sflag:s8] =	ssyncadd.s32 $0xFFFFC000  }
0x18b: {  	[tilespmem:s26], [sflag:$0x1] =	stream.indirect.gather [hbm4b:s4+s31], $0x80, s1, s31, $0xb8;
	[tilespmem:$0x1E800] =	vst v63  }
0x18c: {  	_ =	swait.ge [sflag:s8], $0x4000  }
0x18d: {  	[sflag:s8] =	ssyncset.done $0x0  }
0x18e: {  	s1 =	simm.s32 $0x15380;
	[sflag:s8] =	ssyncadd.s32 $0xFFFFC000  }
0x18f: {  	[tilespmem:s0], [sflag:$0x1] =	stream.indirect.gather [hbm4b:s4+s31], $0x80, s1, s31, $0xb8;
	[tilespmem:$0x1E800] =	vst v63  }
0x190: {  	_ =	swait.ge [sflag:s6], $0x4000  }
0x191: {  	[sflag:s6] =	ssyncset.done $0x0  }
0x192: {  	s1 =	simm.s32 $0x16700;
	[sflag:s6] =	ssyncadd.s32 $0xFFFFC000  }
0x193: {  	[spmem:s2] =	stream.indirect.scatter.add.f32 [tilespmem:s26], [sflag:$0x2], $0x80, s1, s31, $0xb8;
	[tilespmem:$0x1E800] =	vst v63  }
0x194: {  	_ =	swait.ge [sflag:s6], $0x4000  }
0x195: {  	[sflag:s6] =	ssyncset.done $0x0  }
0x196: {  	s1 =	simm.s32 $0x16780;
	[sflag:s6] =	ssyncadd.s32 $0xFFFFC000  }
0x197: {  	[spmem:s2] =	stream.indirect.scatter.add.f32 [tilespmem:s0], [sflag:$0x2], $0x80, s1, s31, $0xb8;
	[tilespmem:$0x1E800] =	vst v63  }
0x198: {  	_ =	swait.ge [sflag:s8], $0x4000  }
0x199: {  	[sflag:s8] =	ssyncset.done $0x0  }
0x19a: {  	[sflag:s8] =	ssyncadd.s32 $0xFFFFC000  }
0x19b: {  	_ =	swait.ge [sflag:s8], $0x4000  }
0x19c: {  	[sflag:s8] =	ssyncset.done $0x0  }
0x19d: {  	s1 =	rddreg [dreg:$0x6];
	[sflag:s8] =	ssyncadd.s32 $0xFFFFC000  }
0x19e: {  	[tilespmem:s30], [sflag:$0x3] =	stream.linear.gather [hbm4b:s1+s3], $0x1400, $0x38;
	[tilespmem:$0x1E800] =	vst v63  }
0x19f: {  	_ =	swait.ge [sflag:s28], $0x1400  }
0x1a0: {  	[sflag:s28] =	ssyncset.done $0x0  }
0x1a1: {  	s1 =	rddreg [dreg:$0xf];
	[sflag:s28] =	ssyncadd.s32 $0xFFFFEC00  }
0x1a2: {  	[tilespmem:s23], [sflag:$0x3] =	stream.linear.gather [hbm4b:s1+s3], $0x1400, $0x38;
	[tilespmem:$0x1E800] =	vst v63  }
0x1a3: {  	_ =	swait.ge [sflag:s28], $0x1400  }
0x1a4: {  	[sflag:s28] =	ssyncset.done $0x0  }
0x1a5: {  	[sflag:s28] =	ssyncadd.s32 $0xFFFFEC00  }
0x1a6: {  	[tilespmem:s26], [sflag:$0x1] =	stream.indirect.gather [hbm4b:s4+s31], $0x80, s30, s31, $0xb8;
	[tilespmem:$0x1E800] =	vst v63  }
0x1a7: {  	_ = 	snop  }
0x1a8: {  	[tilespmem:s0], [sflag:$0x1] =	stream.indirect.gather [hbm4b:s4+s31], $0x80, s7, s31, $0xb8;
	[tilespmem:$0x1E800] =	vst v63  }
0x1a9: {  	_ =	swait.ge [sflag:s6], $0x4000  }
0x1aa: {  	[sflag:s6] =	ssyncset.done $0x0  }
0x1ab: {  	[sflag:s6] =	ssyncadd.s32 $0xFFFFC000  }
0x1ac: {  	[spmem:s2] =	stream.indirect.scatter.add.f32 [tilespmem:s26], [sflag:$0x2], $0x80, s23, s31, $0xb8;
	[tilespmem:$0x1E800] =	vst v63  }
0x1ad: {  	_ =	swait.ge [sflag:s6], $0x4000  }
0x1ae: {  	[sflag:s6] =	ssyncset.done $0x0  }
0x1af: {  	[sflag:s6] =	ssyncadd.s32 $0xFFFFC000  }
0x1b0: {  	[spmem:s2] =	stream.indirect.scatter.add.f32 [tilespmem:s0], [sflag:$0x2], $0x80, s9, s31, $0xb8;
	[tilespmem:$0x1E800] =	vst v63  }
0x1b1: {  	_ =	swait.ge [sflag:s8], $0x4000  }
0x1b2: {  	[sflag:s8] =	ssyncset.done $0x0  }
0x1b3: {  	[sflag:s8] =	ssyncadd.s32 $0xFFFFC000  }
0x1b4: {  	[tilespmem:s26], [sflag:$0x1] =	stream.indirect.gather [hbm4b:s4+s31], $0x80, s17, s31, $0xb8;
	[tilespmem:$0x1E800] =	vst v63  }
0x1b5: {  	_ =	swait.ge [sflag:s8], $0x4000  }
0x1b6: {  	[sflag:s8] =	ssyncset.done $0x0  }
0x1b7: {  	[sflag:s8] =	ssyncadd.s32 $0xFFFFC000  }
0x1b8: {  	[tilespmem:s0], [sflag:$0x1] =	stream.indirect.gather [hbm4b:s4+s31], $0x80, s5, s31, $0xb8;
	[tilespmem:$0x1E800] =	vst v63  }
0x1b9: {  	_ =	swait.ge [sflag:s6], $0x4000  }
0x1ba: {  	[sflag:s6] =	ssyncset.done $0x0  }
0x1bb: {  	[sflag:s6] =	ssyncadd.s32 $0xFFFFC000  }
0x1bc: {  	[spmem:s2] =	stream.indirect.scatter.add.f32 [tilespmem:s26], [sflag:$0x2], $0x80, s10, s31, $0xb8;
	[tilespmem:$0x1E800] =	vst v63  }
0x1bd: {  	_ =	swait.ge [sflag:s6], $0x4000  }
0x1be: {  	[sflag:s6] =	ssyncset.done $0x0  }
0x1bf: {  	[sflag:s6] =	ssyncadd.s32 $0xFFFFC000  }
0x1c0: {  	[spmem:s2] =	stream.indirect.scatter.add.f32 [tilespmem:s0], [sflag:$0x2], $0x80, s11, s31, $0xb8;
	[tilespmem:$0x1E800] =	vst v63  }
0x1c1: {  	_ =	swait.ge [sflag:s8], $0x4000  }
0x1c2: {  	[sflag:s8] =	ssyncset.done $0x0  }
0x1c3: {  	[sflag:s8] =	ssyncadd.s32 $0xFFFFC000  }
0x1c4: {  	[tilespmem:s26], [sflag:$0x1] =	stream.indirect.gather [hbm4b:s4+s31], $0x80, s12, s31, $0xb8;
	[tilespmem:$0x1E800] =	vst v63  }
0x1c5: {  	_ =	swait.ge [sflag:s8], $0x4000  }
0x1c6: {  	[sflag:s8] =	ssyncset.done $0x0  }
0x1c7: {  	[sflag:s8] =	ssyncadd.s32 $0xFFFFC000  }
0x1c8: {  	[tilespmem:s0], [sflag:$0x1] =	stream.indirect.gather [hbm4b:s4+s31], $0x80, s13, s31, $0xb8;
	[tilespmem:$0x1E800] =	vst v63  }
0x1c9: {  	_ =	swait.ge [sflag:s6], $0x4000  }
0x1ca: {  	[sflag:s6] =	ssyncset.done $0x0  }
0x1cb: {  	[sflag:s6] =	ssyncadd.s32 $0xFFFFC000  }
0x1cc: {  	[spmem:s2] =	stream.indirect.scatter.add.f32 [tilespmem:s26], [sflag:$0x2], $0x80, s14, s31, $0xb8;
	[tilespmem:$0x1E800] =	vst v63  }
0x1cd: {  	_ =	swait.ge [sflag:s6], $0x4000  }
0x1ce: {  	[sflag:s6] =	ssyncset.done $0x0  }
0x1cf: {  	[sflag:s6] =	ssyncadd.s32 $0xFFFFC000  }
0x1d0: {  	[spmem:s2] =	stream.indirect.scatter.add.f32 [tilespmem:s0], [sflag:$0x2], $0x80, s15, s31, $0xb8;
	[tilespmem:$0x1E800] =	vst v63  }
0x1d1: {  	_ =	swait.ge [sflag:s8], $0x4000  }
0x1d2: {  	[sflag:s8] =	ssyncset.done $0x0  }
0x1d3: {  	[sflag:s8] =	ssyncadd.s32 $0xFFFFC000  }
0x1d4: {  	[tilespmem:s26], [sflag:$0x1] =	stream.indirect.gather [hbm4b:s4+s31], $0x80, s18, s31, $0xb8;
	[tilespmem:$0x1E800] =	vst v63  }
0x1d5: {  	_ =	swait.ge [sflag:s8], $0x4000  }
0x1d6: {  	[sflag:s8] =	ssyncset.done $0x0  }
0x1d7: {  	[sflag:s8] =	ssyncadd.s32 $0xFFFFC000  }
0x1d8: {  	[tilespmem:s0], [sflag:$0x1] =	stream.indirect.gather [hbm4b:s4+s31], $0x80, s19, s31, $0xb8;
	[tilespmem:$0x1E800] =	vst v63  }
0x1d9: {  	_ =	swait.ge [sflag:s6], $0x4000  }
0x1da: {  	[sflag:s6] =	ssyncset.done $0x0  }
0x1db: {  	[sflag:s6] =	ssyncadd.s32 $0xFFFFC000  }
0x1dc: {  	[spmem:s2] =	stream.indirect.scatter.add.f32 [tilespmem:s26], [sflag:$0x2], $0x80, s20, s31, $0xb8;
	[tilespmem:$0x1E800] =	vst v63  }
0x1dd: {  	_ =	swait.ge [sflag:s6], $0x4000  }
0x1de: {  	[sflag:s6] =	ssyncset.done $0x0  }
0x1df: {  	[sflag:s6] =	ssyncadd.s32 $0xFFFFC000  }
0x1e0: {  	[spmem:s2] =	stream.indirect.scatter.add.f32 [tilespmem:s0], [sflag:$0x2], $0x80, s21, s31, $0xb8;
	[tilespmem:$0x1E800] =	vst v63  }
0x1e1: {  	_ =	swait.ge [sflag:s8], $0x4000  }
0x1e2: {  	[sflag:s8] =	ssyncset.done $0x0  }
0x1e3: {  	[sflag:s8] =	ssyncadd.s32 $0xFFFFC000  }
0x1e4: {  	[tilespmem:s26], [sflag:$0x1] =	stream.indirect.gather [hbm4b:s4+s31], $0x80, s22, s31, $0xb8;
	[tilespmem:$0x1E800] =	vst v63  }
0x1e5: {  	_ =	swait.ge [sflag:s8], $0x4000  }
0x1e6: {  	[sflag:s8] =	ssyncset.done $0x0  }
0x1e7: {  	[sflag:s8] =	ssyncadd.s32 $0xFFFFC000  }
0x1e8: {  	[tilespmem:s0], [sflag:$0x1] =	stream.indirect.gather [hbm4b:s4+s31], $0x80, s24, s31, $0xb8;
	[tilespmem:$0x1E800] =	vst v63  }
0x1e9: {  	_ =	swait.ge [sflag:s6], $0x4000  }
0x1ea: {  	[sflag:s6] =	ssyncset.done $0x0  }
0x1eb: {  	[sflag:s6] =	ssyncadd.s32 $0xFFFFC000  }
0x1ec: {  	[spmem:s2] =	stream.indirect.scatter.add.f32 [tilespmem:s26], [sflag:$0x2], $0x80, s25, s31, $0xb8;
	[tilespmem:$0x1E800] =	vst v63  }
0x1ed: {  	_ =	swait.ge [sflag:s6], $0x4000  }
0x1ee: {  	[sflag:s6] =	ssyncset.done $0x0  }
0x1ef: {  	[sflag:s6] =	ssyncadd.s32 $0xFFFFC000  }
0x1f0: {  	[spmem:s2] =	stream.indirect.scatter.add.f32 [tilespmem:s0], [sflag:$0x2], $0x80, s29, s31, $0xb8;
	[tilespmem:$0x1E800] =	vst v63  }
0x1f1: {  	_ =	swait.ge [sflag:s8], $0x4000  }
0x1f2: {  	[sflag:s8] =	ssyncset.done $0x0  }
0x1f3: {  	s9 =	simm.s32 $0x14500;
	[sflag:s8] =	ssyncadd.s32 $0xFFFFC000  }
0x1f4: {  	[tilespmem:s26], [sflag:$0x1] =	stream.indirect.gather [hbm4b:s4+s31], $0x80, s9, s31, $0xb8;
	[tilespmem:$0x1E800] =	vst v63  }
0x1f5: {  	_ =	swait.ge [sflag:s8], $0x4000  }
0x1f6: {  	[sflag:s8] =	ssyncset.done $0x0  }
0x1f7: {  	s17 =	simm.s32 $0x14580;
	[sflag:s8] =	ssyncadd.s32 $0xFFFFC000  }
0x1f8: {  	[tilespmem:s0], [sflag:$0x1] =	stream.indirect.gather [hbm4b:s4+s31], $0x80, s17, s31, $0xb8;
	[tilespmem:$0x1E800] =	vst v63  }
0x1f9: {  	_ =	swait.ge [sflag:s6], $0x4000  }
0x1fa: {  	[sflag:s6] =	ssyncset.done $0x0  }
0x1fb: {  	s7 =	simm.s32 $0x15900;
	[sflag:s6] =	ssyncadd.s32 $0xFFFFC000  }
0x1fc: {  	[spmem:s2] =	stream.indirect.scatter.add.f32 [tilespmem:s26], [sflag:$0x2], $0x80, s7, s31, $0xb8;
	[tilespmem:$0x1E800] =	vst v63  }
0x1fd: {  	_ =	swait.ge [sflag:s6], $0x4000  }
0x1fe: {  	[sflag:s6] =	ssyncset.done $0x0  }
0x1ff: {  	s9 =	simm.s32 $0x15980;
	[sflag:s6] =	ssyncadd.s32 $0xFFFFC000  }
0x200: {  	[spmem:s2] =	stream.indirect.scatter.add.f32 [tilespmem:s0], [sflag:$0x2], $0x80, s9, s31, $0xb8;
	[tilespmem:$0x1E800] =	vst v63  }
0x201: {  	_ =	swait.ge [sflag:s8], $0x4000  }
0x202: {  	[sflag:s8] =	ssyncset.done $0x0  }
0x203: {  	s17 =	simm.s32 $0x14600;
	[sflag:s8] =	ssyncadd.s32 $0xFFFFC000  }
0x204: {  	[tilespmem:s26], [sflag:$0x1] =	stream.indirect.gather [hbm4b:s4+s31], $0x80, s17, s31, $0xb8;
	[tilespmem:$0x1E800] =	vst v63  }
0x205: {  	_ =	swait.ge [sflag:s8], $0x4000  }
0x206: {  	[sflag:s8] =	ssyncset.done $0x0  }
0x207: {  	s7 =	simm.s32 $0x14680;
	[sflag:s8] =	ssyncadd.s32 $0xFFFFC000  }
0x208: {  	[tilespmem:s0], [sflag:$0x1] =	stream.indirect.gather [hbm4b:s4+s31], $0x80, s7, s31, $0xb8;
	[tilespmem:$0x1E800] =	vst v63  }
0x209: {  	_ =	swait.ge [sflag:s6], $0x4000  }
0x20a: {  	[sflag:s6] =	ssyncset.done $0x0  }
0x20b: {  	s9 =	simm.s32 $0x15A00;
	[sflag:s6] =	ssyncadd.s32 $0xFFFFC000  }
0x20c: {  	[spmem:s2] =	stream.indirect.scatter.add.f32 [tilespmem:s26], [sflag:$0x2], $0x80, s9, s31, $0xb8;
	[tilespmem:$0x1E800] =	vst v63  }
0x20d: {  	_ =	swait.ge [sflag:s6], $0x4000  }
0x20e: {  	[sflag:s6] =	ssyncset.done $0x0  }
0x20f: {  	s17 =	simm.s32 $0x15A80;
	[sflag:s6] =	ssyncadd.s32 $0xFFFFC000  }
0x210: {  	[spmem:s2] =	stream.indirect.scatter.add.f32 [tilespmem:s0], [sflag:$0x2], $0x80, s17, s31, $0xb8;
	[tilespmem:$0x1E800] =	vst v63  }
0x211: {  	_ =	swait.ge [sflag:s8], $0x4000  }
0x212: {  	[sflag:s8] =	ssyncset.done $0x0  }
0x213: {  	s7 =	simm.s32 $0x14700;
	[sflag:s8] =	ssyncadd.s32 $0xFFFFC000  }
0x214: {  	[tilespmem:s26], [sflag:$0x1] =	stream.indirect.gather [hbm4b:s4+s31], $0x80, s7, s31, $0xb8;
	[tilespmem:$0x1E800] =	vst v63  }
0x215: {  	_ =	swait.ge [sflag:s8], $0x4000  }
0x216: {  	[sflag:s8] =	ssyncset.done $0x0  }
0x217: {  	s9 =	simm.s32 $0x14780;
	[sflag:s8] =	ssyncadd.s32 $0xFFFFC000  }
0x218: {  	[tilespmem:s0], [sflag:$0x1] =	stream.indirect.gather [hbm4b:s4+s31], $0x80, s9, s31, $0xb8;
	[tilespmem:$0x1E800] =	vst v63  }
0x219: {  	_ =	swait.ge [sflag:s6], $0x4000  }
0x21a: {  	[sflag:s6] =	ssyncset.done $0x0  }
0x21b: {  	s17 =	simm.s32 $0x15B00;
	[sflag:s6] =	ssyncadd.s32 $0xFFFFC000  }
0x21c: {  	[spmem:s2] =	stream.indirect.scatter.add.f32 [tilespmem:s26], [sflag:$0x2], $0x80, s17, s31, $0xb8;
	[tilespmem:$0x1E800] =	vst v63  }
0x21d: {  	_ =	swait.ge [sflag:s6], $0x4000  }
0x21e: {  	[sflag:s6] =	ssyncset.done $0x0  }
0x21f: {  	s7 =	simm.s32 $0x15B80;
	[sflag:s6] =	ssyncadd.s32 $0xFFFFC000  }
0x220: {  	[spmem:s2] =	stream.indirect.scatter.add.f32 [tilespmem:s0], [sflag:$0x2], $0x80, s7, s31, $0xb8;
	[tilespmem:$0x1E800] =	vst v63  }
0x221: {  	_ =	swait.ge [sflag:s8], $0x4000  }
0x222: {  	[sflag:s8] =	ssyncset.done $0x0  }
0x223: {  	s9 =	simm.s32 $0x14800;
	[sflag:s8] =	ssyncadd.s32 $0xFFFFC000  }
0x224: {  	[tilespmem:s26], [sflag:$0x1] =	stream.indirect.gather [hbm4b:s4+s31], $0x80, s9, s31, $0xb8;
	[tilespmem:$0x1E800] =	vst v63  }
0x225: {  	_ =	swait.ge [sflag:s8], $0x4000  }
0x226: {  	[sflag:s8] =	ssyncset.done $0x0  }
0x227: {  	s17 =	simm.s32 $0x14880;
	[sflag:s8] =	ssyncadd.s32 $0xFFFFC000  }
0x228: {  	[tilespmem:s0], [sflag:$0x1] =	stream.indirect.gather [hbm4b:s4+s31], $0x80, s17, s31, $0xb8;
	[tilespmem:$0x1E800] =	vst v63  }
0x229: {  	_ =	swait.ge [sflag:s6], $0x4000  }
0x22a: {  	[sflag:s6] =	ssyncset.done $0x0  }
0x22b: {  	s7 =	simm.s32 $0x15C00;
	[sflag:s6] =	ssyncadd.s32 $0xFFFFC000  }
0x22c: {  	[spmem:s2] =	stream.indirect.scatter.add.f32 [tilespmem:s26], [sflag:$0x2], $0x80, s7, s31, $0xb8;
	[tilespmem:$0x1E800] =	vst v63  }
0x22d: {  	_ =	swait.ge [sflag:s6], $0x4000  }
0x22e: {  	[sflag:s6] =	ssyncset.done $0x0  }
0x22f: {  	s9 =	simm.s32 $0x15C80;
	[sflag:s6] =	ssyncadd.s32 $0xFFFFC000  }
0x230: {  	[spmem:s2] =	stream.indirect.scatter.add.f32 [tilespmem:s0], [sflag:$0x2], $0x80, s9, s31, $0xb8;
	[tilespmem:$0x1E800] =	vst v63  }
0x231: {  	_ =	swait.ge [sflag:s8], $0x4000  }
0x232: {  	[sflag:s8] =	ssyncset.done $0x0  }
0x233: {  	s17 =	simm.s32 $0x14900;
	[sflag:s8] =	ssyncadd.s32 $0xFFFFC000  }
0x234: {  	[tilespmem:s26], [sflag:$0x1] =	stream.indirect.gather [hbm4b:s4+s31], $0x80, s17, s31, $0xb8;
	[tilespmem:$0x1E800] =	vst v63  }
0x235: {  	_ =	swait.ge [sflag:s8], $0x4000  }
0x236: {  	[sflag:s8] =	ssyncset.done $0x0  }
0x237: {  	s7 =	simm.s32 $0x14980;
	[sflag:s8] =	ssyncadd.s32 $0xFFFFC000  }
0x238: {  	[tilespmem:s0], [sflag:$0x1] =	stream.indirect.gather [hbm4b:s4+s31], $0x80, s7, s31, $0xb8;
	[tilespmem:$0x1E800] =	vst v63  }
0x239: {  	_ =	swait.ge [sflag:s6], $0x4000  }
0x23a: {  	[sflag:s6] =	ssyncset.done $0x0  }
0x23b: {  	s9 =	simm.s32 $0x15D00;
	[sflag:s6] =	ssyncadd.s32 $0xFFFFC000  }
0x23c: {  	[spmem:s2] =	stream.indirect.scatter.add.f32 [tilespmem:s26], [sflag:$0x2], $0x80, s9, s31, $0xb8;
	[tilespmem:$0x1E800] =	vst v63  }
0x23d: {  	_ =	swait.ge [sflag:s6], $0x4000  }
0x23e: {  	[sflag:s6] =	ssyncset.done $0x0  }
0x23f: {  	s17 =	simm.s32 $0x15D80;
	[sflag:s6] =	ssyncadd.s32 $0xFFFFC000  }
0x240: {  	[spmem:s2] =	stream.indirect.scatter.add.f32 [tilespmem:s0], [sflag:$0x2], $0x80, s17, s31, $0xb8;
	[tilespmem:$0x1E800] =	vst v63  }
0x241: {  	_ =	swait.ge [sflag:s8], $0x4000  }
0x242: {  	[sflag:s8] =	ssyncset.done $0x0  }
0x243: {  	s7 =	simm.s32 $0x14A00;
	[sflag:s8] =	ssyncadd.s32 $0xFFFFC000  }
0x244: {  	[tilespmem:s26], [sflag:$0x1] =	stream.indirect.gather [hbm4b:s4+s31], $0x80, s7, s31, $0xb8;
	[tilespmem:$0x1E800] =	vst v63  }
0x245: {  	_ =	swait.ge [sflag:s8], $0x4000  }
0x246: {  	[sflag:s8] =	ssyncset.done $0x0  }
0x247: {  	s9 =	simm.s32 $0x14A80;
	[sflag:s8] =	ssyncadd.s32 $0xFFFFC000  }
0x248: {  	[tilespmem:s0], [sflag:$0x1] =	stream.indirect.gather [hbm4b:s4+s31], $0x80, s9, s31, $0xb8;
	[tilespmem:$0x1E800] =	vst v63  }
0x249: {  	_ =	swait.ge [sflag:s6], $0x4000  }
0x24a: {  	[sflag:s6] =	ssyncset.done $0x0  }
0x24b: {  	s17 =	simm.s32 $0x15E00;
	[sflag:s6] =	ssyncadd.s32 $0xFFFFC000  }
0x24c: {  	[spmem:s2] =	stream.indirect.scatter.add.f32 [tilespmem:s26], [sflag:$0x2], $0x80, s17, s31, $0xb8;
	[tilespmem:$0x1E800] =	vst v63  }
0x24d: {  	_ =	swait.ge [sflag:s6], $0x4000  }
0x24e: {  	[sflag:s6] =	ssyncset.done $0x0  }
0x24f: {  	s7 =	simm.s32 $0x15E80;
	[sflag:s6] =	ssyncadd.s32 $0xFFFFC000  }
0x250: {  	[spmem:s2] =	stream.indirect.scatter.add.f32 [tilespmem:s0], [sflag:$0x2], $0x80, s7, s31, $0xb8;
	[tilespmem:$0x1E800] =	vst v63  }
0x251: {  	_ =	swait.ge [sflag:s8], $0x4000  }
0x252: {  	[sflag:s8] =	ssyncset.done $0x0  }
0x253: {  	s9 =	simm.s32 $0x14B00;
	[sflag:s8] =	ssyncadd.s32 $0xFFFFC000  }
0x254: {  	[tilespmem:s26], [sflag:$0x1] =	stream.indirect.gather [hbm4b:s4+s31], $0x80, s9, s31, $0xb8;
	[tilespmem:$0x1E800] =	vst v63  }
0x255: {  	_ =	swait.ge [sflag:s8], $0x4000  }
0x256: {  	[sflag:s8] =	ssyncset.done $0x0  }
0x257: {  	s17 =	simm.s32 $0x14B80;
	[sflag:s8] =	ssyncadd.s32 $0xFFFFC000  }
0x258: {  	[tilespmem:s0], [sflag:$0x1] =	stream.indirect.gather [hbm4b:s4+s31], $0x80, s17, s31, $0xb8;
	[tilespmem:$0x1E800] =	vst v63  }
0x259: {  	_ =	swait.ge [sflag:s6], $0x4000  }
0x25a: {  	[sflag:s6] =	ssyncset.done $0x0  }
0x25b: {  	s7 =	simm.s32 $0x15F00;
	[sflag:s6] =	ssyncadd.s32 $0xFFFFC000  }
0x25c: {  	[spmem:s2] =	stream.indirect.scatter.add.f32 [tilespmem:s26], [sflag:$0x2], $0x80, s7, s31, $0xb8;
	[tilespmem:$0x1E800] =	vst v63  }
0x25d: {  	_ =	swait.ge [sflag:s6], $0x4000  }
0x25e: {  	[sflag:s6] =	ssyncset.done $0x0  }
0x25f: {  	s9 =	simm.s32 $0x15F80;
	[sflag:s6] =	ssyncadd.s32 $0xFFFFC000  }
0x260: {  	[spmem:s2] =	stream.indirect.scatter.add.f32 [tilespmem:s0], [sflag:$0x2], $0x80, s9, s31, $0xb8;
	[tilespmem:$0x1E800] =	vst v63  }
0x261: {  	_ =	swait.ge [sflag:s8], $0x4000  }
0x262: {  	[sflag:s8] =	ssyncset.done $0x0  }
0x263: {  	s17 =	simm.s32 $0x14C00;
	[sflag:s8] =	ssyncadd.s32 $0xFFFFC000  }
0x264: {  	[tilespmem:s26], [sflag:$0x1] =	stream.indirect.gather [hbm4b:s4+s31], $0x80, s17, s31, $0xb8;
	[tilespmem:$0x1E800] =	vst v63  }
0x265: {  	_ =	swait.ge [sflag:s8], $0x4000  }
0x266: {  	[sflag:s8] =	ssyncset.done $0x0  }
0x267: {  	s7 =	simm.s32 $0x14C80;
	[sflag:s8] =	ssyncadd.s32 $0xFFFFC000  }
0x268: {  	[tilespmem:s0], [sflag:$0x1] =	stream.indirect.gather [hbm4b:s4+s31], $0x80, s7, s31, $0xb8;
	[tilespmem:$0x1E800] =	vst v63  }
0x269: {  	_ =	swait.ge [sflag:s6], $0x4000  }
0x26a: {  	[sflag:s6] =	ssyncset.done $0x0  }
0x26b: {  	s9 =	simm.s32 $0x16000;
	[sflag:s6] =	ssyncadd.s32 $0xFFFFC000  }
0x26c: {  	[spmem:s2] =	stream.indirect.scatter.add.f32 [tilespmem:s26], [sflag:$0x2], $0x80, s9, s31, $0xb8;
	[tilespmem:$0x1E800] =	vst v63  }
0x26d: {  	_ =	swait.ge [sflag:s6], $0x4000  }
0x26e: {  	[sflag:s6] =	ssyncset.done $0x0  }
0x26f: {  	s17 =	simm.s32 $0x16080;
	[sflag:s6] =	ssyncadd.s32 $0xFFFFC000  }
0x270: {  	[spmem:s2] =	stream.indirect.scatter.add.f32 [tilespmem:s0], [sflag:$0x2], $0x80, s17, s31, $0xb8;
	[tilespmem:$0x1E800] =	vst v63  }
0x271: {  	_ =	swait.ge [sflag:s8], $0x4000  }
0x272: {  	[sflag:s8] =	ssyncset.done $0x0  }
0x273: {  	s7 =	simm.s32 $0x14D00;
	[sflag:s8] =	ssyncadd.s32 $0xFFFFC000  }
0x274: {  	[tilespmem:s26], [sflag:$0x1] =	stream.indirect.gather [hbm4b:s4+s31], $0x80, s7, s31, $0xb8;
	[tilespmem:$0x1E800] =	vst v63  }
0x275: {  	_ =	swait.ge [sflag:s8], $0x4000  }
0x276: {  	[sflag:s8] =	ssyncset.done $0x0  }
0x277: {  	s9 =	simm.s32 $0x14D80;
	[sflag:s8] =	ssyncadd.s32 $0xFFFFC000  }
0x278: {  	[tilespmem:s0], [sflag:$0x1] =	stream.indirect.gather [hbm4b:s4+s31], $0x80, s9, s31, $0xb8;
	[tilespmem:$0x1E800] =	vst v63  }
0x279: {  	_ =	swait.ge [sflag:s6], $0x4000  }
0x27a: {  	[sflag:s6] =	ssyncset.done $0x0  }
0x27b: {  	s17 =	simm.s32 $0x16100;
	[sflag:s6] =	ssyncadd.s32 $0xFFFFC000  }
0x27c: {  	[spmem:s2] =	stream.indirect.scatter.add.f32 [tilespmem:s26], [sflag:$0x2], $0x80, s17, s31, $0xb8;
	[tilespmem:$0x1E800] =	vst v63  }
0x27d: {  	_ =	swait.ge [sflag:s6], $0x4000  }
0x27e: {  	[sflag:s6] =	ssyncset.done $0x0  }
0x27f: {  	s7 =	simm.s32 $0x16180;
	[sflag:s6] =	ssyncadd.s32 $0xFFFFC000  }
0x280: {  	[spmem:s2] =	stream.indirect.scatter.add.f32 [tilespmem:s0], [sflag:$0x2], $0x80, s7, s31, $0xb8;
	[tilespmem:$0x1E800] =	vst v63  }
0x281: {  	_ =	swait.ge [sflag:s8], $0x4000  }
0x282: {  	[sflag:s8] =	ssyncset.done $0x0  }
0x283: {  	s9 =	simm.s32 $0x14E00;
	[sflag:s8] =	ssyncadd.s32 $0xFFFFC000  }
0x284: {  	[tilespmem:s26], [sflag:$0x1] =	stream.indirect.gather [hbm4b:s4+s31], $0x80, s9, s31, $0xb8;
	[tilespmem:$0x1E800] =	vst v63  }
0x285: {  	_ =	swait.ge [sflag:s8], $0x4000  }
0x286: {  	[sflag:s8] =	ssyncset.done $0x0  }
0x287: {  	s17 =	simm.s32 $0x14E80;
	[sflag:s8] =	ssyncadd.s32 $0xFFFFC000  }
0x288: {  	[tilespmem:s0], [sflag:$0x1] =	stream.indirect.gather [hbm4b:s4+s31], $0x80, s17, s31, $0xb8;
	[tilespmem:$0x1E800] =	vst v63  }
0x289: {  	_ =	swait.ge [sflag:s6], $0x4000  }
0x28a: {  	[sflag:s6] =	ssyncset.done $0x0  }
0x28b: {  	s7 =	simm.s32 $0x16200;
	[sflag:s6] =	ssyncadd.s32 $0xFFFFC000  }
0x28c: {  	[spmem:s2] =	stream.indirect.scatter.add.f32 [tilespmem:s26], [sflag:$0x2], $0x80, s7, s31, $0xb8;
	[tilespmem:$0x1E800] =	vst v63  }
0x28d: {  	_ =	swait.ge [sflag:s6], $0x4000  }
0x28e: {  	[sflag:s6] =	ssyncset.done $0x0  }
0x28f: {  	s9 =	simm.s32 $0x16280;
	[sflag:s6] =	ssyncadd.s32 $0xFFFFC000  }
0x290: {  	[spmem:s2] =	stream.indirect.scatter.add.f32 [tilespmem:s0], [sflag:$0x2], $0x80, s9, s31, $0xb8;
	[tilespmem:$0x1E800] =	vst v63  }
0x291: {  	_ =	swait.ge [sflag:s8], $0x4000  }
0x292: {  	[sflag:s8] =	ssyncset.done $0x0  }
0x293: {  	s17 =	simm.s32 $0x14F00;
	[sflag:s8] =	ssyncadd.s32 $0xFFFFC000  }
0x294: {  	[tilespmem:s26], [sflag:$0x1] =	stream.indirect.gather [hbm4b:s4+s31], $0x80, s17, s31, $0xb8;
	[tilespmem:$0x1E800] =	vst v63  }
0x295: {  	_ =	swait.ge [sflag:s8], $0x4000  }
0x296: {  	[sflag:s8] =	ssyncset.done $0x0  }
0x297: {  	s7 =	simm.s32 $0x14F80;
	[sflag:s8] =	ssyncadd.s32 $0xFFFFC000  }
0x298: {  	[tilespmem:s0], [sflag:$0x1] =	stream.indirect.gather [hbm4b:s4+s31], $0x80, s7, s31, $0xb8;
	[tilespmem:$0x1E800] =	vst v63  }
0x299: {  	_ =	swait.ge [sflag:s6], $0x4000  }
0x29a: {  	[sflag:s6] =	ssyncset.done $0x0  }
0x29b: {  	s9 =	simm.s32 $0x16300;
	[sflag:s6] =	ssyncadd.s32 $0xFFFFC000  }
0x29c: {  	[spmem:s2] =	stream.indirect.scatter.add.f32 [tilespmem:s26], [sflag:$0x2], $0x80, s9, s31, $0xb8;
	[tilespmem:$0x1E800] =	vst v63  }
0x29d: {  	_ =	swait.ge [sflag:s6], $0x4000  }
0x29e: {  	[sflag:s6] =	ssyncset.done $0x0  }
0x29f: {  	s17 =	simm.s32 $0x16380;
	[sflag:s6] =	ssyncadd.s32 $0xFFFFC000  }
0x2a0: {  	[spmem:s2] =	stream.indirect.scatter.add.f32 [tilespmem:s0], [sflag:$0x2], $0x80, s17, s31, $0xb8;
	[tilespmem:$0x1E800] =	vst v63  }
0x2a1: {  	_ =	swait.ge [sflag:s8], $0x4000  }
0x2a2: {  	[sflag:s8] =	ssyncset.done $0x0  }
0x2a3: {  	s7 =	simm.s32 $0x15000;
	[sflag:s8] =	ssyncadd.s32 $0xFFFFC000  }
0x2a4: {  	[tilespmem:s26], [sflag:$0x1] =	stream.indirect.gather [hbm4b:s4+s31], $0x80, s7, s31, $0xb8;
	[tilespmem:$0x1E800] =	vst v63  }
0x2a5: {  	_ =	swait.ge [sflag:s8], $0x4000  }
0x2a6: {  	[sflag:s8] =	ssyncset.done $0x0  }
0x2a7: {  	s9 =	simm.s32 $0x15080;
	[sflag:s8] =	ssyncadd.s32 $0xFFFFC000  }
0x2a8: {  	[tilespmem:s0], [sflag:$0x1] =	stream.indirect.gather [hbm4b:s4+s31], $0x80, s9, s31, $0xb8;
	[tilespmem:$0x1E800] =	vst v63  }
0x2a9: {  	_ =	swait.ge [sflag:s6], $0x4000  }
0x2aa: {  	[sflag:s6] =	ssyncset.done $0x0  }
0x2ab: {  	s17 =	simm.s32 $0x16400;
	[sflag:s6] =	ssyncadd.s32 $0xFFFFC000  }
0x2ac: {  	[spmem:s2] =	stream.indirect.scatter.add.f32 [tilespmem:s26], [sflag:$0x2], $0x80, s17, s31, $0xb8;
	[tilespmem:$0x1E800] =	vst v63  }
0x2ad: {  	_ =	swait.ge [sflag:s6], $0x4000  }
0x2ae: {  	[sflag:s6] =	ssyncset.done $0x0  }
0x2af: {  	s7 =	simm.s32 $0x16480;
	[sflag:s6] =	ssyncadd.s32 $0xFFFFC000  }
0x2b0: {  	[spmem:s2] =	stream.indirect.scatter.add.f32 [tilespmem:s0], [sflag:$0x2], $0x80, s7, s31, $0xb8;
	[tilespmem:$0x1E800] =	vst v63  }
0x2b1: {  	_ =	swait.ge [sflag:s8], $0x4000  }
0x2b2: {  	[sflag:s8] =	ssyncset.done $0x0  }
0x2b3: {  	s9 =	simm.s32 $0x15100;
	[sflag:s8] =	ssyncadd.s32 $0xFFFFC000  }
0x2b4: {  	[tilespmem:s26], [sflag:$0x1] =	stream.indirect.gather [hbm4b:s4+s31], $0x80, s9, s31, $0xb8;
	[tilespmem:$0x1E800] =	vst v63  }
0x2b5: {  	_ =	swait.ge [sflag:s8], $0x4000  }
0x2b6: {  	[sflag:s8] =	ssyncset.done $0x0  }
0x2b7: {  	s17 =	simm.s32 $0x15180;
	[sflag:s8] =	ssyncadd.s32 $0xFFFFC000  }
0x2b8: {  	[tilespmem:s0], [sflag:$0x1] =	stream.indirect.gather [hbm4b:s4+s31], $0x80, s17, s31, $0xb8;
	[tilespmem:$0x1E800] =	vst v63  }
0x2b9: {  	_ =	swait.ge [sflag:s6], $0x4000  }
0x2ba: {  	[sflag:s6] =	ssyncset.done $0x0  }
0x2bb: {  	s7 =	simm.s32 $0x16500;
	[sflag:s6] =	ssyncadd.s32 $0xFFFFC000  }
0x2bc: {  	[spmem:s2] =	stream.indirect.scatter.add.f32 [tilespmem:s26], [sflag:$0x2], $0x80, s7, s31, $0xb8;
	[tilespmem:$0x1E800] =	vst v63  }
0x2bd: {  	_ =	swait.ge [sflag:s6], $0x4000  }
0x2be: {  	[sflag:s6] =	ssyncset.done $0x0  }
0x2bf: {  	s9 =	simm.s32 $0x16580;
	[sflag:s6] =	ssyncadd.s32 $0xFFFFC000  }
0x2c0: {  	[spmem:s2] =	stream.indirect.scatter.add.f32 [tilespmem:s0], [sflag:$0x2], $0x80, s9, s31, $0xb8;
	[tilespmem:$0x1E800] =	vst v63  }
0x2c1: {  	_ =	swait.ge [sflag:s8], $0x4000  }
0x2c2: {  	[sflag:s8] =	ssyncset.done $0x0  }
0x2c3: {  	s17 =	simm.s32 $0x15200;
	[sflag:s8] =	ssyncadd.s32 $0xFFFFC000  }
0x2c4: {  	[tilespmem:s26], [sflag:$0x1] =	stream.indirect.gather [hbm4b:s4+s31], $0x80, s17, s31, $0xb8;
	[tilespmem:$0x1E800] =	vst v63  }
0x2c5: {  	_ =	swait.ge [sflag:s8], $0x4000  }
0x2c6: {  	[sflag:s8] =	ssyncset.done $0x0  }
0x2c7: {  	s7 =	simm.s32 $0x15280;
	[sflag:s8] =	ssyncadd.s32 $0xFFFFC000  }
0x2c8: {  	[tilespmem:s0], [sflag:$0x1] =	stream.indirect.gather [hbm4b:s4+s31], $0x80, s7, s31, $0xb8;
	[tilespmem:$0x1E800] =	vst v63  }
0x2c9: {  	_ =	swait.ge [sflag:s6], $0x4000  }
0x2ca: {  	[sflag:s6] =	ssyncset.done $0x0  }
0x2cb: {  	s9 =	simm.s32 $0x16600;
	[sflag:s6] =	ssyncadd.s32 $0xFFFFC000  }
0x2cc: {  	[spmem:s2] =	stream.indirect.scatter.add.f32 [tilespmem:s26], [sflag:$0x2], $0x80, s9, s31, $0xb8;
	[tilespmem:$0x1E800] =	vst v63  }
0x2cd: {  	_ =	swait.ge [sflag:s6], $0x4000  }
0x2ce: {  	[sflag:s6] =	ssyncset.done $0x0  }
0x2cf: {  	s17 =	simm.s32 $0x16680;
	[sflag:s6] =	ssyncadd.s32 $0xFFFFC000  }
0x2d0: {  	[spmem:s2] =	stream.indirect.scatter.add.f32 [tilespmem:s0], [sflag:$0x2], $0x80, s17, s31, $0xb8;
	[tilespmem:$0x1E800] =	vst v63  }
0x2d1: {  	_ =	swait.ge [sflag:s8], $0x4000  }
0x2d2: {  	[sflag:s8] =	ssyncset.done $0x0  }
0x2d3: {  	s7 =	simm.s32 $0x15300;
	[sflag:s8] =	ssyncadd.s32 $0xFFFFC000  }
0x2d4: {  	[tilespmem:s26], [sflag:$0x1] =	stream.indirect.gather [hbm4b:s4+s31], $0x80, s7, s31, $0xb8;
	[tilespmem:$0x1E800] =	vst v63  }
0x2d5: {  	_ =	swait.ge [sflag:s8], $0x4000  }
0x2d6: {  	[sflag:s8] =	ssyncset.done $0x0  }
0x2d7: {  	s9 =	simm.s32 $0x15380;
	[sflag:s8] =	ssyncadd.s32 $0xFFFFC000  }
0x2d8: {  	[tilespmem:s0], [sflag:$0x1] =	stream.indirect.gather [hbm4b:s4+s31], $0x80, s9, s31, $0xb8;
	[tilespmem:$0x1E800] =	vst v63  }
0x2d9: {  	_ =	swait.ge [sflag:s6], $0x4000  }
0x2da: {  	[sflag:s6] =	ssyncset.done $0x0  }
0x2db: {  	s17 =	simm.s32 $0x16700;
	[sflag:s6] =	ssyncadd.s32 $0xFFFFC000  }
0x2dc: {  	[spmem:s2] =	stream.indirect.scatter.add.f32 [tilespmem:s26], [sflag:$0x2], $0x80, s17, s31, $0xb8;
	[tilespmem:$0x1E800] =	vst v63  }
0x2dd: {  	_ =	swait.ge [sflag:s6], $0x4000  }
0x2de: {  	[sflag:s6] =	ssyncset.done $0x0  }
0x2df: {  	s7 =	simm.s32 $0x16780;
	[sflag:s6] =	ssyncadd.s32 $0xFFFFC000  }
0x2e0: {  	[spmem:s2] =	stream.indirect.scatter.add.f32 [tilespmem:s0], [sflag:$0x2], $0x80, s7, s31, $0xb8;
	[tilespmem:$0x1E800] =	vst v63  }
0x2e1: {  	_ =	swait.ge [sflag:s8], $0x4000  }
0x2e2: {  	[sflag:s8] =	ssyncset.done $0x0  }
0x2e3: {  	[sflag:s8] =	ssyncadd.s32 $0xFFFFC000  }
0x2e4: {  	_ =	swait.ge [sflag:s8], $0x4000  }
0x2e5: {  	[sflag:s8] =	ssyncset.done $0x0  }
0x2e6: {  	[sflag:s8] =	ssyncadd.s32 $0xFFFFC000  }
0x2e7: {  	[bflag:$0x0] =	sbarrier.arrive $0xFFFF  }
0x2e8: {  	s9 =	rddreg [dreg:$0x11]  }
0x2e9: {  	[tilespmem:s26], [sflag:$0x3] =	stream.linear.gather [spmem:s9], $0x2800, $0x38;
	[tilespmem:$0x1E800] =	vst v63  }
0x2ea: {  	_ =	swait.ge [sflag:s28], $0x2800  }
0x2eb: {  	[sflag:s28] =	ssyncset.done $0x0  }
0x2ec: {  	s17 =	rddreg [dreg:$0x7];
	[sflag:s28] =	ssyncadd.s32 $0xFFFFD800  }
0x2ed: {  	[hbm4b:s17+s3] =	stream.linear.scatter [tilespmem:s26], [sflag:$0x3], $0x2800, $0x38;
	[tilespmem:$0x1E800] =	vst v63  }
0x2ee: {  	_ =	swait.ge [sflag:s28], $0x2800  }
0x2ef: {  	[sflag:s28] =	ssyncset.done $0x0  }
0x2f0: {  	s7 =	rddreg [dreg:$0x12];
	[sflag:s28] =	ssyncadd.s32 $0xFFFFD800  }
0x2f1: {  	[tilespmem:s26], [sflag:$0x3] =	stream.linear.gather [spmem:s7], $0x2800, $0x38;
	[tilespmem:$0x1E800] =	vst v63  }
0x2f2: {  	_ =	swait.ge [sflag:s28], $0x2800  }
0x2f3: {  	[sflag:s28] =	ssyncset.done $0x0  }
0x2f4: {  	s9 =	rddreg [dreg:$0x8];
	[sflag:s28] =	ssyncadd.s32 $0xFFFFD800  }
0x2f5: {  	[hbm4b:s9+s3] =	stream.linear.scatter [tilespmem:s26], [sflag:$0x3], $0x2800, $0x38;
	[tilespmem:$0x1E800] =	vst v63  }
0x2f6: {  	_ =	swait.ge [sflag:s28], $0x2800  }
0x2f7: {  	[sflag:s28] =	ssyncset.done $0x0  }
0x2f8: {  	s17 =	rddreg [dreg:$0x13];
	[sflag:s28] =	ssyncadd.s32 $0xFFFFD800  }
0x2f9: {  	[tilespmem:s26], [sflag:$0x3] =	stream.linear.gather [spmem:s17], $0x2800, $0x38;
	[tilespmem:$0x1E800] =	vst v63  }
0x2fa: {  	_ =	swait.ge [sflag:s28], $0x2800  }
0x2fb: {  	[sflag:s28] =	ssyncset.done $0x0  }
0x2fc: {  	s7 =	rddreg [dreg:$0x9];
	[sflag:s28] =	ssyncadd.s32 $0xFFFFD800  }
0x2fd: {  	[hbm4b:s7+s3] =	stream.linear.scatter [tilespmem:s26], [sflag:$0x3], $0x2800, $0x38;
	[tilespmem:$0x1E800] =	vst v63  }
0x2fe: {  	_ =	swait.ge [sflag:s28], $0x2800  }
0x2ff: {  	[sflag:s28] =	ssyncset.done $0x0  }
0x300: {  	s9 =	rddreg [dreg:$0x14];
	[sflag:s28] =	ssyncadd.s32 $0xFFFFD800  }
0x301: {  	[tilespmem:s26], [sflag:$0x3] =	stream.linear.gather [spmem:s9], $0x2800, $0x38;
	[tilespmem:$0x1E800] =	vst v63  }
0x302: {  	_ =	swait.ge [sflag:s28], $0x2800  }
0x303: {  	[sflag:s28] =	ssyncset.done $0x0  }
0x304: {  	s17 =	rddreg [dreg:$0xa];
	[sflag:s28] =	ssyncadd.s32 $0xFFFFD800  }
0x305: {  	[hbm4b:s17+s3] =	stream.linear.scatter [tilespmem:s26], [sflag:$0x3], $0x2800, $0x38;
	[tilespmem:$0x1E800] =	vst v63  }
0x306: {  	_ =	swait.ge [sflag:s28], $0x2800  }
0x307: {  	[sflag:s28] =	ssyncset.done $0x0  }
0x308: {  	s7 =	rddreg [dreg:$0x15];
	[sflag:s28] =	ssyncadd.s32 $0xFFFFD800  }
0x309: {  	[tilespmem:s26], [sflag:$0x3] =	stream.linear.gather [spmem:s7], $0x2800, $0x38;
	[tilespmem:$0x1E800] =	vst v63  }
0x30a: {  	_ =	swait.ge [sflag:s28], $0x2800  }
0x30b: {  	[sflag:s28] =	ssyncset.done $0x0  }
0x30c: {  	s9 =	rddreg [dreg:$0xb];
	[sflag:s28] =	ssyncadd.s32 $0xFFFFD800  }
0x30d: {  	[hbm4b:s9+s3] =	stream.linear.scatter [tilespmem:s26], [sflag:$0x3], $0x2800, $0x38;
	[tilespmem:$0x1E800] =	vst v63  }
0x30e: {  	_ =	swait.ge [sflag:s28], $0x2800  }
0x30f: {  	[sflag:s28] =	ssyncset.done $0x0  }
0x310: {  	s17 =	rddreg [dreg:$0x16];
	[sflag:s28] =	ssyncadd.s32 $0xFFFFD800  }
0x311: {  	[tilespmem:s26], [sflag:$0x3] =	stream.linear.gather [spmem:s17], $0x2800, $0x38;
	[tilespmem:$0x1E800] =	vst v63  }
0x312: {  	_ =	swait.ge [sflag:s28], $0x2800  }
0x313: {  	[sflag:s28] =	ssyncset.done $0x0  }
0x314: {  	s7 =	rddreg [dreg:$0xc];
	[sflag:s28] =	ssyncadd.s32 $0xFFFFD800  }
0x315: {  	[hbm4b:s7+s3] =	stream.linear.scatter [tilespmem:s26], [sflag:$0x3], $0x2800, $0x38;
	[tilespmem:$0x1E800] =	vst v63  }
0x316: {  	_ =	swait.ge [sflag:s28], $0x2800  }
0x317: {  	[sflag:s28] =	ssyncset.done $0x0  }
0x318: {  	s9 =	rddreg [dreg:$0x17];
	[sflag:s28] =	ssyncadd.s32 $0xFFFFD800  }
0x319: {  	[tilespmem:s26], [sflag:$0x3] =	stream.linear.gather [spmem:s9], $0x2800, $0x38;
	[tilespmem:$0x1E800] =	vst v63  }
0x31a: {  	_ =	swait.ge [sflag:s28], $0x2800  }
0x31b: {  	[sflag:s28] =	ssyncset.done $0x0  }
0x31c: {  	s17 =	rddreg [dreg:$0xd];
	[sflag:s28] =	ssyncadd.s32 $0xFFFFD800  }
0x31d: {  	[hbm4b:s17+s3] =	stream.linear.scatter [tilespmem:s26], [sflag:$0x3], $0x2800, $0x38;
	[tilespmem:$0x1E800] =	vst v63  }
0x31e: {  	_ =	swait.ge [sflag:s28], $0x2800  }
0x31f: {  	[sflag:s28] =	ssyncset.done $0x0  }
0x320: {  	s7 =	rddreg [dreg:$0x18];
	[sflag:s28] =	ssyncadd.s32 $0xFFFFD800  }
0x321: {  	[tilespmem:s26], [sflag:$0x3] =	stream.linear.gather [spmem:s7], $0x2800, $0x38;
	[tilespmem:$0x1E800] =	vst v63  }
0x322: {  	_ =	swait.ge [sflag:s28], $0x2800  }
0x323: {  	[sflag:s28] =	ssyncset.done $0x0  }
0x324: {  	s9 =	rddreg [dreg:$0xe];
	[sflag:s28] =	ssyncadd.s32 $0xFFFFD800  }
0x325: {  	[hbm4b:s9+s3] =	stream.linear.scatter [tilespmem:s26], [sflag:$0x3], $0x2800, $0x38;
	[tilespmem:$0x1E800] =	vst v63  }
0x326: {  	_ =	swait.ge [sflag:s28], $0x2800  }
0x327: {  	s16 =	sadd.s32 $0x1, s16;
	s17 =	rddreg [dreg:$0x10]  }
0x328: {  	p0 =	sne.s32 s16, s17  }
.Ltmp1:
0x329: {  	_ = 	snop;
	(pc) =	sbr.rel @p0 .LBB2_1-.Ltmp1, $3  }
0x32a: {  	_ =	sdelay $0x1  }
0x32b: {  	[sflag:s28] =	ssyncset.done $0x0  }
0x32c: {  	[sflag:s28] =	ssyncadd.s32 $0xFFFFD800  }
0x32d: {  	_ =	sfence.sel $0x180000  }
0x32e: {  	[bflag:$0x0] =	sbarrier.arrive $0xFFFF  }
0x32f: {  	_ =	strace $0x9000004A  }
0x330: {  	s0 =	stileid.u32;
	[bflag:$0x2] =	sbarrier.arrive $0xFFFF  }
0x331: {  	p0 =	sne.s32 s0, $0x0;
	s0 =	rddreg [dreg:$0x3]  }
0x332: {  	s0 =	sadd.s32 @!p0 $0x100000, s0  }
0x333: {  	[sflag:s0] =	ssyncadd.tile.s32 @!p0 $0x1;
	_ =	shalt  }
.Lfunc_end2:
_tile_overlayer_lowered:
.L_overlay_start_2:
0x334: {  	(tag) =	ssettag $0x2  }
0x335: {  	s0 =	rddreg [dreg:$0x0];
	s2 =	stileid.u32  }
0x336: {  	s1 =	rddreg [dreg:$0x1];
	p0 =	sne.s32 s2, $0x0  }
0x337: {  	s3 =	rddreg [dreg:$0x2];
	[bflag:$0x3] =	sbarrier.arrive $0xFFFF;
	s2 =	simm.s32 @!p0 $0x1C03  }
0x338: {  	[timem:s3], [sflag:s2] =	dma.local @!p0 [hbm:s0], s1  }
0x339: {  	s0 =	simm.s32 @!p0 $0x3  }
0x33a: {  	_ =	swait.ge @!p0 [sflag:s0], s1  }
0x33b: {  	s1 =	ssub.s32 @!p0 $0x0, s1;
	[sflag:s0] =	ssyncset.done @!p0 $0x0  }
0x33c: {  	[sflag:s0] =	ssyncadd.s32 @!p0 s1  }
0x33d: {  	[bflag:$0x3] =	sbarrier.arrive $0xFFFF  }
0x33e: {  	_ =	shalt  }

</sc_bundles>
